<compile_context>
chip_gen: v7x
topology: tpu7x:2x2x1
jax: 0.10.2.dev20260603
libtpu: 0.0.44.dev20260713+nightly
codegen_flags: <defaults>
</compile_context>

<pallas_src>
import functools

import jax
import jax.numpy as jnp
from jax import lax
from jax.experimental import pallas as pl
from jax.experimental.pallas import tpu as pltpu
from jax.experimental.pallas import tpu_sc as plsc

_B, _L, _D, _H = 64, 200, 768, 8
_R = 2 * _B * _L


def _gather_sc(idx, table, nrows, ch):
    info = plsc.get_sparse_core_info()
    nw = info.num_cores * info.num_subcores
    r_per_w = nrows // nw
    nchunk = r_per_w // ch

    mesh = plsc.VectorSubcoreMesh(core_axis_name="c", subcore_axis_name="s")

    @functools.partial(
        pl.kernel,
        mesh=mesh,
        out_type=jax.ShapeDtypeStruct((nrows, _D), jnp.float32),
        scratch_types=[
            pltpu.VMEM((ch,), jnp.int32),
            pltpu.VMEM((ch, _D), jnp.float32),
            pltpu.SemaphoreType.DMA,
        ],
    )
    def gather_kernel(idx_hbm, table_hbm, out_hbm, idx_v, rows_v, sem):
        wid = lax.axis_index("s") * info.num_cores + lax.axis_index("c")
        base = wid * r_per_w

        def body(i, carry):
            off = base + i * ch
            pltpu.sync_copy(idx_hbm.at[pl.ds(off, ch)], idx_v)
            pltpu.async_copy(table_hbm.at[idx_v], rows_v, sem).wait()
            pltpu.sync_copy(rows_v, out_hbm.at[pl.ds(off, ch)])
            return carry

        lax.fori_loop(0, nchunk, body, 0)

    return gather_kernel(idx, table)


_NB = 4


def _attn_body(gs_ref, go_ref, sv_ref, ov_ref, w2_ref, b2_ref, w1s_ref,
               w1o_ref, b1_ref, oh_ref, logits_ref, loss_ref, satt_ref,
               oatt_ref):
    step = pl.program_id(0)

    def side(feat, vals):
        qT = lax.dot_general(w2_ref[...], feat, (((1,), (1,)), ((), ())),
                             preferred_element_type=jnp.float32)
        qT = jnp.maximum(qT + b2_ref[...], 0.0)
        m = jnp.max(qT, axis=1, keepdims=True)
        e = jnp.exp(qT - m)
        s = jnp.sum(e, axis=1, keepdims=True)
        attT = jnp.mean(e / s, axis=0, keepdims=True)
        dep = lax.dot_general(attT, vals, (((1,), (0,)), ((), ())),
                              preferred_element_type=jnp.float32)
        return attT, dep

    nll_sum = jnp.zeros((1, 1), jnp.float32)
    for i in range(_NB):
        satt, dep_s = side(gs_ref[i], sv_ref[i])
        oatt, dep_o = side(go_ref[i], ov_ref[i])
        satt_ref[i] = satt
        oatt_ref[i] = oatt

        logits2 = (
            lax.dot_general(dep_s, w1s_ref[...], (((1,), (0,)), ((), ())),
                            preferred_element_type=jnp.float32)
            + lax.dot_general(dep_o, w1o_ref[...], (((1,), (0,)), ((), ())),
                              preferred_element_type=jnp.float32)
            + b1_ref[...]
        )
        logits_ref[i] = logits2

        l0 = logits2[0, 0]
        l1 = logits2[0, 1]
        m2 = jnp.maximum(l0, l1)
        logz = m2 + jnp.log(jnp.exp(l0 - m2) + jnp.exp(l1 - m2))
        picked = jnp.sum(logits2 * oh_ref[i])
        nll_sum = nll_sum + jnp.reshape((logz - picked) * (1.0 / _B), (1, 1))

    @pl.when(step == 0)
    def _():
        loss_ref[...] = jnp.zeros((1, 1), jnp.float32)

    loss_ref[...] = loss_ref[...] + nll_sum


_NCK = 4
_BC = _B // _NCK


def _attention_tc(gf, subj_vals, obj_vals, W2, b2, W1, b1, oh3, cidx):
    w1sT = W1[:, :_D].T
    w1oT = W1[:, _D:].T
    b2c = b2.reshape(_H, 1)
    b1r = b1.reshape(1, 2)

    nsteps = _BC // _NB
    voff = cidx * nsteps
    outs = pl.pallas_call(
        _attn_body,
        grid=(nsteps,),
        in_specs=[
            pl.BlockSpec((_NB, _L, _D), lambda b: (b, 0, 0)),
            pl.BlockSpec((_NB, _L, _D),
                         lambda b, n=nsteps: (n + b, 0, 0)),
            pl.BlockSpec((_NB, _L, _D),
                         lambda b, v=voff: (v + b, 0, 0)),
            pl.BlockSpec((_NB, _L, _D),
                         lambda b, v=voff: (v + b, 0, 0)),
            pl.BlockSpec((_H, _D), lambda b: (0, 0)),
            pl.BlockSpec((_H, 1), lambda b: (0, 0)),
            pl.BlockSpec((_D, 2), lambda b: (0, 0)),
            pl.BlockSpec((_D, 2), lambda b: (0, 0)),
            pl.BlockSpec((1, 2), lambda b: (0, 0)),
            pl.BlockSpec((_NB, 1, 2), lambda b: (b, 0, 0)),
        ],
        out_specs=[
            pl.BlockSpec((_NB, 1, 2), lambda b: (b, 0, 0)),
            pl.BlockSpec((1, 1), lambda b: (0, 0)),
            pl.BlockSpec((_NB, 1, _L), lambda b: (b, 0, 0)),
            pl.BlockSpec((_NB, 1, _L), lambda b: (b, 0, 0)),
        ],
        out_shape=[
            jax.ShapeDtypeStruct((_BC, 1, 2), jnp.float32),
            jax.ShapeDtypeStruct((1, 1), jnp.float32),
            jax.ShapeDtypeStruct((_BC, 1, _L), jnp.float32),
            jax.ShapeDtypeStruct((_BC, 1, _L), jnp.float32),
        ],
    )(gf, gf, subj_vals, obj_vals, W2, b2c, w1sT, w1oT, b1r, oh3)

    logits3, loss11, satt3, oatt3 = outs
    return logits3[:, 0, :], loss11, satt3[:, 0, :], oatt3[:, 0, :]


def kernel(target_relation_id, subj_property_ids, obj_property_ids,
           subj_value_embeds, obj_value_embeds, label_ids,
           property_table, W2, b2, W1, b1):
    onehot = jax.nn.one_hot(label_ids, 2, dtype=jnp.float32)
    oh3 = onehot.reshape(_B, 1, 2)
    parts = []
    for c in range(_NCK):
        sid = subj_property_ids[c * _BC:(c + 1) * _BC].reshape(-1)
        oid = obj_property_ids[c * _BC:(c + 1) * _BC].reshape(-1)
        idx = jnp.concatenate([sid, oid]).astype(jnp.int32)
        g = _gather_sc(idx, property_table, 2 * _BC * _L, ch=40)
        gf = g.reshape(2 * _BC, _L, _D)
        parts.append(_attention_tc(gf, subj_value_embeds, obj_value_embeds,
                                   W2, b2, W1, b1,
                                   oh3[c * _BC:(c + 1) * _BC], c))
    logits = jnp.concatenate([p[0] for p in parts], axis=0)
    loss = sum(p[1] for p in parts).reshape(())
    satt = jnp.concatenate([p[2] for p in parts], axis=0)
    oatt = jnp.concatenate([p[3] for p in parts], axis=0)
    return logits, loss, satt, oatt

# --- scband reference (transcript-rebuilt; emitter-appended) ---
"""Pipeline reference for scband-rgat-with-attention-info-68281390072288 (READ-ONLY COPY).

The authoritative reference and input builder live on the scoring server;
editing this copy changes nothing except your own understanding.
"""

import jax, jax.numpy as jnp
import numpy as np

B, L, V, D, H = 64, 200, 100000, 768, 8


def setup_inputs(seed: int = 0) -> dict:
    key = jax.random.key(seed)
    ks = jax.random.split(key, 12)
    return {
        "target_relation_id": jax.random.randint(ks[0], (1,), 0, V),
        "subj_property_ids": jax.random.randint(ks[1], (B, L), 0, V),
        "obj_property_ids": jax.random.randint(ks[2], (B, L), 0, V),
        "subj_value_embeds": jax.random.normal(ks[3], (B, L, D), dtype=jnp.float32),
        "obj_value_embeds": jax.random.normal(ks[4], (B, L, D), dtype=jnp.float32),
        "label_ids": jax.random.randint(ks[5], (B,), 0, 2),
        "property_table": jax.random.normal(ks[6], (V, D), dtype=jnp.float32) * 0.02,
        "W2": jax.random.normal(ks[7], (H, D), dtype=jnp.float32) * 0.02,
        "b2": jnp.zeros((H,), jnp.float32),
        "W1": jax.random.normal(ks[8], (2, 2 * D), dtype=jnp.float32) * 0.02,
        "b1": jnp.zeros((2,), jnp.float32),
    }


def _relation_attention(feature, dep_tags, W2, b2):
    # feature, dep_tags: [B, L, D]; W2: [H, D]; b2: [H]
    # per head: Q = relu(Linear(768->1)(dep_tags)); softmax over L; out = feature^T @ Q
    Q = jnp.einsum('bld,hd->bhl', dep_tags, W2) + b2[None, :, None]  # [B, H, L]
    Q = jax.nn.relu(Q)
    Q = jax.nn.softmax(Q, axis=-1)  # softmax over L (dim=0 of per-item [L] vector)
    out = jnp.einsum('bhl,bld->bhd', Q, feature)  # [B, H, D]
    return out, Q


def reference(target_relation_id, subj_property_ids, obj_property_ids,
              subj_value_embeds, obj_value_embeds, label_ids,
              property_table, W2, b2, W1, b1):
    # embedding lookups (SparseCore-style gathers)
    relation_embed = jnp.take(property_table, target_relation_id, axis=0)  # computed but unused, as in original
    subj_feat = jnp.take(property_table, subj_property_ids, axis=0)  # [B, L, D]
    obj_feat = jnp.take(property_table, obj_property_ids, axis=0)    # [B, L, D]

    subj_out, subj_Q = _relation_attention(subj_value_embeds, subj_feat, W2, b2)
    obj_out, obj_Q = _relation_attention(obj_value_embeds, obj_feat, W2, b2)

    subj_dep_out = subj_out.mean(axis=1)  # mean over heads -> [B, D]
    obj_dep_out = obj_out.mean(axis=1)    # [B, D]

    cat_out = jnp.concatenate([subj_dep_out, obj_dep_out], axis=-1)  # [B, 2D]
    logits = cat_out @ W1.T + b1  # [B, 2]

    # CrossEntropyLoss (mean reduction)
    logp = jax.nn.log_softmax(logits, axis=-1)
    loss = -jnp.mean(jnp.take_along_axis(logp, label_ids[:, None], axis=-1))

    subj_att_mean = subj_Q.mean(axis=1)  # [B, L], mean over heads
    obj_att_mean = obj_Q.mean(axis=1)
    return (logits, loss, subj_att_mean, obj_att_mean)

if __name__ == "__main__":
    import jax
    _d = setup_inputs()
    print(jax.jit(kernel)(*tuple(_d.values())))

</pallas_src>

<mosaic_0001>
#map = affine_map<(d0, d1) -> (0)>
#map1 = affine_map<(d0, d1) -> (0, 0)>
module attributes {stable_mosaic.version = 14 : i64} {
  func.func @gather_kernel(%arg0: i32, %arg1: i32, %arg2: memref<6400xi32, #tpu.memory_space<hbm>>, %arg3: memref<100000x768xf32, #tpu.memory_space<hbm>>, %arg4: memref<6400x768xf32, #tpu.memory_space<hbm>>, %arg5: memref<40xi32, #tpu.memory_space<vmem>>, %arg6: memref<40x768xf32, #tpu.memory_space<vmem>>, %arg7: memref<!tpu.dma_semaphore, #tpu.memory_space<semaphore_mem>>) attributes {dimension_semantics = [#tpu.dimension_semantics<core_parallel>, #tpu.dimension_semantics<subcore_parallel>], iteration_bounds = array<i64: 2, 16>, scalar_prefetch = 0 : i64, scratch_operands = 3 : i64, tpu.core_type = #tpu.core_type<sc_vector_subcore>, window_params = [{transform_indices = #map}, {transform_indices = #map1}, {transform_indices = #map1}]} {
    %mul3A = arith.constant 2 : i32
    %mul3A_0 = arith.muli %arg1, %mul3A : i32
    %add3A = arith.addi %mul3A_0, %arg0 : i32
    %mul3A_1 = arith.constant 200 : i32
    %mul3A_2 = arith.muli %add3A, %mul3A_1 : i32
    %scan3A = arith.constant 0 : i32
    %scan3A_3 = arith.constant 0 : i32
    %scan3A_4 = arith.constant 5 : i32
    %scan3A_5 = arith.addi %scan3A_3, %scan3A_4 : i32
    %scan3A_6 = arith.constant 1 : i32
    scf.for %scan3A_8 = %scan3A_3 to %scan3A_5 step %scan3A_6  : i32 {
      %mul3A_9 = arith.constant 40 : i32
      %mul3A_10 = arith.muli %scan3A_8, %mul3A_9 : i32
      %add3A_11 = arith.addi %mul3A_2, %mul3A_10 : i32
      "tpu.region"() ({
        %run_scoped3A = tpu.sem_alloc : memref<!tpu.dma_semaphore, #tpu.memory_space<semaphore_mem>>
        %dma_start3A_16 = tpu.memref_slice %arg2[%add3A_11] : memref<6400xi32, #tpu.memory_space<hbm>> -> memref<40xi32, #tpu.memory_space<hbm>>
        %dma_start3A_17 = tpu.memref_slice %arg2[%add3A_11] : memref<6400xi32, #tpu.memory_space<hbm>> -> memref<40xi32, #tpu.memory_space<hbm>>
        tpu.enqueue_dma source(%dma_start3A_17 : memref<40xi32, #tpu.memory_space<hbm>>) target(%arg5 : memref<40xi32, #tpu.memory_space<vmem>>) target_semaphore(%run_scoped3A : memref<!tpu.dma_semaphore, #tpu.memory_space<semaphore_mem>>)
        %dma_wait3A_18 = tpu.memref_slice %arg2[%add3A_11] : memref<6400xi32, #tpu.memory_space<hbm>> -> memref<40xi32, #tpu.memory_space<hbm>>
        %dma_wait3A_19 = tpu.memref_slice %arg2[%add3A_11] : memref<6400xi32, #tpu.memory_space<hbm>> -> memref<40xi32, #tpu.memory_space<hbm>>
        tpu.wait_dma2 semaphore(%run_scoped3A : memref<!tpu.dma_semaphore, #tpu.memory_space<semaphore_mem>>) src(%dma_wait3A_19 : memref<40xi32, #tpu.memory_space<hbm>>) dst(%arg5 : memref<40xi32, #tpu.memory_space<vmem>>)
        tpu.yield
      }) : () -> ()
      %dma_start3A = arith.constant 0 : i32
      %dma_start3A_12 = arith.constant 0 : i32
      %dma_start3A_13 = tpu.memref_slice %arg3[%dma_start3A, %dma_start3A_12] : memref<100000x768xf32, #tpu.memory_space<hbm>> -> memref<100000x768xf32, #tpu.memory_space<hbm>>
      tpu.enqueue_indirect_dma source(%dma_start3A_13 : memref<100000x768xf32, #tpu.memory_space<hbm>>) target(%arg6 : memref<40x768xf32, #tpu.memory_space<vmem>>) offsets(%arg5 : memref<40xi32, #tpu.memory_space<vmem>>) semaphore(%arg7 : memref<!tpu.dma_semaphore, #tpu.memory_space<semaphore_mem>>)
      %dma_wait3A = arith.constant 0 : i32
      %dma_wait3A_14 = arith.constant 0 : i32
      %dma_wait3A_15 = tpu.memref_slice %arg3[%dma_wait3A, %dma_wait3A_14] : memref<100000x768xf32, #tpu.memory_space<hbm>> -> memref<100000x768xf32, #tpu.memory_space<hbm>>
      tpu.wait_indirect_dma semaphore(%arg7 : memref<!tpu.dma_semaphore, #tpu.memory_space<semaphore_mem>>) src(%dma_wait3A_15 : memref<100000x768xf32, #tpu.memory_space<hbm>>) dst(%arg6 : memref<40x768xf32, #tpu.memory_space<vmem>>)
      "tpu.region"() ({
        %run_scoped3A = tpu.sem_alloc : memref<!tpu.dma_semaphore, #tpu.memory_space<semaphore_mem>>
        %dma_start3A_16 = arith.constant 0 : i32
        %dma_start3A_17 = tpu.memref_slice %arg4[%add3A_11, %dma_start3A_16] : memref<6400x768xf32, #tpu.memory_space<hbm>> -> memref<40x768xf32, #tpu.memory_space<hbm>>
        %dma_start3A_18 = arith.constant 0 : i32
        %dma_start3A_19 = tpu.memref_slice %arg4[%add3A_11, %dma_start3A_18] : memref<6400x768xf32, #tpu.memory_space<hbm>> -> memref<40x768xf32, #tpu.memory_space<hbm>>
        tpu.enqueue_dma source(%arg6 : memref<40x768xf32, #tpu.memory_space<vmem>>) target(%dma_start3A_19 : memref<40x768xf32, #tpu.memory_space<hbm>>) target_semaphore(%run_scoped3A : memref<!tpu.dma_semaphore, #tpu.memory_space<semaphore_mem>>)
        %dma_wait3A_20 = arith.constant 0 : i32
        %dma_wait3A_21 = tpu.memref_slice %arg4[%add3A_11, %dma_wait3A_20] : memref<6400x768xf32, #tpu.memory_space<hbm>> -> memref<40x768xf32, #tpu.memory_space<hbm>>
        %dma_wait3A_22 = arith.constant 0 : i32
        %dma_wait3A_23 = tpu.memref_slice %arg4[%add3A_11, %dma_wait3A_22] : memref<6400x768xf32, #tpu.memory_space<hbm>> -> memref<40x768xf32, #tpu.memory_space<hbm>>
        tpu.wait_dma2 semaphore(%run_scoped3A : memref<!tpu.dma_semaphore, #tpu.memory_space<semaphore_mem>>) src(%arg6 : memref<40x768xf32, #tpu.memory_space<vmem>>) dst(%dma_wait3A_23 : memref<40x768xf32, #tpu.memory_space<hbm>>)
        tpu.yield
      }) : () -> ()
    }
    %scan3A_7 = arith.constant 5 : i32
    return
  }
}

#map = affine_map<(d0, d1) -> (0)>
#map1 = affine_map<(d0, d1) -> (0, 0)>
module attributes {stable_mosaic.version = 14 : i64} {
  func.func @gather_kernel(%arg0: i32, %arg1: i32, %arg2: memref<6400xi32, #tpu.memory_space<hbm>>, %arg3: memref<100000x768xf32, #tpu.memory_space<hbm>>, %arg4: memref<6400x768xf32, #tpu.memory_space<hbm>>, %arg5: memref<40xi32, #tpu.memory_space<vmem>>, %arg6: memref<40x768xf32, #tpu.memory_space<vmem>>, %arg7: memref<!tpu.dma_semaphore, #tpu.memory_space<semaphore_mem>>) attributes {dimension_semantics = [#tpu.dimension_semantics<core_parallel>, #tpu.dimension_semantics<subcore_parallel>], iteration_bounds = array<i64: 2, 16>, scalar_prefetch = 0 : i64, scratch_operands = 3 : i64, tpu.core_type = #tpu.core_type<sc_vector_subcore>, window_params = [{transform_indices = #map}, {transform_indices = #map1}, {transform_indices = #map1}]} {
    %mul3A = arith.constant 2 : i32
    %mul3A_0 = arith.muli %arg1, %mul3A : i32
    %add3A = arith.addi %mul3A_0, %arg0 : i32
    %mul3A_1 = arith.constant 200 : i32
    %mul3A_2 = arith.muli %add3A, %mul3A_1 : i32
    %scan3A = arith.constant 0 : i32
    %scan3A_3 = arith.constant 0 : i32
    %scan3A_4 = arith.constant 5 : i32
    %scan3A_5 = arith.addi %scan3A_3, %scan3A_4 : i32
    %scan3A_6 = arith.constant 1 : i32
    scf.for %scan3A_8 = %scan3A_3 to %scan3A_5 step %scan3A_6  : i32 {
      %mul3A_9 = arith.constant 40 : i32
      %mul3A_10 = arith.muli %scan3A_8, %mul3A_9 : i32
      %add3A_11 = arith.addi %mul3A_2, %mul3A_10 : i32
      "tpu.region"() ({
        %run_scoped3A = tpu.sem_alloc : memref<!tpu.dma_semaphore, #tpu.memory_space<semaphore_mem>>
        %dma_start3A_16 = tpu.memref_slice %arg2[%add3A_11] : memref<6400xi32, #tpu.memory_space<hbm>> -> memref<40xi32, #tpu.memory_space<hbm>>
        %dma_start3A_17 = tpu.memref_slice %arg2[%add3A_11] : memref<6400xi32, #tpu.memory_space<hbm>> -> memref<40xi32, #tpu.memory_space<hbm>>
        tpu.enqueue_dma source(%dma_start3A_17 : memref<40xi32, #tpu.memory_space<hbm>>) target(%arg5 : memref<40xi32, #tpu.memory_space<vmem>>) target_semaphore(%run_scoped3A : memref<!tpu.dma_semaphore, #tpu.memory_space<semaphore_mem>>)
        %dma_wait3A_18 = tpu.memref_slice %arg2[%add3A_11] : memref<6400xi32, #tpu.memory_space<hbm>> -> memref<40xi32, #tpu.memory_space<hbm>>
        %dma_wait3A_19 = tpu.memref_slice %arg2[%add3A_11] : memref<6400xi32, #tpu.memory_space<hbm>> -> memref<40xi32, #tpu.memory_space<hbm>>
        tpu.wait_dma2 semaphore(%run_scoped3A : memref<!tpu.dma_semaphore, #tpu.memory_space<semaphore_mem>>) src(%dma_wait3A_19 : memref<40xi32, #tpu.memory_space<hbm>>) dst(%arg5 : memref<40xi32, #tpu.memory_space<vmem>>)
        tpu.yield
      }) : () -> ()
      %dma_start3A = arith.constant 0 : i32
      %dma_start3A_12 = arith.constant 0 : i32
      %dma_start3A_13 = tpu.memref_slice %arg3[%dma_start3A, %dma_start3A_12] : memref<100000x768xf32, #tpu.memory_space<hbm>> -> memref<100000x768xf32, #tpu.memory_space<hbm>>
      tpu.enqueue_indirect_dma source(%dma_start3A_13 : memref<100000x768xf32, #tpu.memory_space<hbm>>) target(%arg6 : memref<40x768xf32, #tpu.memory_space<vmem>>) offsets(%arg5 : memref<40xi32, #tpu.memory_space<vmem>>) semaphore(%arg7 : memref<!tpu.dma_semaphore, #tpu.memory_space<semaphore_mem>>)
      %dma_wait3A = arith.constant 0 : i32
      %dma_wait3A_14 = arith.constant 0 : i32
      %dma_wait3A_15 = tpu.memref_slice %arg3[%dma_wait3A, %dma_wait3A_14] : memref<100000x768xf32, #tpu.memory_space<hbm>> -> memref<100000x768xf32, #tpu.memory_space<hbm>>
      tpu.wait_indirect_dma semaphore(%arg7 : memref<!tpu.dma_semaphore, #tpu.memory_space<semaphore_mem>>) src(%dma_wait3A_15 : memref<100000x768xf32, #tpu.memory_space<hbm>>) dst(%arg6 : memref<40x768xf32, #tpu.memory_space<vmem>>)
      "tpu.region"() ({
        %run_scoped3A = tpu.sem_alloc : memref<!tpu.dma_semaphore, #tpu.memory_space<semaphore_mem>>
        %dma_start3A_16 = arith.constant 0 : i32
        %dma_start3A_17 = tpu.memref_slice %arg4[%add3A_11, %dma_start3A_16] : memref<6400x768xf32, #tpu.memory_space<hbm>> -> memref<40x768xf32, #tpu.memory_space<hbm>>
        %dma_start3A_18 = arith.constant 0 : i32
        %dma_start3A_19 = tpu.memref_slice %arg4[%add3A_11, %dma_start3A_18] : memref<6400x768xf32, #tpu.memory_space<hbm>> -> memref<40x768xf32, #tpu.memory_space<hbm>>
        tpu.enqueue_dma source(%arg6 : memref<40x768xf32, #tpu.memory_space<vmem>>) target(%dma_start3A_19 : memref<40x768xf32, #tpu.memory_space<hbm>>) target_semaphore(%run_scoped3A : memref<!tpu.dma_semaphore, #tpu.memory_space<semaphore_mem>>)
        %dma_wait3A_20 = arith.constant 0 : i32
        %dma_wait3A_21 = tpu.memref_slice %arg4[%add3A_11, %dma_wait3A_20] : memref<6400x768xf32, #tpu.memory_space<hbm>> -> memref<40x768xf32, #tpu.memory_space<hbm>>
        %dma_wait3A_22 = arith.constant 0 : i32
        %dma_wait3A_23 = tpu.memref_slice %arg4[%add3A_11, %dma_wait3A_22] : memref<6400x768xf32, #tpu.memory_space<hbm>> -> memref<40x768xf32, #tpu.memory_space<hbm>>
        tpu.wait_dma2 semaphore(%run_scoped3A : memref<!tpu.dma_semaphore, #tpu.memory_space<semaphore_mem>>) src(%arg6 : memref<40x768xf32, #tpu.memory_space<vmem>>) dst(%dma_wait3A_23 : memref<40x768xf32, #tpu.memory_space<hbm>>)
        tpu.yield
      }) : () -> ()
    }
    %scan3A_7 = arith.constant 5 : i32
    return
  }
}

#map = affine_map<(d0, d1) -> (0)>
#map1 = affine_map<(d0, d1) -> (0, 0)>
module attributes {stable_mosaic.version = 14 : i64} {
  func.func @gather_kernel(%arg0: i32, %arg1: i32, %arg2: memref<6400xi32, #tpu.memory_space<hbm>>, %arg3: memref<100000x768xf32, #tpu.memory_space<hbm>>, %arg4: memref<6400x768xf32, #tpu.memory_space<hbm>>, %arg5: memref<40xi32, #tpu.memory_space<vmem>>, %arg6: memref<40x768xf32, #tpu.memory_space<vmem>>, %arg7: memref<!tpu.dma_semaphore, #tpu.memory_space<semaphore_mem>>) attributes {dimension_semantics = [#tpu.dimension_semantics<core_parallel>, #tpu.dimension_semantics<subcore_parallel>], iteration_bounds = array<i64: 2, 16>, scalar_prefetch = 0 : i64, scratch_operands = 3 : i64, tpu.core_type = #tpu.core_type<sc_vector_subcore>, window_params = [{transform_indices = #map}, {transform_indices = #map1}, {transform_indices = #map1}]} {
    %mul3A = arith.constant 2 : i32
    %mul3A_0 = arith.muli %arg1, %mul3A : i32
    %add3A = arith.addi %mul3A_0, %arg0 : i32
    %mul3A_1 = arith.constant 200 : i32
    %mul3A_2 = arith.muli %add3A, %mul3A_1 : i32
    %scan3A = arith.constant 0 : i32
    %scan3A_3 = arith.constant 0 : i32
    %scan3A_4 = arith.constant 5 : i32
    %scan3A_5 = arith.addi %scan3A_3, %scan3A_4 : i32
    %scan3A_6 = arith.constant 1 : i32
    scf.for %scan3A_8 = %scan3A_3 to %scan3A_5 step %scan3A_6  : i32 {
      %mul3A_9 = arith.constant 40 : i32
      %mul3A_10 = arith.muli %scan3A_8, %mul3A_9 : i32
      %add3A_11 = arith.addi %mul3A_2, %mul3A_10 : i32
      "tpu.region"() ({
        %run_scoped3A = tpu.sem_alloc : memref<!tpu.dma_semaphore, #tpu.memory_space<semaphore_mem>>
        %dma_start3A_16 = tpu.memref_slice %arg2[%add3A_11] : memref<6400xi32, #tpu.memory_space<hbm>> -> memref<40xi32, #tpu.memory_space<hbm>>
        %dma_start3A_17 = tpu.memref_slice %arg2[%add3A_11] : memref<6400xi32, #tpu.memory_space<hbm>> -> memref<40xi32, #tpu.memory_space<hbm>>
        tpu.enqueue_dma source(%dma_start3A_17 : memref<40xi32, #tpu.memory_space<hbm>>) target(%arg5 : memref<40xi32, #tpu.memory_space<vmem>>) target_semaphore(%run_scoped3A : memref<!tpu.dma_semaphore, #tpu.memory_space<semaphore_mem>>)
        %dma_wait3A_18 = tpu.memref_slice %arg2[%add3A_11] : memref<6400xi32, #tpu.memory_space<hbm>> -> memref<40xi32, #tpu.memory_space<hbm>>
        %dma_wait3A_19 = tpu.memref_slice %arg2[%add3A_11] : memref<6400xi32, #tpu.memory_space<hbm>> -> memref<40xi32, #tpu.memory_space<hbm>>
        tpu.wait_dma2 semaphore(%run_scoped3A : memref<!tpu.dma_semaphore, #tpu.memory_space<semaphore_mem>>) src(%dma_wait3A_19 : memref<40xi32, #tpu.memory_space<hbm>>) dst(%arg5 : memref<40xi32, #tpu.memory_space<vmem>>)
        tpu.yield
      }) : () -> ()
      %dma_start3A = arith.constant 0 : i32
      %dma_start3A_12 = arith.constant 0 : i32
      %dma_start3A_13 = tpu.memref_slice %arg3[%dma_start3A, %dma_start3A_12] : memref<100000x768xf32, #tpu.memory_space<hbm>> -> memref<100000x768xf32, #tpu.memory_space<hbm>>
      tpu.enqueue_indirect_dma source(%dma_start3A_13 : memref<100000x768xf32, #tpu.memory_space<hbm>>) target(%arg6 : memref<40x768xf32, #tpu.memory_space<vmem>>) offsets(%arg5 : memref<40xi32, #tpu.memory_space<vmem>>) semaphore(%arg7 : memref<!tpu.dma_semaphore, #tpu.memory_space<semaphore_mem>>)
      %dma_wait3A = arith.constant 0 : i32
      %dma_wait3A_14 = arith.constant 0 : i32
      %dma_wait3A_15 = tpu.memref_slice %arg3[%dma_wait3A, %dma_wait3A_14] : memref<100000x768xf32, #tpu.memory_space<hbm>> -> memref<100000x768xf32, #tpu.memory_space<hbm>>
      tpu.wait_indirect_dma semaphore(%arg7 : memref<!tpu.dma_semaphore, #tpu.memory_space<semaphore_mem>>) src(%dma_wait3A_15 : memref<100000x768xf32, #tpu.memory_space<hbm>>) dst(%arg6 : memref<40x768xf32, #tpu.memory_space<vmem>>)
      "tpu.region"() ({
        %run_scoped3A = tpu.sem_alloc : memref<!tpu.dma_semaphore, #tpu.memory_space<semaphore_mem>>
        %dma_start3A_16 = arith.constant 0 : i32
        %dma_start3A_17 = tpu.memref_slice %arg4[%add3A_11, %dma_start3A_16] : memref<6400x768xf32, #tpu.memory_space<hbm>> -> memref<40x768xf32, #tpu.memory_space<hbm>>
        %dma_start3A_18 = arith.constant 0 : i32
        %dma_start3A_19 = tpu.memref_slice %arg4[%add3A_11, %dma_start3A_18] : memref<6400x768xf32, #tpu.memory_space<hbm>> -> memref<40x768xf32, #tpu.memory_space<hbm>>
        tpu.enqueue_dma source(%arg6 : memref<40x768xf32, #tpu.memory_space<vmem>>) target(%dma_start3A_19 : memref<40x768xf32, #tpu.memory_space<hbm>>) target_semaphore(%run_scoped3A : memref<!tpu.dma_semaphore, #tpu.memory_space<semaphore_mem>>)
        %dma_wait3A_20 = arith.constant 0 : i32
        %dma_wait3A_21 = tpu.memref_slice %arg4[%add3A_11, %dma_wait3A_20] : memref<6400x768xf32, #tpu.memory_space<hbm>> -> memref<40x768xf32, #tpu.memory_space<hbm>>
        %dma_wait3A_22 = arith.constant 0 : i32
        %dma_wait3A_23 = tpu.memref_slice %arg4[%add3A_11, %dma_wait3A_22] : memref<6400x768xf32, #tpu.memory_space<hbm>> -> memref<40x768xf32, #tpu.memory_space<hbm>>
        tpu.wait_dma2 semaphore(%run_scoped3A : memref<!tpu.dma_semaphore, #tpu.memory_space<semaphore_mem>>) src(%arg6 : memref<40x768xf32, #tpu.memory_space<vmem>>) dst(%dma_wait3A_23 : memref<40x768xf32, #tpu.memory_space<hbm>>)
        tpu.yield
      }) : () -> ()
    }
    %scan3A_7 = arith.constant 5 : i32
    return
  }
}

#map = affine_map<(d0, d1) -> (0)>
#map1 = affine_map<(d0, d1) -> (0, 0)>
module attributes {stable_mosaic.version = 14 : i64} {
  func.func @gather_kernel(%arg0: i32, %arg1: i32, %arg2: memref<6400xi32, #tpu.memory_space<hbm>>, %arg3: memref<100000x768xf32, #tpu.memory_space<hbm>>, %arg4: memref<6400x768xf32, #tpu.memory_space<hbm>>, %arg5: memref<40xi32, #tpu.memory_space<vmem>>, %arg6: memref<40x768xf32, #tpu.memory_space<vmem>>, %arg7: memref<!tpu.dma_semaphore, #tpu.memory_space<semaphore_mem>>) attributes {dimension_semantics = [#tpu.dimension_semantics<core_parallel>, #tpu.dimension_semantics<subcore_parallel>], iteration_bounds = array<i64: 2, 16>, scalar_prefetch = 0 : i64, scratch_operands = 3 : i64, tpu.core_type = #tpu.core_type<sc_vector_subcore>, window_params = [{transform_indices = #map}, {transform_indices = #map1}, {transform_indices = #map1}]} {
    %mul3A = arith.constant 2 : i32
    %mul3A_0 = arith.muli %arg1, %mul3A : i32
    %add3A = arith.addi %mul3A_0, %arg0 : i32
    %mul3A_1 = arith.constant 200 : i32
    %mul3A_2 = arith.muli %add3A, %mul3A_1 : i32
    %scan3A = arith.constant 0 : i32
    %scan3A_3 = arith.constant 0 : i32
    %scan3A_4 = arith.constant 5 : i32
    %scan3A_5 = arith.addi %scan3A_3, %scan3A_4 : i32
    %scan3A_6 = arith.constant 1 : i32
    scf.for %scan3A_8 = %scan3A_3 to %scan3A_5 step %scan3A_6  : i32 {
      %mul3A_9 = arith.constant 40 : i32
      %mul3A_10 = arith.muli %scan3A_8, %mul3A_9 : i32
      %add3A_11 = arith.addi %mul3A_2, %mul3A_10 : i32
      "tpu.region"() ({
        %run_scoped3A = tpu.sem_alloc : memref<!tpu.dma_semaphore, #tpu.memory_space<semaphore_mem>>
        %dma_start3A_16 = tpu.memref_slice %arg2[%add3A_11] : memref<6400xi32, #tpu.memory_space<hbm>> -> memref<40xi32, #tpu.memory_space<hbm>>
        %dma_start3A_17 = tpu.memref_slice %arg2[%add3A_11] : memref<6400xi32, #tpu.memory_space<hbm>> -> memref<40xi32, #tpu.memory_space<hbm>>
        tpu.enqueue_dma source(%dma_start3A_17 : memref<40xi32, #tpu.memory_space<hbm>>) target(%arg5 : memref<40xi32, #tpu.memory_space<vmem>>) target_semaphore(%run_scoped3A : memref<!tpu.dma_semaphore, #tpu.memory_space<semaphore_mem>>)
        %dma_wait3A_18 = tpu.memref_slice %arg2[%add3A_11] : memref<6400xi32, #tpu.memory_space<hbm>> -> memref<40xi32, #tpu.memory_space<hbm>>
        %dma_wait3A_19 = tpu.memref_slice %arg2[%add3A_11] : memref<6400xi32, #tpu.memory_space<hbm>> -> memref<40xi32, #tpu.memory_space<hbm>>
        tpu.wait_dma2 semaphore(%run_scoped3A : memref<!tpu.dma_semaphore, #tpu.memory_space<semaphore_mem>>) src(%dma_wait3A_19 : memref<40xi32, #tpu.memory_space<hbm>>) dst(%arg5 : memref<40xi32, #tpu.memory_space<vmem>>)
        tpu.yield
      }) : () -> ()
      %dma_start3A = arith.constant 0 : i32
      %dma_start3A_12 = arith.constant 0 : i32
      %dma_start3A_13 = tpu.memref_slice %arg3[%dma_start3A, %dma_start3A_12] : memref<100000x768xf32, #tpu.memory_space<hbm>> -> memref<100000x768xf32, #tpu.memory_space<hbm>>
      tpu.enqueue_indirect_dma source(%dma_start3A_13 : memref<100000x768xf32, #tpu.memory_space<hbm>>) target(%arg6 : memref<40x768xf32, #tpu.memory_space<vmem>>) offsets(%arg5 : memref<40xi32, #tpu.memory_space<vmem>>) semaphore(%arg7 : memref<!tpu.dma_semaphore, #tpu.memory_space<semaphore_mem>>)
      %dma_wait3A = arith.constant 0 : i32
      %dma_wait3A_14 = arith.constant 0 : i32
      %dma_wait3A_15 = tpu.memref_slice %arg3[%dma_wait3A, %dma_wait3A_14] : memref<100000x768xf32, #tpu.memory_space<hbm>> -> memref<100000x768xf32, #tpu.memory_space<hbm>>
      tpu.wait_indirect_dma semaphore(%arg7 : memref<!tpu.dma_semaphore, #tpu.memory_space<semaphore_mem>>) src(%dma_wait3A_15 : memref<100000x768xf32, #tpu.memory_space<hbm>>) dst(%arg6 : memref<40x768xf32, #tpu.memory_space<vmem>>)
      "tpu.region"() ({
        %run_scoped3A = tpu.sem_alloc : memref<!tpu.dma_semaphore, #tpu.memory_space<semaphore_mem>>
        %dma_start3A_16 = arith.constant 0 : i32
        %dma_start3A_17 = tpu.memref_slice %arg4[%add3A_11, %dma_start3A_16] : memref<6400x768xf32, #tpu.memory_space<hbm>> -> memref<40x768xf32, #tpu.memory_space<hbm>>
        %dma_start3A_18 = arith.constant 0 : i32
        %dma_start3A_19 = tpu.memref_slice %arg4[%add3A_11, %dma_start3A_18] : memref<6400x768xf32, #tpu.memory_space<hbm>> -> memref<40x768xf32, #tpu.memory_space<hbm>>
        tpu.enqueue_dma source(%arg6 : memref<40x768xf32, #tpu.memory_space<vmem>>) target(%dma_start3A_19 : memref<40x768xf32, #tpu.memory_space<hbm>>) target_semaphore(%run_scoped3A : memref<!tpu.dma_semaphore, #tpu.memory_space<semaphore_mem>>)
        %dma_wait3A_20 = arith.constant 0 : i32
        %dma_wait3A_21 = tpu.memref_slice %arg4[%add3A_11, %dma_wait3A_20] : memref<6400x768xf32, #tpu.memory_space<hbm>> -> memref<40x768xf32, #tpu.memory_space<hbm>>
        %dma_wait3A_22 = arith.constant 0 : i32
        %dma_wait3A_23 = tpu.memref_slice %arg4[%add3A_11, %dma_wait3A_22] : memref<6400x768xf32, #tpu.memory_space<hbm>> -> memref<40x768xf32, #tpu.memory_space<hbm>>
        tpu.wait_dma2 semaphore(%run_scoped3A : memref<!tpu.dma_semaphore, #tpu.memory_space<semaphore_mem>>) src(%arg6 : memref<40x768xf32, #tpu.memory_space<vmem>>) dst(%dma_wait3A_23 : memref<40x768xf32, #tpu.memory_space<hbm>>)
        tpu.yield
      }) : () -> ()
    }
    %scan3A_7 = arith.constant 5 : i32
    return
  }
}

module attributes {stable_mosaic.version = 14 : i64} {
  func.func @_attn_body(%arg0: i32, %arg1: memref<4x200x768xf32, #tpu.memory_space<vmem>>, %arg2: memref<4x200x768xf32, #tpu.memory_space<vmem>>, %arg3: memref<4x200x768xf32, #tpu.memory_space<vmem>>, %arg4: memref<4x200x768xf32, #tpu.memory_space<vmem>>, %arg5: memref<8x768xf32, #tpu.memory_space<vmem>>, %arg6: memref<8x1xf32, #tpu.memory_space<vmem>>, %arg7: memref<768x2xf32, #tpu.memory_space<vmem>>, %arg8: memref<768x2xf32, #tpu.memory_space<vmem>>, %arg9: memref<1x2xf32, #tpu.memory_space<vmem>>, %arg10: memref<4x1x2xf32, #tpu.memory_space<vmem>>, %arg11: memref<4x1x2xf32, #tpu.memory_space<vmem>>, %arg12: memref<1x1xf32, #tpu.memory_space<vmem>>, %arg13: memref<4x1x200xf32, #tpu.memory_space<vmem>>, %arg14: memref<4x1x200xf32, #tpu.memory_space<vmem>>) attributes {dimension_semantics = [#tpu.dimension_semantics<arbitrary>], iteration_bounds = array<i64: 4>, scalar_prefetch = 0 : i64, scratch_operands = 0 : i64, tpu.core_type = #tpu.core_type<tc>, window_params = [{transform_indices = @transform_0, window_bounds = array<i64: 4, 200, 768>}, {transform_indices = @transform_1, window_bounds = array<i64: 4, 200, 768>}, {transform_indices = @transform_2, window_bounds = array<i64: 4, 200, 768>}, {transform_indices = @transform_3, window_bounds = array<i64: 4, 200, 768>}, {pipeline_mode = #tpu.pipeline_mode<synchronous>, transform_indices = @transform_4, window_bounds = array<i64: 8, 768>}, {pipeline_mode = #tpu.pipeline_mode<synchronous>, transform_indices = @transform_5, window_bounds = array<i64: 8, 1>}, {pipeline_mode = #tpu.pipeline_mode<synchronous>, transform_indices = @transform_6, window_bounds = array<i64: 768, 2>}, {pipeline_mode = #tpu.pipeline_mode<synchronous>, transform_indices = @transform_7, window_bounds = array<i64: 768, 2>}, {pipeline_mode = #tpu.pipeline_mode<synchronous>, transform_indices = @transform_8, window_bounds = array<i64: 1, 2>}, {transform_indices = @transform_9, window_bounds = array<i64: 4, 1, 2>}, {transform_indices = @transform_10, window_bounds = array<i64: 4, 1, 2>}, {pipeline_mode = #tpu.pipeline_mode<synchronous>, transform_indices = @transform_11, window_bounds = array<i64: 1, 1>}, {transform_indices = @transform_12, window_bounds = array<i64: 4, 1, 200>}, {transform_indices = @transform_13, window_bounds = array<i64: 4, 1, 200>}]} {
    %broadcast_in_dim3A = arith.constant 0.000000e+00 : f32
    %broadcast_in_dim3A_0 = vector.broadcast %broadcast_in_dim3A : f32 to vector<1x1xf32>
    %get3A = arith.constant 0 : index
    %get3A_1 = arith.constant 0 : index
    %get3A_2 = arith.constant 0 : index
    %get3A_3 = vector.load %arg1[%get3A, %get3A_1, %get3A_2] : memref<4x200x768xf32, #tpu.memory_space<vmem>>, vector<1x200x768xf32>
    %get3A_4 = vector.shape_cast %get3A_3 : vector<1x200x768xf32> to vector<200x768xf32>
    %get3A_5 = arith.constant 0 : index
    %get3A_6 = arith.constant 0 : index
    %get3A_7 = arith.constant 0 : index
    %get3A_8 = vector.load %arg3[%get3A_5, %get3A_6, %get3A_7] : memref<4x200x768xf32, #tpu.memory_space<vmem>>, vector<1x200x768xf32>
    %get3A_9 = vector.shape_cast %get3A_8 : vector<1x200x768xf32> to vector<200x768xf32>
    %get3A_10 = arith.constant 0 : index
    %get3A_11 = arith.constant 0 : index
    %get3A_12 = vector.load %arg5[%get3A_10, %get3A_11] : memref<8x768xf32, #tpu.memory_space<vmem>>, vector<8x768xf32>
    %dot_general3A = arith.constant dense<0.000000e+00> : vector<8x200xf32>
    %dot_general3A_13 = tpu.matmul %get3A_12, %get3A_4, %dot_general3A {dimension_numbers = #tpu.dot_dimension_numbers<[1], [1], [0], [0], [0, 0, 1, 0], [], []>, transpose_lhs_hint = false} : vector<8x768xf32>, vector<200x768xf32>, vector<8x200xf32> -> vector<8x200xf32>
    %get3A_14 = arith.constant 0 : index
    %get3A_15 = arith.constant 0 : index
    %get3A_16 = vector.load %arg6[%get3A_14, %get3A_15] : memref<8x1xf32, #tpu.memory_space<vmem>>, vector<8x1xf32>
    %add3A = vector.broadcast %get3A_16 : vector<8x1xf32> to vector<8x200xf32>
    %add3A_17 = arith.addf %dot_general3A_13, %add3A : vector<8x200xf32>
    %max3A = arith.constant 0.000000e+00 : f32
    %max3A_18 = vector.broadcast %max3A : f32 to vector<8x200xf32>
    %max3A_19 = arith.maximumf %add3A_17, %max3A_18 : vector<8x200xf32>
    %reduce_max3A = arith.constant dense<0xFF800000> : vector<8xf32>
    %reduce_max3A_20 = vector.multi_reduction <maximumf>, %max3A_19, %reduce_max3A [1] : vector<8x200xf32> to vector<8xf32>
    %broadcast_in_dim3A_21 = vector.shape_cast %reduce_max3A_20 : vector<8xf32> to vector<8x1xf32>
    %sub3A = vector.broadcast %broadcast_in_dim3A_21 : vector<8x1xf32> to vector<8x200xf32>
    %sub3A_22 = arith.subf %max3A_19, %sub3A : vector<8x200xf32>
    %exp3A = math.exp %sub3A_22 : vector<8x200xf32>
    %reduce_sum3A = arith.constant dense<0.000000e+00> : vector<8xf32>
    %reduce_sum3A_23 = vector.multi_reduction <add>, %exp3A, %reduce_sum3A [1] : vector<8x200xf32> to vector<8xf32>
    %broadcast_in_dim3A_24 = vector.shape_cast %reduce_sum3A_23 : vector<8xf32> to vector<8x1xf32>
    %div3A = vector.broadcast %broadcast_in_dim3A_24 : vector<8x1xf32> to vector<8x200xf32>
    %div3A_25 = arith.divf %exp3A, %div3A : vector<8x200xf32>
    %reduce_sum3A_26 = arith.constant dense<0.000000e+00> : vector<200xf32>
    %reduce_sum3A_27 = vector.multi_reduction <add>, %div3A_25, %reduce_sum3A_26 [0] : vector<8x200xf32> to vector<200xf32>
    %broadcast_in_dim3A_28 = vector.shape_cast %reduce_sum3A_27 : vector<200xf32> to vector<1x200xf32>
    %div3A_29 = arith.constant 8.000000e+00 : f32
    %div3A_30 = vector.broadcast %div3A_29 : f32 to vector<1x200xf32>
    %div3A_31 = arith.divf %broadcast_in_dim3A_28, %div3A_30 : vector<1x200xf32>
    %dot_general3A_32 = arith.constant dense<0.000000e+00> : vector<1x768xf32>
    %dot_general3A_33 = tpu.matmul %div3A_31, %get3A_9, %dot_general3A_32 {dimension_numbers = #tpu.dot_dimension_numbers<[1], [0], [0], [1], [0, 0, 1, 1], [], []>, transpose_lhs_hint = false} : vector<1x200xf32>, vector<200x768xf32>, vector<1x768xf32> -> vector<1x768xf32>
    %get3A_34 = arith.constant 0 : index
    %get3A_35 = arith.constant 0 : index
    %get3A_36 = arith.constant 0 : index
    %get3A_37 = vector.load %arg2[%get3A_34, %get3A_35, %get3A_36] : memref<4x200x768xf32, #tpu.memory_space<vmem>>, vector<1x200x768xf32>
    %get3A_38 = vector.shape_cast %get3A_37 : vector<1x200x768xf32> to vector<200x768xf32>
    %get3A_39 = arith.constant 0 : index
    %get3A_40 = arith.constant 0 : index
    %get3A_41 = arith.constant 0 : index
    %get3A_42 = vector.load %arg4[%get3A_39, %get3A_40, %get3A_41] : memref<4x200x768xf32, #tpu.memory_space<vmem>>, vector<1x200x768xf32>
    %get3A_43 = vector.shape_cast %get3A_42 : vector<1x200x768xf32> to vector<200x768xf32>
    %get3A_44 = arith.constant 0 : index
    %get3A_45 = arith.constant 0 : index
    %get3A_46 = vector.load %arg5[%get3A_44, %get3A_45] : memref<8x768xf32, #tpu.memory_space<vmem>>, vector<8x768xf32>
    %dot_general3A_47 = arith.constant dense<0.000000e+00> : vector<8x200xf32>
    %dot_general3A_48 = tpu.matmul %get3A_46, %get3A_38, %dot_general3A_47 {dimension_numbers = #tpu.dot_dimension_numbers<[1], [1], [0], [0], [0, 0, 1, 0], [], []>, transpose_lhs_hint = false} : vector<8x768xf32>, vector<200x768xf32>, vector<8x200xf32> -> vector<8x200xf32>
    %get3A_49 = arith.constant 0 : index
    %get3A_50 = arith.constant 0 : index
    %get3A_51 = vector.load %arg6[%get3A_49, %get3A_50] : memref<8x1xf32, #tpu.memory_space<vmem>>, vector<8x1xf32>
    %add3A_52 = vector.broadcast %get3A_51 : vector<8x1xf32> to vector<8x200xf32>
    %add3A_53 = arith.addf %dot_general3A_48, %add3A_52 : vector<8x200xf32>
    %max3A_54 = arith.constant 0.000000e+00 : f32
    %max3A_55 = vector.broadcast %max3A_54 : f32 to vector<8x200xf32>
    %max3A_56 = arith.maximumf %add3A_53, %max3A_55 : vector<8x200xf32>
    %reduce_max3A_57 = arith.constant dense<0xFF800000> : vector<8xf32>
    %reduce_max3A_58 = vector.multi_reduction <maximumf>, %max3A_56, %reduce_max3A_57 [1] : vector<8x200xf32> to vector<8xf32>
    %broadcast_in_dim3A_59 = vector.shape_cast %reduce_max3A_58 : vector<8xf32> to vector<8x1xf32>
    %sub3A_60 = vector.broadcast %broadcast_in_dim3A_59 : vector<8x1xf32> to vector<8x200xf32>
    %sub3A_61 = arith.subf %max3A_56, %sub3A_60 : vector<8x200xf32>
    %exp3A_62 = math.exp %sub3A_61 : vector<8x200xf32>
    %reduce_sum3A_63 = arith.constant dense<0.000000e+00> : vector<8xf32>
    %reduce_sum3A_64 = vector.multi_reduction <add>, %exp3A_62, %reduce_sum3A_63 [1] : vector<8x200xf32> to vector<8xf32>
    %broadcast_in_dim3A_65 = vector.shape_cast %reduce_sum3A_64 : vector<8xf32> to vector<8x1xf32>
    %div3A_66 = vector.broadcast %broadcast_in_dim3A_65 : vector<8x1xf32> to vector<8x200xf32>
    %div3A_67 = arith.divf %exp3A_62, %div3A_66 : vector<8x200xf32>
    %reduce_sum3A_68 = arith.constant dense<0.000000e+00> : vector<200xf32>
    %reduce_sum3A_69 = vector.multi_reduction <add>, %div3A_67, %reduce_sum3A_68 [0] : vector<8x200xf32> to vector<200xf32>
    %broadcast_in_dim3A_70 = vector.shape_cast %reduce_sum3A_69 : vector<200xf32> to vector<1x200xf32>
    %div3A_71 = arith.constant 8.000000e+00 : f32
    %div3A_72 = vector.broadcast %div3A_71 : f32 to vector<1x200xf32>
    %div3A_73 = arith.divf %broadcast_in_dim3A_70, %div3A_72 : vector<1x200xf32>
    %dot_general3A_74 = arith.constant dense<0.000000e+00> : vector<1x768xf32>
    %dot_general3A_75 = tpu.matmul %div3A_73, %get3A_43, %dot_general3A_74 {dimension_numbers = #tpu.dot_dimension_numbers<[1], [0], [0], [1], [0, 0, 1, 1], [], []>, transpose_lhs_hint = false} : vector<1x200xf32>, vector<200x768xf32>, vector<1x768xf32> -> vector<1x768xf32>
    %swap3A = arith.constant 0 : index
    %swap3A_76 = arith.constant 0 : index
    %swap3A_77 = arith.constant 0 : index
    %swap3A_78 = vector.load %arg13[%swap3A, %swap3A_76, %swap3A_77] : memref<4x1x200xf32, #tpu.memory_space<vmem>>, vector<1x1x200xf32>
    %swap3A_79 = vector.shape_cast %swap3A_78 : vector<1x1x200xf32> to vector<1x200xf32>
    %swap3A_80 = vector.shape_cast %div3A_31 : vector<1x200xf32> to vector<1x1x200xf32>
    tpu.vector_store %arg13[%swap3A, %swap3A_76, %swap3A_77], %swap3A_80 {strides = array<i32>} : memref<4x1x200xf32, #tpu.memory_space<vmem>>, vector<1x1x200xf32>,
    %swap3A_81 = arith.constant 0 : index
    %swap3A_82 = arith.constant 0 : index
    %swap3A_83 = arith.constant 0 : index
    %swap3A_84 = vector.load %arg14[%swap3A_81, %swap3A_82, %swap3A_83] : memref<4x1x200xf32, #tpu.memory_space<vmem>>, vector<1x1x200xf32>
    %swap3A_85 = vector.shape_cast %swap3A_84 : vector<1x1x200xf32> to vector<1x200xf32>
    %swap3A_86 = vector.shape_cast %div3A_73 : vector<1x200xf32> to vector<1x1x200xf32>
    tpu.vector_store %arg14[%swap3A_81, %swap3A_82, %swap3A_83], %swap3A_86 {strides = array<i32>} : memref<4x1x200xf32, #tpu.memory_space<vmem>>, vector<1x1x200xf32>,
    %get3A_87 = arith.constant 0 : index
    %get3A_88 = arith.constant 0 : index
    %get3A_89 = vector.load %arg7[%get3A_87, %get3A_88] : memref<768x2xf32, #tpu.memory_space<vmem>>, vector<768x2xf32>
    %dot_general3A_90 = arith.constant dense<0.000000e+00> : vector<1x2xf32>
    %dot_general3A_91 = tpu.matmul %dot_general3A_33, %get3A_89, %dot_general3A_90 {dimension_numbers = #tpu.dot_dimension_numbers<[1], [0], [0], [1], [0, 0, 1, 1], [], []>, transpose_lhs_hint = false} : vector<1x768xf32>, vector<768x2xf32>, vector<1x2xf32> -> vector<1x2xf32>
    %get3A_92 = arith.constant 0 : index
    %get3A_93 = arith.constant 0 : index
    %get3A_94 = vector.load %arg8[%get3A_92, %get3A_93] : memref<768x2xf32, #tpu.memory_space<vmem>>, vector<768x2xf32>
    %dot_general3A_95 = arith.constant dense<0.000000e+00> : vector<1x2xf32>
    %dot_general3A_96 = tpu.matmul %dot_general3A_75, %get3A_94, %dot_general3A_95 {dimension_numbers = #tpu.dot_dimension_numbers<[1], [0], [0], [1], [0, 0, 1, 1], [], []>, transpose_lhs_hint = false} : vector<1x768xf32>, vector<768x2xf32>, vector<1x2xf32> -> vector<1x2xf32>
    %add3A_97 = arith.addf %dot_general3A_91, %dot_general3A_96 : vector<1x2xf32>
    %get3A_98 = arith.constant 0 : index
    %get3A_99 = arith.constant 0 : index
    %get3A_100 = vector.load %arg9[%get3A_98, %get3A_99] : memref<1x2xf32, #tpu.memory_space<vmem>>, vector<1x2xf32>
    %add3A_101 = arith.addf %add3A_97, %get3A_100 : vector<1x2xf32>
    %swap3A_102 = arith.constant 0 : index
    %swap3A_103 = arith.constant 0 : index
    %swap3A_104 = arith.constant 0 : index
    %swap3A_105 = vector.load %arg11[%swap3A_102, %swap3A_103, %swap3A_104] : memref<4x1x2xf32, #tpu.memory_space<vmem>>, vector<1x1x2xf32>
    %swap3A_106 = vector.shape_cast %swap3A_105 : vector<1x1x2xf32> to vector<1x2xf32>
    %swap3A_107 = vector.shape_cast %add3A_101 : vector<1x2xf32> to vector<1x1x2xf32>
    tpu.vector_store %arg11[%swap3A_102, %swap3A_103, %swap3A_104], %swap3A_107 {strides = array<i32>} : memref<4x1x2xf32, #tpu.memory_space<vmem>>, vector<1x1x2xf32>,
    %slice3A = vector.extract_strided_slice %add3A_101 {offsets = [0, 0], sizes = [1, 1], strides = [1, 1]} : vector<1x2xf32> to vector<1x1xf32>
    %squeeze3A = vector.extract %slice3A[0, 0] : f32 from vector<1x1xf32>
    %slice3A_108 = vector.extract_strided_slice %add3A_101 {offsets = [0, 1], sizes = [1, 1], strides = [1, 1]} : vector<1x2xf32> to vector<1x1xf32>
    %squeeze3A_109 = vector.extract %slice3A_108[0, 0] : f32 from vector<1x1xf32>
    %max3A_110 = arith.maximumf %squeeze3A, %squeeze3A_109 : f32
    %sub3A_111 = arith.subf %squeeze3A, %max3A_110 : f32
    %exp3A_112 = math.exp %sub3A_111 : f32
    %sub3A_113 = arith.subf %squeeze3A_109, %max3A_110 : f32
    %exp3A_114 = math.exp %sub3A_113 : f32
    %add3A_115 = arith.addf %exp3A_112, %exp3A_114 : f32
    %log3A = math.log %add3A_115 : f32
    %add3A_116 = arith.addf %max3A_110, %log3A : f32
    %get3A_117 = arith.constant 0 : index
    %get3A_118 = arith.constant 0 : index
    %get3A_119 = arith.constant 0 : index
    %get3A_120 = vector.load %arg10[%get3A_117, %get3A_118, %get3A_119] : memref<4x1x2xf32, #tpu.memory_space<vmem>>, vector<1x1x2xf32>
    %get3A_121 = vector.shape_cast %get3A_120 : vector<1x1x2xf32> to vector<1x2xf32>
    %mul3A = arith.mulf %add3A_101, %get3A_121 : vector<1x2xf32>
    %reduce_sum3A_122 = vector.shape_cast %mul3A : vector<1x2xf32> to vector<1x1x2xf32>
    %reduce_sum3A_123 = arith.constant dense<0.000000e+00> : vector<1xf32>
    %reduce_sum3A_124 = vector.multi_reduction <add>, %reduce_sum3A_122, %reduce_sum3A_123 [1, 2] : vector<1x1x2xf32> to vector<1xf32>
    %reduce_sum3A_125 = vector.shape_cast %reduce_sum3A_124 : vector<1xf32> to vector<1x1x1xf32>
    %reduce_sum3A_126 = vector.extract %reduce_sum3A_125[0, 0, 0] : f32 from vector<1x1x1xf32>
    %sub3A_127 = arith.subf %add3A_116, %reduce_sum3A_126 : f32
    %mul3A_128 = arith.constant 1.562500e-02 : f32
    %mul3A_129 = arith.mulf %sub3A_127, %mul3A_128 : f32
    %reshape3A = vector.broadcast %mul3A_129 : f32 to vector<1x1xf32>
    %add3A_130 = arith.addf %broadcast_in_dim3A_0, %reshape3A : vector<1x1xf32>
    %get3A_131 = arith.constant 1 : index
    %get3A_132 = arith.constant 0 : index
    %get3A_133 = arith.constant 0 : index
    %get3A_134 = vector.load %arg1[%get3A_131, %get3A_132, %get3A_133] : memref<4x200x768xf32, #tpu.memory_space<vmem>>, vector<1x200x768xf32>
    %get3A_135 = vector.shape_cast %get3A_134 : vector<1x200x768xf32> to vector<200x768xf32>
    %get3A_136 = arith.constant 1 : index
    %get3A_137 = arith.constant 0 : index
    %get3A_138 = arith.constant 0 : index
    %get3A_139 = vector.load %arg3[%get3A_136, %get3A_137, %get3A_138] : memref<4x200x768xf32, #tpu.memory_space<vmem>>, vector<1x200x768xf32>
    %get3A_140 = vector.shape_cast %get3A_139 : vector<1x200x768xf32> to vector<200x768xf32>
    %get3A_141 = arith.constant 0 : index
    %get3A_142 = arith.constant 0 : index
    %get3A_143 = vector.load %arg5[%get3A_141, %get3A_142] : memref<8x768xf32, #tpu.memory_space<vmem>>, vector<8x768xf32>
    %dot_general3A_144 = arith.constant dense<0.000000e+00> : vector<8x200xf32>
    %dot_general3A_145 = tpu.matmul %get3A_143, %get3A_135, %dot_general3A_144 {dimension_numbers = #tpu.dot_dimension_numbers<[1], [1], [0], [0], [0, 0, 1, 0], [], []>, transpose_lhs_hint = false} : vector<8x768xf32>, vector<200x768xf32>, vector<8x200xf32> -> vector<8x200xf32>
    %get3A_146 = arith.constant 0 : index
    %get3A_147 = arith.constant 0 : index
    %get3A_148 = vector.load %arg6[%get3A_146, %get3A_147] : memref<8x1xf32, #tpu.memory_space<vmem>>, vector<8x1xf32>
    %add3A_149 = vector.broadcast %get3A_148 : vector<8x1xf32> to vector<8x200xf32>
    %add3A_150 = arith.addf %dot_general3A_145, %add3A_149 : vector<8x200xf32>
    %max3A_151 = arith.constant 0.000000e+00 : f32
    %max3A_152 = vector.broadcast %max3A_151 : f32 to vector<8x200xf32>
    %max3A_153 = arith.maximumf %add3A_150, %max3A_152 : vector<8x200xf32>
    %reduce_max3A_154 = arith.constant dense<0xFF800000> : vector<8xf32>
    %reduce_max3A_155 = vector.multi_reduction <maximumf>, %max3A_153, %reduce_max3A_154 [1] : vector<8x200xf32> to vector<8xf32>
    %broadcast_in_dim3A_156 = vector.shape_cast %reduce_max3A_155 : vector<8xf32> to vector<8x1xf32>
    %sub3A_157 = vector.broadcast %broadcast_in_dim3A_156 : vector<8x1xf32> to vector<8x200xf32>
    %sub3A_158 = arith.subf %max3A_153, %sub3A_157 : vector<8x200xf32>
    %exp3A_159 = math.exp %sub3A_158 : vector<8x200xf32>
    %reduce_sum3A_160 = arith.constant dense<0.000000e+00> : vector<8xf32>
    %reduce_sum3A_161 = vector.multi_reduction <add>, %exp3A_159, %reduce_sum3A_160 [1] : vector<8x200xf32> to vector<8xf32>
    %broadcast_in_dim3A_162 = vector.shape_cast %reduce_sum3A_161 : vector<8xf32> to vector<8x1xf32>
    %div3A_163 = vector.broadcast %broadcast_in_dim3A_162 : vector<8x1xf32> to vector<8x200xf32>
    %div3A_164 = arith.divf %exp3A_159, %div3A_163 : vector<8x200xf32>
    %reduce_sum3A_165 = arith.constant dense<0.000000e+00> : vector<200xf32>
    %reduce_sum3A_166 = vector.multi_reduction <add>, %div3A_164, %reduce_sum3A_165 [0] : vector<8x200xf32> to vector<200xf32>
    %broadcast_in_dim3A_167 = vector.shape_cast %reduce_sum3A_166 : vector<200xf32> to vector<1x200xf32>
    %div3A_168 = arith.constant 8.000000e+00 : f32
    %div3A_169 = vector.broadcast %div3A_168 : f32 to vector<1x200xf32>
    %div3A_170 = arith.divf %broadcast_in_dim3A_167, %div3A_169 : vector<1x200xf32>
    %dot_general3A_171 = arith.constant dense<0.000000e+00> : vector<1x768xf32>
    %dot_general3A_172 = tpu.matmul %div3A_170, %get3A_140, %dot_general3A_171 {dimension_numbers = #tpu.dot_dimension_numbers<[1], [0], [0], [1], [0, 0, 1, 1], [], []>, transpose_lhs_hint = false} : vector<1x200xf32>, vector<200x768xf32>, vector<1x768xf32> -> vector<1x768xf32>
    %get3A_173 = arith.constant 1 : index
    %get3A_174 = arith.constant 0 : index
    %get3A_175 = arith.constant 0 : index
    %get3A_176 = vector.load %arg2[%get3A_173, %get3A_174, %get3A_175] : memref<4x200x768xf32, #tpu.memory_space<vmem>>, vector<1x200x768xf32>
    %get3A_177 = vector.shape_cast %get3A_176 : vector<1x200x768xf32> to vector<200x768xf32>
    %get3A_178 = arith.constant 1 : index
    %get3A_179 = arith.constant 0 : index
    %get3A_180 = arith.constant 0 : index
    %get3A_181 = vector.load %arg4[%get3A_178, %get3A_179, %get3A_180] : memref<4x200x768xf32, #tpu.memory_space<vmem>>, vector<1x200x768xf32>
    %get3A_182 = vector.shape_cast %get3A_181 : vector<1x200x768xf32> to vector<200x768xf32>
    %get3A_183 = arith.constant 0 : index
    %get3A_184 = arith.constant 0 : index
    %get3A_185 = vector.load %arg5[%get3A_183, %get3A_184] : memref<8x768xf32, #tpu.memory_space<vmem>>, vector<8x768xf32>
    %dot_general3A_186 = arith.constant dense<0.000000e+00> : vector<8x200xf32>
    %dot_general3A_187 = tpu.matmul %get3A_185, %get3A_177, %dot_general3A_186 {dimension_numbers = #tpu.dot_dimension_numbers<[1], [1], [0], [0], [0, 0, 1, 0], [], []>, transpose_lhs_hint = false} : vector<8x768xf32>, vector<200x768xf32>, vector<8x200xf32> -> vector<8x200xf32>
    %get3A_188 = arith.constant 0 : index
    %get3A_189 = arith.constant 0 : index
    %get3A_190 = vector.load %arg6[%get3A_188, %get3A_189] : memref<8x1xf32, #tpu.memory_space<vmem>>, vector<8x1xf32>
    %add3A_191 = vector.broadcast %get3A_190 : vector<8x1xf32> to vector<8x200xf32>
    %add3A_192 = arith.addf %dot_general3A_187, %add3A_191 : vector<8x200xf32>
    %max3A_193 = arith.constant 0.000000e+00 : f32
    %max3A_194 = vector.broadcast %max3A_193 : f32 to vector<8x200xf32>
    %max3A_195 = arith.maximumf %add3A_192, %max3A_194 : vector<8x200xf32>
    %reduce_max3A_196 = arith.constant dense<0xFF800000> : vector<8xf32>
    %reduce_max3A_197 = vector.multi_reduction <maximumf>, %max3A_195, %reduce_max3A_196 [1] : vector<8x200xf32> to vector<8xf32>
    %broadcast_in_dim3A_198 = vector.shape_cast %reduce_max3A_197 : vector<8xf32> to vector<8x1xf32>
    %sub3A_199 = vector.broadcast %broadcast_in_dim3A_198 : vector<8x1xf32> to vector<8x200xf32>
    %sub3A_200 = arith.subf %max3A_195, %sub3A_199 : vector<8x200xf32>
    %exp3A_201 = math.exp %sub3A_200 : vector<8x200xf32>
    %reduce_sum3A_202 = arith.constant dense<0.000000e+00> : vector<8xf32>
    %reduce_sum3A_203 = vector.multi_reduction <add>, %exp3A_201, %reduce_sum3A_202 [1] : vector<8x200xf32> to vector<8xf32>
    %broadcast_in_dim3A_204 = vector.shape_cast %reduce_sum3A_203 : vector<8xf32> to vector<8x1xf32>
    %div3A_205 = vector.broadcast %broadcast_in_dim3A_204 : vector<8x1xf32> to vector<8x200xf32>
    %div3A_206 = arith.divf %exp3A_201, %div3A_205 : vector<8x200xf32>
    %reduce_sum3A_207 = arith.constant dense<0.000000e+00> : vector<200xf32>
    %reduce_sum3A_208 = vector.multi_reduction <add>, %div3A_206, %reduce_sum3A_207 [0] : vector<8x200xf32> to vector<200xf32>
    %broadcast_in_dim3A_209 = vector.shape_cast %reduce_sum3A_208 : vector<200xf32> to vector<1x200xf32>
    %div3A_210 = arith.constant 8.000000e+00 : f32
    %div3A_211 = vector.broadcast %div3A_210 : f32 to vector<1x200xf32>
    %div3A_212 = arith.divf %broadcast_in_dim3A_209, %div3A_211 : vector<1x200xf32>
    %dot_general3A_213 = arith.constant dense<0.000000e+00> : vector<1x768xf32>
    %dot_general3A_214 = tpu.matmul %div3A_212, %get3A_182, %dot_general3A_213 {dimension_numbers = #tpu.dot_dimension_numbers<[1], [0], [0], [1], [0, 0, 1, 1], [], []>, transpose_lhs_hint = false} : vector<1x200xf32>, vector<200x768xf32>, vector<1x768xf32> -> vector<1x768xf32>
    %swap3A_215 = arith.constant 1 : index
    %swap3A_216 = arith.constant 0 : index
    %swap3A_217 = arith.constant 0 : index
    %swap3A_218 = vector.load %arg13[%swap3A_215, %swap3A_216, %swap3A_217] : memref<4x1x200xf32, #tpu.memory_space<vmem>>, vector<1x1x200xf32>
    %swap3A_219 = vector.shape_cast %swap3A_218 : vector<1x1x200xf32> to vector<1x200xf32>
    %swap3A_220 = vector.shape_cast %div3A_170 : vector<1x200xf32> to vector<1x1x200xf32>
    tpu.vector_store %arg13[%swap3A_215, %swap3A_216, %swap3A_217], %swap3A_220 {strides = array<i32>} : memref<4x1x200xf32, #tpu.memory_space<vmem>>, vector<1x1x200xf32>,
    %swap3A_221 = arith.constant 1 : index
    %swap3A_222 = arith.constant 0 : index
    %swap3A_223 = arith.constant 0 : index
    %swap3A_224 = vector.load %arg14[%swap3A_221, %swap3A_222, %swap3A_223] : memref<4x1x200xf32, #tpu.memory_space<vmem>>, vector<1x1x200xf32>
    %swap3A_225 = vector.shape_cast %swap3A_224 : vector<1x1x200xf32> to vector<1x200xf32>
    %swap3A_226 = vector.shape_cast %div3A_212 : vector<1x200xf32> to vector<1x1x200xf32>
    tpu.vector_store %arg14[%swap3A_221, %swap3A_222, %swap3A_223], %swap3A_226 {strides = array<i32>} : memref<4x1x200xf32, #tpu.memory_space<vmem>>, vector<1x1x200xf32>,
    %get3A_227 = arith.constant 0 : index
    %get3A_228 = arith.constant 0 : index
    %get3A_229 = vector.load %arg7[%get3A_227, %get3A_228] : memref<768x2xf32, #tpu.memory_space<vmem>>, vector<768x2xf32>
    %dot_general3A_230 = arith.constant dense<0.000000e+00> : vector<1x2xf32>
    %dot_general3A_231 = tpu.matmul %dot_general3A_172, %get3A_229, %dot_general3A_230 {dimension_numbers = #tpu.dot_dimension_numbers<[1], [0], [0], [1], [0, 0, 1, 1], [], []>, transpose_lhs_hint = false} : vector<1x768xf32>, vector<768x2xf32>, vector<1x2xf32> -> vector<1x2xf32>
    %get3A_232 = arith.constant 0 : index
    %get3A_233 = arith.constant 0 : index
    %get3A_234 = vector.load %arg8[%get3A_232, %get3A_233] : memref<768x2xf32, #tpu.memory_space<vmem>>, vector<768x2xf32>
    %dot_general3A_235 = arith.constant dense<0.000000e+00> : vector<1x2xf32>
    %dot_general3A_236 = tpu.matmul %dot_general3A_214, %get3A_234, %dot_general3A_235 {dimension_numbers = #tpu.dot_dimension_numbers<[1], [0], [0], [1], [0, 0, 1, 1], [], []>, transpose_lhs_hint = false} : vector<1x768xf32>, vector<768x2xf32>, vector<1x2xf32> -> vector<1x2xf32>
    %add3A_237 = arith.addf %dot_general3A_231, %dot_general3A_236 : vector<1x2xf32>
    %get3A_238 = arith.constant 0 : index
    %get3A_239 = arith.constant 0 : index
    %get3A_240 = vector.load %arg9[%get3A_238, %get3A_239] : memref<1x2xf32, #tpu.memory_space<vmem>>, vector<1x2xf32>
    %add3A_241 = arith.addf %add3A_237, %get3A_240 : vector<1x2xf32>
    %swap3A_242 = arith.constant 1 : index
    %swap3A_243 = arith.constant 0 : index
    %swap3A_244 = arith.constant 0 : index
    %swap3A_245 = vector.load %arg11[%swap3A_242, %swap3A_243, %swap3A_244] : memref<4x1x2xf32, #tpu.memory_space<vmem>>, vector<1x1x2xf32>
    %swap3A_246 = vector.shape_cast %swap3A_245 : vector<1x1x2xf32> to vector<1x2xf32>
    %swap3A_247 = vector.shape_cast %add3A_241 : vector<1x2xf32> to vector<1x1x2xf32>
    tpu.vector_store %arg11[%swap3A_242, %swap3A_243, %swap3A_244], %swap3A_247 {strides = array<i32>} : memref<4x1x2xf32, #tpu.memory_space<vmem>>, vector<1x1x2xf32>,
    %slice3A_248 = vector.extract_strided_slice %add3A_241 {offsets = [0, 0], sizes = [1, 1], strides = [1, 1]} : vector<1x2xf32> to vector<1x1xf32>
    %squeeze3A_249 = vector.extract %slice3A_248[0, 0] : f32 from vector<1x1xf32>
    %slice3A_250 = vector.extract_strided_slice %add3A_241 {offsets = [0, 1], sizes = [1, 1], strides = [1, 1]} : vector<1x2xf32> to vector<1x1xf32>
    %squeeze3A_251 = vector.extract %slice3A_250[0, 0] : f32 from vector<1x1xf32>
    %max3A_252 = arith.maximumf %squeeze3A_249, %squeeze3A_251 : f32
    %sub3A_253 = arith.subf %squeeze3A_249, %max3A_252 : f32
    %exp3A_254 = math.exp %sub3A_253 : f32
    %sub3A_255 = arith.subf %squeeze3A_251, %max3A_252 : f32
    %exp3A_256 = math.exp %sub3A_255 : f32
    %add3A_257 = arith.addf %exp3A_254, %exp3A_256 : f32
    %log3A_258 = math.log %add3A_257 : f32
    %add3A_259 = arith.addf %max3A_252, %log3A_258 : f32
    %get3A_260 = arith.constant 1 : index
    %get3A_261 = arith.constant 0 : index
    %get3A_262 = arith.constant 0 : index
    %get3A_263 = vector.load %arg10[%get3A_260, %get3A_261, %get3A_262] : memref<4x1x2xf32, #tpu.memory_space<vmem>>, vector<1x1x2xf32>
    %get3A_264 = vector.shape_cast %get3A_263 : vector<1x1x2xf32> to vector<1x2xf32>
    %mul3A_265 = arith.mulf %add3A_241, %get3A_264 : vector<1x2xf32>
    %reduce_sum3A_266 = vector.shape_cast %mul3A_265 : vector<1x2xf32> to vector<1x1x2xf32>
    %reduce_sum3A_267 = arith.constant dense<0.000000e+00> : vector<1xf32>
    %reduce_sum3A_268 = vector.multi_reduction <add>, %reduce_sum3A_266, %reduce_sum3A_267 [1, 2] : vector<1x1x2xf32> to vector<1xf32>
    %reduce_sum3A_269 = vector.shape_cast %reduce_sum3A_268 : vector<1xf32> to vector<1x1x1xf32>
    %reduce_sum3A_270 = vector.extract %reduce_sum3A_269[0, 0, 0] : f32 from vector<1x1x1xf32>
    %sub3A_271 = arith.subf %add3A_259, %reduce_sum3A_270 : f32
    %mul3A_272 = arith.constant 1.562500e-02 : f32
    %mul3A_273 = arith.mulf %sub3A_271, %mul3A_272 : f32
    %reshape3A_274 = vector.broadcast %mul3A_273 : f32 to vector<1x1xf32>
    %add3A_275 = arith.addf %add3A_130, %reshape3A_274 : vector<1x1xf32>
    %get3A_276 = arith.constant 2 : index
    %get3A_277 = arith.constant 0 : index
    %get3A_278 = arith.constant 0 : index
    %get3A_279 = vector.load %arg1[%get3A_276, %get3A_277, %get3A_278] : memref<4x200x768xf32, #tpu.memory_space<vmem>>, vector<1x200x768xf32>
    %get3A_280 = vector.shape_cast %get3A_279 : vector<1x200x768xf32> to vector<200x768xf32>
    %get3A_281 = arith.constant 2 : index
    %get3A_282 = arith.constant 0 : index
    %get3A_283 = arith.constant 0 : index
    %get3A_284 = vector.load %arg3[%get3A_281, %get3A_282, %get3A_283] : memref<4x200x768xf32, #tpu.memory_space<vmem>>, vector<1x200x768xf32>
    %get3A_285 = vector.shape_cast %get3A_284 : vector<1x200x768xf32> to vector<200x768xf32>
    %get3A_286 = arith.constant 0 : index
    %get3A_287 = arith.constant 0 : index
    %get3A_288 = vector.load %arg5[%get3A_286, %get3A_287] : memref<8x768xf32, #tpu.memory_space<vmem>>, vector<8x768xf32>
    %dot_general3A_289 = arith.constant dense<0.000000e+00> : vector<8x200xf32>
    %dot_general3A_290 = tpu.matmul %get3A_288, %get3A_280, %dot_general3A_289 {dimension_numbers = #tpu.dot_dimension_numbers<[1], [1], [0], [0], [0, 0, 1, 0], [], []>, transpose_lhs_hint = false} : vector<8x768xf32>, vector<200x768xf32>, vector<8x200xf32> -> vector<8x200xf32>
    %get3A_291 = arith.constant 0 : index
    %get3A_292 = arith.constant 0 : index
    %get3A_293 = vector.load %arg6[%get3A_291, %get3A_292] : memref<8x1xf32, #tpu.memory_space<vmem>>, vector<8x1xf32>
    %add3A_294 = vector.broadcast %get3A_293 : vector<8x1xf32> to vector<8x200xf32>
    %add3A_295 = arith.addf %dot_general3A_290, %add3A_294 : vector<8x200xf32>
    %max3A_296 = arith.constant 0.000000e+00 : f32
    %max3A_297 = vector.broadcast %max3A_296 : f32 to vector<8x200xf32>
    %max3A_298 = arith.maximumf %add3A_295, %max3A_297 : vector<8x200xf32>
    %reduce_max3A_299 = arith.constant dense<0xFF800000> : vector<8xf32>
    %reduce_max3A_300 = vector.multi_reduction <maximumf>, %max3A_298, %reduce_max3A_299 [1] : vector<8x200xf32> to vector<8xf32>
    %broadcast_in_dim3A_301 = vector.shape_cast %reduce_max3A_300 : vector<8xf32> to vector<8x1xf32>
    %sub3A_302 = vector.broadcast %broadcast_in_dim3A_301 : vector<8x1xf32> to vector<8x200xf32>
    %sub3A_303 = arith.subf %max3A_298, %sub3A_302 : vector<8x200xf32>
    %exp3A_304 = math.exp %sub3A_303 : vector<8x200xf32>
    %reduce_sum3A_305 = arith.constant dense<0.000000e+00> : vector<8xf32>
    %reduce_sum3A_306 = vector.multi_reduction <add>, %exp3A_304, %reduce_sum3A_305 [1] : vector<8x200xf32> to vector<8xf32>
    %broadcast_in_dim3A_307 = vector.shape_cast %reduce_sum3A_306 : vector<8xf32> to vector<8x1xf32>
    %div3A_308 = vector.broadcast %broadcast_in_dim3A_307 : vector<8x1xf32> to vector<8x200xf32>
    %div3A_309 = arith.divf %exp3A_304, %div3A_308 : vector<8x200xf32>
    %reduce_sum3A_310 = arith.constant dense<0.000000e+00> : vector<200xf32>
    %reduce_sum3A_311 = vector.multi_reduction <add>, %div3A_309, %reduce_sum3A_310 [0] : vector<8x200xf32> to vector<200xf32>
    %broadcast_in_dim3A_312 = vector.shape_cast %reduce_sum3A_311 : vector<200xf32> to vector<1x200xf32>
    %div3A_313 = arith.constant 8.000000e+00 : f32
    %div3A_314 = vector.broadcast %div3A_313 : f32 to vector<1x200xf32>
    %div3A_315 = arith.divf %broadcast_in_dim3A_312, %div3A_314 : vector<1x200xf32>
    %dot_general3A_316 = arith.constant dense<0.000000e+00> : vector<1x768xf32>
    %dot_general3A_317 = tpu.matmul %div3A_315, %get3A_285, %dot_general3A_316 {dimension_numbers = #tpu.dot_dimension_numbers<[1], [0], [0], [1], [0, 0, 1, 1], [], []>, transpose_lhs_hint = false} : vector<1x200xf32>, vector<200x768xf32>, vector<1x768xf32> -> vector<1x768xf32>
    %get3A_318 = arith.constant 2 : index
    %get3A_319 = arith.constant 0 : index
    %get3A_320 = arith.constant 0 : index
    %get3A_321 = vector.load %arg2[%get3A_318, %get3A_319, %get3A_320] : memref<4x200x768xf32, #tpu.memory_space<vmem>>, vector<1x200x768xf32>
    %get3A_322 = vector.shape_cast %get3A_321 : vector<1x200x768xf32> to vector<200x768xf32>
    %get3A_323 = arith.constant 2 : index
    %get3A_324 = arith.constant 0 : index
    %get3A_325 = arith.constant 0 : index
    %get3A_326 = vector.load %arg4[%get3A_323, %get3A_324, %get3A_325] : memref<4x200x768xf32, #tpu.memory_space<vmem>>, vector<1x200x768xf32>
    %get3A_327 = vector.shape_cast %get3A_326 : vector<1x200x768xf32> to vector<200x768xf32>
    %get3A_328 = arith.constant 0 : index
    %get3A_329 = arith.constant 0 : index
    %get3A_330 = vector.load %arg5[%get3A_328, %get3A_329] : memref<8x768xf32, #tpu.memory_space<vmem>>, vector<8x768xf32>
    %dot_general3A_331 = arith.constant dense<0.000000e+00> : vector<8x200xf32>
    %dot_general3A_332 = tpu.matmul %get3A_330, %get3A_322, %dot_general3A_331 {dimension_numbers = #tpu.dot_dimension_numbers<[1], [1], [0], [0], [0, 0, 1, 0], [], []>, transpose_lhs_hint = false} : vector<8x768xf32>, vector<200x768xf32>, vector<8x200xf32> -> vector<8x200xf32>
    %get3A_333 = arith.constant 0 : index
    %get3A_334 = arith.constant 0 : index
    %get3A_335 = vector.load %arg6[%get3A_333, %get3A_334] : memref<8x1xf32, #tpu.memory_space<vmem>>, vector<8x1xf32>
    %add3A_336 = vector.broadcast %get3A_335 : vector<8x1xf32> to vector<8x200xf32>
    %add3A_337 = arith.addf %dot_general3A_332, %add3A_336 : vector<8x200xf32>
    %max3A_338 = arith.constant 0.000000e+00 : f32
    %max3A_339 = vector.broadcast %max3A_338 : f32 to vector<8x200xf32>
    %max3A_340 = arith.maximumf %add3A_337, %max3A_339 : vector<8x200xf32>
    %reduce_max3A_341 = arith.constant dense<0xFF800000> : vector<8xf32>
    %reduce_max3A_342 = vector.multi_reduction <maximumf>, %max3A_340, %reduce_max3A_341 [1] : vector<8x200xf32> to vector<8xf32>
    %broadcast_in_dim3A_343 = vector.shape_cast %reduce_max3A_342 : vector<8xf32> to vector<8x1xf32>
    %sub3A_344 = vector.broadcast %broadcast_in_dim3A_343 : vector<8x1xf32> to vector<8x200xf32>
    %sub3A_345 = arith.subf %max3A_340, %sub3A_344 : vector<8x200xf32>
    %exp3A_346 = math.exp %sub3A_345 : vector<8x200xf32>
    %reduce_sum3A_347 = arith.constant dense<0.000000e+00> : vector<8xf32>
    %reduce_sum3A_348 = vector.multi_reduction <add>, %exp3A_346, %reduce_sum3A_347 [1] : vector<8x200xf32> to vector<8xf32>
    %broadcast_in_dim3A_349 = vector.shape_cast %reduce_sum3A_348 : vector<8xf32> to vector<8x1xf32>
    %div3A_350 = vector.broadcast %broadcast_in_dim3A_349 : vector<8x1xf32> to vector<8x200xf32>
    %div3A_351 = arith.divf %exp3A_346, %div3A_350 : vector<8x200xf32>
    %reduce_sum3A_352 = arith.constant dense<0.000000e+00> : vector<200xf32>
    %reduce_sum3A_353 = vector.multi_reduction <add>, %div3A_351, %reduce_sum3A_352 [0] : vector<8x200xf32> to vector<200xf32>
    %broadcast_in_dim3A_354 = vector.shape_cast %reduce_sum3A_353 : vector<200xf32> to vector<1x200xf32>
    %div3A_355 = arith.constant 8.000000e+00 : f32
    %div3A_356 = vector.broadcast %div3A_355 : f32 to vector<1x200xf32>
    %div3A_357 = arith.divf %broadcast_in_dim3A_354, %div3A_356 : vector<1x200xf32>
    %dot_general3A_358 = arith.constant dense<0.000000e+00> : vector<1x768xf32>
    %dot_general3A_359 = tpu.matmul %div3A_357, %get3A_327, %dot_general3A_358 {dimension_numbers = #tpu.dot_dimension_numbers<[1], [0], [0], [1], [0, 0, 1, 1], [], []>, transpose_lhs_hint = false} : vector<1x200xf32>, vector<200x768xf32>, vector<1x768xf32> -> vector<1x768xf32>
    %swap3A_360 = arith.constant 2 : index
    %swap3A_361 = arith.constant 0 : index
    %swap3A_362 = arith.constant 0 : index
    %swap3A_363 = vector.load %arg13[%swap3A_360, %swap3A_361, %swap3A_362] : memref<4x1x200xf32, #tpu.memory_space<vmem>>, vector<1x1x200xf32>
    %swap3A_364 = vector.shape_cast %swap3A_363 : vector<1x1x200xf32> to vector<1x200xf32>
    %swap3A_365 = vector.shape_cast %div3A_315 : vector<1x200xf32> to vector<1x1x200xf32>
    tpu.vector_store %arg13[%swap3A_360, %swap3A_361, %swap3A_362], %swap3A_365 {strides = array<i32>} : memref<4x1x200xf32, #tpu.memory_space<vmem>>, vector<1x1x200xf32>,
    %swap3A_366 = arith.constant 2 : index
    %swap3A_367 = arith.constant 0 : index
    %swap3A_368 = arith.constant 0 : index
    %swap3A_369 = vector.load %arg14[%swap3A_366, %swap3A_367, %swap3A_368] : memref<4x1x200xf32, #tpu.memory_space<vmem>>, vector<1x1x200xf32>
    %swap3A_370 = vector.shape_cast %swap3A_369 : vector<1x1x200xf32> to vector<1x200xf32>
    %swap3A_371 = vector.shape_cast %div3A_357 : vector<1x200xf32> to vector<1x1x200xf32>
    tpu.vector_store %arg14[%swap3A_366, %swap3A_367, %swap3A_368], %swap3A_371 {strides = array<i32>} : memref<4x1x200xf32, #tpu.memory_space<vmem>>, vector<1x1x200xf32>,
    %get3A_372 = arith.constant 0 : index
    %get3A_373 = arith.constant 0 : index
    %get3A_374 = vector.load %arg7[%get3A_372, %get3A_373] : memref<768x2xf32, #tpu.memory_space<vmem>>, vector<768x2xf32>
    %dot_general3A_375 = arith.constant dense<0.000000e+00> : vector<1x2xf32>
    %dot_general3A_376 = tpu.matmul %dot_general3A_317, %get3A_374, %dot_general3A_375 {dimension_numbers = #tpu.dot_dimension_numbers<[1], [0], [0], [1], [0, 0, 1, 1], [], []>, transpose_lhs_hint = false} : vector<1x768xf32>, vector<768x2xf32>, vector<1x2xf32> -> vector<1x2xf32>
    %get3A_377 = arith.constant 0 : index
    %get3A_378 = arith.constant 0 : index
    %get3A_379 = vector.load %arg8[%get3A_377, %get3A_378] : memref<768x2xf32, #tpu.memory_space<vmem>>, vector<768x2xf32>
    %dot_general3A_380 = arith.constant dense<0.000000e+00> : vector<1x2xf32>
    %dot_general3A_381 = tpu.matmul %dot_general3A_359, %get3A_379, %dot_general3A_380 {dimension_numbers = #tpu.dot_dimension_numbers<[1], [0], [0], [1], [0, 0, 1, 1], [], []>, transpose_lhs_hint = false} : vector<1x768xf32>, vector<768x2xf32>, vector<1x2xf32> -> vector<1x2xf32>
    %add3A_382 = arith.addf %dot_general3A_376, %dot_general3A_381 : vector<1x2xf32>
    %get3A_383 = arith.constant 0 : index
    %get3A_384 = arith.constant 0 : index
    %get3A_385 = vector.load %arg9[%get3A_383, %get3A_384] : memref<1x2xf32, #tpu.memory_space<vmem>>, vector<1x2xf32>
    %add3A_386 = arith.addf %add3A_382, %get3A_385 : vector<1x2xf32>
    %swap3A_387 = arith.constant 2 : index
    %swap3A_388 = arith.constant 0 : index
    %swap3A_389 = arith.constant 0 : index
    %swap3A_390 = vector.load %arg11[%swap3A_387, %swap3A_388, %swap3A_389] : memref<4x1x2xf32, #tpu.memory_space<vmem>>, vector<1x1x2xf32>
    %swap3A_391 = vector.shape_cast %swap3A_390 : vector<1x1x2xf32> to vector<1x2xf32>
    %swap3A_392 = vector.shape_cast %add3A_386 : vector<1x2xf32> to vector<1x1x2xf32>
    tpu.vector_store %arg11[%swap3A_387, %swap3A_388, %swap3A_389], %swap3A_392 {strides = array<i32>} : memref<4x1x2xf32, #tpu.memory_space<vmem>>, vector<1x1x2xf32>,
    %slice3A_393 = vector.extract_strided_slice %add3A_386 {offsets = [0, 0], sizes = [1, 1], strides = [1, 1]} : vector<1x2xf32> to vector<1x1xf32>
    %squeeze3A_394 = vector.extract %slice3A_393[0, 0] : f32 from vector<1x1xf32>
    %slice3A_395 = vector.extract_strided_slice %add3A_386 {offsets = [0, 1], sizes = [1, 1], strides = [1, 1]} : vector<1x2xf32> to vector<1x1xf32>
    %squeeze3A_396 = vector.extract %slice3A_395[0, 0] : f32 from vector<1x1xf32>
    %max3A_397 = arith.maximumf %squeeze3A_394, %squeeze3A_396 : f32
    %sub3A_398 = arith.subf %squeeze3A_394, %max3A_397 : f32
    %exp3A_399 = math.exp %sub3A_398 : f32
    %sub3A_400 = arith.subf %squeeze3A_396, %max3A_397 : f32
    %exp3A_401 = math.exp %sub3A_400 : f32
    %add3A_402 = arith.addf %exp3A_399, %exp3A_401 : f32
    %log3A_403 = math.log %add3A_402 : f32
    %add3A_404 = arith.addf %max3A_397, %log3A_403 : f32
    %get3A_405 = arith.constant 2 : index
    %get3A_406 = arith.constant 0 : index
    %get3A_407 = arith.constant 0 : index
    %get3A_408 = vector.load %arg10[%get3A_405, %get3A_406, %get3A_407] : memref<4x1x2xf32, #tpu.memory_space<vmem>>, vector<1x1x2xf32>
    %get3A_409 = vector.shape_cast %get3A_408 : vector<1x1x2xf32> to vector<1x2xf32>
    %mul3A_410 = arith.mulf %add3A_386, %get3A_409 : vector<1x2xf32>
    %reduce_sum3A_411 = vector.shape_cast %mul3A_410 : vector<1x2xf32> to vector<1x1x2xf32>
    %reduce_sum3A_412 = arith.constant dense<0.000000e+00> : vector<1xf32>
    %reduce_sum3A_413 = vector.multi_reduction <add>, %reduce_sum3A_411, %reduce_sum3A_412 [1, 2] : vector<1x1x2xf32> to vector<1xf32>
    %reduce_sum3A_414 = vector.shape_cast %reduce_sum3A_413 : vector<1xf32> to vector<1x1x1xf32>
    %reduce_sum3A_415 = vector.extract %reduce_sum3A_414[0, 0, 0] : f32 from vector<1x1x1xf32>
    %sub3A_416 = arith.subf %add3A_404, %reduce_sum3A_415 : f32
    %mul3A_417 = arith.constant 1.562500e-02 : f32
    %mul3A_418 = arith.mulf %sub3A_416, %mul3A_417 : f32
    %reshape3A_419 = vector.broadcast %mul3A_418 : f32 to vector<1x1xf32>
    %add3A_420 = arith.addf %add3A_275, %reshape3A_419 : vector<1x1xf32>
    %get3A_421 = arith.constant 3 : index
    %get3A_422 = arith.constant 0 : index
    %get3A_423 = arith.constant 0 : index
    %get3A_424 = vector.load %arg1[%get3A_421, %get3A_422, %get3A_423] : memref<4x200x768xf32, #tpu.memory_space<vmem>>, vector<1x200x768xf32>
    %get3A_425 = vector.shape_cast %get3A_424 : vector<1x200x768xf32> to vector<200x768xf32>
    %get3A_426 = arith.constant 3 : index
    %get3A_427 = arith.constant 0 : index
    %get3A_428 = arith.constant 0 : index
    %get3A_429 = vector.load %arg3[%get3A_426, %get3A_427, %get3A_428] : memref<4x200x768xf32, #tpu.memory_space<vmem>>, vector<1x200x768xf32>
    %get3A_430 = vector.shape_cast %get3A_429 : vector<1x200x768xf32> to vector<200x768xf32>
    %get3A_431 = arith.constant 0 : index
    %get3A_432 = arith.constant 0 : index
    %get3A_433 = vector.load %arg5[%get3A_431, %get3A_432] : memref<8x768xf32, #tpu.memory_space<vmem>>, vector<8x768xf32>
    %dot_general3A_434 = arith.constant dense<0.000000e+00> : vector<8x200xf32>
    %dot_general3A_435 = tpu.matmul %get3A_433, %get3A_425, %dot_general3A_434 {dimension_numbers = #tpu.dot_dimension_numbers<[1], [1], [0], [0], [0, 0, 1, 0], [], []>, transpose_lhs_hint = false} : vector<8x768xf32>, vector<200x768xf32>, vector<8x200xf32> -> vector<8x200xf32>
    %get3A_436 = arith.constant 0 : index
    %get3A_437 = arith.constant 0 : index
    %get3A_438 = vector.load %arg6[%get3A_436, %get3A_437] : memref<8x1xf32, #tpu.memory_space<vmem>>, vector<8x1xf32>
    %add3A_439 = vector.broadcast %get3A_438 : vector<8x1xf32> to vector<8x200xf32>
    %add3A_440 = arith.addf %dot_general3A_435, %add3A_439 : vector<8x200xf32>
    %max3A_441 = arith.constant 0.000000e+00 : f32
    %max3A_442 = vector.broadcast %max3A_441 : f32 to vector<8x200xf32>
    %max3A_443 = arith.maximumf %add3A_440, %max3A_442 : vector<8x200xf32>
    %reduce_max3A_444 = arith.constant dense<0xFF800000> : vector<8xf32>
    %reduce_max3A_445 = vector.multi_reduction <maximumf>, %max3A_443, %reduce_max3A_444 [1] : vector<8x200xf32> to vector<8xf32>
    %broadcast_in_dim3A_446 = vector.shape_cast %reduce_max3A_445 : vector<8xf32> to vector<8x1xf32>
    %sub3A_447 = vector.broadcast %broadcast_in_dim3A_446 : vector<8x1xf32> to vector<8x200xf32>
    %sub3A_448 = arith.subf %max3A_443, %sub3A_447 : vector<8x200xf32>
    %exp3A_449 = math.exp %sub3A_448 : vector<8x200xf32>
    %reduce_sum3A_450 = arith.constant dense<0.000000e+00> : vector<8xf32>
    %reduce_sum3A_451 = vector.multi_reduction <add>, %exp3A_449, %reduce_sum3A_450 [1] : vector<8x200xf32> to vector<8xf32>
    %broadcast_in_dim3A_452 = vector.shape_cast %reduce_sum3A_451 : vector<8xf32> to vector<8x1xf32>
    %div3A_453 = vector.broadcast %broadcast_in_dim3A_452 : vector<8x1xf32> to vector<8x200xf32>
    %div3A_454 = arith.divf %exp3A_449, %div3A_453 : vector<8x200xf32>
    %reduce_sum3A_455 = arith.constant dense<0.000000e+00> : vector<200xf32>
    %reduce_sum3A_456 = vector.multi_reduction <add>, %div3A_454, %reduce_sum3A_455 [0] : vector<8x200xf32> to vector<200xf32>
    %broadcast_in_dim3A_457 = vector.shape_cast %reduce_sum3A_456 : vector<200xf32> to vector<1x200xf32>
    %div3A_458 = arith.constant 8.000000e+00 : f32
    %div3A_459 = vector.broadcast %div3A_458 : f32 to vector<1x200xf32>
    %div3A_460 = arith.divf %broadcast_in_dim3A_457, %div3A_459 : vector<1x200xf32>
    %dot_general3A_461 = arith.constant dense<0.000000e+00> : vector<1x768xf32>
    %dot_general3A_462 = tpu.matmul %div3A_460, %get3A_430, %dot_general3A_461 {dimension_numbers = #tpu.dot_dimension_numbers<[1], [0], [0], [1], [0, 0, 1, 1], [], []>, transpose_lhs_hint = false} : vector<1x200xf32>, vector<200x768xf32>, vector<1x768xf32> -> vector<1x768xf32>
    %get3A_463 = arith.constant 3 : index
    %get3A_464 = arith.constant 0 : index
    %get3A_465 = arith.constant 0 : index
    %get3A_466 = vector.load %arg2[%get3A_463, %get3A_464, %get3A_465] : memref<4x200x768xf32, #tpu.memory_space<vmem>>, vector<1x200x768xf32>
    %get3A_467 = vector.shape_cast %get3A_466 : vector<1x200x768xf32> to vector<200x768xf32>
    %get3A_468 = arith.constant 3 : index
    %get3A_469 = arith.constant 0 : index
    %get3A_470 = arith.constant 0 : index
    %get3A_471 = vector.load %arg4[%get3A_468, %get3A_469, %get3A_470] : memref<4x200x768xf32, #tpu.memory_space<vmem>>, vector<1x200x768xf32>
    %get3A_472 = vector.shape_cast %get3A_471 : vector<1x200x768xf32> to vector<200x768xf32>
    %get3A_473 = arith.constant 0 : index
    %get3A_474 = arith.constant 0 : index
    %get3A_475 = vector.load %arg5[%get3A_473, %get3A_474] : memref<8x768xf32, #tpu.memory_space<vmem>>, vector<8x768xf32>
    %dot_general3A_476 = arith.constant dense<0.000000e+00> : vector<8x200xf32>
    %dot_general3A_477 = tpu.matmul %get3A_475, %get3A_467, %dot_general3A_476 {dimension_numbers = #tpu.dot_dimension_numbers<[1], [1], [0], [0], [0, 0, 1, 0], [], []>, transpose_lhs_hint = false} : vector<8x768xf32>, vector<200x768xf32>, vector<8x200xf32> -> vector<8x200xf32>
    %get3A_478 = arith.constant 0 : index
    %get3A_479 = arith.constant 0 : index
    %get3A_480 = vector.load %arg6[%get3A_478, %get3A_479] : memref<8x1xf32, #tpu.memory_space<vmem>>, vector<8x1xf32>
    %add3A_481 = vector.broadcast %get3A_480 : vector<8x1xf32> to vector<8x200xf32>
    %add3A_482 = arith.addf %dot_general3A_477, %add3A_481 : vector<8x200xf32>
    %max3A_483 = arith.constant 0.000000e+00 : f32
    %max3A_484 = vector.broadcast %max3A_483 : f32 to vector<8x200xf32>
    %max3A_485 = arith.maximumf %add3A_482, %max3A_484 : vector<8x200xf32>
    %reduce_max3A_486 = arith.constant dense<0xFF800000> : vector<8xf32>
    %reduce_max3A_487 = vector.multi_reduction <maximumf>, %max3A_485, %reduce_max3A_486 [1] : vector<8x200xf32> to vector<8xf32>
    %broadcast_in_dim3A_488 = vector.shape_cast %reduce_max3A_487 : vector<8xf32> to vector<8x1xf32>
    %sub3A_489 = vector.broadcast %broadcast_in_dim3A_488 : vector<8x1xf32> to vector<8x200xf32>
    %sub3A_490 = arith.subf %max3A_485, %sub3A_489 : vector<8x200xf32>
    %exp3A_491 = math.exp %sub3A_490 : vector<8x200xf32>
    %reduce_sum3A_492 = arith.constant dense<0.000000e+00> : vector<8xf32>
    %reduce_sum3A_493 = vector.multi_reduction <add>, %exp3A_491, %reduce_sum3A_492 [1] : vector<8x200xf32> to vector<8xf32>
    %broadcast_in_dim3A_494 = vector.shape_cast %reduce_sum3A_493 : vector<8xf32> to vector<8x1xf32>
    %div3A_495 = vector.broadcast %broadcast_in_dim3A_494 : vector<8x1xf32> to vector<8x200xf32>
    %div3A_496 = arith.divf %exp3A_491, %div3A_495 : vector<8x200xf32>
    %reduce_sum3A_497 = arith.constant dense<0.000000e+00> : vector<200xf32>
    %reduce_sum3A_498 = vector.multi_reduction <add>, %div3A_496, %reduce_sum3A_497 [0] : vector<8x200xf32> to vector<200xf32>
    %broadcast_in_dim3A_499 = vector.shape_cast %reduce_sum3A_498 : vector<200xf32> to vector<1x200xf32>
    %div3A_500 = arith.constant 8.000000e+00 : f32
    %div3A_501 = vector.broadcast %div3A_500 : f32 to vector<1x200xf32>
    %div3A_502 = arith.divf %broadcast_in_dim3A_499, %div3A_501 : vector<1x200xf32>
    %dot_general3A_503 = arith.constant dense<0.000000e+00> : vector<1x768xf32>
    %dot_general3A_504 = tpu.matmul %div3A_502, %get3A_472, %dot_general3A_503 {dimension_numbers = #tpu.dot_dimension_numbers<[1], [0], [0], [1], [0, 0, 1, 1], [], []>, transpose_lhs_hint = false} : vector<1x200xf32>, vector<200x768xf32>, vector<1x768xf32> -> vector<1x768xf32>
    %swap3A_505 = arith.constant 3 : index
    %swap3A_506 = arith.constant 0 : index
    %swap3A_507 = arith.constant 0 : index
    %swap3A_508 = vector.load %arg13[%swap3A_505, %swap3A_506, %swap3A_507] : memref<4x1x200xf32, #tpu.memory_space<vmem>>, vector<1x1x200xf32>
    %swap3A_509 = vector.shape_cast %swap3A_508 : vector<1x1x200xf32> to vector<1x200xf32>
    %swap3A_510 = vector.shape_cast %div3A_460 : vector<1x200xf32> to vector<1x1x200xf32>
    tpu.vector_store %arg13[%swap3A_505, %swap3A_506, %swap3A_507], %swap3A_510 {strides = array<i32>} : memref<4x1x200xf32, #tpu.memory_space<vmem>>, vector<1x1x200xf32>,
    %swap3A_511 = arith.constant 3 : index
    %swap3A_512 = arith.constant 0 : index
    %swap3A_513 = arith.constant 0 : index
    %swap3A_514 = vector.load %arg14[%swap3A_511, %swap3A_512, %swap3A_513] : memref<4x1x200xf32, #tpu.memory_space<vmem>>, vector<1x1x200xf32>
    %swap3A_515 = vector.shape_cast %swap3A_514 : vector<1x1x200xf32> to vector<1x200xf32>
    %swap3A_516 = vector.shape_cast %div3A_502 : vector<1x200xf32> to vector<1x1x200xf32>
    tpu.vector_store %arg14[%swap3A_511, %swap3A_512, %swap3A_513], %swap3A_516 {strides = array<i32>} : memref<4x1x200xf32, #tpu.memory_space<vmem>>, vector<1x1x200xf32>,
    %get3A_517 = arith.constant 0 : index
    %get3A_518 = arith.constant 0 : index
    %get3A_519 = vector.load %arg7[%get3A_517, %get3A_518] : memref<768x2xf32, #tpu.memory_space<vmem>>, vector<768x2xf32>
    %dot_general3A_520 = arith.constant dense<0.000000e+00> : vector<1x2xf32>
    %dot_general3A_521 = tpu.matmul %dot_general3A_462, %get3A_519, %dot_general3A_520 {dimension_numbers = #tpu.dot_dimension_numbers<[1], [0], [0], [1], [0, 0, 1, 1], [], []>, transpose_lhs_hint = false} : vector<1x768xf32>, vector<768x2xf32>, vector<1x2xf32> -> vector<1x2xf32>
    %get3A_522 = arith.constant 0 : index
    %get3A_523 = arith.constant 0 : index
    %get3A_524 = vector.load %arg8[%get3A_522, %get3A_523] : memref<768x2xf32, #tpu.memory_space<vmem>>, vector<768x2xf32>
    %dot_general3A_525 = arith.constant dense<0.000000e+00> : vector<1x2xf32>
    %dot_general3A_526 = tpu.matmul %dot_general3A_504, %get3A_524, %dot_general3A_525 {dimension_numbers = #tpu.dot_dimension_numbers<[1], [0], [0], [1], [0, 0, 1, 1], [], []>, transpose_lhs_hint = false} : vector<1x768xf32>, vector<768x2xf32>, vector<1x2xf32> -> vector<1x2xf32>
    %add3A_527 = arith.addf %dot_general3A_521, %dot_general3A_526 : vector<1x2xf32>
    %get3A_528 = arith.constant 0 : index
    %get3A_529 = arith.constant 0 : index
    %get3A_530 = vector.load %arg9[%get3A_528, %get3A_529] : memref<1x2xf32, #tpu.memory_space<vmem>>, vector<1x2xf32>
    %add3A_531 = arith.addf %add3A_527, %get3A_530 : vector<1x2xf32>
    %swap3A_532 = arith.constant 3 : index
    %swap3A_533 = arith.constant 0 : index
    %swap3A_534 = arith.constant 0 : index
    %swap3A_535 = vector.load %arg11[%swap3A_532, %swap3A_533, %swap3A_534] : memref<4x1x2xf32, #tpu.memory_space<vmem>>, vector<1x1x2xf32>
    %swap3A_536 = vector.shape_cast %swap3A_535 : vector<1x1x2xf32> to vector<1x2xf32>
    %swap3A_537 = vector.shape_cast %add3A_531 : vector<1x2xf32> to vector<1x1x2xf32>
    tpu.vector_store %arg11[%swap3A_532, %swap3A_533, %swap3A_534], %swap3A_537 {strides = array<i32>} : memref<4x1x2xf32, #tpu.memory_space<vmem>>, vector<1x1x2xf32>,
    %slice3A_538 = vector.extract_strided_slice %add3A_531 {offsets = [0, 0], sizes = [1, 1], strides = [1, 1]} : vector<1x2xf32> to vector<1x1xf32>
    %squeeze3A_539 = vector.extract %slice3A_538[0, 0] : f32 from vector<1x1xf32>
    %slice3A_540 = vector.extract_strided_slice %add3A_531 {offsets = [0, 1], sizes = [1, 1], strides = [1, 1]} : vector<1x2xf32> to vector<1x1xf32>
    %squeeze3A_541 = vector.extract %slice3A_540[0, 0] : f32 from vector<1x1xf32>
    %max3A_542 = arith.maximumf %squeeze3A_539, %squeeze3A_541 : f32
    %sub3A_543 = arith.subf %squeeze3A_539, %max3A_542 : f32
    %exp3A_544 = math.exp %sub3A_543 : f32
    %sub3A_545 = arith.subf %squeeze3A_541, %max3A_542 : f32
    %exp3A_546 = math.exp %sub3A_545 : f32
    %add3A_547 = arith.addf %exp3A_544, %exp3A_546 : f32
    %log3A_548 = math.log %add3A_547 : f32
    %add3A_549 = arith.addf %max3A_542, %log3A_548 : f32
    %get3A_550 = arith.constant 3 : index
    %get3A_551 = arith.constant 0 : index
    %get3A_552 = arith.constant 0 : index
    %get3A_553 = vector.load %arg10[%get3A_550, %get3A_551, %get3A_552] : memref<4x1x2xf32, #tpu.memory_space<vmem>>, vector<1x1x2xf32>
    %get3A_554 = vector.shape_cast %get3A_553 : vector<1x1x2xf32> to vector<1x2xf32>
    %mul3A_555 = arith.mulf %add3A_531, %get3A_554 : vector<1x2xf32>
    %reduce_sum3A_556 = vector.shape_cast %mul3A_555 : vector<1x2xf32> to vector<1x1x2xf32>
    %reduce_sum3A_557 = arith.constant dense<0.000000e+00> : vector<1xf32>
    %reduce_sum3A_558 = vector.multi_reduction <add>, %reduce_sum3A_556, %reduce_sum3A_557 [1, 2] : vector<1x1x2xf32> to vector<1xf32>
    %reduce_sum3A_559 = vector.shape_cast %reduce_sum3A_558 : vector<1xf32> to vector<1x1x1xf32>
    %reduce_sum3A_560 = vector.extract %reduce_sum3A_559[0, 0, 0] : f32 from vector<1x1x1xf32>
    %sub3A_561 = arith.subf %add3A_549, %reduce_sum3A_560 : f32
    %mul3A_562 = arith.constant 1.562500e-02 : f32
    %mul3A_563 = arith.mulf %sub3A_561, %mul3A_562 : f32
    %reshape3A_564 = vector.broadcast %mul3A_563 : f32 to vector<1x1xf32>
    %add3A_565 = arith.addf %add3A_420, %reshape3A_564 : vector<1x1xf32>
    %eq3A = arith.constant 0 : i32
    %eq3A_566 = arith.cmpi eq, %arg0, %eq3A : i32
    %convert_element_type3A = arith.extui %eq3A_566 : i1 to i32
    %cond3A = arith.constant 0 : i32
    %cond3A_567 = arith.cmpi ne, %convert_element_type3A, %cond3A : i32
    scf.if %cond3A_567 {
      %broadcast_in_dim3A_575 = arith.constant 0.000000e+00 : f32
      %broadcast_in_dim3A_576 = vector.broadcast %broadcast_in_dim3A_575 : f32 to vector<1x1xf32>
      %swap3A_577 = arith.constant 0 : index
      %swap3A_578 = arith.constant 0 : index
      %swap3A_579 = vector.load %arg12[%swap3A_577, %swap3A_578] : memref<1x1xf32, #tpu.memory_space<vmem>>, vector<1x1xf32>
      tpu.vector_store %arg12[%swap3A_577, %swap3A_578], %broadcast_in_dim3A_576 {strides = array<i32>} : memref<1x1xf32, #tpu.memory_space<vmem>>, vector<1x1xf32>,
    } else {
    }
    %get3A_568 = arith.constant 0 : index
    %get3A_569 = arith.constant 0 : index
    %get3A_570 = vector.load %arg12[%get3A_568, %get3A_569] : memref<1x1xf32, #tpu.memory_space<vmem>>, vector<1x1xf32>
    %add3A_571 = arith.addf %get3A_570, %add3A_565 : vector<1x1xf32>
    %swap3A_572 = arith.constant 0 : index
    %swap3A_573 = arith.constant 0 : index
    %swap3A_574 = vector.load %arg12[%swap3A_572, %swap3A_573] : memref<1x1xf32, #tpu.memory_space<vmem>>, vector<1x1xf32>
    tpu.vector_store %arg12[%swap3A_572, %swap3A_573], %add3A_571 {strides = array<i32>} : memref<1x1xf32, #tpu.memory_space<vmem>>, vector<1x1xf32>,
    return
  }
  func.func @transform_0(%arg0: i32) -> (i32, i32, i32) {
    %c0_i32 = arith.constant 0 : i32
    %c0_i32_0 = arith.constant 0 : i32
    %c0_i32_1 = arith.constant 0 : i32
    return %arg0, %c0_i32, %c0_i32_0 : i32, i32, i32
  }
  func.func @transform_1(%arg0: i32) -> (i32, i32, i32) {
    %add3A = arith.constant 4 : i32
    %add3A_0 = arith.addi %add3A, %arg0 : i32
    %c0_i32 = arith.constant 0 : i32
    %c0_i32_1 = arith.constant 0 : i32
    %c0_i32_2 = arith.constant 0 : i32
    return %add3A_0, %c0_i32, %c0_i32_1 : i32, i32, i32
  }
  func.func @transform_2(%arg0: i32) -> (i32, i32, i32) {
    %add3A = arith.constant 12 : i32
    %add3A_0 = arith.addi %add3A, %arg0 : i32
    %c0_i32 = arith.constant 0 : i32
    %c0_i32_1 = arith.constant 0 : i32
    %c0_i32_2 = arith.constant 0 : i32
    return %add3A_0, %c0_i32, %c0_i32_1 : i32, i32, i32
  }
  func.func @transform_3(%arg0: i32) -> (i32, i32, i32) {
    %add3A = arith.constant 12 : i32
    %add3A_0 = arith.addi %add3A, %arg0 : i32
    %c0_i32 = arith.constant 0 : i32
    %c0_i32_1 = arith.constant 0 : i32
    %c0_i32_2 = arith.constant 0 : i32
    return %add3A_0, %c0_i32, %c0_i32_1 : i32, i32, i32
  }
  func.func @transform_4(%arg0: i32) -> (i32, i32) {
    %c0_i32 = arith.constant 0 : i32
    %c0_i32_0 = arith.constant 0 : i32
    %c0_i32_1 = arith.constant 0 : i32
    return %c0_i32, %c0_i32_0 : i32, i32
  }
  func.func @transform_5(%arg0: i32) -> (i32, i32) {
    %c0_i32 = arith.constant 0 : i32
    %c0_i32_0 = arith.constant 0 : i32
    %c0_i32_1 = arith.constant 0 : i32
    return %c0_i32, %c0_i32_0 : i32, i32
  }
  func.func @transform_6(%arg0: i32) -> (i32, i32) {
    %c0_i32 = arith.constant 0 : i32
    %c0_i32_0 = arith.constant 0 : i32
    %c0_i32_1 = arith.constant 0 : i32
    return %c0_i32, %c0_i32_0 : i32, i32
  }
  func.func @transform_7(%arg0: i32) -> (i32, i32) {
    %c0_i32 = arith.constant 0 : i32
    %c0_i32_0 = arith.constant 0 : i32
    %c0_i32_1 = arith.constant 0 : i32
    return %c0_i32, %c0_i32_0 : i32, i32
  }
  func.func @transform_8(%arg0: i32) -> (i32, i32) {
    %c0_i32 = arith.constant 0 : i32
    %c0_i32_0 = arith.constant 0 : i32
    %c0_i32_1 = arith.constant 0 : i32
    return %c0_i32, %c0_i32_0 : i32, i32
  }
  func.func @transform_9(%arg0: i32) -> (i32, i32, i32) {
    %c0_i32 = arith.constant 0 : i32
    %c0_i32_0 = arith.constant 0 : i32
    %c0_i32_1 = arith.constant 0 : i32
    return %arg0, %c0_i32, %c0_i32_0 : i32, i32, i32
  }
  func.func @transform_10(%arg0: i32) -> (i32, i32, i32) {
    %c0_i32 = arith.constant 0 : i32
    %c0_i32_0 = arith.constant 0 : i32
    %c0_i32_1 = arith.constant 0 : i32
    return %arg0, %c0_i32, %c0_i32_0 : i32, i32, i32
  }
  func.func @transform_11(%arg0: i32) -> (i32, i32) {
    %c0_i32 = arith.constant 0 : i32
    %c0_i32_0 = arith.constant 0 : i32
    %c0_i32_1 = arith.constant 0 : i32
    return %c0_i32, %c0_i32_0 : i32, i32
  }
  func.func @transform_12(%arg0: i32) -> (i32, i32, i32) {
    %c0_i32 = arith.constant 0 : i32
    %c0_i32_0 = arith.constant 0 : i32
    %c0_i32_1 = arith.constant 0 : i32
    return %arg0, %c0_i32, %c0_i32_0 : i32, i32, i32
  }
  func.func @transform_13(%arg0: i32) -> (i32, i32, i32) {
    %c0_i32 = arith.constant 0 : i32
    %c0_i32_0 = arith.constant 0 : i32
    %c0_i32_1 = arith.constant 0 : i32
    return %arg0, %c0_i32, %c0_i32_0 : i32, i32, i32
  }
}

module attributes {stable_mosaic.version = 14 : i64} {
  func.func @_attn_body(%arg0: i32, %arg1: memref<4x200x768xf32, #tpu.memory_space<vmem>>, %arg2: memref<4x200x768xf32, #tpu.memory_space<vmem>>, %arg3: memref<4x200x768xf32, #tpu.memory_space<vmem>>, %arg4: memref<4x200x768xf32, #tpu.memory_space<vmem>>, %arg5: memref<8x768xf32, #tpu.memory_space<vmem>>, %arg6: memref<8x1xf32, #tpu.memory_space<vmem>>, %arg7: memref<768x2xf32, #tpu.memory_space<vmem>>, %arg8: memref<768x2xf32, #tpu.memory_space<vmem>>, %arg9: memref<1x2xf32, #tpu.memory_space<vmem>>, %arg10: memref<4x1x2xf32, #tpu.memory_space<vmem>>, %arg11: memref<4x1x2xf32, #tpu.memory_space<vmem>>, %arg12: memref<1x1xf32, #tpu.memory_space<vmem>>, %arg13: memref<4x1x200xf32, #tpu.memory_space<vmem>>, %arg14: memref<4x1x200xf32, #tpu.memory_space<vmem>>) attributes {dimension_semantics = [#tpu.dimension_semantics<arbitrary>], iteration_bounds = array<i64: 4>, scalar_prefetch = 0 : i64, scratch_operands = 0 : i64, tpu.core_type = #tpu.core_type<tc>, window_params = [{transform_indices = @transform_0, window_bounds = array<i64: 4, 200, 768>}, {transform_indices = @transform_1, window_bounds = array<i64: 4, 200, 768>}, {transform_indices = @transform_2, window_bounds = array<i64: 4, 200, 768>}, {transform_indices = @transform_3, window_bounds = array<i64: 4, 200, 768>}, {pipeline_mode = #tpu.pipeline_mode<synchronous>, transform_indices = @transform_4, window_bounds = array<i64: 8, 768>}, {pipeline_mode = #tpu.pipeline_mode<synchronous>, transform_indices = @transform_5, window_bounds = array<i64: 8, 1>}, {pipeline_mode = #tpu.pipeline_mode<synchronous>, transform_indices = @transform_6, window_bounds = array<i64: 768, 2>}, {pipeline_mode = #tpu.pipeline_mode<synchronous>, transform_indices = @transform_7, window_bounds = array<i64: 768, 2>}, {pipeline_mode = #tpu.pipeline_mode<synchronous>, transform_indices = @transform_8, window_bounds = array<i64: 1, 2>}, {transform_indices = @transform_9, window_bounds = array<i64: 4, 1, 2>}, {transform_indices = @transform_10, window_bounds = array<i64: 4, 1, 2>}, {pipeline_mode = #tpu.pipeline_mode<synchronous>, transform_indices = @transform_11, window_bounds = array<i64: 1, 1>}, {transform_indices = @transform_12, window_bounds = array<i64: 4, 1, 200>}, {transform_indices = @transform_13, window_bounds = array<i64: 4, 1, 200>}]} {
    %broadcast_in_dim3A = arith.constant 0.000000e+00 : f32
    %broadcast_in_dim3A_0 = vector.broadcast %broadcast_in_dim3A : f32 to vector<1x1xf32>
    %get3A = arith.constant 0 : index
    %get3A_1 = arith.constant 0 : index
    %get3A_2 = arith.constant 0 : index
    %get3A_3 = vector.load %arg1[%get3A, %get3A_1, %get3A_2] : memref<4x200x768xf32, #tpu.memory_space<vmem>>, vector<1x200x768xf32>
    %get3A_4 = vector.shape_cast %get3A_3 : vector<1x200x768xf32> to vector<200x768xf32>
    %get3A_5 = arith.constant 0 : index
    %get3A_6 = arith.constant 0 : index
    %get3A_7 = arith.constant 0 : index
    %get3A_8 = vector.load %arg3[%get3A_5, %get3A_6, %get3A_7] : memref<4x200x768xf32, #tpu.memory_space<vmem>>, vector<1x200x768xf32>
    %get3A_9 = vector.shape_cast %get3A_8 : vector<1x200x768xf32> to vector<200x768xf32>
    %get3A_10 = arith.constant 0 : index
    %get3A_11 = arith.constant 0 : index
    %get3A_12 = vector.load %arg5[%get3A_10, %get3A_11] : memref<8x768xf32, #tpu.memory_space<vmem>>, vector<8x768xf32>
    %dot_general3A = arith.constant dense<0.000000e+00> : vector<8x200xf32>
    %dot_general3A_13 = tpu.matmul %get3A_12, %get3A_4, %dot_general3A {dimension_numbers = #tpu.dot_dimension_numbers<[1], [1], [0], [0], [0, 0, 1, 0], [], []>, transpose_lhs_hint = false} : vector<8x768xf32>, vector<200x768xf32>, vector<8x200xf32> -> vector<8x200xf32>
    %get3A_14 = arith.constant 0 : index
    %get3A_15 = arith.constant 0 : index
    %get3A_16 = vector.load %arg6[%get3A_14, %get3A_15] : memref<8x1xf32, #tpu.memory_space<vmem>>, vector<8x1xf32>
    %add3A = vector.broadcast %get3A_16 : vector<8x1xf32> to vector<8x200xf32>
    %add3A_17 = arith.addf %dot_general3A_13, %add3A : vector<8x200xf32>
    %max3A = arith.constant 0.000000e+00 : f32
    %max3A_18 = vector.broadcast %max3A : f32 to vector<8x200xf32>
    %max3A_19 = arith.maximumf %add3A_17, %max3A_18 : vector<8x200xf32>
    %reduce_max3A = arith.constant dense<0xFF800000> : vector<8xf32>
    %reduce_max3A_20 = vector.multi_reduction <maximumf>, %max3A_19, %reduce_max3A [1] : vector<8x200xf32> to vector<8xf32>
    %broadcast_in_dim3A_21 = vector.shape_cast %reduce_max3A_20 : vector<8xf32> to vector<8x1xf32>
    %sub3A = vector.broadcast %broadcast_in_dim3A_21 : vector<8x1xf32> to vector<8x200xf32>
    %sub3A_22 = arith.subf %max3A_19, %sub3A : vector<8x200xf32>
    %exp3A = math.exp %sub3A_22 : vector<8x200xf32>
    %reduce_sum3A = arith.constant dense<0.000000e+00> : vector<8xf32>
    %reduce_sum3A_23 = vector.multi_reduction <add>, %exp3A, %reduce_sum3A [1] : vector<8x200xf32> to vector<8xf32>
    %broadcast_in_dim3A_24 = vector.shape_cast %reduce_sum3A_23 : vector<8xf32> to vector<8x1xf32>
    %div3A = vector.broadcast %broadcast_in_dim3A_24 : vector<8x1xf32> to vector<8x200xf32>
    %div3A_25 = arith.divf %exp3A, %div3A : vector<8x200xf32>
    %reduce_sum3A_26 = arith.constant dense<0.000000e+00> : vector<200xf32>
    %reduce_sum3A_27 = vector.multi_reduction <add>, %div3A_25, %reduce_sum3A_26 [0] : vector<8x200xf32> to vector<200xf32>
    %broadcast_in_dim3A_28 = vector.shape_cast %reduce_sum3A_27 : vector<200xf32> to vector<1x200xf32>
    %div3A_29 = arith.constant 8.000000e+00 : f32
    %div3A_30 = vector.broadcast %div3A_29 : f32 to vector<1x200xf32>
    %div3A_31 = arith.divf %broadcast_in_dim3A_28, %div3A_30 : vector<1x200xf32>
    %dot_general3A_32 = arith.constant dense<0.000000e+00> : vector<1x768xf32>
    %dot_general3A_33 = tpu.matmul %div3A_31, %get3A_9, %dot_general3A_32 {dimension_numbers = #tpu.dot_dimension_numbers<[1], [0], [0], [1], [0, 0, 1, 1], [], []>, transpose_lhs_hint = false} : vector<1x200xf32>, vector<200x768xf32>, vector<1x768xf32> -> vector<1x768xf32>
    %get3A_34 = arith.constant 0 : index
    %get3A_35 = arith.constant 0 : index
    %get3A_36 = arith.constant 0 : index
    %get3A_37 = vector.load %arg2[%get3A_34, %get3A_35, %get3A_36] : memref<4x200x768xf32, #tpu.memory_space<vmem>>, vector<1x200x768xf32>
    %get3A_38 = vector.shape_cast %get3A_37 : vector<1x200x768xf32> to vector<200x768xf32>
    %get3A_39 = arith.constant 0 : index
    %get3A_40 = arith.constant 0 : index
    %get3A_41 = arith.constant 0 : index
    %get3A_42 = vector.load %arg4[%get3A_39, %get3A_40, %get3A_41] : memref<4x200x768xf32, #tpu.memory_space<vmem>>, vector<1x200x768xf32>
    %get3A_43 = vector.shape_cast %get3A_42 : vector<1x200x768xf32> to vector<200x768xf32>
    %get3A_44 = arith.constant 0 : index
    %get3A_45 = arith.constant 0 : index
    %get3A_46 = vector.load %arg5[%get3A_44, %get3A_45] : memref<8x768xf32, #tpu.memory_space<vmem>>, vector<8x768xf32>
    %dot_general3A_47 = arith.constant dense<0.000000e+00> : vector<8x200xf32>
    %dot_general3A_48 = tpu.matmul %get3A_46, %get3A_38, %dot_general3A_47 {dimension_numbers = #tpu.dot_dimension_numbers<[1], [1], [0], [0], [0, 0, 1, 0], [], []>, transpose_lhs_hint = false} : vector<8x768xf32>, vector<200x768xf32>, vector<8x200xf32> -> vector<8x200xf32>
    %get3A_49 = arith.constant 0 : index
    %get3A_50 = arith.constant 0 : index
    %get3A_51 = vector.load %arg6[%get3A_49, %get3A_50] : memref<8x1xf32, #tpu.memory_space<vmem>>, vector<8x1xf32>
    %add3A_52 = vector.broadcast %get3A_51 : vector<8x1xf32> to vector<8x200xf32>
    %add3A_53 = arith.addf %dot_general3A_48, %add3A_52 : vector<8x200xf32>
    %max3A_54 = arith.constant 0.000000e+00 : f32
    %max3A_55 = vector.broadcast %max3A_54 : f32 to vector<8x200xf32>
    %max3A_56 = arith.maximumf %add3A_53, %max3A_55 : vector<8x200xf32>
    %reduce_max3A_57 = arith.constant dense<0xFF800000> : vector<8xf32>
    %reduce_max3A_58 = vector.multi_reduction <maximumf>, %max3A_56, %reduce_max3A_57 [1] : vector<8x200xf32> to vector<8xf32>
    %broadcast_in_dim3A_59 = vector.shape_cast %reduce_max3A_58 : vector<8xf32> to vector<8x1xf32>
    %sub3A_60 = vector.broadcast %broadcast_in_dim3A_59 : vector<8x1xf32> to vector<8x200xf32>
    %sub3A_61 = arith.subf %max3A_56, %sub3A_60 : vector<8x200xf32>
    %exp3A_62 = math.exp %sub3A_61 : vector<8x200xf32>
    %reduce_sum3A_63 = arith.constant dense<0.000000e+00> : vector<8xf32>
    %reduce_sum3A_64 = vector.multi_reduction <add>, %exp3A_62, %reduce_sum3A_63 [1] : vector<8x200xf32> to vector<8xf32>
    %broadcast_in_dim3A_65 = vector.shape_cast %reduce_sum3A_64 : vector<8xf32> to vector<8x1xf32>
    %div3A_66 = vector.broadcast %broadcast_in_dim3A_65 : vector<8x1xf32> to vector<8x200xf32>
    %div3A_67 = arith.divf %exp3A_62, %div3A_66 : vector<8x200xf32>
    %reduce_sum3A_68 = arith.constant dense<0.000000e+00> : vector<200xf32>
    %reduce_sum3A_69 = vector.multi_reduction <add>, %div3A_67, %reduce_sum3A_68 [0] : vector<8x200xf32> to vector<200xf32>
    %broadcast_in_dim3A_70 = vector.shape_cast %reduce_sum3A_69 : vector<200xf32> to vector<1x200xf32>
    %div3A_71 = arith.constant 8.000000e+00 : f32
    %div3A_72 = vector.broadcast %div3A_71 : f32 to vector<1x200xf32>
    %div3A_73 = arith.divf %broadcast_in_dim3A_70, %div3A_72 : vector<1x200xf32>
    %dot_general3A_74 = arith.constant dense<0.000000e+00> : vector<1x768xf32>
    %dot_general3A_75 = tpu.matmul %div3A_73, %get3A_43, %dot_general3A_74 {dimension_numbers = #tpu.dot_dimension_numbers<[1], [0], [0], [1], [0, 0, 1, 1], [], []>, transpose_lhs_hint = false} : vector<1x200xf32>, vector<200x768xf32>, vector<1x768xf32> -> vector<1x768xf32>
    %swap3A = arith.constant 0 : index
    %swap3A_76 = arith.constant 0 : index
    %swap3A_77 = arith.constant 0 : index
    %swap3A_78 = vector.load %arg13[%swap3A, %swap3A_76, %swap3A_77] : memref<4x1x200xf32, #tpu.memory_space<vmem>>, vector<1x1x200xf32>
    %swap3A_79 = vector.shape_cast %swap3A_78 : vector<1x1x200xf32> to vector<1x200xf32>
    %swap3A_80 = vector.shape_cast %div3A_31 : vector<1x200xf32> to vector<1x1x200xf32>
    tpu.vector_store %arg13[%swap3A, %swap3A_76, %swap3A_77], %swap3A_80 {strides = array<i32>} : memref<4x1x200xf32, #tpu.memory_space<vmem>>, vector<1x1x200xf32>,
    %swap3A_81 = arith.constant 0 : index
    %swap3A_82 = arith.constant 0 : index
    %swap3A_83 = arith.constant 0 : index
    %swap3A_84 = vector.load %arg14[%swap3A_81, %swap3A_82, %swap3A_83] : memref<4x1x200xf32, #tpu.memory_space<vmem>>, vector<1x1x200xf32>
    %swap3A_85 = vector.shape_cast %swap3A_84 : vector<1x1x200xf32> to vector<1x200xf32>
    %swap3A_86 = vector.shape_cast %div3A_73 : vector<1x200xf32> to vector<1x1x200xf32>
    tpu.vector_store %arg14[%swap3A_81, %swap3A_82, %swap3A_83], %swap3A_86 {strides = array<i32>} : memref<4x1x200xf32, #tpu.memory_space<vmem>>, vector<1x1x200xf32>,
    %get3A_87 = arith.constant 0 : index
    %get3A_88 = arith.constant 0 : index
    %get3A_89 = vector.load %arg7[%get3A_87, %get3A_88] : memref<768x2xf32, #tpu.memory_space<vmem>>, vector<768x2xf32>
    %dot_general3A_90 = arith.constant dense<0.000000e+00> : vector<1x2xf32>
    %dot_general3A_91 = tpu.matmul %dot_general3A_33, %get3A_89, %dot_general3A_90 {dimension_numbers = #tpu.dot_dimension_numbers<[1], [0], [0], [1], [0, 0, 1, 1], [], []>, transpose_lhs_hint = false} : vector<1x768xf32>, vector<768x2xf32>, vector<1x2xf32> -> vector<1x2xf32>
    %get3A_92 = arith.constant 0 : index
    %get3A_93 = arith.constant 0 : index
    %get3A_94 = vector.load %arg8[%get3A_92, %get3A_93] : memref<768x2xf32, #tpu.memory_space<vmem>>, vector<768x2xf32>
    %dot_general3A_95 = arith.constant dense<0.000000e+00> : vector<1x2xf32>
    %dot_general3A_96 = tpu.matmul %dot_general3A_75, %get3A_94, %dot_general3A_95 {dimension_numbers = #tpu.dot_dimension_numbers<[1], [0], [0], [1], [0, 0, 1, 1], [], []>, transpose_lhs_hint = false} : vector<1x768xf32>, vector<768x2xf32>, vector<1x2xf32> -> vector<1x2xf32>
    %add3A_97 = arith.addf %dot_general3A_91, %dot_general3A_96 : vector<1x2xf32>
    %get3A_98 = arith.constant 0 : index
    %get3A_99 = arith.constant 0 : index
    %get3A_100 = vector.load %arg9[%get3A_98, %get3A_99] : memref<1x2xf32, #tpu.memory_space<vmem>>, vector<1x2xf32>
    %add3A_101 = arith.addf %add3A_97, %get3A_100 : vector<1x2xf32>
    %swap3A_102 = arith.constant 0 : index
    %swap3A_103 = arith.constant 0 : index
    %swap3A_104 = arith.constant 0 : index
    %swap3A_105 = vector.load %arg11[%swap3A_102, %swap3A_103, %swap3A_104] : memref<4x1x2xf32, #tpu.memory_space<vmem>>, vector<1x1x2xf32>
    %swap3A_106 = vector.shape_cast %swap3A_105 : vector<1x1x2xf32> to vector<1x2xf32>
    %swap3A_107 = vector.shape_cast %add3A_101 : vector<1x2xf32> to vector<1x1x2xf32>
    tpu.vector_store %arg11[%swap3A_102, %swap3A_103, %swap3A_104], %swap3A_107 {strides = array<i32>} : memref<4x1x2xf32, #tpu.memory_space<vmem>>, vector<1x1x2xf32>,
    %slice3A = vector.extract_strided_slice %add3A_101 {offsets = [0, 0], sizes = [1, 1], strides = [1, 1]} : vector<1x2xf32> to vector<1x1xf32>
    %squeeze3A = vector.extract %slice3A[0, 0] : f32 from vector<1x1xf32>
    %slice3A_108 = vector.extract_strided_slice %add3A_101 {offsets = [0, 1], sizes = [1, 1], strides = [1, 1]} : vector<1x2xf32> to vector<1x1xf32>
    %squeeze3A_109 = vector.extract %slice3A_108[0, 0] : f32 from vector<1x1xf32>
    %max3A_110 = arith.maximumf %squeeze3A, %squeeze3A_109 : f32
    %sub3A_111 = arith.subf %squeeze3A, %max3A_110 : f32
    %exp3A_112 = math.exp %sub3A_111 : f32
    %sub3A_113 = arith.subf %squeeze3A_109, %max3A_110 : f32
    %exp3A_114 = math.exp %sub3A_113 : f32
    %add3A_115 = arith.addf %exp3A_112, %exp3A_114 : f32
    %log3A = math.log %add3A_115 : f32
    %add3A_116 = arith.addf %max3A_110, %log3A : f32
    %get3A_117 = arith.constant 0 : index
    %get3A_118 = arith.constant 0 : index
    %get3A_119 = arith.constant 0 : index
    %get3A_120 = vector.load %arg10[%get3A_117, %get3A_118, %get3A_119] : memref<4x1x2xf32, #tpu.memory_space<vmem>>, vector<1x1x2xf32>
    %get3A_121 = vector.shape_cast %get3A_120 : vector<1x1x2xf32> to vector<1x2xf32>
    %mul3A = arith.mulf %add3A_101, %get3A_121 : vector<1x2xf32>
    %reduce_sum3A_122 = vector.shape_cast %mul3A : vector<1x2xf32> to vector<1x1x2xf32>
    %reduce_sum3A_123 = arith.constant dense<0.000000e+00> : vector<1xf32>
    %reduce_sum3A_124 = vector.multi_reduction <add>, %reduce_sum3A_122, %reduce_sum3A_123 [1, 2] : vector<1x1x2xf32> to vector<1xf32>
    %reduce_sum3A_125 = vector.shape_cast %reduce_sum3A_124 : vector<1xf32> to vector<1x1x1xf32>
    %reduce_sum3A_126 = vector.extract %reduce_sum3A_125[0, 0, 0] : f32 from vector<1x1x1xf32>
    %sub3A_127 = arith.subf %add3A_116, %reduce_sum3A_126 : f32
    %mul3A_128 = arith.constant 1.562500e-02 : f32
    %mul3A_129 = arith.mulf %sub3A_127, %mul3A_128 : f32
    %reshape3A = vector.broadcast %mul3A_129 : f32 to vector<1x1xf32>
    %add3A_130 = arith.addf %broadcast_in_dim3A_0, %reshape3A : vector<1x1xf32>
    %get3A_131 = arith.constant 1 : index
    %get3A_132 = arith.constant 0 : index
    %get3A_133 = arith.constant 0 : index
    %get3A_134 = vector.load %arg1[%get3A_131, %get3A_132, %get3A_133] : memref<4x200x768xf32, #tpu.memory_space<vmem>>, vector<1x200x768xf32>
    %get3A_135 = vector.shape_cast %get3A_134 : vector<1x200x768xf32> to vector<200x768xf32>
    %get3A_136 = arith.constant 1 : index
    %get3A_137 = arith.constant 0 : index
    %get3A_138 = arith.constant 0 : index
    %get3A_139 = vector.load %arg3[%get3A_136, %get3A_137, %get3A_138] : memref<4x200x768xf32, #tpu.memory_space<vmem>>, vector<1x200x768xf32>
    %get3A_140 = vector.shape_cast %get3A_139 : vector<1x200x768xf32> to vector<200x768xf32>
    %get3A_141 = arith.constant 0 : index
    %get3A_142 = arith.constant 0 : index
    %get3A_143 = vector.load %arg5[%get3A_141, %get3A_142] : memref<8x768xf32, #tpu.memory_space<vmem>>, vector<8x768xf32>
    %dot_general3A_144 = arith.constant dense<0.000000e+00> : vector<8x200xf32>
    %dot_general3A_145 = tpu.matmul %get3A_143, %get3A_135, %dot_general3A_144 {dimension_numbers = #tpu.dot_dimension_numbers<[1], [1], [0], [0], [0, 0, 1, 0], [], []>, transpose_lhs_hint = false} : vector<8x768xf32>, vector<200x768xf32>, vector<8x200xf32> -> vector<8x200xf32>
    %get3A_146 = arith.constant 0 : index
    %get3A_147 = arith.constant 0 : index
    %get3A_148 = vector.load %arg6[%get3A_146, %get3A_147] : memref<8x1xf32, #tpu.memory_space<vmem>>, vector<8x1xf32>
    %add3A_149 = vector.broadcast %get3A_148 : vector<8x1xf32> to vector<8x200xf32>
    %add3A_150 = arith.addf %dot_general3A_145, %add3A_149 : vector<8x200xf32>
    %max3A_151 = arith.constant 0.000000e+00 : f32
    %max3A_152 = vector.broadcast %max3A_151 : f32 to vector<8x200xf32>
    %max3A_153 = arith.maximumf %add3A_150, %max3A_152 : vector<8x200xf32>
    %reduce_max3A_154 = arith.constant dense<0xFF800000> : vector<8xf32>
    %reduce_max3A_155 = vector.multi_reduction <maximumf>, %max3A_153, %reduce_max3A_154 [1] : vector<8x200xf32> to vector<8xf32>
    %broadcast_in_dim3A_156 = vector.shape_cast %reduce_max3A_155 : vector<8xf32> to vector<8x1xf32>
    %sub3A_157 = vector.broadcast %broadcast_in_dim3A_156 : vector<8x1xf32> to vector<8x200xf32>
    %sub3A_158 = arith.subf %max3A_153, %sub3A_157 : vector<8x200xf32>
    %exp3A_159 = math.exp %sub3A_158 : vector<8x200xf32>
    %reduce_sum3A_160 = arith.constant dense<0.000000e+00> : vector<8xf32>
    %reduce_sum3A_161 = vector.multi_reduction <add>, %exp3A_159, %reduce_sum3A_160 [1] : vector<8x200xf32> to vector<8xf32>
    %broadcast_in_dim3A_162 = vector.shape_cast %reduce_sum3A_161 : vector<8xf32> to vector<8x1xf32>
    %div3A_163 = vector.broadcast %broadcast_in_dim3A_162 : vector<8x1xf32> to vector<8x200xf32>
    %div3A_164 = arith.divf %exp3A_159, %div3A_163 : vector<8x200xf32>
    %reduce_sum3A_165 = arith.constant dense<0.000000e+00> : vector<200xf32>
    %reduce_sum3A_166 = vector.multi_reduction <add>, %div3A_164, %reduce_sum3A_165 [0] : vector<8x200xf32> to vector<200xf32>
    %broadcast_in_dim3A_167 = vector.shape_cast %reduce_sum3A_166 : vector<200xf32> to vector<1x200xf32>
    %div3A_168 = arith.constant 8.000000e+00 : f32
    %div3A_169 = vector.broadcast %div3A_168 : f32 to vector<1x200xf32>
    %div3A_170 = arith.divf %broadcast_in_dim3A_167, %div3A_169 : vector<1x200xf32>
    %dot_general3A_171 = arith.constant dense<0.000000e+00> : vector<1x768xf32>
    %dot_general3A_172 = tpu.matmul %div3A_170, %get3A_140, %dot_general3A_171 {dimension_numbers = #tpu.dot_dimension_numbers<[1], [0], [0], [1], [0, 0, 1, 1], [], []>, transpose_lhs_hint = false} : vector<1x200xf32>, vector<200x768xf32>, vector<1x768xf32> -> vector<1x768xf32>
    %get3A_173 = arith.constant 1 : index
    %get3A_174 = arith.constant 0 : index
    %get3A_175 = arith.constant 0 : index
    %get3A_176 = vector.load %arg2[%get3A_173, %get3A_174, %get3A_175] : memref<4x200x768xf32, #tpu.memory_space<vmem>>, vector<1x200x768xf32>
    %get3A_177 = vector.shape_cast %get3A_176 : vector<1x200x768xf32> to vector<200x768xf32>
    %get3A_178 = arith.constant 1 : index
    %get3A_179 = arith.constant 0 : index
    %get3A_180 = arith.constant 0 : index
    %get3A_181 = vector.load %arg4[%get3A_178, %get3A_179, %get3A_180] : memref<4x200x768xf32, #tpu.memory_space<vmem>>, vector<1x200x768xf32>
    %get3A_182 = vector.shape_cast %get3A_181 : vector<1x200x768xf32> to vector<200x768xf32>
    %get3A_183 = arith.constant 0 : index
    %get3A_184 = arith.constant 0 : index
    %get3A_185 = vector.load %arg5[%get3A_183, %get3A_184] : memref<8x768xf32, #tpu.memory_space<vmem>>, vector<8x768xf32>
    %dot_general3A_186 = arith.constant dense<0.000000e+00> : vector<8x200xf32>
    %dot_general3A_187 = tpu.matmul %get3A_185, %get3A_177, %dot_general3A_186 {dimension_numbers = #tpu.dot_dimension_numbers<[1], [1], [0], [0], [0, 0, 1, 0], [], []>, transpose_lhs_hint = false} : vector<8x768xf32>, vector<200x768xf32>, vector<8x200xf32> -> vector<8x200xf32>
    %get3A_188 = arith.constant 0 : index
    %get3A_189 = arith.constant 0 : index
    %get3A_190 = vector.load %arg6[%get3A_188, %get3A_189] : memref<8x1xf32, #tpu.memory_space<vmem>>, vector<8x1xf32>
    %add3A_191 = vector.broadcast %get3A_190 : vector<8x1xf32> to vector<8x200xf32>
    %add3A_192 = arith.addf %dot_general3A_187, %add3A_191 : vector<8x200xf32>
    %max3A_193 = arith.constant 0.000000e+00 : f32
    %max3A_194 = vector.broadcast %max3A_193 : f32 to vector<8x200xf32>
    %max3A_195 = arith.maximumf %add3A_192, %max3A_194 : vector<8x200xf32>
    %reduce_max3A_196 = arith.constant dense<0xFF800000> : vector<8xf32>
    %reduce_max3A_197 = vector.multi_reduction <maximumf>, %max3A_195, %reduce_max3A_196 [1] : vector<8x200xf32> to vector<8xf32>
    %broadcast_in_dim3A_198 = vector.shape_cast %reduce_max3A_197 : vector<8xf32> to vector<8x1xf32>
    %sub3A_199 = vector.broadcast %broadcast_in_dim3A_198 : vector<8x1xf32> to vector<8x200xf32>
    %sub3A_200 = arith.subf %max3A_195, %sub3A_199 : vector<8x200xf32>
    %exp3A_201 = math.exp %sub3A_200 : vector<8x200xf32>
    %reduce_sum3A_202 = arith.constant dense<0.000000e+00> : vector<8xf32>
    %reduce_sum3A_203 = vector.multi_reduction <add>, %exp3A_201, %reduce_sum3A_202 [1] : vector<8x200xf32> to vector<8xf32>
    %broadcast_in_dim3A_204 = vector.shape_cast %reduce_sum3A_203 : vector<8xf32> to vector<8x1xf32>
    %div3A_205 = vector.broadcast %broadcast_in_dim3A_204 : vector<8x1xf32> to vector<8x200xf32>
    %div3A_206 = arith.divf %exp3A_201, %div3A_205 : vector<8x200xf32>
    %reduce_sum3A_207 = arith.constant dense<0.000000e+00> : vector<200xf32>
    %reduce_sum3A_208 = vector.multi_reduction <add>, %div3A_206, %reduce_sum3A_207 [0] : vector<8x200xf32> to vector<200xf32>
    %broadcast_in_dim3A_209 = vector.shape_cast %reduce_sum3A_208 : vector<200xf32> to vector<1x200xf32>
    %div3A_210 = arith.constant 8.000000e+00 : f32
    %div3A_211 = vector.broadcast %div3A_210 : f32 to vector<1x200xf32>
    %div3A_212 = arith.divf %broadcast_in_dim3A_209, %div3A_211 : vector<1x200xf32>
    %dot_general3A_213 = arith.constant dense<0.000000e+00> : vector<1x768xf32>
    %dot_general3A_214 = tpu.matmul %div3A_212, %get3A_182, %dot_general3A_213 {dimension_numbers = #tpu.dot_dimension_numbers<[1], [0], [0], [1], [0, 0, 1, 1], [], []>, transpose_lhs_hint = false} : vector<1x200xf32>, vector<200x768xf32>, vector<1x768xf32> -> vector<1x768xf32>
    %swap3A_215 = arith.constant 1 : index
    %swap3A_216 = arith.constant 0 : index
    %swap3A_217 = arith.constant 0 : index
    %swap3A_218 = vector.load %arg13[%swap3A_215, %swap3A_216, %swap3A_217] : memref<4x1x200xf32, #tpu.memory_space<vmem>>, vector<1x1x200xf32>
    %swap3A_219 = vector.shape_cast %swap3A_218 : vector<1x1x200xf32> to vector<1x200xf32>
    %swap3A_220 = vector.shape_cast %div3A_170 : vector<1x200xf32> to vector<1x1x200xf32>
    tpu.vector_store %arg13[%swap3A_215, %swap3A_216, %swap3A_217], %swap3A_220 {strides = array<i32>} : memref<4x1x200xf32, #tpu.memory_space<vmem>>, vector<1x1x200xf32>,
    %swap3A_221 = arith.constant 1 : index
    %swap3A_222 = arith.constant 0 : index
    %swap3A_223 = arith.constant 0 : index
    %swap3A_224 = vector.load %arg14[%swap3A_221, %swap3A_222, %swap3A_223] : memref<4x1x200xf32, #tpu.memory_space<vmem>>, vector<1x1x200xf32>
    %swap3A_225 = vector.shape_cast %swap3A_224 : vector<1x1x200xf32> to vector<1x200xf32>
    %swap3A_226 = vector.shape_cast %div3A_212 : vector<1x200xf32> to vector<1x1x200xf32>
    tpu.vector_store %arg14[%swap3A_221, %swap3A_222, %swap3A_223], %swap3A_226 {strides = array<i32>} : memref<4x1x200xf32, #tpu.memory_space<vmem>>, vector<1x1x200xf32>,
    %get3A_227 = arith.constant 0 : index
    %get3A_228 = arith.constant 0 : index
    %get3A_229 = vector.load %arg7[%get3A_227, %get3A_228] : memref<768x2xf32, #tpu.memory_space<vmem>>, vector<768x2xf32>
    %dot_general3A_230 = arith.constant dense<0.000000e+00> : vector<1x2xf32>
    %dot_general3A_231 = tpu.matmul %dot_general3A_172, %get3A_229, %dot_general3A_230 {dimension_numbers = #tpu.dot_dimension_numbers<[1], [0], [0], [1], [0, 0, 1, 1], [], []>, transpose_lhs_hint = false} : vector<1x768xf32>, vector<768x2xf32>, vector<1x2xf32> -> vector<1x2xf32>
    %get3A_232 = arith.constant 0 : index
    %get3A_233 = arith.constant 0 : index
    %get3A_234 = vector.load %arg8[%get3A_232, %get3A_233] : memref<768x2xf32, #tpu.memory_space<vmem>>, vector<768x2xf32>
    %dot_general3A_235 = arith.constant dense<0.000000e+00> : vector<1x2xf32>
    %dot_general3A_236 = tpu.matmul %dot_general3A_214, %get3A_234, %dot_general3A_235 {dimension_numbers = #tpu.dot_dimension_numbers<[1], [0], [0], [1], [0, 0, 1, 1], [], []>, transpose_lhs_hint = false} : vector<1x768xf32>, vector<768x2xf32>, vector<1x2xf32> -> vector<1x2xf32>
    %add3A_237 = arith.addf %dot_general3A_231, %dot_general3A_236 : vector<1x2xf32>
    %get3A_238 = arith.constant 0 : index
    %get3A_239 = arith.constant 0 : index
    %get3A_240 = vector.load %arg9[%get3A_238, %get3A_239] : memref<1x2xf32, #tpu.memory_space<vmem>>, vector<1x2xf32>
    %add3A_241 = arith.addf %add3A_237, %get3A_240 : vector<1x2xf32>
    %swap3A_242 = arith.constant 1 : index
    %swap3A_243 = arith.constant 0 : index
    %swap3A_244 = arith.constant 0 : index
    %swap3A_245 = vector.load %arg11[%swap3A_242, %swap3A_243, %swap3A_244] : memref<4x1x2xf32, #tpu.memory_space<vmem>>, vector<1x1x2xf32>
    %swap3A_246 = vector.shape_cast %swap3A_245 : vector<1x1x2xf32> to vector<1x2xf32>
    %swap3A_247 = vector.shape_cast %add3A_241 : vector<1x2xf32> to vector<1x1x2xf32>
    tpu.vector_store %arg11[%swap3A_242, %swap3A_243, %swap3A_244], %swap3A_247 {strides = array<i32>} : memref<4x1x2xf32, #tpu.memory_space<vmem>>, vector<1x1x2xf32>,
    %slice3A_248 = vector.extract_strided_slice %add3A_241 {offsets = [0, 0], sizes = [1, 1], strides = [1, 1]} : vector<1x2xf32> to vector<1x1xf32>
    %squeeze3A_249 = vector.extract %slice3A_248[0, 0] : f32 from vector<1x1xf32>
    %slice3A_250 = vector.extract_strided_slice %add3A_241 {offsets = [0, 1], sizes = [1, 1], strides = [1, 1]} : vector<1x2xf32> to vector<1x1xf32>
    %squeeze3A_251 = vector.extract %slice3A_250[0, 0] : f32 from vector<1x1xf32>
    %max3A_252 = arith.maximumf %squeeze3A_249, %squeeze3A_251 : f32
    %sub3A_253 = arith.subf %squeeze3A_249, %max3A_252 : f32
    %exp3A_254 = math.exp %sub3A_253 : f32
    %sub3A_255 = arith.subf %squeeze3A_251, %max3A_252 : f32
    %exp3A_256 = math.exp %sub3A_255 : f32
    %add3A_257 = arith.addf %exp3A_254, %exp3A_256 : f32
    %log3A_258 = math.log %add3A_257 : f32
    %add3A_259 = arith.addf %max3A_252, %log3A_258 : f32
    %get3A_260 = arith.constant 1 : index
    %get3A_261 = arith.constant 0 : index
    %get3A_262 = arith.constant 0 : index
    %get3A_263 = vector.load %arg10[%get3A_260, %get3A_261, %get3A_262] : memref<4x1x2xf32, #tpu.memory_space<vmem>>, vector<1x1x2xf32>
    %get3A_264 = vector.shape_cast %get3A_263 : vector<1x1x2xf32> to vector<1x2xf32>
    %mul3A_265 = arith.mulf %add3A_241, %get3A_264 : vector<1x2xf32>
    %reduce_sum3A_266 = vector.shape_cast %mul3A_265 : vector<1x2xf32> to vector<1x1x2xf32>
    %reduce_sum3A_267 = arith.constant dense<0.000000e+00> : vector<1xf32>
    %reduce_sum3A_268 = vector.multi_reduction <add>, %reduce_sum3A_266, %reduce_sum3A_267 [1, 2] : vector<1x1x2xf32> to vector<1xf32>
    %reduce_sum3A_269 = vector.shape_cast %reduce_sum3A_268 : vector<1xf32> to vector<1x1x1xf32>
    %reduce_sum3A_270 = vector.extract %reduce_sum3A_269[0, 0, 0] : f32 from vector<1x1x1xf32>
    %sub3A_271 = arith.subf %add3A_259, %reduce_sum3A_270 : f32
    %mul3A_272 = arith.constant 1.562500e-02 : f32
    %mul3A_273 = arith.mulf %sub3A_271, %mul3A_272 : f32
    %reshape3A_274 = vector.broadcast %mul3A_273 : f32 to vector<1x1xf32>
    %add3A_275 = arith.addf %add3A_130, %reshape3A_274 : vector<1x1xf32>
    %get3A_276 = arith.constant 2 : index
    %get3A_277 = arith.constant 0 : index
    %get3A_278 = arith.constant 0 : index
    %get3A_279 = vector.load %arg1[%get3A_276, %get3A_277, %get3A_278] : memref<4x200x768xf32, #tpu.memory_space<vmem>>, vector<1x200x768xf32>
    %get3A_280 = vector.shape_cast %get3A_279 : vector<1x200x768xf32> to vector<200x768xf32>
    %get3A_281 = arith.constant 2 : index
    %get3A_282 = arith.constant 0 : index
    %get3A_283 = arith.constant 0 : index
    %get3A_284 = vector.load %arg3[%get3A_281, %get3A_282, %get3A_283] : memref<4x200x768xf32, #tpu.memory_space<vmem>>, vector<1x200x768xf32>
    %get3A_285 = vector.shape_cast %get3A_284 : vector<1x200x768xf32> to vector<200x768xf32>
    %get3A_286 = arith.constant 0 : index
    %get3A_287 = arith.constant 0 : index
    %get3A_288 = vector.load %arg5[%get3A_286, %get3A_287] : memref<8x768xf32, #tpu.memory_space<vmem>>, vector<8x768xf32>
    %dot_general3A_289 = arith.constant dense<0.000000e+00> : vector<8x200xf32>
    %dot_general3A_290 = tpu.matmul %get3A_288, %get3A_280, %dot_general3A_289 {dimension_numbers = #tpu.dot_dimension_numbers<[1], [1], [0], [0], [0, 0, 1, 0], [], []>, transpose_lhs_hint = false} : vector<8x768xf32>, vector<200x768xf32>, vector<8x200xf32> -> vector<8x200xf32>
    %get3A_291 = arith.constant 0 : index
    %get3A_292 = arith.constant 0 : index
    %get3A_293 = vector.load %arg6[%get3A_291, %get3A_292] : memref<8x1xf32, #tpu.memory_space<vmem>>, vector<8x1xf32>
    %add3A_294 = vector.broadcast %get3A_293 : vector<8x1xf32> to vector<8x200xf32>
    %add3A_295 = arith.addf %dot_general3A_290, %add3A_294 : vector<8x200xf32>
    %max3A_296 = arith.constant 0.000000e+00 : f32
    %max3A_297 = vector.broadcast %max3A_296 : f32 to vector<8x200xf32>
    %max3A_298 = arith.maximumf %add3A_295, %max3A_297 : vector<8x200xf32>
    %reduce_max3A_299 = arith.constant dense<0xFF800000> : vector<8xf32>
    %reduce_max3A_300 = vector.multi_reduction <maximumf>, %max3A_298, %reduce_max3A_299 [1] : vector<8x200xf32> to vector<8xf32>
    %broadcast_in_dim3A_301 = vector.shape_cast %reduce_max3A_300 : vector<8xf32> to vector<8x1xf32>
    %sub3A_302 = vector.broadcast %broadcast_in_dim3A_301 : vector<8x1xf32> to vector<8x200xf32>
    %sub3A_303 = arith.subf %max3A_298, %sub3A_302 : vector<8x200xf32>
    %exp3A_304 = math.exp %sub3A_303 : vector<8x200xf32>
    %reduce_sum3A_305 = arith.constant dense<0.000000e+00> : vector<8xf32>
    %reduce_sum3A_306 = vector.multi_reduction <add>, %exp3A_304, %reduce_sum3A_305 [1] : vector<8x200xf32> to vector<8xf32>
    %broadcast_in_dim3A_307 = vector.shape_cast %reduce_sum3A_306 : vector<8xf32> to vector<8x1xf32>
    %div3A_308 = vector.broadcast %broadcast_in_dim3A_307 : vector<8x1xf32> to vector<8x200xf32>
    %div3A_309 = arith.divf %exp3A_304, %div3A_308 : vector<8x200xf32>
    %reduce_sum3A_310 = arith.constant dense<0.000000e+00> : vector<200xf32>
    %reduce_sum3A_311 = vector.multi_reduction <add>, %div3A_309, %reduce_sum3A_310 [0] : vector<8x200xf32> to vector<200xf32>
    %broadcast_in_dim3A_312 = vector.shape_cast %reduce_sum3A_311 : vector<200xf32> to vector<1x200xf32>
    %div3A_313 = arith.constant 8.000000e+00 : f32
    %div3A_314 = vector.broadcast %div3A_313 : f32 to vector<1x200xf32>
    %div3A_315 = arith.divf %broadcast_in_dim3A_312, %div3A_314 : vector<1x200xf32>
    %dot_general3A_316 = arith.constant dense<0.000000e+00> : vector<1x768xf32>
    %dot_general3A_317 = tpu.matmul %div3A_315, %get3A_285, %dot_general3A_316 {dimension_numbers = #tpu.dot_dimension_numbers<[1], [0], [0], [1], [0, 0, 1, 1], [], []>, transpose_lhs_hint = false} : vector<1x200xf32>, vector<200x768xf32>, vector<1x768xf32> -> vector<1x768xf32>
    %get3A_318 = arith.constant 2 : index
    %get3A_319 = arith.constant 0 : index
    %get3A_320 = arith.constant 0 : index
    %get3A_321 = vector.load %arg2[%get3A_318, %get3A_319, %get3A_320] : memref<4x200x768xf32, #tpu.memory_space<vmem>>, vector<1x200x768xf32>
    %get3A_322 = vector.shape_cast %get3A_321 : vector<1x200x768xf32> to vector<200x768xf32>
    %get3A_323 = arith.constant 2 : index
    %get3A_324 = arith.constant 0 : index
    %get3A_325 = arith.constant 0 : index
    %get3A_326 = vector.load %arg4[%get3A_323, %get3A_324, %get3A_325] : memref<4x200x768xf32, #tpu.memory_space<vmem>>, vector<1x200x768xf32>
    %get3A_327 = vector.shape_cast %get3A_326 : vector<1x200x768xf32> to vector<200x768xf32>
    %get3A_328 = arith.constant 0 : index
    %get3A_329 = arith.constant 0 : index
    %get3A_330 = vector.load %arg5[%get3A_328, %get3A_329] : memref<8x768xf32, #tpu.memory_space<vmem>>, vector<8x768xf32>
    %dot_general3A_331 = arith.constant dense<0.000000e+00> : vector<8x200xf32>
    %dot_general3A_332 = tpu.matmul %get3A_330, %get3A_322, %dot_general3A_331 {dimension_numbers = #tpu.dot_dimension_numbers<[1], [1], [0], [0], [0, 0, 1, 0], [], []>, transpose_lhs_hint = false} : vector<8x768xf32>, vector<200x768xf32>, vector<8x200xf32> -> vector<8x200xf32>
    %get3A_333 = arith.constant 0 : index
    %get3A_334 = arith.constant 0 : index
    %get3A_335 = vector.load %arg6[%get3A_333, %get3A_334] : memref<8x1xf32, #tpu.memory_space<vmem>>, vector<8x1xf32>
    %add3A_336 = vector.broadcast %get3A_335 : vector<8x1xf32> to vector<8x200xf32>
    %add3A_337 = arith.addf %dot_general3A_332, %add3A_336 : vector<8x200xf32>
    %max3A_338 = arith.constant 0.000000e+00 : f32
    %max3A_339 = vector.broadcast %max3A_338 : f32 to vector<8x200xf32>
    %max3A_340 = arith.maximumf %add3A_337, %max3A_339 : vector<8x200xf32>
    %reduce_max3A_341 = arith.constant dense<0xFF800000> : vector<8xf32>
    %reduce_max3A_342 = vector.multi_reduction <maximumf>, %max3A_340, %reduce_max3A_341 [1] : vector<8x200xf32> to vector<8xf32>
    %broadcast_in_dim3A_343 = vector.shape_cast %reduce_max3A_342 : vector<8xf32> to vector<8x1xf32>
    %sub3A_344 = vector.broadcast %broadcast_in_dim3A_343 : vector<8x1xf32> to vector<8x200xf32>
    %sub3A_345 = arith.subf %max3A_340, %sub3A_344 : vector<8x200xf32>
    %exp3A_346 = math.exp %sub3A_345 : vector<8x200xf32>
    %reduce_sum3A_347 = arith.constant dense<0.000000e+00> : vector<8xf32>
    %reduce_sum3A_348 = vector.multi_reduction <add>, %exp3A_346, %reduce_sum3A_347 [1] : vector<8x200xf32> to vector<8xf32>
    %broadcast_in_dim3A_349 = vector.shape_cast %reduce_sum3A_348 : vector<8xf32> to vector<8x1xf32>
    %div3A_350 = vector.broadcast %broadcast_in_dim3A_349 : vector<8x1xf32> to vector<8x200xf32>
    %div3A_351 = arith.divf %exp3A_346, %div3A_350 : vector<8x200xf32>
    %reduce_sum3A_352 = arith.constant dense<0.000000e+00> : vector<200xf32>
    %reduce_sum3A_353 = vector.multi_reduction <add>, %div3A_351, %reduce_sum3A_352 [0] : vector<8x200xf32> to vector<200xf32>
    %broadcast_in_dim3A_354 = vector.shape_cast %reduce_sum3A_353 : vector<200xf32> to vector<1x200xf32>
    %div3A_355 = arith.constant 8.000000e+00 : f32
    %div3A_356 = vector.broadcast %div3A_355 : f32 to vector<1x200xf32>
    %div3A_357 = arith.divf %broadcast_in_dim3A_354, %div3A_356 : vector<1x200xf32>
    %dot_general3A_358 = arith.constant dense<0.000000e+00> : vector<1x768xf32>
    %dot_general3A_359 = tpu.matmul %div3A_357, %get3A_327, %dot_general3A_358 {dimension_numbers = #tpu.dot_dimension_numbers<[1], [0], [0], [1], [0, 0, 1, 1], [], []>, transpose_lhs_hint = false} : vector<1x200xf32>, vector<200x768xf32>, vector<1x768xf32> -> vector<1x768xf32>
    %swap3A_360 = arith.constant 2 : index
    %swap3A_361 = arith.constant 0 : index
    %swap3A_362 = arith.constant 0 : index
    %swap3A_363 = vector.load %arg13[%swap3A_360, %swap3A_361, %swap3A_362] : memref<4x1x200xf32, #tpu.memory_space<vmem>>, vector<1x1x200xf32>
    %swap3A_364 = vector.shape_cast %swap3A_363 : vector<1x1x200xf32> to vector<1x200xf32>
    %swap3A_365 = vector.shape_cast %div3A_315 : vector<1x200xf32> to vector<1x1x200xf32>
    tpu.vector_store %arg13[%swap3A_360, %swap3A_361, %swap3A_362], %swap3A_365 {strides = array<i32>} : memref<4x1x200xf32, #tpu.memory_space<vmem>>, vector<1x1x200xf32>,
    %swap3A_366 = arith.constant 2 : index
    %swap3A_367 = arith.constant 0 : index
    %swap3A_368 = arith.constant 0 : index
    %swap3A_369 = vector.load %arg14[%swap3A_366, %swap3A_367, %swap3A_368] : memref<4x1x200xf32, #tpu.memory_space<vmem>>, vector<1x1x200xf32>
    %swap3A_370 = vector.shape_cast %swap3A_369 : vector<1x1x200xf32> to vector<1x200xf32>
    %swap3A_371 = vector.shape_cast %div3A_357 : vector<1x200xf32> to vector<1x1x200xf32>
    tpu.vector_store %arg14[%swap3A_366, %swap3A_367, %swap3A_368], %swap3A_371 {strides = array<i32>} : memref<4x1x200xf32, #tpu.memory_space<vmem>>, vector<1x1x200xf32>,
    %get3A_372 = arith.constant 0 : index
    %get3A_373 = arith.constant 0 : index
    %get3A_374 = vector.load %arg7[%get3A_372, %get3A_373] : memref<768x2xf32, #tpu.memory_space<vmem>>, vector<768x2xf32>
    %dot_general3A_375 = arith.constant dense<0.000000e+00> : vector<1x2xf32>
    %dot_general3A_376 = tpu.matmul %dot_general3A_317, %get3A_374, %dot_general3A_375 {dimension_numbers = #tpu.dot_dimension_numbers<[1], [0], [0], [1], [0, 0, 1, 1], [], []>, transpose_lhs_hint = false} : vector<1x768xf32>, vector<768x2xf32>, vector<1x2xf32> -> vector<1x2xf32>
    %get3A_377 = arith.constant 0 : index
    %get3A_378 = arith.constant 0 : index
    %get3A_379 = vector.load %arg8[%get3A_377, %get3A_378] : memref<768x2xf32, #tpu.memory_space<vmem>>, vector<768x2xf32>
    %dot_general3A_380 = arith.constant dense<0.000000e+00> : vector<1x2xf32>
    %dot_general3A_381 = tpu.matmul %dot_general3A_359, %get3A_379, %dot_general3A_380 {dimension_numbers = #tpu.dot_dimension_numbers<[1], [0], [0], [1], [0, 0, 1, 1], [], []>, transpose_lhs_hint = false} : vector<1x768xf32>, vector<768x2xf32>, vector<1x2xf32> -> vector<1x2xf32>
    %add3A_382 = arith.addf %dot_general3A_376, %dot_general3A_381 : vector<1x2xf32>
    %get3A_383 = arith.constant 0 : index
    %get3A_384 = arith.constant 0 : index
    %get3A_385 = vector.load %arg9[%get3A_383, %get3A_384] : memref<1x2xf32, #tpu.memory_space<vmem>>, vector<1x2xf32>
    %add3A_386 = arith.addf %add3A_382, %get3A_385 : vector<1x2xf32>
    %swap3A_387 = arith.constant 2 : index
    %swap3A_388 = arith.constant 0 : index
    %swap3A_389 = arith.constant 0 : index
    %swap3A_390 = vector.load %arg11[%swap3A_387, %swap3A_388, %swap3A_389] : memref<4x1x2xf32, #tpu.memory_space<vmem>>, vector<1x1x2xf32>
    %swap3A_391 = vector.shape_cast %swap3A_390 : vector<1x1x2xf32> to vector<1x2xf32>
    %swap3A_392 = vector.shape_cast %add3A_386 : vector<1x2xf32> to vector<1x1x2xf32>
    tpu.vector_store %arg11[%swap3A_387, %swap3A_388, %swap3A_389], %swap3A_392 {strides = array<i32>} : memref<4x1x2xf32, #tpu.memory_space<vmem>>, vector<1x1x2xf32>,
    %slice3A_393 = vector.extract_strided_slice %add3A_386 {offsets = [0, 0], sizes = [1, 1], strides = [1, 1]} : vector<1x2xf32> to vector<1x1xf32>
    %squeeze3A_394 = vector.extract %slice3A_393[0, 0] : f32 from vector<1x1xf32>
    %slice3A_395 = vector.extract_strided_slice %add3A_386 {offsets = [0, 1], sizes = [1, 1], strides = [1, 1]} : vector<1x2xf32> to vector<1x1xf32>
    %squeeze3A_396 = vector.extract %slice3A_395[0, 0] : f32 from vector<1x1xf32>
    %max3A_397 = arith.maximumf %squeeze3A_394, %squeeze3A_396 : f32
    %sub3A_398 = arith.subf %squeeze3A_394, %max3A_397 : f32
    %exp3A_399 = math.exp %sub3A_398 : f32
    %sub3A_400 = arith.subf %squeeze3A_396, %max3A_397 : f32
    %exp3A_401 = math.exp %sub3A_400 : f32
    %add3A_402 = arith.addf %exp3A_399, %exp3A_401 : f32
    %log3A_403 = math.log %add3A_402 : f32
    %add3A_404 = arith.addf %max3A_397, %log3A_403 : f32
    %get3A_405 = arith.constant 2 : index
    %get3A_406 = arith.constant 0 : index
    %get3A_407 = arith.constant 0 : index
    %get3A_408 = vector.load %arg10[%get3A_405, %get3A_406, %get3A_407] : memref<4x1x2xf32, #tpu.memory_space<vmem>>, vector<1x1x2xf32>
    %get3A_409 = vector.shape_cast %get3A_408 : vector<1x1x2xf32> to vector<1x2xf32>
    %mul3A_410 = arith.mulf %add3A_386, %get3A_409 : vector<1x2xf32>
    %reduce_sum3A_411 = vector.shape_cast %mul3A_410 : vector<1x2xf32> to vector<1x1x2xf32>
    %reduce_sum3A_412 = arith.constant dense<0.000000e+00> : vector<1xf32>
    %reduce_sum3A_413 = vector.multi_reduction <add>, %reduce_sum3A_411, %reduce_sum3A_412 [1, 2] : vector<1x1x2xf32> to vector<1xf32>
    %reduce_sum3A_414 = vector.shape_cast %reduce_sum3A_413 : vector<1xf32> to vector<1x1x1xf32>
    %reduce_sum3A_415 = vector.extract %reduce_sum3A_414[0, 0, 0] : f32 from vector<1x1x1xf32>
    %sub3A_416 = arith.subf %add3A_404, %reduce_sum3A_415 : f32
    %mul3A_417 = arith.constant 1.562500e-02 : f32
    %mul3A_418 = arith.mulf %sub3A_416, %mul3A_417 : f32
    %reshape3A_419 = vector.broadcast %mul3A_418 : f32 to vector<1x1xf32>
    %add3A_420 = arith.addf %add3A_275, %reshape3A_419 : vector<1x1xf32>
    %get3A_421 = arith.constant 3 : index
    %get3A_422 = arith.constant 0 : index
    %get3A_423 = arith.constant 0 : index
    %get3A_424 = vector.load %arg1[%get3A_421, %get3A_422, %get3A_423] : memref<4x200x768xf32, #tpu.memory_space<vmem>>, vector<1x200x768xf32>
    %get3A_425 = vector.shape_cast %get3A_424 : vector<1x200x768xf32> to vector<200x768xf32>
    %get3A_426 = arith.constant 3 : index
    %get3A_427 = arith.constant 0 : index
    %get3A_428 = arith.constant 0 : index
    %get3A_429 = vector.load %arg3[%get3A_426, %get3A_427, %get3A_428] : memref<4x200x768xf32, #tpu.memory_space<vmem>>, vector<1x200x768xf32>
    %get3A_430 = vector.shape_cast %get3A_429 : vector<1x200x768xf32> to vector<200x768xf32>
    %get3A_431 = arith.constant 0 : index
    %get3A_432 = arith.constant 0 : index
    %get3A_433 = vector.load %arg5[%get3A_431, %get3A_432] : memref<8x768xf32, #tpu.memory_space<vmem>>, vector<8x768xf32>
    %dot_general3A_434 = arith.constant dense<0.000000e+00> : vector<8x200xf32>
    %dot_general3A_435 = tpu.matmul %get3A_433, %get3A_425, %dot_general3A_434 {dimension_numbers = #tpu.dot_dimension_numbers<[1], [1], [0], [0], [0, 0, 1, 0], [], []>, transpose_lhs_hint = false} : vector<8x768xf32>, vector<200x768xf32>, vector<8x200xf32> -> vector<8x200xf32>
    %get3A_436 = arith.constant 0 : index
    %get3A_437 = arith.constant 0 : index
    %get3A_438 = vector.load %arg6[%get3A_436, %get3A_437] : memref<8x1xf32, #tpu.memory_space<vmem>>, vector<8x1xf32>
    %add3A_439 = vector.broadcast %get3A_438 : vector<8x1xf32> to vector<8x200xf32>
    %add3A_440 = arith.addf %dot_general3A_435, %add3A_439 : vector<8x200xf32>
    %max3A_441 = arith.constant 0.000000e+00 : f32
    %max3A_442 = vector.broadcast %max3A_441 : f32 to vector<8x200xf32>
    %max3A_443 = arith.maximumf %add3A_440, %max3A_442 : vector<8x200xf32>
    %reduce_max3A_444 = arith.constant dense<0xFF800000> : vector<8xf32>
    %reduce_max3A_445 = vector.multi_reduction <maximumf>, %max3A_443, %reduce_max3A_444 [1] : vector<8x200xf32> to vector<8xf32>
    %broadcast_in_dim3A_446 = vector.shape_cast %reduce_max3A_445 : vector<8xf32> to vector<8x1xf32>
    %sub3A_447 = vector.broadcast %broadcast_in_dim3A_446 : vector<8x1xf32> to vector<8x200xf32>
    %sub3A_448 = arith.subf %max3A_443, %sub3A_447 : vector<8x200xf32>
    %exp3A_449 = math.exp %sub3A_448 : vector<8x200xf32>
    %reduce_sum3A_450 = arith.constant dense<0.000000e+00> : vector<8xf32>
    %reduce_sum3A_451 = vector.multi_reduction <add>, %exp3A_449, %reduce_sum3A_450 [1] : vector<8x200xf32> to vector<8xf32>
    %broadcast_in_dim3A_452 = vector.shape_cast %reduce_sum3A_451 : vector<8xf32> to vector<8x1xf32>
    %div3A_453 = vector.broadcast %broadcast_in_dim3A_452 : vector<8x1xf32> to vector<8x200xf32>
    %div3A_454 = arith.divf %exp3A_449, %div3A_453 : vector<8x200xf32>
    %reduce_sum3A_455 = arith.constant dense<0.000000e+00> : vector<200xf32>
    %reduce_sum3A_456 = vector.multi_reduction <add>, %div3A_454, %reduce_sum3A_455 [0] : vector<8x200xf32> to vector<200xf32>
    %broadcast_in_dim3A_457 = vector.shape_cast %reduce_sum3A_456 : vector<200xf32> to vector<1x200xf32>
    %div3A_458 = arith.constant 8.000000e+00 : f32
    %div3A_459 = vector.broadcast %div3A_458 : f32 to vector<1x200xf32>
    %div3A_460 = arith.divf %broadcast_in_dim3A_457, %div3A_459 : vector<1x200xf32>
    %dot_general3A_461 = arith.constant dense<0.000000e+00> : vector<1x768xf32>
    %dot_general3A_462 = tpu.matmul %div3A_460, %get3A_430, %dot_general3A_461 {dimension_numbers = #tpu.dot_dimension_numbers<[1], [0], [0], [1], [0, 0, 1, 1], [], []>, transpose_lhs_hint = false} : vector<1x200xf32>, vector<200x768xf32>, vector<1x768xf32> -> vector<1x768xf32>
    %get3A_463 = arith.constant 3 : index
    %get3A_464 = arith.constant 0 : index
    %get3A_465 = arith.constant 0 : index
    %get3A_466 = vector.load %arg2[%get3A_463, %get3A_464, %get3A_465] : memref<4x200x768xf32, #tpu.memory_space<vmem>>, vector<1x200x768xf32>
    %get3A_467 = vector.shape_cast %get3A_466 : vector<1x200x768xf32> to vector<200x768xf32>
    %get3A_468 = arith.constant 3 : index
    %get3A_469 = arith.constant 0 : index
    %get3A_470 = arith.constant 0 : index
    %get3A_471 = vector.load %arg4[%get3A_468, %get3A_469, %get3A_470] : memref<4x200x768xf32, #tpu.memory_space<vmem>>, vector<1x200x768xf32>
    %get3A_472 = vector.shape_cast %get3A_471 : vector<1x200x768xf32> to vector<200x768xf32>
    %get3A_473 = arith.constant 0 : index
    %get3A_474 = arith.constant 0 : index
    %get3A_475 = vector.load %arg5[%get3A_473, %get3A_474] : memref<8x768xf32, #tpu.memory_space<vmem>>, vector<8x768xf32>
    %dot_general3A_476 = arith.constant dense<0.000000e+00> : vector<8x200xf32>
    %dot_general3A_477 = tpu.matmul %get3A_475, %get3A_467, %dot_general3A_476 {dimension_numbers = #tpu.dot_dimension_numbers<[1], [1], [0], [0], [0, 0, 1, 0], [], []>, transpose_lhs_hint = false} : vector<8x768xf32>, vector<200x768xf32>, vector<8x200xf32> -> vector<8x200xf32>
    %get3A_478 = arith.constant 0 : index
    %get3A_479 = arith.constant 0 : index
    %get3A_480 = vector.load %arg6[%get3A_478, %get3A_479] : memref<8x1xf32, #tpu.memory_space<vmem>>, vector<8x1xf32>
    %add3A_481 = vector.broadcast %get3A_480 : vector<8x1xf32> to vector<8x200xf32>
    %add3A_482 = arith.addf %dot_general3A_477, %add3A_481 : vector<8x200xf32>
    %max3A_483 = arith.constant 0.000000e+00 : f32
    %max3A_484 = vector.broadcast %max3A_483 : f32 to vector<8x200xf32>
    %max3A_485 = arith.maximumf %add3A_482, %max3A_484 : vector<8x200xf32>
    %reduce_max3A_486 = arith.constant dense<0xFF800000> : vector<8xf32>
    %reduce_max3A_487 = vector.multi_reduction <maximumf>, %max3A_485, %reduce_max3A_486 [1] : vector<8x200xf32> to vector<8xf32>
    %broadcast_in_dim3A_488 = vector.shape_cast %reduce_max3A_487 : vector<8xf32> to vector<8x1xf32>
    %sub3A_489 = vector.broadcast %broadcast_in_dim3A_488 : vector<8x1xf32> to vector<8x200xf32>
    %sub3A_490 = arith.subf %max3A_485, %sub3A_489 : vector<8x200xf32>
    %exp3A_491 = math.exp %sub3A_490 : vector<8x200xf32>
    %reduce_sum3A_492 = arith.constant dense<0.000000e+00> : vector<8xf32>
    %reduce_sum3A_493 = vector.multi_reduction <add>, %exp3A_491, %reduce_sum3A_492 [1] : vector<8x200xf32> to vector<8xf32>
    %broadcast_in_dim3A_494 = vector.shape_cast %reduce_sum3A_493 : vector<8xf32> to vector<8x1xf32>
    %div3A_495 = vector.broadcast %broadcast_in_dim3A_494 : vector<8x1xf32> to vector<8x200xf32>
    %div3A_496 = arith.divf %exp3A_491, %div3A_495 : vector<8x200xf32>
    %reduce_sum3A_497 = arith.constant dense<0.000000e+00> : vector<200xf32>
    %reduce_sum3A_498 = vector.multi_reduction <add>, %div3A_496, %reduce_sum3A_497 [0] : vector<8x200xf32> to vector<200xf32>
    %broadcast_in_dim3A_499 = vector.shape_cast %reduce_sum3A_498 : vector<200xf32> to vector<1x200xf32>
    %div3A_500 = arith.constant 8.000000e+00 : f32
    %div3A_501 = vector.broadcast %div3A_500 : f32 to vector<1x200xf32>
    %div3A_502 = arith.divf %broadcast_in_dim3A_499, %div3A_501 : vector<1x200xf32>
    %dot_general3A_503 = arith.constant dense<0.000000e+00> : vector<1x768xf32>
    %dot_general3A_504 = tpu.matmul %div3A_502, %get3A_472, %dot_general3A_503 {dimension_numbers = #tpu.dot_dimension_numbers<[1], [0], [0], [1], [0, 0, 1, 1], [], []>, transpose_lhs_hint = false} : vector<1x200xf32>, vector<200x768xf32>, vector<1x768xf32> -> vector<1x768xf32>
    %swap3A_505 = arith.constant 3 : index
    %swap3A_506 = arith.constant 0 : index
    %swap3A_507 = arith.constant 0 : index
    %swap3A_508 = vector.load %arg13[%swap3A_505, %swap3A_506, %swap3A_507] : memref<4x1x200xf32, #tpu.memory_space<vmem>>, vector<1x1x200xf32>
    %swap3A_509 = vector.shape_cast %swap3A_508 : vector<1x1x200xf32> to vector<1x200xf32>
    %swap3A_510 = vector.shape_cast %div3A_460 : vector<1x200xf32> to vector<1x1x200xf32>
    tpu.vector_store %arg13[%swap3A_505, %swap3A_506, %swap3A_507], %swap3A_510 {strides = array<i32>} : memref<4x1x200xf32, #tpu.memory_space<vmem>>, vector<1x1x200xf32>,
    %swap3A_511 = arith.constant 3 : index
    %swap3A_512 = arith.constant 0 : index
    %swap3A_513 = arith.constant 0 : index
    %swap3A_514 = vector.load %arg14[%swap3A_511, %swap3A_512, %swap3A_513] : memref<4x1x200xf32, #tpu.memory_space<vmem>>, vector<1x1x200xf32>
    %swap3A_515 = vector.shape_cast %swap3A_514 : vector<1x1x200xf32> to vector<1x200xf32>
    %swap3A_516 = vector.shape_cast %div3A_502 : vector<1x200xf32> to vector<1x1x200xf32>
    tpu.vector_store %arg14[%swap3A_511, %swap3A_512, %swap3A_513], %swap3A_516 {strides = array<i32>} : memref<4x1x200xf32, #tpu.memory_space<vmem>>, vector<1x1x200xf32>,
    %get3A_517 = arith.constant 0 : index
    %get3A_518 = arith.constant 0 : index
    %get3A_519 = vector.load %arg7[%get3A_517, %get3A_518] : memref<768x2xf32, #tpu.memory_space<vmem>>, vector<768x2xf32>
    %dot_general3A_520 = arith.constant dense<0.000000e+00> : vector<1x2xf32>
    %dot_general3A_521 = tpu.matmul %dot_general3A_462, %get3A_519, %dot_general3A_520 {dimension_numbers = #tpu.dot_dimension_numbers<[1], [0], [0], [1], [0, 0, 1, 1], [], []>, transpose_lhs_hint = false} : vector<1x768xf32>, vector<768x2xf32>, vector<1x2xf32> -> vector<1x2xf32>
    %get3A_522 = arith.constant 0 : index
    %get3A_523 = arith.constant 0 : index
    %get3A_524 = vector.load %arg8[%get3A_522, %get3A_523] : memref<768x2xf32, #tpu.memory_space<vmem>>, vector<768x2xf32>
    %dot_general3A_525 = arith.constant dense<0.000000e+00> : vector<1x2xf32>
    %dot_general3A_526 = tpu.matmul %dot_general3A_504, %get3A_524, %dot_general3A_525 {dimension_numbers = #tpu.dot_dimension_numbers<[1], [0], [0], [1], [0, 0, 1, 1], [], []>, transpose_lhs_hint = false} : vector<1x768xf32>, vector<768x2xf32>, vector<1x2xf32> -> vector<1x2xf32>
    %add3A_527 = arith.addf %dot_general3A_521, %dot_general3A_526 : vector<1x2xf32>
    %get3A_528 = arith.constant 0 : index
    %get3A_529 = arith.constant 0 : index
    %get3A_530 = vector.load %arg9[%get3A_528, %get3A_529] : memref<1x2xf32, #tpu.memory_space<vmem>>, vector<1x2xf32>
    %add3A_531 = arith.addf %add3A_527, %get3A_530 : vector<1x2xf32>
    %swap3A_532 = arith.constant 3 : index
    %swap3A_533 = arith.constant 0 : index
    %swap3A_534 = arith.constant 0 : index
    %swap3A_535 = vector.load %arg11[%swap3A_532, %swap3A_533, %swap3A_534] : memref<4x1x2xf32, #tpu.memory_space<vmem>>, vector<1x1x2xf32>
    %swap3A_536 = vector.shape_cast %swap3A_535 : vector<1x1x2xf32> to vector<1x2xf32>
    %swap3A_537 = vector.shape_cast %add3A_531 : vector<1x2xf32> to vector<1x1x2xf32>
    tpu.vector_store %arg11[%swap3A_532, %swap3A_533, %swap3A_534], %swap3A_537 {strides = array<i32>} : memref<4x1x2xf32, #tpu.memory_space<vmem>>, vector<1x1x2xf32>,
    %slice3A_538 = vector.extract_strided_slice %add3A_531 {offsets = [0, 0], sizes = [1, 1], strides = [1, 1]} : vector<1x2xf32> to vector<1x1xf32>
    %squeeze3A_539 = vector.extract %slice3A_538[0, 0] : f32 from vector<1x1xf32>
    %slice3A_540 = vector.extract_strided_slice %add3A_531 {offsets = [0, 1], sizes = [1, 1], strides = [1, 1]} : vector<1x2xf32> to vector<1x1xf32>
    %squeeze3A_541 = vector.extract %slice3A_540[0, 0] : f32 from vector<1x1xf32>
    %max3A_542 = arith.maximumf %squeeze3A_539, %squeeze3A_541 : f32
    %sub3A_543 = arith.subf %squeeze3A_539, %max3A_542 : f32
    %exp3A_544 = math.exp %sub3A_543 : f32
    %sub3A_545 = arith.subf %squeeze3A_541, %max3A_542 : f32
    %exp3A_546 = math.exp %sub3A_545 : f32
    %add3A_547 = arith.addf %exp3A_544, %exp3A_546 : f32
    %log3A_548 = math.log %add3A_547 : f32
    %add3A_549 = arith.addf %max3A_542, %log3A_548 : f32
    %get3A_550 = arith.constant 3 : index
    %get3A_551 = arith.constant 0 : index
    %get3A_552 = arith.constant 0 : index
    %get3A_553 = vector.load %arg10[%get3A_550, %get3A_551, %get3A_552] : memref<4x1x2xf32, #tpu.memory_space<vmem>>, vector<1x1x2xf32>
    %get3A_554 = vector.shape_cast %get3A_553 : vector<1x1x2xf32> to vector<1x2xf32>
    %mul3A_555 = arith.mulf %add3A_531, %get3A_554 : vector<1x2xf32>
    %reduce_sum3A_556 = vector.shape_cast %mul3A_555 : vector<1x2xf32> to vector<1x1x2xf32>
    %reduce_sum3A_557 = arith.constant dense<0.000000e+00> : vector<1xf32>
    %reduce_sum3A_558 = vector.multi_reduction <add>, %reduce_sum3A_556, %reduce_sum3A_557 [1, 2] : vector<1x1x2xf32> to vector<1xf32>
    %reduce_sum3A_559 = vector.shape_cast %reduce_sum3A_558 : vector<1xf32> to vector<1x1x1xf32>
    %reduce_sum3A_560 = vector.extract %reduce_sum3A_559[0, 0, 0] : f32 from vector<1x1x1xf32>
    %sub3A_561 = arith.subf %add3A_549, %reduce_sum3A_560 : f32
    %mul3A_562 = arith.constant 1.562500e-02 : f32
    %mul3A_563 = arith.mulf %sub3A_561, %mul3A_562 : f32
    %reshape3A_564 = vector.broadcast %mul3A_563 : f32 to vector<1x1xf32>
    %add3A_565 = arith.addf %add3A_420, %reshape3A_564 : vector<1x1xf32>
    %eq3A = arith.constant 0 : i32
    %eq3A_566 = arith.cmpi eq, %arg0, %eq3A : i32
    %convert_element_type3A = arith.extui %eq3A_566 : i1 to i32
    %cond3A = arith.constant 0 : i32
    %cond3A_567 = arith.cmpi ne, %convert_element_type3A, %cond3A : i32
    scf.if %cond3A_567 {
      %broadcast_in_dim3A_575 = arith.constant 0.000000e+00 : f32
      %broadcast_in_dim3A_576 = vector.broadcast %broadcast_in_dim3A_575 : f32 to vector<1x1xf32>
      %swap3A_577 = arith.constant 0 : index
      %swap3A_578 = arith.constant 0 : index
      %swap3A_579 = vector.load %arg12[%swap3A_577, %swap3A_578] : memref<1x1xf32, #tpu.memory_space<vmem>>, vector<1x1xf32>
      tpu.vector_store %arg12[%swap3A_577, %swap3A_578], %broadcast_in_dim3A_576 {strides = array<i32>} : memref<1x1xf32, #tpu.memory_space<vmem>>, vector<1x1xf32>,
    } else {
    }
    %get3A_568 = arith.constant 0 : index
    %get3A_569 = arith.constant 0 : index
    %get3A_570 = vector.load %arg12[%get3A_568, %get3A_569] : memref<1x1xf32, #tpu.memory_space<vmem>>, vector<1x1xf32>
    %add3A_571 = arith.addf %get3A_570, %add3A_565 : vector<1x1xf32>
    %swap3A_572 = arith.constant 0 : index
    %swap3A_573 = arith.constant 0 : index
    %swap3A_574 = vector.load %arg12[%swap3A_572, %swap3A_573] : memref<1x1xf32, #tpu.memory_space<vmem>>, vector<1x1xf32>
    tpu.vector_store %arg12[%swap3A_572, %swap3A_573], %add3A_571 {strides = array<i32>} : memref<1x1xf32, #tpu.memory_space<vmem>>, vector<1x1xf32>,
    return
  }
  func.func @transform_0(%arg0: i32) -> (i32, i32, i32) {
    %c0_i32 = arith.constant 0 : i32
    %c0_i32_0 = arith.constant 0 : i32
    %c0_i32_1 = arith.constant 0 : i32
    return %arg0, %c0_i32, %c0_i32_0 : i32, i32, i32
  }
  func.func @transform_1(%arg0: i32) -> (i32, i32, i32) {
    %add3A = arith.constant 4 : i32
    %add3A_0 = arith.addi %add3A, %arg0 : i32
    %c0_i32 = arith.constant 0 : i32
    %c0_i32_1 = arith.constant 0 : i32
    %c0_i32_2 = arith.constant 0 : i32
    return %add3A_0, %c0_i32, %c0_i32_1 : i32, i32, i32
  }
  func.func @transform_2(%arg0: i32) -> (i32, i32, i32) {
    %add3A = arith.constant 4 : i32
    %add3A_0 = arith.addi %add3A, %arg0 : i32
    %c0_i32 = arith.constant 0 : i32
    %c0_i32_1 = arith.constant 0 : i32
    %c0_i32_2 = arith.constant 0 : i32
    return %add3A_0, %c0_i32, %c0_i32_1 : i32, i32, i32
  }
  func.func @transform_3(%arg0: i32) -> (i32, i32, i32) {
    %add3A = arith.constant 4 : i32
    %add3A_0 = arith.addi %add3A, %arg0 : i32
    %c0_i32 = arith.constant 0 : i32
    %c0_i32_1 = arith.constant 0 : i32
    %c0_i32_2 = arith.constant 0 : i32
    return %add3A_0, %c0_i32, %c0_i32_1 : i32, i32, i32
  }
  func.func @transform_4(%arg0: i32) -> (i32, i32) {
    %c0_i32 = arith.constant 0 : i32
    %c0_i32_0 = arith.constant 0 : i32
    %c0_i32_1 = arith.constant 0 : i32
    return %c0_i32, %c0_i32_0 : i32, i32
  }
  func.func @transform_5(%arg0: i32) -> (i32, i32) {
    %c0_i32 = arith.constant 0 : i32
    %c0_i32_0 = arith.constant 0 : i32
    %c0_i32_1 = arith.constant 0 : i32
    return %c0_i32, %c0_i32_0 : i32, i32
  }
  func.func @transform_6(%arg0: i32) -> (i32, i32) {
    %c0_i32 = arith.constant 0 : i32
    %c0_i32_0 = arith.constant 0 : i32
    %c0_i32_1 = arith.constant 0 : i32
    return %c0_i32, %c0_i32_0 : i32, i32
  }
  func.func @transform_7(%arg0: i32) -> (i32, i32) {
    %c0_i32 = arith.constant 0 : i32
    %c0_i32_0 = arith.constant 0 : i32
    %c0_i32_1 = arith.constant 0 : i32
    return %c0_i32, %c0_i32_0 : i32, i32
  }
  func.func @transform_8(%arg0: i32) -> (i32, i32) {
    %c0_i32 = arith.constant 0 : i32
    %c0_i32_0 = arith.constant 0 : i32
    %c0_i32_1 = arith.constant 0 : i32
    return %c0_i32, %c0_i32_0 : i32, i32
  }
  func.func @transform_9(%arg0: i32) -> (i32, i32, i32) {
    %c0_i32 = arith.constant 0 : i32
    %c0_i32_0 = arith.constant 0 : i32
    %c0_i32_1 = arith.constant 0 : i32
    return %arg0, %c0_i32, %c0_i32_0 : i32, i32, i32
  }
  func.func @transform_10(%arg0: i32) -> (i32, i32, i32) {
    %c0_i32 = arith.constant 0 : i32
    %c0_i32_0 = arith.constant 0 : i32
    %c0_i32_1 = arith.constant 0 : i32
    return %arg0, %c0_i32, %c0_i32_0 : i32, i32, i32
  }
  func.func @transform_11(%arg0: i32) -> (i32, i32) {
    %c0_i32 = arith.constant 0 : i32
    %c0_i32_0 = arith.constant 0 : i32
    %c0_i32_1 = arith.constant 0 : i32
    return %c0_i32, %c0_i32_0 : i32, i32
  }
  func.func @transform_12(%arg0: i32) -> (i32, i32, i32) {
    %c0_i32 = arith.constant 0 : i32
    %c0_i32_0 = arith.constant 0 : i32
    %c0_i32_1 = arith.constant 0 : i32
    return %arg0, %c0_i32, %c0_i32_0 : i32, i32, i32
  }
  func.func @transform_13(%arg0: i32) -> (i32, i32, i32) {
    %c0_i32 = arith.constant 0 : i32
    %c0_i32_0 = arith.constant 0 : i32
    %c0_i32_1 = arith.constant 0 : i32
    return %arg0, %c0_i32, %c0_i32_0 : i32, i32, i32
  }
}

module attributes {stable_mosaic.version = 14 : i64} {
  func.func @_attn_body(%arg0: i32, %arg1: memref<4x200x768xf32, #tpu.memory_space<vmem>>, %arg2: memref<4x200x768xf32, #tpu.memory_space<vmem>>, %arg3: memref<4x200x768xf32, #tpu.memory_space<vmem>>, %arg4: memref<4x200x768xf32, #tpu.memory_space<vmem>>, %arg5: memref<8x768xf32, #tpu.memory_space<vmem>>, %arg6: memref<8x1xf32, #tpu.memory_space<vmem>>, %arg7: memref<768x2xf32, #tpu.memory_space<vmem>>, %arg8: memref<768x2xf32, #tpu.memory_space<vmem>>, %arg9: memref<1x2xf32, #tpu.memory_space<vmem>>, %arg10: memref<4x1x2xf32, #tpu.memory_space<vmem>>, %arg11: memref<4x1x2xf32, #tpu.memory_space<vmem>>, %arg12: memref<1x1xf32, #tpu.memory_space<vmem>>, %arg13: memref<4x1x200xf32, #tpu.memory_space<vmem>>, %arg14: memref<4x1x200xf32, #tpu.memory_space<vmem>>) attributes {dimension_semantics = [#tpu.dimension_semantics<arbitrary>], iteration_bounds = array<i64: 4>, scalar_prefetch = 0 : i64, scratch_operands = 0 : i64, tpu.core_type = #tpu.core_type<tc>, window_params = [{transform_indices = @transform_0, window_bounds = array<i64: 4, 200, 768>}, {transform_indices = @transform_1, window_bounds = array<i64: 4, 200, 768>}, {transform_indices = @transform_2, window_bounds = array<i64: 4, 200, 768>}, {transform_indices = @transform_3, window_bounds = array<i64: 4, 200, 768>}, {pipeline_mode = #tpu.pipeline_mode<synchronous>, transform_indices = @transform_4, window_bounds = array<i64: 8, 768>}, {pipeline_mode = #tpu.pipeline_mode<synchronous>, transform_indices = @transform_5, window_bounds = array<i64: 8, 1>}, {pipeline_mode = #tpu.pipeline_mode<synchronous>, transform_indices = @transform_6, window_bounds = array<i64: 768, 2>}, {pipeline_mode = #tpu.pipeline_mode<synchronous>, transform_indices = @transform_7, window_bounds = array<i64: 768, 2>}, {pipeline_mode = #tpu.pipeline_mode<synchronous>, transform_indices = @transform_8, window_bounds = array<i64: 1, 2>}, {transform_indices = @transform_9, window_bounds = array<i64: 4, 1, 2>}, {transform_indices = @transform_10, window_bounds = array<i64: 4, 1, 2>}, {pipeline_mode = #tpu.pipeline_mode<synchronous>, transform_indices = @transform_11, window_bounds = array<i64: 1, 1>}, {transform_indices = @transform_12, window_bounds = array<i64: 4, 1, 200>}, {transform_indices = @transform_13, window_bounds = array<i64: 4, 1, 200>}]} {
    %broadcast_in_dim3A = arith.constant 0.000000e+00 : f32
    %broadcast_in_dim3A_0 = vector.broadcast %broadcast_in_dim3A : f32 to vector<1x1xf32>
    %get3A = arith.constant 0 : index
    %get3A_1 = arith.constant 0 : index
    %get3A_2 = arith.constant 0 : index
    %get3A_3 = vector.load %arg1[%get3A, %get3A_1, %get3A_2] : memref<4x200x768xf32, #tpu.memory_space<vmem>>, vector<1x200x768xf32>
    %get3A_4 = vector.shape_cast %get3A_3 : vector<1x200x768xf32> to vector<200x768xf32>
    %get3A_5 = arith.constant 0 : index
    %get3A_6 = arith.constant 0 : index
    %get3A_7 = arith.constant 0 : index
    %get3A_8 = vector.load %arg3[%get3A_5, %get3A_6, %get3A_7] : memref<4x200x768xf32, #tpu.memory_space<vmem>>, vector<1x200x768xf32>
    %get3A_9 = vector.shape_cast %get3A_8 : vector<1x200x768xf32> to vector<200x768xf32>
    %get3A_10 = arith.constant 0 : index
    %get3A_11 = arith.constant 0 : index
    %get3A_12 = vector.load %arg5[%get3A_10, %get3A_11] : memref<8x768xf32, #tpu.memory_space<vmem>>, vector<8x768xf32>
    %dot_general3A = arith.constant dense<0.000000e+00> : vector<8x200xf32>
    %dot_general3A_13 = tpu.matmul %get3A_12, %get3A_4, %dot_general3A {dimension_numbers = #tpu.dot_dimension_numbers<[1], [1], [0], [0], [0, 0, 1, 0], [], []>, transpose_lhs_hint = false} : vector<8x768xf32>, vector<200x768xf32>, vector<8x200xf32> -> vector<8x200xf32>
    %get3A_14 = arith.constant 0 : index
    %get3A_15 = arith.constant 0 : index
    %get3A_16 = vector.load %arg6[%get3A_14, %get3A_15] : memref<8x1xf32, #tpu.memory_space<vmem>>, vector<8x1xf32>
    %add3A = vector.broadcast %get3A_16 : vector<8x1xf32> to vector<8x200xf32>
    %add3A_17 = arith.addf %dot_general3A_13, %add3A : vector<8x200xf32>
    %max3A = arith.constant 0.000000e+00 : f32
    %max3A_18 = vector.broadcast %max3A : f32 to vector<8x200xf32>
    %max3A_19 = arith.maximumf %add3A_17, %max3A_18 : vector<8x200xf32>
    %reduce_max3A = arith.constant dense<0xFF800000> : vector<8xf32>
    %reduce_max3A_20 = vector.multi_reduction <maximumf>, %max3A_19, %reduce_max3A [1] : vector<8x200xf32> to vector<8xf32>
    %broadcast_in_dim3A_21 = vector.shape_cast %reduce_max3A_20 : vector<8xf32> to vector<8x1xf32>
    %sub3A = vector.broadcast %broadcast_in_dim3A_21 : vector<8x1xf32> to vector<8x200xf32>
    %sub3A_22 = arith.subf %max3A_19, %sub3A : vector<8x200xf32>
    %exp3A = math.exp %sub3A_22 : vector<8x200xf32>
    %reduce_sum3A = arith.constant dense<0.000000e+00> : vector<8xf32>
    %reduce_sum3A_23 = vector.multi_reduction <add>, %exp3A, %reduce_sum3A [1] : vector<8x200xf32> to vector<8xf32>
    %broadcast_in_dim3A_24 = vector.shape_cast %reduce_sum3A_23 : vector<8xf32> to vector<8x1xf32>
    %div3A = vector.broadcast %broadcast_in_dim3A_24 : vector<8x1xf32> to vector<8x200xf32>
    %div3A_25 = arith.divf %exp3A, %div3A : vector<8x200xf32>
    %reduce_sum3A_26 = arith.constant dense<0.000000e+00> : vector<200xf32>
    %reduce_sum3A_27 = vector.multi_reduction <add>, %div3A_25, %reduce_sum3A_26 [0] : vector<8x200xf32> to vector<200xf32>
    %broadcast_in_dim3A_28 = vector.shape_cast %reduce_sum3A_27 : vector<200xf32> to vector<1x200xf32>
    %div3A_29 = arith.constant 8.000000e+00 : f32
    %div3A_30 = vector.broadcast %div3A_29 : f32 to vector<1x200xf32>
    %div3A_31 = arith.divf %broadcast_in_dim3A_28, %div3A_30 : vector<1x200xf32>
    %dot_general3A_32 = arith.constant dense<0.000000e+00> : vector<1x768xf32>
    %dot_general3A_33 = tpu.matmul %div3A_31, %get3A_9, %dot_general3A_32 {dimension_numbers = #tpu.dot_dimension_numbers<[1], [0], [0], [1], [0, 0, 1, 1], [], []>, transpose_lhs_hint = false} : vector<1x200xf32>, vector<200x768xf32>, vector<1x768xf32> -> vector<1x768xf32>
    %get3A_34 = arith.constant 0 : index
    %get3A_35 = arith.constant 0 : index
    %get3A_36 = arith.constant 0 : index
    %get3A_37 = vector.load %arg2[%get3A_34, %get3A_35, %get3A_36] : memref<4x200x768xf32, #tpu.memory_space<vmem>>, vector<1x200x768xf32>
    %get3A_38 = vector.shape_cast %get3A_37 : vector<1x200x768xf32> to vector<200x768xf32>
    %get3A_39 = arith.constant 0 : index
    %get3A_40 = arith.constant 0 : index
    %get3A_41 = arith.constant 0 : index
    %get3A_42 = vector.load %arg4[%get3A_39, %get3A_40, %get3A_41] : memref<4x200x768xf32, #tpu.memory_space<vmem>>, vector<1x200x768xf32>
    %get3A_43 = vector.shape_cast %get3A_42 : vector<1x200x768xf32> to vector<200x768xf32>
    %get3A_44 = arith.constant 0 : index
    %get3A_45 = arith.constant 0 : index
    %get3A_46 = vector.load %arg5[%get3A_44, %get3A_45] : memref<8x768xf32, #tpu.memory_space<vmem>>, vector<8x768xf32>
    %dot_general3A_47 = arith.constant dense<0.000000e+00> : vector<8x200xf32>
    %dot_general3A_48 = tpu.matmul %get3A_46, %get3A_38, %dot_general3A_47 {dimension_numbers = #tpu.dot_dimension_numbers<[1], [1], [0], [0], [0, 0, 1, 0], [], []>, transpose_lhs_hint = false} : vector<8x768xf32>, vector<200x768xf32>, vector<8x200xf32> -> vector<8x200xf32>
    %get3A_49 = arith.constant 0 : index
    %get3A_50 = arith.constant 0 : index
    %get3A_51 = vector.load %arg6[%get3A_49, %get3A_50] : memref<8x1xf32, #tpu.memory_space<vmem>>, vector<8x1xf32>
    %add3A_52 = vector.broadcast %get3A_51 : vector<8x1xf32> to vector<8x200xf32>
    %add3A_53 = arith.addf %dot_general3A_48, %add3A_52 : vector<8x200xf32>
    %max3A_54 = arith.constant 0.000000e+00 : f32
    %max3A_55 = vector.broadcast %max3A_54 : f32 to vector<8x200xf32>
    %max3A_56 = arith.maximumf %add3A_53, %max3A_55 : vector<8x200xf32>
    %reduce_max3A_57 = arith.constant dense<0xFF800000> : vector<8xf32>
    %reduce_max3A_58 = vector.multi_reduction <maximumf>, %max3A_56, %reduce_max3A_57 [1] : vector<8x200xf32> to vector<8xf32>
    %broadcast_in_dim3A_59 = vector.shape_cast %reduce_max3A_58 : vector<8xf32> to vector<8x1xf32>
    %sub3A_60 = vector.broadcast %broadcast_in_dim3A_59 : vector<8x1xf32> to vector<8x200xf32>
    %sub3A_61 = arith.subf %max3A_56, %sub3A_60 : vector<8x200xf32>
    %exp3A_62 = math.exp %sub3A_61 : vector<8x200xf32>
    %reduce_sum3A_63 = arith.constant dense<0.000000e+00> : vector<8xf32>
    %reduce_sum3A_64 = vector.multi_reduction <add>, %exp3A_62, %reduce_sum3A_63 [1] : vector<8x200xf32> to vector<8xf32>
    %broadcast_in_dim3A_65 = vector.shape_cast %reduce_sum3A_64 : vector<8xf32> to vector<8x1xf32>
    %div3A_66 = vector.broadcast %broadcast_in_dim3A_65 : vector<8x1xf32> to vector<8x200xf32>
    %div3A_67 = arith.divf %exp3A_62, %div3A_66 : vector<8x200xf32>
    %reduce_sum3A_68 = arith.constant dense<0.000000e+00> : vector<200xf32>
    %reduce_sum3A_69 = vector.multi_reduction <add>, %div3A_67, %reduce_sum3A_68 [0] : vector<8x200xf32> to vector<200xf32>
    %broadcast_in_dim3A_70 = vector.shape_cast %reduce_sum3A_69 : vector<200xf32> to vector<1x200xf32>
    %div3A_71 = arith.constant 8.000000e+00 : f32
    %div3A_72 = vector.broadcast %div3A_71 : f32 to vector<1x200xf32>
    %div3A_73 = arith.divf %broadcast_in_dim3A_70, %div3A_72 : vector<1x200xf32>
    %dot_general3A_74 = arith.constant dense<0.000000e+00> : vector<1x768xf32>
    %dot_general3A_75 = tpu.matmul %div3A_73, %get3A_43, %dot_general3A_74 {dimension_numbers = #tpu.dot_dimension_numbers<[1], [0], [0], [1], [0, 0, 1, 1], [], []>, transpose_lhs_hint = false} : vector<1x200xf32>, vector<200x768xf32>, vector<1x768xf32> -> vector<1x768xf32>
    %swap3A = arith.constant 0 : index
    %swap3A_76 = arith.constant 0 : index
    %swap3A_77 = arith.constant 0 : index
    %swap3A_78 = vector.load %arg13[%swap3A, %swap3A_76, %swap3A_77] : memref<4x1x200xf32, #tpu.memory_space<vmem>>, vector<1x1x200xf32>
    %swap3A_79 = vector.shape_cast %swap3A_78 : vector<1x1x200xf32> to vector<1x200xf32>
    %swap3A_80 = vector.shape_cast %div3A_31 : vector<1x200xf32> to vector<1x1x200xf32>
    tpu.vector_store %arg13[%swap3A, %swap3A_76, %swap3A_77], %swap3A_80 {strides = array<i32>} : memref<4x1x200xf32, #tpu.memory_space<vmem>>, vector<1x1x200xf32>,
    %swap3A_81 = arith.constant 0 : index
    %swap3A_82 = arith.constant 0 : index
    %swap3A_83 = arith.constant 0 : index
    %swap3A_84 = vector.load %arg14[%swap3A_81, %swap3A_82, %swap3A_83] : memref<4x1x200xf32, #tpu.memory_space<vmem>>, vector<1x1x200xf32>
    %swap3A_85 = vector.shape_cast %swap3A_84 : vector<1x1x200xf32> to vector<1x200xf32>
    %swap3A_86 = vector.shape_cast %div3A_73 : vector<1x200xf32> to vector<1x1x200xf32>
    tpu.vector_store %arg14[%swap3A_81, %swap3A_82, %swap3A_83], %swap3A_86 {strides = array<i32>} : memref<4x1x200xf32, #tpu.memory_space<vmem>>, vector<1x1x200xf32>,
    %get3A_87 = arith.constant 0 : index
    %get3A_88 = arith.constant 0 : index
    %get3A_89 = vector.load %arg7[%get3A_87, %get3A_88] : memref<768x2xf32, #tpu.memory_space<vmem>>, vector<768x2xf32>
    %dot_general3A_90 = arith.constant dense<0.000000e+00> : vector<1x2xf32>
    %dot_general3A_91 = tpu.matmul %dot_general3A_33, %get3A_89, %dot_general3A_90 {dimension_numbers = #tpu.dot_dimension_numbers<[1], [0], [0], [1], [0, 0, 1, 1], [], []>, transpose_lhs_hint = false} : vector<1x768xf32>, vector<768x2xf32>, vector<1x2xf32> -> vector<1x2xf32>
    %get3A_92 = arith.constant 0 : index
    %get3A_93 = arith.constant 0 : index
    %get3A_94 = vector.load %arg8[%get3A_92, %get3A_93] : memref<768x2xf32, #tpu.memory_space<vmem>>, vector<768x2xf32>
    %dot_general3A_95 = arith.constant dense<0.000000e+00> : vector<1x2xf32>
    %dot_general3A_96 = tpu.matmul %dot_general3A_75, %get3A_94, %dot_general3A_95 {dimension_numbers = #tpu.dot_dimension_numbers<[1], [0], [0], [1], [0, 0, 1, 1], [], []>, transpose_lhs_hint = false} : vector<1x768xf32>, vector<768x2xf32>, vector<1x2xf32> -> vector<1x2xf32>
    %add3A_97 = arith.addf %dot_general3A_91, %dot_general3A_96 : vector<1x2xf32>
    %get3A_98 = arith.constant 0 : index
    %get3A_99 = arith.constant 0 : index
    %get3A_100 = vector.load %arg9[%get3A_98, %get3A_99] : memref<1x2xf32, #tpu.memory_space<vmem>>, vector<1x2xf32>
    %add3A_101 = arith.addf %add3A_97, %get3A_100 : vector<1x2xf32>
    %swap3A_102 = arith.constant 0 : index
    %swap3A_103 = arith.constant 0 : index
    %swap3A_104 = arith.constant 0 : index
    %swap3A_105 = vector.load %arg11[%swap3A_102, %swap3A_103, %swap3A_104] : memref<4x1x2xf32, #tpu.memory_space<vmem>>, vector<1x1x2xf32>
    %swap3A_106 = vector.shape_cast %swap3A_105 : vector<1x1x2xf32> to vector<1x2xf32>
    %swap3A_107 = vector.shape_cast %add3A_101 : vector<1x2xf32> to vector<1x1x2xf32>
    tpu.vector_store %arg11[%swap3A_102, %swap3A_103, %swap3A_104], %swap3A_107 {strides = array<i32>} : memref<4x1x2xf32, #tpu.memory_space<vmem>>, vector<1x1x2xf32>,
    %slice3A = vector.extract_strided_slice %add3A_101 {offsets = [0, 0], sizes = [1, 1], strides = [1, 1]} : vector<1x2xf32> to vector<1x1xf32>
    %squeeze3A = vector.extract %slice3A[0, 0] : f32 from vector<1x1xf32>
    %slice3A_108 = vector.extract_strided_slice %add3A_101 {offsets = [0, 1], sizes = [1, 1], strides = [1, 1]} : vector<1x2xf32> to vector<1x1xf32>
    %squeeze3A_109 = vector.extract %slice3A_108[0, 0] : f32 from vector<1x1xf32>
    %max3A_110 = arith.maximumf %squeeze3A, %squeeze3A_109 : f32
    %sub3A_111 = arith.subf %squeeze3A, %max3A_110 : f32
    %exp3A_112 = math.exp %sub3A_111 : f32
    %sub3A_113 = arith.subf %squeeze3A_109, %max3A_110 : f32
    %exp3A_114 = math.exp %sub3A_113 : f32
    %add3A_115 = arith.addf %exp3A_112, %exp3A_114 : f32
    %log3A = math.log %add3A_115 : f32
    %add3A_116 = arith.addf %max3A_110, %log3A : f32
    %get3A_117 = arith.constant 0 : index
    %get3A_118 = arith.constant 0 : index
    %get3A_119 = arith.constant 0 : index
    %get3A_120 = vector.load %arg10[%get3A_117, %get3A_118, %get3A_119] : memref<4x1x2xf32, #tpu.memory_space<vmem>>, vector<1x1x2xf32>
    %get3A_121 = vector.shape_cast %get3A_120 : vector<1x1x2xf32> to vector<1x2xf32>
    %mul3A = arith.mulf %add3A_101, %get3A_121 : vector<1x2xf32>
    %reduce_sum3A_122 = vector.shape_cast %mul3A : vector<1x2xf32> to vector<1x1x2xf32>
    %reduce_sum3A_123 = arith.constant dense<0.000000e+00> : vector<1xf32>
    %reduce_sum3A_124 = vector.multi_reduction <add>, %reduce_sum3A_122, %reduce_sum3A_123 [1, 2] : vector<1x1x2xf32> to vector<1xf32>
    %reduce_sum3A_125 = vector.shape_cast %reduce_sum3A_124 : vector<1xf32> to vector<1x1x1xf32>
    %reduce_sum3A_126 = vector.extract %reduce_sum3A_125[0, 0, 0] : f32 from vector<1x1x1xf32>
    %sub3A_127 = arith.subf %add3A_116, %reduce_sum3A_126 : f32
    %mul3A_128 = arith.constant 1.562500e-02 : f32
    %mul3A_129 = arith.mulf %sub3A_127, %mul3A_128 : f32
    %reshape3A = vector.broadcast %mul3A_129 : f32 to vector<1x1xf32>
    %add3A_130 = arith.addf %broadcast_in_dim3A_0, %reshape3A : vector<1x1xf32>
    %get3A_131 = arith.constant 1 : index
    %get3A_132 = arith.constant 0 : index
    %get3A_133 = arith.constant 0 : index
    %get3A_134 = vector.load %arg1[%get3A_131, %get3A_132, %get3A_133] : memref<4x200x768xf32, #tpu.memory_space<vmem>>, vector<1x200x768xf32>
    %get3A_135 = vector.shape_cast %get3A_134 : vector<1x200x768xf32> to vector<200x768xf32>
    %get3A_136 = arith.constant 1 : index
    %get3A_137 = arith.constant 0 : index
    %get3A_138 = arith.constant 0 : index
    %get3A_139 = vector.load %arg3[%get3A_136, %get3A_137, %get3A_138] : memref<4x200x768xf32, #tpu.memory_space<vmem>>, vector<1x200x768xf32>
    %get3A_140 = vector.shape_cast %get3A_139 : vector<1x200x768xf32> to vector<200x768xf32>
    %get3A_141 = arith.constant 0 : index
    %get3A_142 = arith.constant 0 : index
    %get3A_143 = vector.load %arg5[%get3A_141, %get3A_142] : memref<8x768xf32, #tpu.memory_space<vmem>>, vector<8x768xf32>
    %dot_general3A_144 = arith.constant dense<0.000000e+00> : vector<8x200xf32>
    %dot_general3A_145 = tpu.matmul %get3A_143, %get3A_135, %dot_general3A_144 {dimension_numbers = #tpu.dot_dimension_numbers<[1], [1], [0], [0], [0, 0, 1, 0], [], []>, transpose_lhs_hint = false} : vector<8x768xf32>, vector<200x768xf32>, vector<8x200xf32> -> vector<8x200xf32>
    %get3A_146 = arith.constant 0 : index
    %get3A_147 = arith.constant 0 : index
    %get3A_148 = vector.load %arg6[%get3A_146, %get3A_147] : memref<8x1xf32, #tpu.memory_space<vmem>>, vector<8x1xf32>
    %add3A_149 = vector.broadcast %get3A_148 : vector<8x1xf32> to vector<8x200xf32>
    %add3A_150 = arith.addf %dot_general3A_145, %add3A_149 : vector<8x200xf32>
    %max3A_151 = arith.constant 0.000000e+00 : f32
    %max3A_152 = vector.broadcast %max3A_151 : f32 to vector<8x200xf32>
    %max3A_153 = arith.maximumf %add3A_150, %max3A_152 : vector<8x200xf32>
    %reduce_max3A_154 = arith.constant dense<0xFF800000> : vector<8xf32>
    %reduce_max3A_155 = vector.multi_reduction <maximumf>, %max3A_153, %reduce_max3A_154 [1] : vector<8x200xf32> to vector<8xf32>
    %broadcast_in_dim3A_156 = vector.shape_cast %reduce_max3A_155 : vector<8xf32> to vector<8x1xf32>
    %sub3A_157 = vector.broadcast %broadcast_in_dim3A_156 : vector<8x1xf32> to vector<8x200xf32>
    %sub3A_158 = arith.subf %max3A_153, %sub3A_157 : vector<8x200xf32>
    %exp3A_159 = math.exp %sub3A_158 : vector<8x200xf32>
    %reduce_sum3A_160 = arith.constant dense<0.000000e+00> : vector<8xf32>
    %reduce_sum3A_161 = vector.multi_reduction <add>, %exp3A_159, %reduce_sum3A_160 [1] : vector<8x200xf32> to vector<8xf32>
    %broadcast_in_dim3A_162 = vector.shape_cast %reduce_sum3A_161 : vector<8xf32> to vector<8x1xf32>
    %div3A_163 = vector.broadcast %broadcast_in_dim3A_162 : vector<8x1xf32> to vector<8x200xf32>
    %div3A_164 = arith.divf %exp3A_159, %div3A_163 : vector<8x200xf32>
    %reduce_sum3A_165 = arith.constant dense<0.000000e+00> : vector<200xf32>
    %reduce_sum3A_166 = vector.multi_reduction <add>, %div3A_164, %reduce_sum3A_165 [0] : vector<8x200xf32> to vector<200xf32>
    %broadcast_in_dim3A_167 = vector.shape_cast %reduce_sum3A_166 : vector<200xf32> to vector<1x200xf32>
    %div3A_168 = arith.constant 8.000000e+00 : f32
    %div3A_169 = vector.broadcast %div3A_168 : f32 to vector<1x200xf32>
    %div3A_170 = arith.divf %broadcast_in_dim3A_167, %div3A_169 : vector<1x200xf32>
    %dot_general3A_171 = arith.constant dense<0.000000e+00> : vector<1x768xf32>
    %dot_general3A_172 = tpu.matmul %div3A_170, %get3A_140, %dot_general3A_171 {dimension_numbers = #tpu.dot_dimension_numbers<[1], [0], [0], [1], [0, 0, 1, 1], [], []>, transpose_lhs_hint = false} : vector<1x200xf32>, vector<200x768xf32>, vector<1x768xf32> -> vector<1x768xf32>
    %get3A_173 = arith.constant 1 : index
    %get3A_174 = arith.constant 0 : index
    %get3A_175 = arith.constant 0 : index
    %get3A_176 = vector.load %arg2[%get3A_173, %get3A_174, %get3A_175] : memref<4x200x768xf32, #tpu.memory_space<vmem>>, vector<1x200x768xf32>
    %get3A_177 = vector.shape_cast %get3A_176 : vector<1x200x768xf32> to vector<200x768xf32>
    %get3A_178 = arith.constant 1 : index
    %get3A_179 = arith.constant 0 : index
    %get3A_180 = arith.constant 0 : index
    %get3A_181 = vector.load %arg4[%get3A_178, %get3A_179, %get3A_180] : memref<4x200x768xf32, #tpu.memory_space<vmem>>, vector<1x200x768xf32>
    %get3A_182 = vector.shape_cast %get3A_181 : vector<1x200x768xf32> to vector<200x768xf32>
    %get3A_183 = arith.constant 0 : index
    %get3A_184 = arith.constant 0 : index
    %get3A_185 = vector.load %arg5[%get3A_183, %get3A_184] : memref<8x768xf32, #tpu.memory_space<vmem>>, vector<8x768xf32>
    %dot_general3A_186 = arith.constant dense<0.000000e+00> : vector<8x200xf32>
    %dot_general3A_187 = tpu.matmul %get3A_185, %get3A_177, %dot_general3A_186 {dimension_numbers = #tpu.dot_dimension_numbers<[1], [1], [0], [0], [0, 0, 1, 0], [], []>, transpose_lhs_hint = false} : vector<8x768xf32>, vector<200x768xf32>, vector<8x200xf32> -> vector<8x200xf32>
    %get3A_188 = arith.constant 0 : index
    %get3A_189 = arith.constant 0 : index
    %get3A_190 = vector.load %arg6[%get3A_188, %get3A_189] : memref<8x1xf32, #tpu.memory_space<vmem>>, vector<8x1xf32>
    %add3A_191 = vector.broadcast %get3A_190 : vector<8x1xf32> to vector<8x200xf32>
    %add3A_192 = arith.addf %dot_general3A_187, %add3A_191 : vector<8x200xf32>
    %max3A_193 = arith.constant 0.000000e+00 : f32
    %max3A_194 = vector.broadcast %max3A_193 : f32 to vector<8x200xf32>
    %max3A_195 = arith.maximumf %add3A_192, %max3A_194 : vector<8x200xf32>
    %reduce_max3A_196 = arith.constant dense<0xFF800000> : vector<8xf32>
    %reduce_max3A_197 = vector.multi_reduction <maximumf>, %max3A_195, %reduce_max3A_196 [1] : vector<8x200xf32> to vector<8xf32>
    %broadcast_in_dim3A_198 = vector.shape_cast %reduce_max3A_197 : vector<8xf32> to vector<8x1xf32>
    %sub3A_199 = vector.broadcast %broadcast_in_dim3A_198 : vector<8x1xf32> to vector<8x200xf32>
    %sub3A_200 = arith.subf %max3A_195, %sub3A_199 : vector<8x200xf32>
    %exp3A_201 = math.exp %sub3A_200 : vector<8x200xf32>
    %reduce_sum3A_202 = arith.constant dense<0.000000e+00> : vector<8xf32>
    %reduce_sum3A_203 = vector.multi_reduction <add>, %exp3A_201, %reduce_sum3A_202 [1] : vector<8x200xf32> to vector<8xf32>
    %broadcast_in_dim3A_204 = vector.shape_cast %reduce_sum3A_203 : vector<8xf32> to vector<8x1xf32>
    %div3A_205 = vector.broadcast %broadcast_in_dim3A_204 : vector<8x1xf32> to vector<8x200xf32>
    %div3A_206 = arith.divf %exp3A_201, %div3A_205 : vector<8x200xf32>
    %reduce_sum3A_207 = arith.constant dense<0.000000e+00> : vector<200xf32>
    %reduce_sum3A_208 = vector.multi_reduction <add>, %div3A_206, %reduce_sum3A_207 [0] : vector<8x200xf32> to vector<200xf32>
    %broadcast_in_dim3A_209 = vector.shape_cast %reduce_sum3A_208 : vector<200xf32> to vector<1x200xf32>
    %div3A_210 = arith.constant 8.000000e+00 : f32
    %div3A_211 = vector.broadcast %div3A_210 : f32 to vector<1x200xf32>
    %div3A_212 = arith.divf %broadcast_in_dim3A_209, %div3A_211 : vector<1x200xf32>
    %dot_general3A_213 = arith.constant dense<0.000000e+00> : vector<1x768xf32>
    %dot_general3A_214 = tpu.matmul %div3A_212, %get3A_182, %dot_general3A_213 {dimension_numbers = #tpu.dot_dimension_numbers<[1], [0], [0], [1], [0, 0, 1, 1], [], []>, transpose_lhs_hint = false} : vector<1x200xf32>, vector<200x768xf32>, vector<1x768xf32> -> vector<1x768xf32>
    %swap3A_215 = arith.constant 1 : index
    %swap3A_216 = arith.constant 0 : index
    %swap3A_217 = arith.constant 0 : index
    %swap3A_218 = vector.load %arg13[%swap3A_215, %swap3A_216, %swap3A_217] : memref<4x1x200xf32, #tpu.memory_space<vmem>>, vector<1x1x200xf32>
    %swap3A_219 = vector.shape_cast %swap3A_218 : vector<1x1x200xf32> to vector<1x200xf32>
    %swap3A_220 = vector.shape_cast %div3A_170 : vector<1x200xf32> to vector<1x1x200xf32>
    tpu.vector_store %arg13[%swap3A_215, %swap3A_216, %swap3A_217], %swap3A_220 {strides = array<i32>} : memref<4x1x200xf32, #tpu.memory_space<vmem>>, vector<1x1x200xf32>,
    %swap3A_221 = arith.constant 1 : index
    %swap3A_222 = arith.constant 0 : index
    %swap3A_223 = arith.constant 0 : index
    %swap3A_224 = vector.load %arg14[%swap3A_221, %swap3A_222, %swap3A_223] : memref<4x1x200xf32, #tpu.memory_space<vmem>>, vector<1x1x200xf32>
    %swap3A_225 = vector.shape_cast %swap3A_224 : vector<1x1x200xf32> to vector<1x200xf32>
    %swap3A_226 = vector.shape_cast %div3A_212 : vector<1x200xf32> to vector<1x1x200xf32>
    tpu.vector_store %arg14[%swap3A_221, %swap3A_222, %swap3A_223], %swap3A_226 {strides = array<i32>} : memref<4x1x200xf32, #tpu.memory_space<vmem>>, vector<1x1x200xf32>,
    %get3A_227 = arith.constant 0 : index
    %get3A_228 = arith.constant 0 : index
    %get3A_229 = vector.load %arg7[%get3A_227, %get3A_228] : memref<768x2xf32, #tpu.memory_space<vmem>>, vector<768x2xf32>
    %dot_general3A_230 = arith.constant dense<0.000000e+00> : vector<1x2xf32>
    %dot_general3A_231 = tpu.matmul %dot_general3A_172, %get3A_229, %dot_general3A_230 {dimension_numbers = #tpu.dot_dimension_numbers<[1], [0], [0], [1], [0, 0, 1, 1], [], []>, transpose_lhs_hint = false} : vector<1x768xf32>, vector<768x2xf32>, vector<1x2xf32> -> vector<1x2xf32>
    %get3A_232 = arith.constant 0 : index
    %get3A_233 = arith.constant 0 : index
    %get3A_234 = vector.load %arg8[%get3A_232, %get3A_233] : memref<768x2xf32, #tpu.memory_space<vmem>>, vector<768x2xf32>
    %dot_general3A_235 = arith.constant dense<0.000000e+00> : vector<1x2xf32>
    %dot_general3A_236 = tpu.matmul %dot_general3A_214, %get3A_234, %dot_general3A_235 {dimension_numbers = #tpu.dot_dimension_numbers<[1], [0], [0], [1], [0, 0, 1, 1], [], []>, transpose_lhs_hint = false} : vector<1x768xf32>, vector<768x2xf32>, vector<1x2xf32> -> vector<1x2xf32>
    %add3A_237 = arith.addf %dot_general3A_231, %dot_general3A_236 : vector<1x2xf32>
    %get3A_238 = arith.constant 0 : index
    %get3A_239 = arith.constant 0 : index
    %get3A_240 = vector.load %arg9[%get3A_238, %get3A_239] : memref<1x2xf32, #tpu.memory_space<vmem>>, vector<1x2xf32>
    %add3A_241 = arith.addf %add3A_237, %get3A_240 : vector<1x2xf32>
    %swap3A_242 = arith.constant 1 : index
    %swap3A_243 = arith.constant 0 : index
    %swap3A_244 = arith.constant 0 : index
    %swap3A_245 = vector.load %arg11[%swap3A_242, %swap3A_243, %swap3A_244] : memref<4x1x2xf32, #tpu.memory_space<vmem>>, vector<1x1x2xf32>
    %swap3A_246 = vector.shape_cast %swap3A_245 : vector<1x1x2xf32> to vector<1x2xf32>
    %swap3A_247 = vector.shape_cast %add3A_241 : vector<1x2xf32> to vector<1x1x2xf32>
    tpu.vector_store %arg11[%swap3A_242, %swap3A_243, %swap3A_244], %swap3A_247 {strides = array<i32>} : memref<4x1x2xf32, #tpu.memory_space<vmem>>, vector<1x1x2xf32>,
    %slice3A_248 = vector.extract_strided_slice %add3A_241 {offsets = [0, 0], sizes = [1, 1], strides = [1, 1]} : vector<1x2xf32> to vector<1x1xf32>
    %squeeze3A_249 = vector.extract %slice3A_248[0, 0] : f32 from vector<1x1xf32>
    %slice3A_250 = vector.extract_strided_slice %add3A_241 {offsets = [0, 1], sizes = [1, 1], strides = [1, 1]} : vector<1x2xf32> to vector<1x1xf32>
    %squeeze3A_251 = vector.extract %slice3A_250[0, 0] : f32 from vector<1x1xf32>
    %max3A_252 = arith.maximumf %squeeze3A_249, %squeeze3A_251 : f32
    %sub3A_253 = arith.subf %squeeze3A_249, %max3A_252 : f32
    %exp3A_254 = math.exp %sub3A_253 : f32
    %sub3A_255 = arith.subf %squeeze3A_251, %max3A_252 : f32
    %exp3A_256 = math.exp %sub3A_255 : f32
    %add3A_257 = arith.addf %exp3A_254, %exp3A_256 : f32
    %log3A_258 = math.log %add3A_257 : f32
    %add3A_259 = arith.addf %max3A_252, %log3A_258 : f32
    %get3A_260 = arith.constant 1 : index
    %get3A_261 = arith.constant 0 : index
    %get3A_262 = arith.constant 0 : index
    %get3A_263 = vector.load %arg10[%get3A_260, %get3A_261, %get3A_262] : memref<4x1x2xf32, #tpu.memory_space<vmem>>, vector<1x1x2xf32>
    %get3A_264 = vector.shape_cast %get3A_263 : vector<1x1x2xf32> to vector<1x2xf32>
    %mul3A_265 = arith.mulf %add3A_241, %get3A_264 : vector<1x2xf32>
    %reduce_sum3A_266 = vector.shape_cast %mul3A_265 : vector<1x2xf32> to vector<1x1x2xf32>
    %reduce_sum3A_267 = arith.constant dense<0.000000e+00> : vector<1xf32>
    %reduce_sum3A_268 = vector.multi_reduction <add>, %reduce_sum3A_266, %reduce_sum3A_267 [1, 2] : vector<1x1x2xf32> to vector<1xf32>
    %reduce_sum3A_269 = vector.shape_cast %reduce_sum3A_268 : vector<1xf32> to vector<1x1x1xf32>
    %reduce_sum3A_270 = vector.extract %reduce_sum3A_269[0, 0, 0] : f32 from vector<1x1x1xf32>
    %sub3A_271 = arith.subf %add3A_259, %reduce_sum3A_270 : f32
    %mul3A_272 = arith.constant 1.562500e-02 : f32
    %mul3A_273 = arith.mulf %sub3A_271, %mul3A_272 : f32
    %reshape3A_274 = vector.broadcast %mul3A_273 : f32 to vector<1x1xf32>
    %add3A_275 = arith.addf %add3A_130, %reshape3A_274 : vector<1x1xf32>
    %get3A_276 = arith.constant 2 : index
    %get3A_277 = arith.constant 0 : index
    %get3A_278 = arith.constant 0 : index
    %get3A_279 = vector.load %arg1[%get3A_276, %get3A_277, %get3A_278] : memref<4x200x768xf32, #tpu.memory_space<vmem>>, vector<1x200x768xf32>
    %get3A_280 = vector.shape_cast %get3A_279 : vector<1x200x768xf32> to vector<200x768xf32>
    %get3A_281 = arith.constant 2 : index
    %get3A_282 = arith.constant 0 : index
    %get3A_283 = arith.constant 0 : index
    %get3A_284 = vector.load %arg3[%get3A_281, %get3A_282, %get3A_283] : memref<4x200x768xf32, #tpu.memory_space<vmem>>, vector<1x200x768xf32>
    %get3A_285 = vector.shape_cast %get3A_284 : vector<1x200x768xf32> to vector<200x768xf32>
    %get3A_286 = arith.constant 0 : index
    %get3A_287 = arith.constant 0 : index
    %get3A_288 = vector.load %arg5[%get3A_286, %get3A_287] : memref<8x768xf32, #tpu.memory_space<vmem>>, vector<8x768xf32>
    %dot_general3A_289 = arith.constant dense<0.000000e+00> : vector<8x200xf32>
    %dot_general3A_290 = tpu.matmul %get3A_288, %get3A_280, %dot_general3A_289 {dimension_numbers = #tpu.dot_dimension_numbers<[1], [1], [0], [0], [0, 0, 1, 0], [], []>, transpose_lhs_hint = false} : vector<8x768xf32>, vector<200x768xf32>, vector<8x200xf32> -> vector<8x200xf32>
    %get3A_291 = arith.constant 0 : index
    %get3A_292 = arith.constant 0 : index
    %get3A_293 = vector.load %arg6[%get3A_291, %get3A_292] : memref<8x1xf32, #tpu.memory_space<vmem>>, vector<8x1xf32>
    %add3A_294 = vector.broadcast %get3A_293 : vector<8x1xf32> to vector<8x200xf32>
    %add3A_295 = arith.addf %dot_general3A_290, %add3A_294 : vector<8x200xf32>
    %max3A_296 = arith.constant 0.000000e+00 : f32
    %max3A_297 = vector.broadcast %max3A_296 : f32 to vector<8x200xf32>
    %max3A_298 = arith.maximumf %add3A_295, %max3A_297 : vector<8x200xf32>
    %reduce_max3A_299 = arith.constant dense<0xFF800000> : vector<8xf32>
    %reduce_max3A_300 = vector.multi_reduction <maximumf>, %max3A_298, %reduce_max3A_299 [1] : vector<8x200xf32> to vector<8xf32>
    %broadcast_in_dim3A_301 = vector.shape_cast %reduce_max3A_300 : vector<8xf32> to vector<8x1xf32>
    %sub3A_302 = vector.broadcast %broadcast_in_dim3A_301 : vector<8x1xf32> to vector<8x200xf32>
    %sub3A_303 = arith.subf %max3A_298, %sub3A_302 : vector<8x200xf32>
    %exp3A_304 = math.exp %sub3A_303 : vector<8x200xf32>
    %reduce_sum3A_305 = arith.constant dense<0.000000e+00> : vector<8xf32>
    %reduce_sum3A_306 = vector.multi_reduction <add>, %exp3A_304, %reduce_sum3A_305 [1] : vector<8x200xf32> to vector<8xf32>
    %broadcast_in_dim3A_307 = vector.shape_cast %reduce_sum3A_306 : vector<8xf32> to vector<8x1xf32>
    %div3A_308 = vector.broadcast %broadcast_in_dim3A_307 : vector<8x1xf32> to vector<8x200xf32>
    %div3A_309 = arith.divf %exp3A_304, %div3A_308 : vector<8x200xf32>
    %reduce_sum3A_310 = arith.constant dense<0.000000e+00> : vector<200xf32>
    %reduce_sum3A_311 = vector.multi_reduction <add>, %div3A_309, %reduce_sum3A_310 [0] : vector<8x200xf32> to vector<200xf32>
    %broadcast_in_dim3A_312 = vector.shape_cast %reduce_sum3A_311 : vector<200xf32> to vector<1x200xf32>
    %div3A_313 = arith.constant 8.000000e+00 : f32
    %div3A_314 = vector.broadcast %div3A_313 : f32 to vector<1x200xf32>
    %div3A_315 = arith.divf %broadcast_in_dim3A_312, %div3A_314 : vector<1x200xf32>
    %dot_general3A_316 = arith.constant dense<0.000000e+00> : vector<1x768xf32>
    %dot_general3A_317 = tpu.matmul %div3A_315, %get3A_285, %dot_general3A_316 {dimension_numbers = #tpu.dot_dimension_numbers<[1], [0], [0], [1], [0, 0, 1, 1], [], []>, transpose_lhs_hint = false} : vector<1x200xf32>, vector<200x768xf32>, vector<1x768xf32> -> vector<1x768xf32>
    %get3A_318 = arith.constant 2 : index
    %get3A_319 = arith.constant 0 : index
    %get3A_320 = arith.constant 0 : index
    %get3A_321 = vector.load %arg2[%get3A_318, %get3A_319, %get3A_320] : memref<4x200x768xf32, #tpu.memory_space<vmem>>, vector<1x200x768xf32>
    %get3A_322 = vector.shape_cast %get3A_321 : vector<1x200x768xf32> to vector<200x768xf32>
    %get3A_323 = arith.constant 2 : index
    %get3A_324 = arith.constant 0 : index
    %get3A_325 = arith.constant 0 : index
    %get3A_326 = vector.load %arg4[%get3A_323, %get3A_324, %get3A_325] : memref<4x200x768xf32, #tpu.memory_space<vmem>>, vector<1x200x768xf32>
    %get3A_327 = vector.shape_cast %get3A_326 : vector<1x200x768xf32> to vector<200x768xf32>
    %get3A_328 = arith.constant 0 : index
    %get3A_329 = arith.constant 0 : index
    %get3A_330 = vector.load %arg5[%get3A_328, %get3A_329] : memref<8x768xf32, #tpu.memory_space<vmem>>, vector<8x768xf32>
    %dot_general3A_331 = arith.constant dense<0.000000e+00> : vector<8x200xf32>
    %dot_general3A_332 = tpu.matmul %get3A_330, %get3A_322, %dot_general3A_331 {dimension_numbers = #tpu.dot_dimension_numbers<[1], [1], [0], [0], [0, 0, 1, 0], [], []>, transpose_lhs_hint = false} : vector<8x768xf32>, vector<200x768xf32>, vector<8x200xf32> -> vector<8x200xf32>
    %get3A_333 = arith.constant 0 : index
    %get3A_334 = arith.constant 0 : index
    %get3A_335 = vector.load %arg6[%get3A_333, %get3A_334] : memref<8x1xf32, #tpu.memory_space<vmem>>, vector<8x1xf32>
    %add3A_336 = vector.broadcast %get3A_335 : vector<8x1xf32> to vector<8x200xf32>
    %add3A_337 = arith.addf %dot_general3A_332, %add3A_336 : vector<8x200xf32>
    %max3A_338 = arith.constant 0.000000e+00 : f32
    %max3A_339 = vector.broadcast %max3A_338 : f32 to vector<8x200xf32>
    %max3A_340 = arith.maximumf %add3A_337, %max3A_339 : vector<8x200xf32>
    %reduce_max3A_341 = arith.constant dense<0xFF800000> : vector<8xf32>
    %reduce_max3A_342 = vector.multi_reduction <maximumf>, %max3A_340, %reduce_max3A_341 [1] : vector<8x200xf32> to vector<8xf32>
    %broadcast_in_dim3A_343 = vector.shape_cast %reduce_max3A_342 : vector<8xf32> to vector<8x1xf32>
    %sub3A_344 = vector.broadcast %broadcast_in_dim3A_343 : vector<8x1xf32> to vector<8x200xf32>
    %sub3A_345 = arith.subf %max3A_340, %sub3A_344 : vector<8x200xf32>
    %exp3A_346 = math.exp %sub3A_345 : vector<8x200xf32>
    %reduce_sum3A_347 = arith.constant dense<0.000000e+00> : vector<8xf32>
    %reduce_sum3A_348 = vector.multi_reduction <add>, %exp3A_346, %reduce_sum3A_347 [1] : vector<8x200xf32> to vector<8xf32>
    %broadcast_in_dim3A_349 = vector.shape_cast %reduce_sum3A_348 : vector<8xf32> to vector<8x1xf32>
    %div3A_350 = vector.broadcast %broadcast_in_dim3A_349 : vector<8x1xf32> to vector<8x200xf32>
    %div3A_351 = arith.divf %exp3A_346, %div3A_350 : vector<8x200xf32>
    %reduce_sum3A_352 = arith.constant dense<0.000000e+00> : vector<200xf32>
    %reduce_sum3A_353 = vector.multi_reduction <add>, %div3A_351, %reduce_sum3A_352 [0] : vector<8x200xf32> to vector<200xf32>
    %broadcast_in_dim3A_354 = vector.shape_cast %reduce_sum3A_353 : vector<200xf32> to vector<1x200xf32>
    %div3A_355 = arith.constant 8.000000e+00 : f32
    %div3A_356 = vector.broadcast %div3A_355 : f32 to vector<1x200xf32>
    %div3A_357 = arith.divf %broadcast_in_dim3A_354, %div3A_356 : vector<1x200xf32>
    %dot_general3A_358 = arith.constant dense<0.000000e+00> : vector<1x768xf32>
    %dot_general3A_359 = tpu.matmul %div3A_357, %get3A_327, %dot_general3A_358 {dimension_numbers = #tpu.dot_dimension_numbers<[1], [0], [0], [1], [0, 0, 1, 1], [], []>, transpose_lhs_hint = false} : vector<1x200xf32>, vector<200x768xf32>, vector<1x768xf32> -> vector<1x768xf32>
    %swap3A_360 = arith.constant 2 : index
    %swap3A_361 = arith.constant 0 : index
    %swap3A_362 = arith.constant 0 : index
    %swap3A_363 = vector.load %arg13[%swap3A_360, %swap3A_361, %swap3A_362] : memref<4x1x200xf32, #tpu.memory_space<vmem>>, vector<1x1x200xf32>
    %swap3A_364 = vector.shape_cast %swap3A_363 : vector<1x1x200xf32> to vector<1x200xf32>
    %swap3A_365 = vector.shape_cast %div3A_315 : vector<1x200xf32> to vector<1x1x200xf32>
    tpu.vector_store %arg13[%swap3A_360, %swap3A_361, %swap3A_362], %swap3A_365 {strides = array<i32>} : memref<4x1x200xf32, #tpu.memory_space<vmem>>, vector<1x1x200xf32>,
    %swap3A_366 = arith.constant 2 : index
    %swap3A_367 = arith.constant 0 : index
    %swap3A_368 = arith.constant 0 : index
    %swap3A_369 = vector.load %arg14[%swap3A_366, %swap3A_367, %swap3A_368] : memref<4x1x200xf32, #tpu.memory_space<vmem>>, vector<1x1x200xf32>
    %swap3A_370 = vector.shape_cast %swap3A_369 : vector<1x1x200xf32> to vector<1x200xf32>
    %swap3A_371 = vector.shape_cast %div3A_357 : vector<1x200xf32> to vector<1x1x200xf32>
    tpu.vector_store %arg14[%swap3A_366, %swap3A_367, %swap3A_368], %swap3A_371 {strides = array<i32>} : memref<4x1x200xf32, #tpu.memory_space<vmem>>, vector<1x1x200xf32>,
    %get3A_372 = arith.constant 0 : index
    %get3A_373 = arith.constant 0 : index
    %get3A_374 = vector.load %arg7[%get3A_372, %get3A_373] : memref<768x2xf32, #tpu.memory_space<vmem>>, vector<768x2xf32>
    %dot_general3A_375 = arith.constant dense<0.000000e+00> : vector<1x2xf32>
    %dot_general3A_376 = tpu.matmul %dot_general3A_317, %get3A_374, %dot_general3A_375 {dimension_numbers = #tpu.dot_dimension_numbers<[1], [0], [0], [1], [0, 0, 1, 1], [], []>, transpose_lhs_hint = false} : vector<1x768xf32>, vector<768x2xf32>, vector<1x2xf32> -> vector<1x2xf32>
    %get3A_377 = arith.constant 0 : index
    %get3A_378 = arith.constant 0 : index
    %get3A_379 = vector.load %arg8[%get3A_377, %get3A_378] : memref<768x2xf32, #tpu.memory_space<vmem>>, vector<768x2xf32>
    %dot_general3A_380 = arith.constant dense<0.000000e+00> : vector<1x2xf32>
    %dot_general3A_381 = tpu.matmul %dot_general3A_359, %get3A_379, %dot_general3A_380 {dimension_numbers = #tpu.dot_dimension_numbers<[1], [0], [0], [1], [0, 0, 1, 1], [], []>, transpose_lhs_hint = false} : vector<1x768xf32>, vector<768x2xf32>, vector<1x2xf32> -> vector<1x2xf32>
    %add3A_382 = arith.addf %dot_general3A_376, %dot_general3A_381 : vector<1x2xf32>
    %get3A_383 = arith.constant 0 : index
    %get3A_384 = arith.constant 0 : index
    %get3A_385 = vector.load %arg9[%get3A_383, %get3A_384] : memref<1x2xf32, #tpu.memory_space<vmem>>, vector<1x2xf32>
    %add3A_386 = arith.addf %add3A_382, %get3A_385 : vector<1x2xf32>
    %swap3A_387 = arith.constant 2 : index
    %swap3A_388 = arith.constant 0 : index
    %swap3A_389 = arith.constant 0 : index
    %swap3A_390 = vector.load %arg11[%swap3A_387, %swap3A_388, %swap3A_389] : memref<4x1x2xf32, #tpu.memory_space<vmem>>, vector<1x1x2xf32>
    %swap3A_391 = vector.shape_cast %swap3A_390 : vector<1x1x2xf32> to vector<1x2xf32>
    %swap3A_392 = vector.shape_cast %add3A_386 : vector<1x2xf32> to vector<1x1x2xf32>
    tpu.vector_store %arg11[%swap3A_387, %swap3A_388, %swap3A_389], %swap3A_392 {strides = array<i32>} : memref<4x1x2xf32, #tpu.memory_space<vmem>>, vector<1x1x2xf32>,
    %slice3A_393 = vector.extract_strided_slice %add3A_386 {offsets = [0, 0], sizes = [1, 1], strides = [1, 1]} : vector<1x2xf32> to vector<1x1xf32>
    %squeeze3A_394 = vector.extract %slice3A_393[0, 0] : f32 from vector<1x1xf32>
    %slice3A_395 = vector.extract_strided_slice %add3A_386 {offsets = [0, 1], sizes = [1, 1], strides = [1, 1]} : vector<1x2xf32> to vector<1x1xf32>
    %squeeze3A_396 = vector.extract %slice3A_395[0, 0] : f32 from vector<1x1xf32>
    %max3A_397 = arith.maximumf %squeeze3A_394, %squeeze3A_396 : f32
    %sub3A_398 = arith.subf %squeeze3A_394, %max3A_397 : f32
    %exp3A_399 = math.exp %sub3A_398 : f32
    %sub3A_400 = arith.subf %squeeze3A_396, %max3A_397 : f32
    %exp3A_401 = math.exp %sub3A_400 : f32
    %add3A_402 = arith.addf %exp3A_399, %exp3A_401 : f32
    %log3A_403 = math.log %add3A_402 : f32
    %add3A_404 = arith.addf %max3A_397, %log3A_403 : f32
    %get3A_405 = arith.constant 2 : index
    %get3A_406 = arith.constant 0 : index
    %get3A_407 = arith.constant 0 : index
    %get3A_408 = vector.load %arg10[%get3A_405, %get3A_406, %get3A_407] : memref<4x1x2xf32, #tpu.memory_space<vmem>>, vector<1x1x2xf32>
    %get3A_409 = vector.shape_cast %get3A_408 : vector<1x1x2xf32> to vector<1x2xf32>
    %mul3A_410 = arith.mulf %add3A_386, %get3A_409 : vector<1x2xf32>
    %reduce_sum3A_411 = vector.shape_cast %mul3A_410 : vector<1x2xf32> to vector<1x1x2xf32>
    %reduce_sum3A_412 = arith.constant dense<0.000000e+00> : vector<1xf32>
    %reduce_sum3A_413 = vector.multi_reduction <add>, %reduce_sum3A_411, %reduce_sum3A_412 [1, 2] : vector<1x1x2xf32> to vector<1xf32>
    %reduce_sum3A_414 = vector.shape_cast %reduce_sum3A_413 : vector<1xf32> to vector<1x1x1xf32>
    %reduce_sum3A_415 = vector.extract %reduce_sum3A_414[0, 0, 0] : f32 from vector<1x1x1xf32>
    %sub3A_416 = arith.subf %add3A_404, %reduce_sum3A_415 : f32
    %mul3A_417 = arith.constant 1.562500e-02 : f32
    %mul3A_418 = arith.mulf %sub3A_416, %mul3A_417 : f32
    %reshape3A_419 = vector.broadcast %mul3A_418 : f32 to vector<1x1xf32>
    %add3A_420 = arith.addf %add3A_275, %reshape3A_419 : vector<1x1xf32>
    %get3A_421 = arith.constant 3 : index
    %get3A_422 = arith.constant 0 : index
    %get3A_423 = arith.constant 0 : index
    %get3A_424 = vector.load %arg1[%get3A_421, %get3A_422, %get3A_423] : memref<4x200x768xf32, #tpu.memory_space<vmem>>, vector<1x200x768xf32>
    %get3A_425 = vector.shape_cast %get3A_424 : vector<1x200x768xf32> to vector<200x768xf32>
    %get3A_426 = arith.constant 3 : index
    %get3A_427 = arith.constant 0 : index
    %get3A_428 = arith.constant 0 : index
    %get3A_429 = vector.load %arg3[%get3A_426, %get3A_427, %get3A_428] : memref<4x200x768xf32, #tpu.memory_space<vmem>>, vector<1x200x768xf32>
    %get3A_430 = vector.shape_cast %get3A_429 : vector<1x200x768xf32> to vector<200x768xf32>
    %get3A_431 = arith.constant 0 : index
    %get3A_432 = arith.constant 0 : index
    %get3A_433 = vector.load %arg5[%get3A_431, %get3A_432] : memref<8x768xf32, #tpu.memory_space<vmem>>, vector<8x768xf32>
    %dot_general3A_434 = arith.constant dense<0.000000e+00> : vector<8x200xf32>
    %dot_general3A_435 = tpu.matmul %get3A_433, %get3A_425, %dot_general3A_434 {dimension_numbers = #tpu.dot_dimension_numbers<[1], [1], [0], [0], [0, 0, 1, 0], [], []>, transpose_lhs_hint = false} : vector<8x768xf32>, vector<200x768xf32>, vector<8x200xf32> -> vector<8x200xf32>
    %get3A_436 = arith.constant 0 : index
    %get3A_437 = arith.constant 0 : index
    %get3A_438 = vector.load %arg6[%get3A_436, %get3A_437] : memref<8x1xf32, #tpu.memory_space<vmem>>, vector<8x1xf32>
    %add3A_439 = vector.broadcast %get3A_438 : vector<8x1xf32> to vector<8x200xf32>
    %add3A_440 = arith.addf %dot_general3A_435, %add3A_439 : vector<8x200xf32>
    %max3A_441 = arith.constant 0.000000e+00 : f32
    %max3A_442 = vector.broadcast %max3A_441 : f32 to vector<8x200xf32>
    %max3A_443 = arith.maximumf %add3A_440, %max3A_442 : vector<8x200xf32>
    %reduce_max3A_444 = arith.constant dense<0xFF800000> : vector<8xf32>
    %reduce_max3A_445 = vector.multi_reduction <maximumf>, %max3A_443, %reduce_max3A_444 [1] : vector<8x200xf32> to vector<8xf32>
    %broadcast_in_dim3A_446 = vector.shape_cast %reduce_max3A_445 : vector<8xf32> to vector<8x1xf32>
    %sub3A_447 = vector.broadcast %broadcast_in_dim3A_446 : vector<8x1xf32> to vector<8x200xf32>
    %sub3A_448 = arith.subf %max3A_443, %sub3A_447 : vector<8x200xf32>
    %exp3A_449 = math.exp %sub3A_448 : vector<8x200xf32>
    %reduce_sum3A_450 = arith.constant dense<0.000000e+00> : vector<8xf32>
    %reduce_sum3A_451 = vector.multi_reduction <add>, %exp3A_449, %reduce_sum3A_450 [1] : vector<8x200xf32> to vector<8xf32>
    %broadcast_in_dim3A_452 = vector.shape_cast %reduce_sum3A_451 : vector<8xf32> to vector<8x1xf32>
    %div3A_453 = vector.broadcast %broadcast_in_dim3A_452 : vector<8x1xf32> to vector<8x200xf32>
    %div3A_454 = arith.divf %exp3A_449, %div3A_453 : vector<8x200xf32>
    %reduce_sum3A_455 = arith.constant dense<0.000000e+00> : vector<200xf32>
    %reduce_sum3A_456 = vector.multi_reduction <add>, %div3A_454, %reduce_sum3A_455 [0] : vector<8x200xf32> to vector<200xf32>
    %broadcast_in_dim3A_457 = vector.shape_cast %reduce_sum3A_456 : vector<200xf32> to vector<1x200xf32>
    %div3A_458 = arith.constant 8.000000e+00 : f32
    %div3A_459 = vector.broadcast %div3A_458 : f32 to vector<1x200xf32>
    %div3A_460 = arith.divf %broadcast_in_dim3A_457, %div3A_459 : vector<1x200xf32>
    %dot_general3A_461 = arith.constant dense<0.000000e+00> : vector<1x768xf32>
    %dot_general3A_462 = tpu.matmul %div3A_460, %get3A_430, %dot_general3A_461 {dimension_numbers = #tpu.dot_dimension_numbers<[1], [0], [0], [1], [0, 0, 1, 1], [], []>, transpose_lhs_hint = false} : vector<1x200xf32>, vector<200x768xf32>, vector<1x768xf32> -> vector<1x768xf32>
    %get3A_463 = arith.constant 3 : index
    %get3A_464 = arith.constant 0 : index
    %get3A_465 = arith.constant 0 : index
    %get3A_466 = vector.load %arg2[%get3A_463, %get3A_464, %get3A_465] : memref<4x200x768xf32, #tpu.memory_space<vmem>>, vector<1x200x768xf32>
    %get3A_467 = vector.shape_cast %get3A_466 : vector<1x200x768xf32> to vector<200x768xf32>
    %get3A_468 = arith.constant 3 : index
    %get3A_469 = arith.constant 0 : index
    %get3A_470 = arith.constant 0 : index
    %get3A_471 = vector.load %arg4[%get3A_468, %get3A_469, %get3A_470] : memref<4x200x768xf32, #tpu.memory_space<vmem>>, vector<1x200x768xf32>
    %get3A_472 = vector.shape_cast %get3A_471 : vector<1x200x768xf32> to vector<200x768xf32>
    %get3A_473 = arith.constant 0 : index
    %get3A_474 = arith.constant 0 : index
    %get3A_475 = vector.load %arg5[%get3A_473, %get3A_474] : memref<8x768xf32, #tpu.memory_space<vmem>>, vector<8x768xf32>
    %dot_general3A_476 = arith.constant dense<0.000000e+00> : vector<8x200xf32>
    %dot_general3A_477 = tpu.matmul %get3A_475, %get3A_467, %dot_general3A_476 {dimension_numbers = #tpu.dot_dimension_numbers<[1], [1], [0], [0], [0, 0, 1, 0], [], []>, transpose_lhs_hint = false} : vector<8x768xf32>, vector<200x768xf32>, vector<8x200xf32> -> vector<8x200xf32>
    %get3A_478 = arith.constant 0 : index
    %get3A_479 = arith.constant 0 : index
    %get3A_480 = vector.load %arg6[%get3A_478, %get3A_479] : memref<8x1xf32, #tpu.memory_space<vmem>>, vector<8x1xf32>
    %add3A_481 = vector.broadcast %get3A_480 : vector<8x1xf32> to vector<8x200xf32>
    %add3A_482 = arith.addf %dot_general3A_477, %add3A_481 : vector<8x200xf32>
    %max3A_483 = arith.constant 0.000000e+00 : f32
    %max3A_484 = vector.broadcast %max3A_483 : f32 to vector<8x200xf32>
    %max3A_485 = arith.maximumf %add3A_482, %max3A_484 : vector<8x200xf32>
    %reduce_max3A_486 = arith.constant dense<0xFF800000> : vector<8xf32>
    %reduce_max3A_487 = vector.multi_reduction <maximumf>, %max3A_485, %reduce_max3A_486 [1] : vector<8x200xf32> to vector<8xf32>
    %broadcast_in_dim3A_488 = vector.shape_cast %reduce_max3A_487 : vector<8xf32> to vector<8x1xf32>
    %sub3A_489 = vector.broadcast %broadcast_in_dim3A_488 : vector<8x1xf32> to vector<8x200xf32>
    %sub3A_490 = arith.subf %max3A_485, %sub3A_489 : vector<8x200xf32>
    %exp3A_491 = math.exp %sub3A_490 : vector<8x200xf32>
    %reduce_sum3A_492 = arith.constant dense<0.000000e+00> : vector<8xf32>
    %reduce_sum3A_493 = vector.multi_reduction <add>, %exp3A_491, %reduce_sum3A_492 [1] : vector<8x200xf32> to vector<8xf32>
    %broadcast_in_dim3A_494 = vector.shape_cast %reduce_sum3A_493 : vector<8xf32> to vector<8x1xf32>
    %div3A_495 = vector.broadcast %broadcast_in_dim3A_494 : vector<8x1xf32> to vector<8x200xf32>
    %div3A_496 = arith.divf %exp3A_491, %div3A_495 : vector<8x200xf32>
    %reduce_sum3A_497 = arith.constant dense<0.000000e+00> : vector<200xf32>
    %reduce_sum3A_498 = vector.multi_reduction <add>, %div3A_496, %reduce_sum3A_497 [0] : vector<8x200xf32> to vector<200xf32>
    %broadcast_in_dim3A_499 = vector.shape_cast %reduce_sum3A_498 : vector<200xf32> to vector<1x200xf32>
    %div3A_500 = arith.constant 8.000000e+00 : f32
    %div3A_501 = vector.broadcast %div3A_500 : f32 to vector<1x200xf32>
    %div3A_502 = arith.divf %broadcast_in_dim3A_499, %div3A_501 : vector<1x200xf32>
    %dot_general3A_503 = arith.constant dense<0.000000e+00> : vector<1x768xf32>
    %dot_general3A_504 = tpu.matmul %div3A_502, %get3A_472, %dot_general3A_503 {dimension_numbers = #tpu.dot_dimension_numbers<[1], [0], [0], [1], [0, 0, 1, 1], [], []>, transpose_lhs_hint = false} : vector<1x200xf32>, vector<200x768xf32>, vector<1x768xf32> -> vector<1x768xf32>
    %swap3A_505 = arith.constant 3 : index
    %swap3A_506 = arith.constant 0 : index
    %swap3A_507 = arith.constant 0 : index
    %swap3A_508 = vector.load %arg13[%swap3A_505, %swap3A_506, %swap3A_507] : memref<4x1x200xf32, #tpu.memory_space<vmem>>, vector<1x1x200xf32>
    %swap3A_509 = vector.shape_cast %swap3A_508 : vector<1x1x200xf32> to vector<1x200xf32>
    %swap3A_510 = vector.shape_cast %div3A_460 : vector<1x200xf32> to vector<1x1x200xf32>
    tpu.vector_store %arg13[%swap3A_505, %swap3A_506, %swap3A_507], %swap3A_510 {strides = array<i32>} : memref<4x1x200xf32, #tpu.memory_space<vmem>>, vector<1x1x200xf32>,
    %swap3A_511 = arith.constant 3 : index
    %swap3A_512 = arith.constant 0 : index
    %swap3A_513 = arith.constant 0 : index
    %swap3A_514 = vector.load %arg14[%swap3A_511, %swap3A_512, %swap3A_513] : memref<4x1x200xf32, #tpu.memory_space<vmem>>, vector<1x1x200xf32>
    %swap3A_515 = vector.shape_cast %swap3A_514 : vector<1x1x200xf32> to vector<1x200xf32>
    %swap3A_516 = vector.shape_cast %div3A_502 : vector<1x200xf32> to vector<1x1x200xf32>
    tpu.vector_store %arg14[%swap3A_511, %swap3A_512, %swap3A_513], %swap3A_516 {strides = array<i32>} : memref<4x1x200xf32, #tpu.memory_space<vmem>>, vector<1x1x200xf32>,
    %get3A_517 = arith.constant 0 : index
    %get3A_518 = arith.constant 0 : index
    %get3A_519 = vector.load %arg7[%get3A_517, %get3A_518] : memref<768x2xf32, #tpu.memory_space<vmem>>, vector<768x2xf32>
    %dot_general3A_520 = arith.constant dense<0.000000e+00> : vector<1x2xf32>
    %dot_general3A_521 = tpu.matmul %dot_general3A_462, %get3A_519, %dot_general3A_520 {dimension_numbers = #tpu.dot_dimension_numbers<[1], [0], [0], [1], [0, 0, 1, 1], [], []>, transpose_lhs_hint = false} : vector<1x768xf32>, vector<768x2xf32>, vector<1x2xf32> -> vector<1x2xf32>
    %get3A_522 = arith.constant 0 : index
    %get3A_523 = arith.constant 0 : index
    %get3A_524 = vector.load %arg8[%get3A_522, %get3A_523] : memref<768x2xf32, #tpu.memory_space<vmem>>, vector<768x2xf32>
    %dot_general3A_525 = arith.constant dense<0.000000e+00> : vector<1x2xf32>
    %dot_general3A_526 = tpu.matmul %dot_general3A_504, %get3A_524, %dot_general3A_525 {dimension_numbers = #tpu.dot_dimension_numbers<[1], [0], [0], [1], [0, 0, 1, 1], [], []>, transpose_lhs_hint = false} : vector<1x768xf32>, vector<768x2xf32>, vector<1x2xf32> -> vector<1x2xf32>
    %add3A_527 = arith.addf %dot_general3A_521, %dot_general3A_526 : vector<1x2xf32>
    %get3A_528 = arith.constant 0 : index
    %get3A_529 = arith.constant 0 : index
    %get3A_530 = vector.load %arg9[%get3A_528, %get3A_529] : memref<1x2xf32, #tpu.memory_space<vmem>>, vector<1x2xf32>
    %add3A_531 = arith.addf %add3A_527, %get3A_530 : vector<1x2xf32>
    %swap3A_532 = arith.constant 3 : index
    %swap3A_533 = arith.constant 0 : index
    %swap3A_534 = arith.constant 0 : index
    %swap3A_535 = vector.load %arg11[%swap3A_532, %swap3A_533, %swap3A_534] : memref<4x1x2xf32, #tpu.memory_space<vmem>>, vector<1x1x2xf32>
    %swap3A_536 = vector.shape_cast %swap3A_535 : vector<1x1x2xf32> to vector<1x2xf32>
    %swap3A_537 = vector.shape_cast %add3A_531 : vector<1x2xf32> to vector<1x1x2xf32>
    tpu.vector_store %arg11[%swap3A_532, %swap3A_533, %swap3A_534], %swap3A_537 {strides = array<i32>} : memref<4x1x2xf32, #tpu.memory_space<vmem>>, vector<1x1x2xf32>,
    %slice3A_538 = vector.extract_strided_slice %add3A_531 {offsets = [0, 0], sizes = [1, 1], strides = [1, 1]} : vector<1x2xf32> to vector<1x1xf32>
    %squeeze3A_539 = vector.extract %slice3A_538[0, 0] : f32 from vector<1x1xf32>
    %slice3A_540 = vector.extract_strided_slice %add3A_531 {offsets = [0, 1], sizes = [1, 1], strides = [1, 1]} : vector<1x2xf32> to vector<1x1xf32>
    %squeeze3A_541 = vector.extract %slice3A_540[0, 0] : f32 from vector<1x1xf32>
    %max3A_542 = arith.maximumf %squeeze3A_539, %squeeze3A_541 : f32
    %sub3A_543 = arith.subf %squeeze3A_539, %max3A_542 : f32
    %exp3A_544 = math.exp %sub3A_543 : f32
    %sub3A_545 = arith.subf %squeeze3A_541, %max3A_542 : f32
    %exp3A_546 = math.exp %sub3A_545 : f32
    %add3A_547 = arith.addf %exp3A_544, %exp3A_546 : f32
    %log3A_548 = math.log %add3A_547 : f32
    %add3A_549 = arith.addf %max3A_542, %log3A_548 : f32
    %get3A_550 = arith.constant 3 : index
    %get3A_551 = arith.constant 0 : index
    %get3A_552 = arith.constant 0 : index
    %get3A_553 = vector.load %arg10[%get3A_550, %get3A_551, %get3A_552] : memref<4x1x2xf32, #tpu.memory_space<vmem>>, vector<1x1x2xf32>
    %get3A_554 = vector.shape_cast %get3A_553 : vector<1x1x2xf32> to vector<1x2xf32>
    %mul3A_555 = arith.mulf %add3A_531, %get3A_554 : vector<1x2xf32>
    %reduce_sum3A_556 = vector.shape_cast %mul3A_555 : vector<1x2xf32> to vector<1x1x2xf32>
    %reduce_sum3A_557 = arith.constant dense<0.000000e+00> : vector<1xf32>
    %reduce_sum3A_558 = vector.multi_reduction <add>, %reduce_sum3A_556, %reduce_sum3A_557 [1, 2] : vector<1x1x2xf32> to vector<1xf32>
    %reduce_sum3A_559 = vector.shape_cast %reduce_sum3A_558 : vector<1xf32> to vector<1x1x1xf32>
    %reduce_sum3A_560 = vector.extract %reduce_sum3A_559[0, 0, 0] : f32 from vector<1x1x1xf32>
    %sub3A_561 = arith.subf %add3A_549, %reduce_sum3A_560 : f32
    %mul3A_562 = arith.constant 1.562500e-02 : f32
    %mul3A_563 = arith.mulf %sub3A_561, %mul3A_562 : f32
    %reshape3A_564 = vector.broadcast %mul3A_563 : f32 to vector<1x1xf32>
    %add3A_565 = arith.addf %add3A_420, %reshape3A_564 : vector<1x1xf32>
    %eq3A = arith.constant 0 : i32
    %eq3A_566 = arith.cmpi eq, %arg0, %eq3A : i32
    %convert_element_type3A = arith.extui %eq3A_566 : i1 to i32
    %cond3A = arith.constant 0 : i32
    %cond3A_567 = arith.cmpi ne, %convert_element_type3A, %cond3A : i32
    scf.if %cond3A_567 {
      %broadcast_in_dim3A_575 = arith.constant 0.000000e+00 : f32
      %broadcast_in_dim3A_576 = vector.broadcast %broadcast_in_dim3A_575 : f32 to vector<1x1xf32>
      %swap3A_577 = arith.constant 0 : index
      %swap3A_578 = arith.constant 0 : index
      %swap3A_579 = vector.load %arg12[%swap3A_577, %swap3A_578] : memref<1x1xf32, #tpu.memory_space<vmem>>, vector<1x1xf32>
      tpu.vector_store %arg12[%swap3A_577, %swap3A_578], %broadcast_in_dim3A_576 {strides = array<i32>} : memref<1x1xf32, #tpu.memory_space<vmem>>, vector<1x1xf32>,
    } else {
    }
    %get3A_568 = arith.constant 0 : index
    %get3A_569 = arith.constant 0 : index
    %get3A_570 = vector.load %arg12[%get3A_568, %get3A_569] : memref<1x1xf32, #tpu.memory_space<vmem>>, vector<1x1xf32>
    %add3A_571 = arith.addf %get3A_570, %add3A_565 : vector<1x1xf32>
    %swap3A_572 = arith.constant 0 : index
    %swap3A_573 = arith.constant 0 : index
    %swap3A_574 = vector.load %arg12[%swap3A_572, %swap3A_573] : memref<1x1xf32, #tpu.memory_space<vmem>>, vector<1x1xf32>
    tpu.vector_store %arg12[%swap3A_572, %swap3A_573], %add3A_571 {strides = array<i32>} : memref<1x1xf32, #tpu.memory_space<vmem>>, vector<1x1xf32>,
    return
  }
  func.func @transform_0(%arg0: i32) -> (i32, i32, i32) {
    %c0_i32 = arith.constant 0 : i32
    %c0_i32_0 = arith.constant 0 : i32
    %c0_i32_1 = arith.constant 0 : i32
    return %arg0, %c0_i32, %c0_i32_0 : i32, i32, i32
  }
  func.func @transform_1(%arg0: i32) -> (i32, i32, i32) {
    %add3A = arith.constant 4 : i32
    %add3A_0 = arith.addi %add3A, %arg0 : i32
    %c0_i32 = arith.constant 0 : i32
    %c0_i32_1 = arith.constant 0 : i32
    %c0_i32_2 = arith.constant 0 : i32
    return %add3A_0, %c0_i32, %c0_i32_1 : i32, i32, i32
  }
  func.func @transform_2(%arg0: i32) -> (i32, i32, i32) {
    %add3A = arith.constant 0 : i32
    %add3A_0 = arith.addi %add3A, %arg0 : i32
    %c0_i32 = arith.constant 0 : i32
    %c0_i32_1 = arith.constant 0 : i32
    %c0_i32_2 = arith.constant 0 : i32
    return %add3A_0, %c0_i32, %c0_i32_1 : i32, i32, i32
  }
  func.func @transform_3(%arg0: i32) -> (i32, i32, i32) {
    %add3A = arith.constant 0 : i32
    %add3A_0 = arith.addi %add3A, %arg0 : i32
    %c0_i32 = arith.constant 0 : i32
    %c0_i32_1 = arith.constant 0 : i32
    %c0_i32_2 = arith.constant 0 : i32
    return %add3A_0, %c0_i32, %c0_i32_1 : i32, i32, i32
  }
  func.func @transform_4(%arg0: i32) -> (i32, i32) {
    %c0_i32 = arith.constant 0 : i32
    %c0_i32_0 = arith.constant 0 : i32
    %c0_i32_1 = arith.constant 0 : i32
    return %c0_i32, %c0_i32_0 : i32, i32
  }
  func.func @transform_5(%arg0: i32) -> (i32, i32) {
    %c0_i32 = arith.constant 0 : i32
    %c0_i32_0 = arith.constant 0 : i32
    %c0_i32_1 = arith.constant 0 : i32
    return %c0_i32, %c0_i32_0 : i32, i32
  }
  func.func @transform_6(%arg0: i32) -> (i32, i32) {
    %c0_i32 = arith.constant 0 : i32
    %c0_i32_0 = arith.constant 0 : i32
    %c0_i32_1 = arith.constant 0 : i32
    return %c0_i32, %c0_i32_0 : i32, i32
  }
  func.func @transform_7(%arg0: i32) -> (i32, i32) {
    %c0_i32 = arith.constant 0 : i32
    %c0_i32_0 = arith.constant 0 : i32
    %c0_i32_1 = arith.constant 0 : i32
    return %c0_i32, %c0_i32_0 : i32, i32
  }
  func.func @transform_8(%arg0: i32) -> (i32, i32) {
    %c0_i32 = arith.constant 0 : i32
    %c0_i32_0 = arith.constant 0 : i32
    %c0_i32_1 = arith.constant 0 : i32
    return %c0_i32, %c0_i32_0 : i32, i32
  }
  func.func @transform_9(%arg0: i32) -> (i32, i32, i32) {
    %c0_i32 = arith.constant 0 : i32
    %c0_i32_0 = arith.constant 0 : i32
    %c0_i32_1 = arith.constant 0 : i32
    return %arg0, %c0_i32, %c0_i32_0 : i32, i32, i32
  }
  func.func @transform_10(%arg0: i32) -> (i32, i32, i32) {
    %c0_i32 = arith.constant 0 : i32
    %c0_i32_0 = arith.constant 0 : i32
    %c0_i32_1 = arith.constant 0 : i32
    return %arg0, %c0_i32, %c0_i32_0 : i32, i32, i32
  }
  func.func @transform_11(%arg0: i32) -> (i32, i32) {
    %c0_i32 = arith.constant 0 : i32
    %c0_i32_0 = arith.constant 0 : i32
    %c0_i32_1 = arith.constant 0 : i32
    return %c0_i32, %c0_i32_0 : i32, i32
  }
  func.func @transform_12(%arg0: i32) -> (i32, i32, i32) {
    %c0_i32 = arith.constant 0 : i32
    %c0_i32_0 = arith.constant 0 : i32
    %c0_i32_1 = arith.constant 0 : i32
    return %arg0, %c0_i32, %c0_i32_0 : i32, i32, i32
  }
  func.func @transform_13(%arg0: i32) -> (i32, i32, i32) {
    %c0_i32 = arith.constant 0 : i32
    %c0_i32_0 = arith.constant 0 : i32
    %c0_i32_1 = arith.constant 0 : i32
    return %arg0, %c0_i32, %c0_i32_0 : i32, i32, i32
  }
}

module attributes {stable_mosaic.version = 14 : i64} {
  func.func @_attn_body(%arg0: i32, %arg1: memref<4x200x768xf32, #tpu.memory_space<vmem>>, %arg2: memref<4x200x768xf32, #tpu.memory_space<vmem>>, %arg3: memref<4x200x768xf32, #tpu.memory_space<vmem>>, %arg4: memref<4x200x768xf32, #tpu.memory_space<vmem>>, %arg5: memref<8x768xf32, #tpu.memory_space<vmem>>, %arg6: memref<8x1xf32, #tpu.memory_space<vmem>>, %arg7: memref<768x2xf32, #tpu.memory_space<vmem>>, %arg8: memref<768x2xf32, #tpu.memory_space<vmem>>, %arg9: memref<1x2xf32, #tpu.memory_space<vmem>>, %arg10: memref<4x1x2xf32, #tpu.memory_space<vmem>>, %arg11: memref<4x1x2xf32, #tpu.memory_space<vmem>>, %arg12: memref<1x1xf32, #tpu.memory_space<vmem>>, %arg13: memref<4x1x200xf32, #tpu.memory_space<vmem>>, %arg14: memref<4x1x200xf32, #tpu.memory_space<vmem>>) attributes {dimension_semantics = [#tpu.dimension_semantics<arbitrary>], iteration_bounds = array<i64: 4>, scalar_prefetch = 0 : i64, scratch_operands = 0 : i64, tpu.core_type = #tpu.core_type<tc>, window_params = [{transform_indices = @transform_0, window_bounds = array<i64: 4, 200, 768>}, {transform_indices = @transform_1, window_bounds = array<i64: 4, 200, 768>}, {transform_indices = @transform_2, window_bounds = array<i64: 4, 200, 768>}, {transform_indices = @transform_3, window_bounds = array<i64: 4, 200, 768>}, {pipeline_mode = #tpu.pipeline_mode<synchronous>, transform_indices = @transform_4, window_bounds = array<i64: 8, 768>}, {pipeline_mode = #tpu.pipeline_mode<synchronous>, transform_indices = @transform_5, window_bounds = array<i64: 8, 1>}, {pipeline_mode = #tpu.pipeline_mode<synchronous>, transform_indices = @transform_6, window_bounds = array<i64: 768, 2>}, {pipeline_mode = #tpu.pipeline_mode<synchronous>, transform_indices = @transform_7, window_bounds = array<i64: 768, 2>}, {pipeline_mode = #tpu.pipeline_mode<synchronous>, transform_indices = @transform_8, window_bounds = array<i64: 1, 2>}, {transform_indices = @transform_9, window_bounds = array<i64: 4, 1, 2>}, {transform_indices = @transform_10, window_bounds = array<i64: 4, 1, 2>}, {pipeline_mode = #tpu.pipeline_mode<synchronous>, transform_indices = @transform_11, window_bounds = array<i64: 1, 1>}, {transform_indices = @transform_12, window_bounds = array<i64: 4, 1, 200>}, {transform_indices = @transform_13, window_bounds = array<i64: 4, 1, 200>}]} {
    %broadcast_in_dim3A = arith.constant 0.000000e+00 : f32
    %broadcast_in_dim3A_0 = vector.broadcast %broadcast_in_dim3A : f32 to vector<1x1xf32>
    %get3A = arith.constant 0 : index
    %get3A_1 = arith.constant 0 : index
    %get3A_2 = arith.constant 0 : index
    %get3A_3 = vector.load %arg1[%get3A, %get3A_1, %get3A_2] : memref<4x200x768xf32, #tpu.memory_space<vmem>>, vector<1x200x768xf32>
    %get3A_4 = vector.shape_cast %get3A_3 : vector<1x200x768xf32> to vector<200x768xf32>
    %get3A_5 = arith.constant 0 : index
    %get3A_6 = arith.constant 0 : index
    %get3A_7 = arith.constant 0 : index
    %get3A_8 = vector.load %arg3[%get3A_5, %get3A_6, %get3A_7] : memref<4x200x768xf32, #tpu.memory_space<vmem>>, vector<1x200x768xf32>
    %get3A_9 = vector.shape_cast %get3A_8 : vector<1x200x768xf32> to vector<200x768xf32>
    %get3A_10 = arith.constant 0 : index
    %get3A_11 = arith.constant 0 : index
    %get3A_12 = vector.load %arg5[%get3A_10, %get3A_11] : memref<8x768xf32, #tpu.memory_space<vmem>>, vector<8x768xf32>
    %dot_general3A = arith.constant dense<0.000000e+00> : vector<8x200xf32>
    %dot_general3A_13 = tpu.matmul %get3A_12, %get3A_4, %dot_general3A {dimension_numbers = #tpu.dot_dimension_numbers<[1], [1], [0], [0], [0, 0, 1, 0], [], []>, transpose_lhs_hint = false} : vector<8x768xf32>, vector<200x768xf32>, vector<8x200xf32> -> vector<8x200xf32>
    %get3A_14 = arith.constant 0 : index
    %get3A_15 = arith.constant 0 : index
    %get3A_16 = vector.load %arg6[%get3A_14, %get3A_15] : memref<8x1xf32, #tpu.memory_space<vmem>>, vector<8x1xf32>
    %add3A = vector.broadcast %get3A_16 : vector<8x1xf32> to vector<8x200xf32>
    %add3A_17 = arith.addf %dot_general3A_13, %add3A : vector<8x200xf32>
    %max3A = arith.constant 0.000000e+00 : f32
    %max3A_18 = vector.broadcast %max3A : f32 to vector<8x200xf32>
    %max3A_19 = arith.maximumf %add3A_17, %max3A_18 : vector<8x200xf32>
    %reduce_max3A = arith.constant dense<0xFF800000> : vector<8xf32>
    %reduce_max3A_20 = vector.multi_reduction <maximumf>, %max3A_19, %reduce_max3A [1] : vector<8x200xf32> to vector<8xf32>
    %broadcast_in_dim3A_21 = vector.shape_cast %reduce_max3A_20 : vector<8xf32> to vector<8x1xf32>
    %sub3A = vector.broadcast %broadcast_in_dim3A_21 : vector<8x1xf32> to vector<8x200xf32>
    %sub3A_22 = arith.subf %max3A_19, %sub3A : vector<8x200xf32>
    %exp3A = math.exp %sub3A_22 : vector<8x200xf32>
    %reduce_sum3A = arith.constant dense<0.000000e+00> : vector<8xf32>
    %reduce_sum3A_23 = vector.multi_reduction <add>, %exp3A, %reduce_sum3A [1] : vector<8x200xf32> to vector<8xf32>
    %broadcast_in_dim3A_24 = vector.shape_cast %reduce_sum3A_23 : vector<8xf32> to vector<8x1xf32>
    %div3A = vector.broadcast %broadcast_in_dim3A_24 : vector<8x1xf32> to vector<8x200xf32>
    %div3A_25 = arith.divf %exp3A, %div3A : vector<8x200xf32>
    %reduce_sum3A_26 = arith.constant dense<0.000000e+00> : vector<200xf32>
    %reduce_sum3A_27 = vector.multi_reduction <add>, %div3A_25, %reduce_sum3A_26 [0] : vector<8x200xf32> to vector<200xf32>
    %broadcast_in_dim3A_28 = vector.shape_cast %reduce_sum3A_27 : vector<200xf32> to vector<1x200xf32>
    %div3A_29 = arith.constant 8.000000e+00 : f32
    %div3A_30 = vector.broadcast %div3A_29 : f32 to vector<1x200xf32>
    %div3A_31 = arith.divf %broadcast_in_dim3A_28, %div3A_30 : vector<1x200xf32>
    %dot_general3A_32 = arith.constant dense<0.000000e+00> : vector<1x768xf32>
    %dot_general3A_33 = tpu.matmul %div3A_31, %get3A_9, %dot_general3A_32 {dimension_numbers = #tpu.dot_dimension_numbers<[1], [0], [0], [1], [0, 0, 1, 1], [], []>, transpose_lhs_hint = false} : vector<1x200xf32>, vector<200x768xf32>, vector<1x768xf32> -> vector<1x768xf32>
    %get3A_34 = arith.constant 0 : index
    %get3A_35 = arith.constant 0 : index
    %get3A_36 = arith.constant 0 : index
    %get3A_37 = vector.load %arg2[%get3A_34, %get3A_35, %get3A_36] : memref<4x200x768xf32, #tpu.memory_space<vmem>>, vector<1x200x768xf32>
    %get3A_38 = vector.shape_cast %get3A_37 : vector<1x200x768xf32> to vector<200x768xf32>
    %get3A_39 = arith.constant 0 : index
    %get3A_40 = arith.constant 0 : index
    %get3A_41 = arith.constant 0 : index
    %get3A_42 = vector.load %arg4[%get3A_39, %get3A_40, %get3A_41] : memref<4x200x768xf32, #tpu.memory_space<vmem>>, vector<1x200x768xf32>
    %get3A_43 = vector.shape_cast %get3A_42 : vector<1x200x768xf32> to vector<200x768xf32>
    %get3A_44 = arith.constant 0 : index
    %get3A_45 = arith.constant 0 : index
    %get3A_46 = vector.load %arg5[%get3A_44, %get3A_45] : memref<8x768xf32, #tpu.memory_space<vmem>>, vector<8x768xf32>
    %dot_general3A_47 = arith.constant dense<0.000000e+00> : vector<8x200xf32>
    %dot_general3A_48 = tpu.matmul %get3A_46, %get3A_38, %dot_general3A_47 {dimension_numbers = #tpu.dot_dimension_numbers<[1], [1], [0], [0], [0, 0, 1, 0], [], []>, transpose_lhs_hint = false} : vector<8x768xf32>, vector<200x768xf32>, vector<8x200xf32> -> vector<8x200xf32>
    %get3A_49 = arith.constant 0 : index
    %get3A_50 = arith.constant 0 : index
    %get3A_51 = vector.load %arg6[%get3A_49, %get3A_50] : memref<8x1xf32, #tpu.memory_space<vmem>>, vector<8x1xf32>
    %add3A_52 = vector.broadcast %get3A_51 : vector<8x1xf32> to vector<8x200xf32>
    %add3A_53 = arith.addf %dot_general3A_48, %add3A_52 : vector<8x200xf32>
    %max3A_54 = arith.constant 0.000000e+00 : f32
    %max3A_55 = vector.broadcast %max3A_54 : f32 to vector<8x200xf32>
    %max3A_56 = arith.maximumf %add3A_53, %max3A_55 : vector<8x200xf32>
    %reduce_max3A_57 = arith.constant dense<0xFF800000> : vector<8xf32>
    %reduce_max3A_58 = vector.multi_reduction <maximumf>, %max3A_56, %reduce_max3A_57 [1] : vector<8x200xf32> to vector<8xf32>
    %broadcast_in_dim3A_59 = vector.shape_cast %reduce_max3A_58 : vector<8xf32> to vector<8x1xf32>
    %sub3A_60 = vector.broadcast %broadcast_in_dim3A_59 : vector<8x1xf32> to vector<8x200xf32>
    %sub3A_61 = arith.subf %max3A_56, %sub3A_60 : vector<8x200xf32>
    %exp3A_62 = math.exp %sub3A_61 : vector<8x200xf32>
    %reduce_sum3A_63 = arith.constant dense<0.000000e+00> : vector<8xf32>
    %reduce_sum3A_64 = vector.multi_reduction <add>, %exp3A_62, %reduce_sum3A_63 [1] : vector<8x200xf32> to vector<8xf32>
    %broadcast_in_dim3A_65 = vector.shape_cast %reduce_sum3A_64 : vector<8xf32> to vector<8x1xf32>
    %div3A_66 = vector.broadcast %broadcast_in_dim3A_65 : vector<8x1xf32> to vector<8x200xf32>
    %div3A_67 = arith.divf %exp3A_62, %div3A_66 : vector<8x200xf32>
    %reduce_sum3A_68 = arith.constant dense<0.000000e+00> : vector<200xf32>
    %reduce_sum3A_69 = vector.multi_reduction <add>, %div3A_67, %reduce_sum3A_68 [0] : vector<8x200xf32> to vector<200xf32>
    %broadcast_in_dim3A_70 = vector.shape_cast %reduce_sum3A_69 : vector<200xf32> to vector<1x200xf32>
    %div3A_71 = arith.constant 8.000000e+00 : f32
    %div3A_72 = vector.broadcast %div3A_71 : f32 to vector<1x200xf32>
    %div3A_73 = arith.divf %broadcast_in_dim3A_70, %div3A_72 : vector<1x200xf32>
    %dot_general3A_74 = arith.constant dense<0.000000e+00> : vector<1x768xf32>
    %dot_general3A_75 = tpu.matmul %div3A_73, %get3A_43, %dot_general3A_74 {dimension_numbers = #tpu.dot_dimension_numbers<[1], [0], [0], [1], [0, 0, 1, 1], [], []>, transpose_lhs_hint = false} : vector<1x200xf32>, vector<200x768xf32>, vector<1x768xf32> -> vector<1x768xf32>
    %swap3A = arith.constant 0 : index
    %swap3A_76 = arith.constant 0 : index
    %swap3A_77 = arith.constant 0 : index
    %swap3A_78 = vector.load %arg13[%swap3A, %swap3A_76, %swap3A_77] : memref<4x1x200xf32, #tpu.memory_space<vmem>>, vector<1x1x200xf32>
    %swap3A_79 = vector.shape_cast %swap3A_78 : vector<1x1x200xf32> to vector<1x200xf32>
    %swap3A_80 = vector.shape_cast %div3A_31 : vector<1x200xf32> to vector<1x1x200xf32>
    tpu.vector_store %arg13[%swap3A, %swap3A_76, %swap3A_77], %swap3A_80 {strides = array<i32>} : memref<4x1x200xf32, #tpu.memory_space<vmem>>, vector<1x1x200xf32>,
    %swap3A_81 = arith.constant 0 : index
    %swap3A_82 = arith.constant 0 : index
    %swap3A_83 = arith.constant 0 : index
    %swap3A_84 = vector.load %arg14[%swap3A_81, %swap3A_82, %swap3A_83] : memref<4x1x200xf32, #tpu.memory_space<vmem>>, vector<1x1x200xf32>
    %swap3A_85 = vector.shape_cast %swap3A_84 : vector<1x1x200xf32> to vector<1x200xf32>
    %swap3A_86 = vector.shape_cast %div3A_73 : vector<1x200xf32> to vector<1x1x200xf32>
    tpu.vector_store %arg14[%swap3A_81, %swap3A_82, %swap3A_83], %swap3A_86 {strides = array<i32>} : memref<4x1x200xf32, #tpu.memory_space<vmem>>, vector<1x1x200xf32>,
    %get3A_87 = arith.constant 0 : index
    %get3A_88 = arith.constant 0 : index
    %get3A_89 = vector.load %arg7[%get3A_87, %get3A_88] : memref<768x2xf32, #tpu.memory_space<vmem>>, vector<768x2xf32>
    %dot_general3A_90 = arith.constant dense<0.000000e+00> : vector<1x2xf32>
    %dot_general3A_91 = tpu.matmul %dot_general3A_33, %get3A_89, %dot_general3A_90 {dimension_numbers = #tpu.dot_dimension_numbers<[1], [0], [0], [1], [0, 0, 1, 1], [], []>, transpose_lhs_hint = false} : vector<1x768xf32>, vector<768x2xf32>, vector<1x2xf32> -> vector<1x2xf32>
    %get3A_92 = arith.constant 0 : index
    %get3A_93 = arith.constant 0 : index
    %get3A_94 = vector.load %arg8[%get3A_92, %get3A_93] : memref<768x2xf32, #tpu.memory_space<vmem>>, vector<768x2xf32>
    %dot_general3A_95 = arith.constant dense<0.000000e+00> : vector<1x2xf32>
    %dot_general3A_96 = tpu.matmul %dot_general3A_75, %get3A_94, %dot_general3A_95 {dimension_numbers = #tpu.dot_dimension_numbers<[1], [0], [0], [1], [0, 0, 1, 1], [], []>, transpose_lhs_hint = false} : vector<1x768xf32>, vector<768x2xf32>, vector<1x2xf32> -> vector<1x2xf32>
    %add3A_97 = arith.addf %dot_general3A_91, %dot_general3A_96 : vector<1x2xf32>
    %get3A_98 = arith.constant 0 : index
    %get3A_99 = arith.constant 0 : index
    %get3A_100 = vector.load %arg9[%get3A_98, %get3A_99] : memref<1x2xf32, #tpu.memory_space<vmem>>, vector<1x2xf32>
    %add3A_101 = arith.addf %add3A_97, %get3A_100 : vector<1x2xf32>
    %swap3A_102 = arith.constant 0 : index
    %swap3A_103 = arith.constant 0 : index
    %swap3A_104 = arith.constant 0 : index
    %swap3A_105 = vector.load %arg11[%swap3A_102, %swap3A_103, %swap3A_104] : memref<4x1x2xf32, #tpu.memory_space<vmem>>, vector<1x1x2xf32>
    %swap3A_106 = vector.shape_cast %swap3A_105 : vector<1x1x2xf32> to vector<1x2xf32>
    %swap3A_107 = vector.shape_cast %add3A_101 : vector<1x2xf32> to vector<1x1x2xf32>
    tpu.vector_store %arg11[%swap3A_102, %swap3A_103, %swap3A_104], %swap3A_107 {strides = array<i32>} : memref<4x1x2xf32, #tpu.memory_space<vmem>>, vector<1x1x2xf32>,
    %slice3A = vector.extract_strided_slice %add3A_101 {offsets = [0, 0], sizes = [1, 1], strides = [1, 1]} : vector<1x2xf32> to vector<1x1xf32>
    %squeeze3A = vector.extract %slice3A[0, 0] : f32 from vector<1x1xf32>
    %slice3A_108 = vector.extract_strided_slice %add3A_101 {offsets = [0, 1], sizes = [1, 1], strides = [1, 1]} : vector<1x2xf32> to vector<1x1xf32>
    %squeeze3A_109 = vector.extract %slice3A_108[0, 0] : f32 from vector<1x1xf32>
    %max3A_110 = arith.maximumf %squeeze3A, %squeeze3A_109 : f32
    %sub3A_111 = arith.subf %squeeze3A, %max3A_110 : f32
    %exp3A_112 = math.exp %sub3A_111 : f32
    %sub3A_113 = arith.subf %squeeze3A_109, %max3A_110 : f32
    %exp3A_114 = math.exp %sub3A_113 : f32
    %add3A_115 = arith.addf %exp3A_112, %exp3A_114 : f32
    %log3A = math.log %add3A_115 : f32
    %add3A_116 = arith.addf %max3A_110, %log3A : f32
    %get3A_117 = arith.constant 0 : index
    %get3A_118 = arith.constant 0 : index
    %get3A_119 = arith.constant 0 : index
    %get3A_120 = vector.load %arg10[%get3A_117, %get3A_118, %get3A_119] : memref<4x1x2xf32, #tpu.memory_space<vmem>>, vector<1x1x2xf32>
    %get3A_121 = vector.shape_cast %get3A_120 : vector<1x1x2xf32> to vector<1x2xf32>
    %mul3A = arith.mulf %add3A_101, %get3A_121 : vector<1x2xf32>
    %reduce_sum3A_122 = vector.shape_cast %mul3A : vector<1x2xf32> to vector<1x1x2xf32>
    %reduce_sum3A_123 = arith.constant dense<0.000000e+00> : vector<1xf32>
    %reduce_sum3A_124 = vector.multi_reduction <add>, %reduce_sum3A_122, %reduce_sum3A_123 [1, 2] : vector<1x1x2xf32> to vector<1xf32>
    %reduce_sum3A_125 = vector.shape_cast %reduce_sum3A_124 : vector<1xf32> to vector<1x1x1xf32>
    %reduce_sum3A_126 = vector.extract %reduce_sum3A_125[0, 0, 0] : f32 from vector<1x1x1xf32>
    %sub3A_127 = arith.subf %add3A_116, %reduce_sum3A_126 : f32
    %mul3A_128 = arith.constant 1.562500e-02 : f32
    %mul3A_129 = arith.mulf %sub3A_127, %mul3A_128 : f32
    %reshape3A = vector.broadcast %mul3A_129 : f32 to vector<1x1xf32>
    %add3A_130 = arith.addf %broadcast_in_dim3A_0, %reshape3A : vector<1x1xf32>
    %get3A_131 = arith.constant 1 : index
    %get3A_132 = arith.constant 0 : index
    %get3A_133 = arith.constant 0 : index
    %get3A_134 = vector.load %arg1[%get3A_131, %get3A_132, %get3A_133] : memref<4x200x768xf32, #tpu.memory_space<vmem>>, vector<1x200x768xf32>
    %get3A_135 = vector.shape_cast %get3A_134 : vector<1x200x768xf32> to vector<200x768xf32>
    %get3A_136 = arith.constant 1 : index
    %get3A_137 = arith.constant 0 : index
    %get3A_138 = arith.constant 0 : index
    %get3A_139 = vector.load %arg3[%get3A_136, %get3A_137, %get3A_138] : memref<4x200x768xf32, #tpu.memory_space<vmem>>, vector<1x200x768xf32>
    %get3A_140 = vector.shape_cast %get3A_139 : vector<1x200x768xf32> to vector<200x768xf32>
    %get3A_141 = arith.constant 0 : index
    %get3A_142 = arith.constant 0 : index
    %get3A_143 = vector.load %arg5[%get3A_141, %get3A_142] : memref<8x768xf32, #tpu.memory_space<vmem>>, vector<8x768xf32>
    %dot_general3A_144 = arith.constant dense<0.000000e+00> : vector<8x200xf32>
    %dot_general3A_145 = tpu.matmul %get3A_143, %get3A_135, %dot_general3A_144 {dimension_numbers = #tpu.dot_dimension_numbers<[1], [1], [0], [0], [0, 0, 1, 0], [], []>, transpose_lhs_hint = false} : vector<8x768xf32>, vector<200x768xf32>, vector<8x200xf32> -> vector<8x200xf32>
    %get3A_146 = arith.constant 0 : index
    %get3A_147 = arith.constant 0 : index
    %get3A_148 = vector.load %arg6[%get3A_146, %get3A_147] : memref<8x1xf32, #tpu.memory_space<vmem>>, vector<8x1xf32>
    %add3A_149 = vector.broadcast %get3A_148 : vector<8x1xf32> to vector<8x200xf32>
    %add3A_150 = arith.addf %dot_general3A_145, %add3A_149 : vector<8x200xf32>
    %max3A_151 = arith.constant 0.000000e+00 : f32
    %max3A_152 = vector.broadcast %max3A_151 : f32 to vector<8x200xf32>
    %max3A_153 = arith.maximumf %add3A_150, %max3A_152 : vector<8x200xf32>
    %reduce_max3A_154 = arith.constant dense<0xFF800000> : vector<8xf32>
    %reduce_max3A_155 = vector.multi_reduction <maximumf>, %max3A_153, %reduce_max3A_154 [1] : vector<8x200xf32> to vector<8xf32>
    %broadcast_in_dim3A_156 = vector.shape_cast %reduce_max3A_155 : vector<8xf32> to vector<8x1xf32>
    %sub3A_157 = vector.broadcast %broadcast_in_dim3A_156 : vector<8x1xf32> to vector<8x200xf32>
    %sub3A_158 = arith.subf %max3A_153, %sub3A_157 : vector<8x200xf32>
    %exp3A_159 = math.exp %sub3A_158 : vector<8x200xf32>
    %reduce_sum3A_160 = arith.constant dense<0.000000e+00> : vector<8xf32>
    %reduce_sum3A_161 = vector.multi_reduction <add>, %exp3A_159, %reduce_sum3A_160 [1] : vector<8x200xf32> to vector<8xf32>
    %broadcast_in_dim3A_162 = vector.shape_cast %reduce_sum3A_161 : vector<8xf32> to vector<8x1xf32>
    %div3A_163 = vector.broadcast %broadcast_in_dim3A_162 : vector<8x1xf32> to vector<8x200xf32>
    %div3A_164 = arith.divf %exp3A_159, %div3A_163 : vector<8x200xf32>
    %reduce_sum3A_165 = arith.constant dense<0.000000e+00> : vector<200xf32>
    %reduce_sum3A_166 = vector.multi_reduction <add>, %div3A_164, %reduce_sum3A_165 [0] : vector<8x200xf32> to vector<200xf32>
    %broadcast_in_dim3A_167 = vector.shape_cast %reduce_sum3A_166 : vector<200xf32> to vector<1x200xf32>
    %div3A_168 = arith.constant 8.000000e+00 : f32
    %div3A_169 = vector.broadcast %div3A_168 : f32 to vector<1x200xf32>
    %div3A_170 = arith.divf %broadcast_in_dim3A_167, %div3A_169 : vector<1x200xf32>
    %dot_general3A_171 = arith.constant dense<0.000000e+00> : vector<1x768xf32>
    %dot_general3A_172 = tpu.matmul %div3A_170, %get3A_140, %dot_general3A_171 {dimension_numbers = #tpu.dot_dimension_numbers<[1], [0], [0], [1], [0, 0, 1, 1], [], []>, transpose_lhs_hint = false} : vector<1x200xf32>, vector<200x768xf32>, vector<1x768xf32> -> vector<1x768xf32>
    %get3A_173 = arith.constant 1 : index
    %get3A_174 = arith.constant 0 : index
    %get3A_175 = arith.constant 0 : index
    %get3A_176 = vector.load %arg2[%get3A_173, %get3A_174, %get3A_175] : memref<4x200x768xf32, #tpu.memory_space<vmem>>, vector<1x200x768xf32>
    %get3A_177 = vector.shape_cast %get3A_176 : vector<1x200x768xf32> to vector<200x768xf32>
    %get3A_178 = arith.constant 1 : index
    %get3A_179 = arith.constant 0 : index
    %get3A_180 = arith.constant 0 : index
    %get3A_181 = vector.load %arg4[%get3A_178, %get3A_179, %get3A_180] : memref<4x200x768xf32, #tpu.memory_space<vmem>>, vector<1x200x768xf32>
    %get3A_182 = vector.shape_cast %get3A_181 : vector<1x200x768xf32> to vector<200x768xf32>
    %get3A_183 = arith.constant 0 : index
    %get3A_184 = arith.constant 0 : index
    %get3A_185 = vector.load %arg5[%get3A_183, %get3A_184] : memref<8x768xf32, #tpu.memory_space<vmem>>, vector<8x768xf32>
    %dot_general3A_186 = arith.constant dense<0.000000e+00> : vector<8x200xf32>
    %dot_general3A_187 = tpu.matmul %get3A_185, %get3A_177, %dot_general3A_186 {dimension_numbers = #tpu.dot_dimension_numbers<[1], [1], [0], [0], [0, 0, 1, 0], [], []>, transpose_lhs_hint = false} : vector<8x768xf32>, vector<200x768xf32>, vector<8x200xf32> -> vector<8x200xf32>
    %get3A_188 = arith.constant 0 : index
    %get3A_189 = arith.constant 0 : index
    %get3A_190 = vector.load %arg6[%get3A_188, %get3A_189] : memref<8x1xf32, #tpu.memory_space<vmem>>, vector<8x1xf32>
    %add3A_191 = vector.broadcast %get3A_190 : vector<8x1xf32> to vector<8x200xf32>
    %add3A_192 = arith.addf %dot_general3A_187, %add3A_191 : vector<8x200xf32>
    %max3A_193 = arith.constant 0.000000e+00 : f32
    %max3A_194 = vector.broadcast %max3A_193 : f32 to vector<8x200xf32>
    %max3A_195 = arith.maximumf %add3A_192, %max3A_194 : vector<8x200xf32>
    %reduce_max3A_196 = arith.constant dense<0xFF800000> : vector<8xf32>
    %reduce_max3A_197 = vector.multi_reduction <maximumf>, %max3A_195, %reduce_max3A_196 [1] : vector<8x200xf32> to vector<8xf32>
    %broadcast_in_dim3A_198 = vector.shape_cast %reduce_max3A_197 : vector<8xf32> to vector<8x1xf32>
    %sub3A_199 = vector.broadcast %broadcast_in_dim3A_198 : vector<8x1xf32> to vector<8x200xf32>
    %sub3A_200 = arith.subf %max3A_195, %sub3A_199 : vector<8x200xf32>
    %exp3A_201 = math.exp %sub3A_200 : vector<8x200xf32>
    %reduce_sum3A_202 = arith.constant dense<0.000000e+00> : vector<8xf32>
    %reduce_sum3A_203 = vector.multi_reduction <add>, %exp3A_201, %reduce_sum3A_202 [1] : vector<8x200xf32> to vector<8xf32>
    %broadcast_in_dim3A_204 = vector.shape_cast %reduce_sum3A_203 : vector<8xf32> to vector<8x1xf32>
    %div3A_205 = vector.broadcast %broadcast_in_dim3A_204 : vector<8x1xf32> to vector<8x200xf32>
    %div3A_206 = arith.divf %exp3A_201, %div3A_205 : vector<8x200xf32>
    %reduce_sum3A_207 = arith.constant dense<0.000000e+00> : vector<200xf32>
    %reduce_sum3A_208 = vector.multi_reduction <add>, %div3A_206, %reduce_sum3A_207 [0] : vector<8x200xf32> to vector<200xf32>
    %broadcast_in_dim3A_209 = vector.shape_cast %reduce_sum3A_208 : vector<200xf32> to vector<1x200xf32>
    %div3A_210 = arith.constant 8.000000e+00 : f32
    %div3A_211 = vector.broadcast %div3A_210 : f32 to vector<1x200xf32>
    %div3A_212 = arith.divf %broadcast_in_dim3A_209, %div3A_211 : vector<1x200xf32>
    %dot_general3A_213 = arith.constant dense<0.000000e+00> : vector<1x768xf32>
    %dot_general3A_214 = tpu.matmul %div3A_212, %get3A_182, %dot_general3A_213 {dimension_numbers = #tpu.dot_dimension_numbers<[1], [0], [0], [1], [0, 0, 1, 1], [], []>, transpose_lhs_hint = false} : vector<1x200xf32>, vector<200x768xf32>, vector<1x768xf32> -> vector<1x768xf32>
    %swap3A_215 = arith.constant 1 : index
    %swap3A_216 = arith.constant 0 : index
    %swap3A_217 = arith.constant 0 : index
    %swap3A_218 = vector.load %arg13[%swap3A_215, %swap3A_216, %swap3A_217] : memref<4x1x200xf32, #tpu.memory_space<vmem>>, vector<1x1x200xf32>
    %swap3A_219 = vector.shape_cast %swap3A_218 : vector<1x1x200xf32> to vector<1x200xf32>
    %swap3A_220 = vector.shape_cast %div3A_170 : vector<1x200xf32> to vector<1x1x200xf32>
    tpu.vector_store %arg13[%swap3A_215, %swap3A_216, %swap3A_217], %swap3A_220 {strides = array<i32>} : memref<4x1x200xf32, #tpu.memory_space<vmem>>, vector<1x1x200xf32>,
    %swap3A_221 = arith.constant 1 : index
    %swap3A_222 = arith.constant 0 : index
    %swap3A_223 = arith.constant 0 : index
    %swap3A_224 = vector.load %arg14[%swap3A_221, %swap3A_222, %swap3A_223] : memref<4x1x200xf32, #tpu.memory_space<vmem>>, vector<1x1x200xf32>
    %swap3A_225 = vector.shape_cast %swap3A_224 : vector<1x1x200xf32> to vector<1x200xf32>
    %swap3A_226 = vector.shape_cast %div3A_212 : vector<1x200xf32> to vector<1x1x200xf32>
    tpu.vector_store %arg14[%swap3A_221, %swap3A_222, %swap3A_223], %swap3A_226 {strides = array<i32>} : memref<4x1x200xf32, #tpu.memory_space<vmem>>, vector<1x1x200xf32>,
    %get3A_227 = arith.constant 0 : index
    %get3A_228 = arith.constant 0 : index
    %get3A_229 = vector.load %arg7[%get3A_227, %get3A_228] : memref<768x2xf32, #tpu.memory_space<vmem>>, vector<768x2xf32>
    %dot_general3A_230 = arith.constant dense<0.000000e+00> : vector<1x2xf32>
    %dot_general3A_231 = tpu.matmul %dot_general3A_172, %get3A_229, %dot_general3A_230 {dimension_numbers = #tpu.dot_dimension_numbers<[1], [0], [0], [1], [0, 0, 1, 1], [], []>, transpose_lhs_hint = false} : vector<1x768xf32>, vector<768x2xf32>, vector<1x2xf32> -> vector<1x2xf32>
    %get3A_232 = arith.constant 0 : index
    %get3A_233 = arith.constant 0 : index
    %get3A_234 = vector.load %arg8[%get3A_232, %get3A_233] : memref<768x2xf32, #tpu.memory_space<vmem>>, vector<768x2xf32>
    %dot_general3A_235 = arith.constant dense<0.000000e+00> : vector<1x2xf32>
    %dot_general3A_236 = tpu.matmul %dot_general3A_214, %get3A_234, %dot_general3A_235 {dimension_numbers = #tpu.dot_dimension_numbers<[1], [0], [0], [1], [0, 0, 1, 1], [], []>, transpose_lhs_hint = false} : vector<1x768xf32>, vector<768x2xf32>, vector<1x2xf32> -> vector<1x2xf32>
    %add3A_237 = arith.addf %dot_general3A_231, %dot_general3A_236 : vector<1x2xf32>
    %get3A_238 = arith.constant 0 : index
    %get3A_239 = arith.constant 0 : index
    %get3A_240 = vector.load %arg9[%get3A_238, %get3A_239] : memref<1x2xf32, #tpu.memory_space<vmem>>, vector<1x2xf32>
    %add3A_241 = arith.addf %add3A_237, %get3A_240 : vector<1x2xf32>
    %swap3A_242 = arith.constant 1 : index
    %swap3A_243 = arith.constant 0 : index
    %swap3A_244 = arith.constant 0 : index
    %swap3A_245 = vector.load %arg11[%swap3A_242, %swap3A_243, %swap3A_244] : memref<4x1x2xf32, #tpu.memory_space<vmem>>, vector<1x1x2xf32>
    %swap3A_246 = vector.shape_cast %swap3A_245 : vector<1x1x2xf32> to vector<1x2xf32>
    %swap3A_247 = vector.shape_cast %add3A_241 : vector<1x2xf32> to vector<1x1x2xf32>
    tpu.vector_store %arg11[%swap3A_242, %swap3A_243, %swap3A_244], %swap3A_247 {strides = array<i32>} : memref<4x1x2xf32, #tpu.memory_space<vmem>>, vector<1x1x2xf32>,
    %slice3A_248 = vector.extract_strided_slice %add3A_241 {offsets = [0, 0], sizes = [1, 1], strides = [1, 1]} : vector<1x2xf32> to vector<1x1xf32>
    %squeeze3A_249 = vector.extract %slice3A_248[0, 0] : f32 from vector<1x1xf32>
    %slice3A_250 = vector.extract_strided_slice %add3A_241 {offsets = [0, 1], sizes = [1, 1], strides = [1, 1]} : vector<1x2xf32> to vector<1x1xf32>
    %squeeze3A_251 = vector.extract %slice3A_250[0, 0] : f32 from vector<1x1xf32>
    %max3A_252 = arith.maximumf %squeeze3A_249, %squeeze3A_251 : f32
    %sub3A_253 = arith.subf %squeeze3A_249, %max3A_252 : f32
    %exp3A_254 = math.exp %sub3A_253 : f32
    %sub3A_255 = arith.subf %squeeze3A_251, %max3A_252 : f32
    %exp3A_256 = math.exp %sub3A_255 : f32
    %add3A_257 = arith.addf %exp3A_254, %exp3A_256 : f32
    %log3A_258 = math.log %add3A_257 : f32
    %add3A_259 = arith.addf %max3A_252, %log3A_258 : f32
    %get3A_260 = arith.constant 1 : index
    %get3A_261 = arith.constant 0 : index
    %get3A_262 = arith.constant 0 : index
    %get3A_263 = vector.load %arg10[%get3A_260, %get3A_261, %get3A_262] : memref<4x1x2xf32, #tpu.memory_space<vmem>>, vector<1x1x2xf32>
    %get3A_264 = vector.shape_cast %get3A_263 : vector<1x1x2xf32> to vector<1x2xf32>
    %mul3A_265 = arith.mulf %add3A_241, %get3A_264 : vector<1x2xf32>
    %reduce_sum3A_266 = vector.shape_cast %mul3A_265 : vector<1x2xf32> to vector<1x1x2xf32>
    %reduce_sum3A_267 = arith.constant dense<0.000000e+00> : vector<1xf32>
    %reduce_sum3A_268 = vector.multi_reduction <add>, %reduce_sum3A_266, %reduce_sum3A_267 [1, 2] : vector<1x1x2xf32> to vector<1xf32>
    %reduce_sum3A_269 = vector.shape_cast %reduce_sum3A_268 : vector<1xf32> to vector<1x1x1xf32>
    %reduce_sum3A_270 = vector.extract %reduce_sum3A_269[0, 0, 0] : f32 from vector<1x1x1xf32>
    %sub3A_271 = arith.subf %add3A_259, %reduce_sum3A_270 : f32
    %mul3A_272 = arith.constant 1.562500e-02 : f32
    %mul3A_273 = arith.mulf %sub3A_271, %mul3A_272 : f32
    %reshape3A_274 = vector.broadcast %mul3A_273 : f32 to vector<1x1xf32>
    %add3A_275 = arith.addf %add3A_130, %reshape3A_274 : vector<1x1xf32>
    %get3A_276 = arith.constant 2 : index
    %get3A_277 = arith.constant 0 : index
    %get3A_278 = arith.constant 0 : index
    %get3A_279 = vector.load %arg1[%get3A_276, %get3A_277, %get3A_278] : memref<4x200x768xf32, #tpu.memory_space<vmem>>, vector<1x200x768xf32>
    %get3A_280 = vector.shape_cast %get3A_279 : vector<1x200x768xf32> to vector<200x768xf32>
    %get3A_281 = arith.constant 2 : index
    %get3A_282 = arith.constant 0 : index
    %get3A_283 = arith.constant 0 : index
    %get3A_284 = vector.load %arg3[%get3A_281, %get3A_282, %get3A_283] : memref<4x200x768xf32, #tpu.memory_space<vmem>>, vector<1x200x768xf32>
    %get3A_285 = vector.shape_cast %get3A_284 : vector<1x200x768xf32> to vector<200x768xf32>
    %get3A_286 = arith.constant 0 : index
    %get3A_287 = arith.constant 0 : index
    %get3A_288 = vector.load %arg5[%get3A_286, %get3A_287] : memref<8x768xf32, #tpu.memory_space<vmem>>, vector<8x768xf32>
    %dot_general3A_289 = arith.constant dense<0.000000e+00> : vector<8x200xf32>
    %dot_general3A_290 = tpu.matmul %get3A_288, %get3A_280, %dot_general3A_289 {dimension_numbers = #tpu.dot_dimension_numbers<[1], [1], [0], [0], [0, 0, 1, 0], [], []>, transpose_lhs_hint = false} : vector<8x768xf32>, vector<200x768xf32>, vector<8x200xf32> -> vector<8x200xf32>
    %get3A_291 = arith.constant 0 : index
    %get3A_292 = arith.constant 0 : index
    %get3A_293 = vector.load %arg6[%get3A_291, %get3A_292] : memref<8x1xf32, #tpu.memory_space<vmem>>, vector<8x1xf32>
    %add3A_294 = vector.broadcast %get3A_293 : vector<8x1xf32> to vector<8x200xf32>
    %add3A_295 = arith.addf %dot_general3A_290, %add3A_294 : vector<8x200xf32>
    %max3A_296 = arith.constant 0.000000e+00 : f32
    %max3A_297 = vector.broadcast %max3A_296 : f32 to vector<8x200xf32>
    %max3A_298 = arith.maximumf %add3A_295, %max3A_297 : vector<8x200xf32>
    %reduce_max3A_299 = arith.constant dense<0xFF800000> : vector<8xf32>
    %reduce_max3A_300 = vector.multi_reduction <maximumf>, %max3A_298, %reduce_max3A_299 [1] : vector<8x200xf32> to vector<8xf32>
    %broadcast_in_dim3A_301 = vector.shape_cast %reduce_max3A_300 : vector<8xf32> to vector<8x1xf32>
    %sub3A_302 = vector.broadcast %broadcast_in_dim3A_301 : vector<8x1xf32> to vector<8x200xf32>
    %sub3A_303 = arith.subf %max3A_298, %sub3A_302 : vector<8x200xf32>
    %exp3A_304 = math.exp %sub3A_303 : vector<8x200xf32>
    %reduce_sum3A_305 = arith.constant dense<0.000000e+00> : vector<8xf32>
    %reduce_sum3A_306 = vector.multi_reduction <add>, %exp3A_304, %reduce_sum3A_305 [1] : vector<8x200xf32> to vector<8xf32>
    %broadcast_in_dim3A_307 = vector.shape_cast %reduce_sum3A_306 : vector<8xf32> to vector<8x1xf32>
    %div3A_308 = vector.broadcast %broadcast_in_dim3A_307 : vector<8x1xf32> to vector<8x200xf32>
    %div3A_309 = arith.divf %exp3A_304, %div3A_308 : vector<8x200xf32>
    %reduce_sum3A_310 = arith.constant dense<0.000000e+00> : vector<200xf32>
    %reduce_sum3A_311 = vector.multi_reduction <add>, %div3A_309, %reduce_sum3A_310 [0] : vector<8x200xf32> to vector<200xf32>
    %broadcast_in_dim3A_312 = vector.shape_cast %reduce_sum3A_311 : vector<200xf32> to vector<1x200xf32>
    %div3A_313 = arith.constant 8.000000e+00 : f32
    %div3A_314 = vector.broadcast %div3A_313 : f32 to vector<1x200xf32>
    %div3A_315 = arith.divf %broadcast_in_dim3A_312, %div3A_314 : vector<1x200xf32>
    %dot_general3A_316 = arith.constant dense<0.000000e+00> : vector<1x768xf32>
    %dot_general3A_317 = tpu.matmul %div3A_315, %get3A_285, %dot_general3A_316 {dimension_numbers = #tpu.dot_dimension_numbers<[1], [0], [0], [1], [0, 0, 1, 1], [], []>, transpose_lhs_hint = false} : vector<1x200xf32>, vector<200x768xf32>, vector<1x768xf32> -> vector<1x768xf32>
    %get3A_318 = arith.constant 2 : index
    %get3A_319 = arith.constant 0 : index
    %get3A_320 = arith.constant 0 : index
    %get3A_321 = vector.load %arg2[%get3A_318, %get3A_319, %get3A_320] : memref<4x200x768xf32, #tpu.memory_space<vmem>>, vector<1x200x768xf32>
    %get3A_322 = vector.shape_cast %get3A_321 : vector<1x200x768xf32> to vector<200x768xf32>
    %get3A_323 = arith.constant 2 : index
    %get3A_324 = arith.constant 0 : index
    %get3A_325 = arith.constant 0 : index
    %get3A_326 = vector.load %arg4[%get3A_323, %get3A_324, %get3A_325] : memref<4x200x768xf32, #tpu.memory_space<vmem>>, vector<1x200x768xf32>
    %get3A_327 = vector.shape_cast %get3A_326 : vector<1x200x768xf32> to vector<200x768xf32>
    %get3A_328 = arith.constant 0 : index
    %get3A_329 = arith.constant 0 : index
    %get3A_330 = vector.load %arg5[%get3A_328, %get3A_329] : memref<8x768xf32, #tpu.memory_space<vmem>>, vector<8x768xf32>
    %dot_general3A_331 = arith.constant dense<0.000000e+00> : vector<8x200xf32>
    %dot_general3A_332 = tpu.matmul %get3A_330, %get3A_322, %dot_general3A_331 {dimension_numbers = #tpu.dot_dimension_numbers<[1], [1], [0], [0], [0, 0, 1, 0], [], []>, transpose_lhs_hint = false} : vector<8x768xf32>, vector<200x768xf32>, vector<8x200xf32> -> vector<8x200xf32>
    %get3A_333 = arith.constant 0 : index
    %get3A_334 = arith.constant 0 : index
    %get3A_335 = vector.load %arg6[%get3A_333, %get3A_334] : memref<8x1xf32, #tpu.memory_space<vmem>>, vector<8x1xf32>
    %add3A_336 = vector.broadcast %get3A_335 : vector<8x1xf32> to vector<8x200xf32>
    %add3A_337 = arith.addf %dot_general3A_332, %add3A_336 : vector<8x200xf32>
    %max3A_338 = arith.constant 0.000000e+00 : f32
    %max3A_339 = vector.broadcast %max3A_338 : f32 to vector<8x200xf32>
    %max3A_340 = arith.maximumf %add3A_337, %max3A_339 : vector<8x200xf32>
    %reduce_max3A_341 = arith.constant dense<0xFF800000> : vector<8xf32>
    %reduce_max3A_342 = vector.multi_reduction <maximumf>, %max3A_340, %reduce_max3A_341 [1] : vector<8x200xf32> to vector<8xf32>
    %broadcast_in_dim3A_343 = vector.shape_cast %reduce_max3A_342 : vector<8xf32> to vector<8x1xf32>
    %sub3A_344 = vector.broadcast %broadcast_in_dim3A_343 : vector<8x1xf32> to vector<8x200xf32>
    %sub3A_345 = arith.subf %max3A_340, %sub3A_344 : vector<8x200xf32>
    %exp3A_346 = math.exp %sub3A_345 : vector<8x200xf32>
    %reduce_sum3A_347 = arith.constant dense<0.000000e+00> : vector<8xf32>
    %reduce_sum3A_348 = vector.multi_reduction <add>, %exp3A_346, %reduce_sum3A_347 [1] : vector<8x200xf32> to vector<8xf32>
    %broadcast_in_dim3A_349 = vector.shape_cast %reduce_sum3A_348 : vector<8xf32> to vector<8x1xf32>
    %div3A_350 = vector.broadcast %broadcast_in_dim3A_349 : vector<8x1xf32> to vector<8x200xf32>
    %div3A_351 = arith.divf %exp3A_346, %div3A_350 : vector<8x200xf32>
    %reduce_sum3A_352 = arith.constant dense<0.000000e+00> : vector<200xf32>
    %reduce_sum3A_353 = vector.multi_reduction <add>, %div3A_351, %reduce_sum3A_352 [0] : vector<8x200xf32> to vector<200xf32>
    %broadcast_in_dim3A_354 = vector.shape_cast %reduce_sum3A_353 : vector<200xf32> to vector<1x200xf32>
    %div3A_355 = arith.constant 8.000000e+00 : f32
    %div3A_356 = vector.broadcast %div3A_355 : f32 to vector<1x200xf32>
    %div3A_357 = arith.divf %broadcast_in_dim3A_354, %div3A_356 : vector<1x200xf32>
    %dot_general3A_358 = arith.constant dense<0.000000e+00> : vector<1x768xf32>
    %dot_general3A_359 = tpu.matmul %div3A_357, %get3A_327, %dot_general3A_358 {dimension_numbers = #tpu.dot_dimension_numbers<[1], [0], [0], [1], [0, 0, 1, 1], [], []>, transpose_lhs_hint = false} : vector<1x200xf32>, vector<200x768xf32>, vector<1x768xf32> -> vector<1x768xf32>
    %swap3A_360 = arith.constant 2 : index
    %swap3A_361 = arith.constant 0 : index
    %swap3A_362 = arith.constant 0 : index
    %swap3A_363 = vector.load %arg13[%swap3A_360, %swap3A_361, %swap3A_362] : memref<4x1x200xf32, #tpu.memory_space<vmem>>, vector<1x1x200xf32>
    %swap3A_364 = vector.shape_cast %swap3A_363 : vector<1x1x200xf32> to vector<1x200xf32>
    %swap3A_365 = vector.shape_cast %div3A_315 : vector<1x200xf32> to vector<1x1x200xf32>
    tpu.vector_store %arg13[%swap3A_360, %swap3A_361, %swap3A_362], %swap3A_365 {strides = array<i32>} : memref<4x1x200xf32, #tpu.memory_space<vmem>>, vector<1x1x200xf32>,
    %swap3A_366 = arith.constant 2 : index
    %swap3A_367 = arith.constant 0 : index
    %swap3A_368 = arith.constant 0 : index
    %swap3A_369 = vector.load %arg14[%swap3A_366, %swap3A_367, %swap3A_368] : memref<4x1x200xf32, #tpu.memory_space<vmem>>, vector<1x1x200xf32>
    %swap3A_370 = vector.shape_cast %swap3A_369 : vector<1x1x200xf32> to vector<1x200xf32>
    %swap3A_371 = vector.shape_cast %div3A_357 : vector<1x200xf32> to vector<1x1x200xf32>
    tpu.vector_store %arg14[%swap3A_366, %swap3A_367, %swap3A_368], %swap3A_371 {strides = array<i32>} : memref<4x1x200xf32, #tpu.memory_space<vmem>>, vector<1x1x200xf32>,
    %get3A_372 = arith.constant 0 : index
    %get3A_373 = arith.constant 0 : index
    %get3A_374 = vector.load %arg7[%get3A_372, %get3A_373] : memref<768x2xf32, #tpu.memory_space<vmem>>, vector<768x2xf32>
    %dot_general3A_375 = arith.constant dense<0.000000e+00> : vector<1x2xf32>
    %dot_general3A_376 = tpu.matmul %dot_general3A_317, %get3A_374, %dot_general3A_375 {dimension_numbers = #tpu.dot_dimension_numbers<[1], [0], [0], [1], [0, 0, 1, 1], [], []>, transpose_lhs_hint = false} : vector<1x768xf32>, vector<768x2xf32>, vector<1x2xf32> -> vector<1x2xf32>
    %get3A_377 = arith.constant 0 : index
    %get3A_378 = arith.constant 0 : index
    %get3A_379 = vector.load %arg8[%get3A_377, %get3A_378] : memref<768x2xf32, #tpu.memory_space<vmem>>, vector<768x2xf32>
    %dot_general3A_380 = arith.constant dense<0.000000e+00> : vector<1x2xf32>
    %dot_general3A_381 = tpu.matmul %dot_general3A_359, %get3A_379, %dot_general3A_380 {dimension_numbers = #tpu.dot_dimension_numbers<[1], [0], [0], [1], [0, 0, 1, 1], [], []>, transpose_lhs_hint = false} : vector<1x768xf32>, vector<768x2xf32>, vector<1x2xf32> -> vector<1x2xf32>
    %add3A_382 = arith.addf %dot_general3A_376, %dot_general3A_381 : vector<1x2xf32>
    %get3A_383 = arith.constant 0 : index
    %get3A_384 = arith.constant 0 : index
    %get3A_385 = vector.load %arg9[%get3A_383, %get3A_384] : memref<1x2xf32, #tpu.memory_space<vmem>>, vector<1x2xf32>
    %add3A_386 = arith.addf %add3A_382, %get3A_385 : vector<1x2xf32>
    %swap3A_387 = arith.constant 2 : index
    %swap3A_388 = arith.constant 0 : index
    %swap3A_389 = arith.constant 0 : index
    %swap3A_390 = vector.load %arg11[%swap3A_387, %swap3A_388, %swap3A_389] : memref<4x1x2xf32, #tpu.memory_space<vmem>>, vector<1x1x2xf32>
    %swap3A_391 = vector.shape_cast %swap3A_390 : vector<1x1x2xf32> to vector<1x2xf32>
    %swap3A_392 = vector.shape_cast %add3A_386 : vector<1x2xf32> to vector<1x1x2xf32>
    tpu.vector_store %arg11[%swap3A_387, %swap3A_388, %swap3A_389], %swap3A_392 {strides = array<i32>} : memref<4x1x2xf32, #tpu.memory_space<vmem>>, vector<1x1x2xf32>,
    %slice3A_393 = vector.extract_strided_slice %add3A_386 {offsets = [0, 0], sizes = [1, 1], strides = [1, 1]} : vector<1x2xf32> to vector<1x1xf32>
    %squeeze3A_394 = vector.extract %slice3A_393[0, 0] : f32 from vector<1x1xf32>
    %slice3A_395 = vector.extract_strided_slice %add3A_386 {offsets = [0, 1], sizes = [1, 1], strides = [1, 1]} : vector<1x2xf32> to vector<1x1xf32>
    %squeeze3A_396 = vector.extract %slice3A_395[0, 0] : f32 from vector<1x1xf32>
    %max3A_397 = arith.maximumf %squeeze3A_394, %squeeze3A_396 : f32
    %sub3A_398 = arith.subf %squeeze3A_394, %max3A_397 : f32
    %exp3A_399 = math.exp %sub3A_398 : f32
    %sub3A_400 = arith.subf %squeeze3A_396, %max3A_397 : f32
    %exp3A_401 = math.exp %sub3A_400 : f32
    %add3A_402 = arith.addf %exp3A_399, %exp3A_401 : f32
    %log3A_403 = math.log %add3A_402 : f32
    %add3A_404 = arith.addf %max3A_397, %log3A_403 : f32
    %get3A_405 = arith.constant 2 : index
    %get3A_406 = arith.constant 0 : index
    %get3A_407 = arith.constant 0 : index
    %get3A_408 = vector.load %arg10[%get3A_405, %get3A_406, %get3A_407] : memref<4x1x2xf32, #tpu.memory_space<vmem>>, vector<1x1x2xf32>
    %get3A_409 = vector.shape_cast %get3A_408 : vector<1x1x2xf32> to vector<1x2xf32>
    %mul3A_410 = arith.mulf %add3A_386, %get3A_409 : vector<1x2xf32>
    %reduce_sum3A_411 = vector.shape_cast %mul3A_410 : vector<1x2xf32> to vector<1x1x2xf32>
    %reduce_sum3A_412 = arith.constant dense<0.000000e+00> : vector<1xf32>
    %reduce_sum3A_413 = vector.multi_reduction <add>, %reduce_sum3A_411, %reduce_sum3A_412 [1, 2] : vector<1x1x2xf32> to vector<1xf32>
    %reduce_sum3A_414 = vector.shape_cast %reduce_sum3A_413 : vector<1xf32> to vector<1x1x1xf32>
    %reduce_sum3A_415 = vector.extract %reduce_sum3A_414[0, 0, 0] : f32 from vector<1x1x1xf32>
    %sub3A_416 = arith.subf %add3A_404, %reduce_sum3A_415 : f32
    %mul3A_417 = arith.constant 1.562500e-02 : f32
    %mul3A_418 = arith.mulf %sub3A_416, %mul3A_417 : f32
    %reshape3A_419 = vector.broadcast %mul3A_418 : f32 to vector<1x1xf32>
    %add3A_420 = arith.addf %add3A_275, %reshape3A_419 : vector<1x1xf32>
    %get3A_421 = arith.constant 3 : index
    %get3A_422 = arith.constant 0 : index
    %get3A_423 = arith.constant 0 : index
    %get3A_424 = vector.load %arg1[%get3A_421, %get3A_422, %get3A_423] : memref<4x200x768xf32, #tpu.memory_space<vmem>>, vector<1x200x768xf32>
    %get3A_425 = vector.shape_cast %get3A_424 : vector<1x200x768xf32> to vector<200x768xf32>
    %get3A_426 = arith.constant 3 : index
    %get3A_427 = arith.constant 0 : index
    %get3A_428 = arith.constant 0 : index
    %get3A_429 = vector.load %arg3[%get3A_426, %get3A_427, %get3A_428] : memref<4x200x768xf32, #tpu.memory_space<vmem>>, vector<1x200x768xf32>
    %get3A_430 = vector.shape_cast %get3A_429 : vector<1x200x768xf32> to vector<200x768xf32>
    %get3A_431 = arith.constant 0 : index
    %get3A_432 = arith.constant 0 : index
    %get3A_433 = vector.load %arg5[%get3A_431, %get3A_432] : memref<8x768xf32, #tpu.memory_space<vmem>>, vector<8x768xf32>
    %dot_general3A_434 = arith.constant dense<0.000000e+00> : vector<8x200xf32>
    %dot_general3A_435 = tpu.matmul %get3A_433, %get3A_425, %dot_general3A_434 {dimension_numbers = #tpu.dot_dimension_numbers<[1], [1], [0], [0], [0, 0, 1, 0], [], []>, transpose_lhs_hint = false} : vector<8x768xf32>, vector<200x768xf32>, vector<8x200xf32> -> vector<8x200xf32>
    %get3A_436 = arith.constant 0 : index
    %get3A_437 = arith.constant 0 : index
    %get3A_438 = vector.load %arg6[%get3A_436, %get3A_437] : memref<8x1xf32, #tpu.memory_space<vmem>>, vector<8x1xf32>
    %add3A_439 = vector.broadcast %get3A_438 : vector<8x1xf32> to vector<8x200xf32>
    %add3A_440 = arith.addf %dot_general3A_435, %add3A_439 : vector<8x200xf32>
    %max3A_441 = arith.constant 0.000000e+00 : f32
    %max3A_442 = vector.broadcast %max3A_441 : f32 to vector<8x200xf32>
    %max3A_443 = arith.maximumf %add3A_440, %max3A_442 : vector<8x200xf32>
    %reduce_max3A_444 = arith.constant dense<0xFF800000> : vector<8xf32>
    %reduce_max3A_445 = vector.multi_reduction <maximumf>, %max3A_443, %reduce_max3A_444 [1] : vector<8x200xf32> to vector<8xf32>
    %broadcast_in_dim3A_446 = vector.shape_cast %reduce_max3A_445 : vector<8xf32> to vector<8x1xf32>
    %sub3A_447 = vector.broadcast %broadcast_in_dim3A_446 : vector<8x1xf32> to vector<8x200xf32>
    %sub3A_448 = arith.subf %max3A_443, %sub3A_447 : vector<8x200xf32>
    %exp3A_449 = math.exp %sub3A_448 : vector<8x200xf32>
    %reduce_sum3A_450 = arith.constant dense<0.000000e+00> : vector<8xf32>
    %reduce_sum3A_451 = vector.multi_reduction <add>, %exp3A_449, %reduce_sum3A_450 [1] : vector<8x200xf32> to vector<8xf32>
    %broadcast_in_dim3A_452 = vector.shape_cast %reduce_sum3A_451 : vector<8xf32> to vector<8x1xf32>
    %div3A_453 = vector.broadcast %broadcast_in_dim3A_452 : vector<8x1xf32> to vector<8x200xf32>
    %div3A_454 = arith.divf %exp3A_449, %div3A_453 : vector<8x200xf32>
    %reduce_sum3A_455 = arith.constant dense<0.000000e+00> : vector<200xf32>
    %reduce_sum3A_456 = vector.multi_reduction <add>, %div3A_454, %reduce_sum3A_455 [0] : vector<8x200xf32> to vector<200xf32>
    %broadcast_in_dim3A_457 = vector.shape_cast %reduce_sum3A_456 : vector<200xf32> to vector<1x200xf32>
    %div3A_458 = arith.constant 8.000000e+00 : f32
    %div3A_459 = vector.broadcast %div3A_458 : f32 to vector<1x200xf32>
    %div3A_460 = arith.divf %broadcast_in_dim3A_457, %div3A_459 : vector<1x200xf32>
    %dot_general3A_461 = arith.constant dense<0.000000e+00> : vector<1x768xf32>
    %dot_general3A_462 = tpu.matmul %div3A_460, %get3A_430, %dot_general3A_461 {dimension_numbers = #tpu.dot_dimension_numbers<[1], [0], [0], [1], [0, 0, 1, 1], [], []>, transpose_lhs_hint = false} : vector<1x200xf32>, vector<200x768xf32>, vector<1x768xf32> -> vector<1x768xf32>
    %get3A_463 = arith.constant 3 : index
    %get3A_464 = arith.constant 0 : index
    %get3A_465 = arith.constant 0 : index
    %get3A_466 = vector.load %arg2[%get3A_463, %get3A_464, %get3A_465] : memref<4x200x768xf32, #tpu.memory_space<vmem>>, vector<1x200x768xf32>
    %get3A_467 = vector.shape_cast %get3A_466 : vector<1x200x768xf32> to vector<200x768xf32>
    %get3A_468 = arith.constant 3 : index
    %get3A_469 = arith.constant 0 : index
    %get3A_470 = arith.constant 0 : index
    %get3A_471 = vector.load %arg4[%get3A_468, %get3A_469, %get3A_470] : memref<4x200x768xf32, #tpu.memory_space<vmem>>, vector<1x200x768xf32>
    %get3A_472 = vector.shape_cast %get3A_471 : vector<1x200x768xf32> to vector<200x768xf32>
    %get3A_473 = arith.constant 0 : index
    %get3A_474 = arith.constant 0 : index
    %get3A_475 = vector.load %arg5[%get3A_473, %get3A_474] : memref<8x768xf32, #tpu.memory_space<vmem>>, vector<8x768xf32>
    %dot_general3A_476 = arith.constant dense<0.000000e+00> : vector<8x200xf32>
    %dot_general3A_477 = tpu.matmul %get3A_475, %get3A_467, %dot_general3A_476 {dimension_numbers = #tpu.dot_dimension_numbers<[1], [1], [0], [0], [0, 0, 1, 0], [], []>, transpose_lhs_hint = false} : vector<8x768xf32>, vector<200x768xf32>, vector<8x200xf32> -> vector<8x200xf32>
    %get3A_478 = arith.constant 0 : index
    %get3A_479 = arith.constant 0 : index
    %get3A_480 = vector.load %arg6[%get3A_478, %get3A_479] : memref<8x1xf32, #tpu.memory_space<vmem>>, vector<8x1xf32>
    %add3A_481 = vector.broadcast %get3A_480 : vector<8x1xf32> to vector<8x200xf32>
    %add3A_482 = arith.addf %dot_general3A_477, %add3A_481 : vector<8x200xf32>
    %max3A_483 = arith.constant 0.000000e+00 : f32
    %max3A_484 = vector.broadcast %max3A_483 : f32 to vector<8x200xf32>
    %max3A_485 = arith.maximumf %add3A_482, %max3A_484 : vector<8x200xf32>
    %reduce_max3A_486 = arith.constant dense<0xFF800000> : vector<8xf32>
    %reduce_max3A_487 = vector.multi_reduction <maximumf>, %max3A_485, %reduce_max3A_486 [1] : vector<8x200xf32> to vector<8xf32>
    %broadcast_in_dim3A_488 = vector.shape_cast %reduce_max3A_487 : vector<8xf32> to vector<8x1xf32>
    %sub3A_489 = vector.broadcast %broadcast_in_dim3A_488 : vector<8x1xf32> to vector<8x200xf32>
    %sub3A_490 = arith.subf %max3A_485, %sub3A_489 : vector<8x200xf32>
    %exp3A_491 = math.exp %sub3A_490 : vector<8x200xf32>
    %reduce_sum3A_492 = arith.constant dense<0.000000e+00> : vector<8xf32>
    %reduce_sum3A_493 = vector.multi_reduction <add>, %exp3A_491, %reduce_sum3A_492 [1] : vector<8x200xf32> to vector<8xf32>
    %broadcast_in_dim3A_494 = vector.shape_cast %reduce_sum3A_493 : vector<8xf32> to vector<8x1xf32>
    %div3A_495 = vector.broadcast %broadcast_in_dim3A_494 : vector<8x1xf32> to vector<8x200xf32>
    %div3A_496 = arith.divf %exp3A_491, %div3A_495 : vector<8x200xf32>
    %reduce_sum3A_497 = arith.constant dense<0.000000e+00> : vector<200xf32>
    %reduce_sum3A_498 = vector.multi_reduction <add>, %div3A_496, %reduce_sum3A_497 [0] : vector<8x200xf32> to vector<200xf32>
    %broadcast_in_dim3A_499 = vector.shape_cast %reduce_sum3A_498 : vector<200xf32> to vector<1x200xf32>
    %div3A_500 = arith.constant 8.000000e+00 : f32
    %div3A_501 = vector.broadcast %div3A_500 : f32 to vector<1x200xf32>
    %div3A_502 = arith.divf %broadcast_in_dim3A_499, %div3A_501 : vector<1x200xf32>
    %dot_general3A_503 = arith.constant dense<0.000000e+00> : vector<1x768xf32>
    %dot_general3A_504 = tpu.matmul %div3A_502, %get3A_472, %dot_general3A_503 {dimension_numbers = #tpu.dot_dimension_numbers<[1], [0], [0], [1], [0, 0, 1, 1], [], []>, transpose_lhs_hint = false} : vector<1x200xf32>, vector<200x768xf32>, vector<1x768xf32> -> vector<1x768xf32>
    %swap3A_505 = arith.constant 3 : index
    %swap3A_506 = arith.constant 0 : index
    %swap3A_507 = arith.constant 0 : index
    %swap3A_508 = vector.load %arg13[%swap3A_505, %swap3A_506, %swap3A_507] : memref<4x1x200xf32, #tpu.memory_space<vmem>>, vector<1x1x200xf32>
    %swap3A_509 = vector.shape_cast %swap3A_508 : vector<1x1x200xf32> to vector<1x200xf32>
    %swap3A_510 = vector.shape_cast %div3A_460 : vector<1x200xf32> to vector<1x1x200xf32>
    tpu.vector_store %arg13[%swap3A_505, %swap3A_506, %swap3A_507], %swap3A_510 {strides = array<i32>} : memref<4x1x200xf32, #tpu.memory_space<vmem>>, vector<1x1x200xf32>,
    %swap3A_511 = arith.constant 3 : index
    %swap3A_512 = arith.constant 0 : index
    %swap3A_513 = arith.constant 0 : index
    %swap3A_514 = vector.load %arg14[%swap3A_511, %swap3A_512, %swap3A_513] : memref<4x1x200xf32, #tpu.memory_space<vmem>>, vector<1x1x200xf32>
    %swap3A_515 = vector.shape_cast %swap3A_514 : vector<1x1x200xf32> to vector<1x200xf32>
    %swap3A_516 = vector.shape_cast %div3A_502 : vector<1x200xf32> to vector<1x1x200xf32>
    tpu.vector_store %arg14[%swap3A_511, %swap3A_512, %swap3A_513], %swap3A_516 {strides = array<i32>} : memref<4x1x200xf32, #tpu.memory_space<vmem>>, vector<1x1x200xf32>,
    %get3A_517 = arith.constant 0 : index
    %get3A_518 = arith.constant 0 : index
    %get3A_519 = vector.load %arg7[%get3A_517, %get3A_518] : memref<768x2xf32, #tpu.memory_space<vmem>>, vector<768x2xf32>
    %dot_general3A_520 = arith.constant dense<0.000000e+00> : vector<1x2xf32>
    %dot_general3A_521 = tpu.matmul %dot_general3A_462, %get3A_519, %dot_general3A_520 {dimension_numbers = #tpu.dot_dimension_numbers<[1], [0], [0], [1], [0, 0, 1, 1], [], []>, transpose_lhs_hint = false} : vector<1x768xf32>, vector<768x2xf32>, vector<1x2xf32> -> vector<1x2xf32>
    %get3A_522 = arith.constant 0 : index
    %get3A_523 = arith.constant 0 : index
    %get3A_524 = vector.load %arg8[%get3A_522, %get3A_523] : memref<768x2xf32, #tpu.memory_space<vmem>>, vector<768x2xf32>
    %dot_general3A_525 = arith.constant dense<0.000000e+00> : vector<1x2xf32>
    %dot_general3A_526 = tpu.matmul %dot_general3A_504, %get3A_524, %dot_general3A_525 {dimension_numbers = #tpu.dot_dimension_numbers<[1], [0], [0], [1], [0, 0, 1, 1], [], []>, transpose_lhs_hint = false} : vector<1x768xf32>, vector<768x2xf32>, vector<1x2xf32> -> vector<1x2xf32>
    %add3A_527 = arith.addf %dot_general3A_521, %dot_general3A_526 : vector<1x2xf32>
    %get3A_528 = arith.constant 0 : index
    %get3A_529 = arith.constant 0 : index
    %get3A_530 = vector.load %arg9[%get3A_528, %get3A_529] : memref<1x2xf32, #tpu.memory_space<vmem>>, vector<1x2xf32>
    %add3A_531 = arith.addf %add3A_527, %get3A_530 : vector<1x2xf32>
    %swap3A_532 = arith.constant 3 : index
    %swap3A_533 = arith.constant 0 : index
    %swap3A_534 = arith.constant 0 : index
    %swap3A_535 = vector.load %arg11[%swap3A_532, %swap3A_533, %swap3A_534] : memref<4x1x2xf32, #tpu.memory_space<vmem>>, vector<1x1x2xf32>
    %swap3A_536 = vector.shape_cast %swap3A_535 : vector<1x1x2xf32> to vector<1x2xf32>
    %swap3A_537 = vector.shape_cast %add3A_531 : vector<1x2xf32> to vector<1x1x2xf32>
    tpu.vector_store %arg11[%swap3A_532, %swap3A_533, %swap3A_534], %swap3A_537 {strides = array<i32>} : memref<4x1x2xf32, #tpu.memory_space<vmem>>, vector<1x1x2xf32>,
    %slice3A_538 = vector.extract_strided_slice %add3A_531 {offsets = [0, 0], sizes = [1, 1], strides = [1, 1]} : vector<1x2xf32> to vector<1x1xf32>
    %squeeze3A_539 = vector.extract %slice3A_538[0, 0] : f32 from vector<1x1xf32>
    %slice3A_540 = vector.extract_strided_slice %add3A_531 {offsets = [0, 1], sizes = [1, 1], strides = [1, 1]} : vector<1x2xf32> to vector<1x1xf32>
    %squeeze3A_541 = vector.extract %slice3A_540[0, 0] : f32 from vector<1x1xf32>
    %max3A_542 = arith.maximumf %squeeze3A_539, %squeeze3A_541 : f32
    %sub3A_543 = arith.subf %squeeze3A_539, %max3A_542 : f32
    %exp3A_544 = math.exp %sub3A_543 : f32
    %sub3A_545 = arith.subf %squeeze3A_541, %max3A_542 : f32
    %exp3A_546 = math.exp %sub3A_545 : f32
    %add3A_547 = arith.addf %exp3A_544, %exp3A_546 : f32
    %log3A_548 = math.log %add3A_547 : f32
    %add3A_549 = arith.addf %max3A_542, %log3A_548 : f32
    %get3A_550 = arith.constant 3 : index
    %get3A_551 = arith.constant 0 : index
    %get3A_552 = arith.constant 0 : index
    %get3A_553 = vector.load %arg10[%get3A_550, %get3A_551, %get3A_552] : memref<4x1x2xf32, #tpu.memory_space<vmem>>, vector<1x1x2xf32>
    %get3A_554 = vector.shape_cast %get3A_553 : vector<1x1x2xf32> to vector<1x2xf32>
    %mul3A_555 = arith.mulf %add3A_531, %get3A_554 : vector<1x2xf32>
    %reduce_sum3A_556 = vector.shape_cast %mul3A_555 : vector<1x2xf32> to vector<1x1x2xf32>
    %reduce_sum3A_557 = arith.constant dense<0.000000e+00> : vector<1xf32>
    %reduce_sum3A_558 = vector.multi_reduction <add>, %reduce_sum3A_556, %reduce_sum3A_557 [1, 2] : vector<1x1x2xf32> to vector<1xf32>
    %reduce_sum3A_559 = vector.shape_cast %reduce_sum3A_558 : vector<1xf32> to vector<1x1x1xf32>
    %reduce_sum3A_560 = vector.extract %reduce_sum3A_559[0, 0, 0] : f32 from vector<1x1x1xf32>
    %sub3A_561 = arith.subf %add3A_549, %reduce_sum3A_560 : f32
    %mul3A_562 = arith.constant 1.562500e-02 : f32
    %mul3A_563 = arith.mulf %sub3A_561, %mul3A_562 : f32
    %reshape3A_564 = vector.broadcast %mul3A_563 : f32 to vector<1x1xf32>
    %add3A_565 = arith.addf %add3A_420, %reshape3A_564 : vector<1x1xf32>
    %eq3A = arith.constant 0 : i32
    %eq3A_566 = arith.cmpi eq, %arg0, %eq3A : i32
    %convert_element_type3A = arith.extui %eq3A_566 : i1 to i32
    %cond3A = arith.constant 0 : i32
    %cond3A_567 = arith.cmpi ne, %convert_element_type3A, %cond3A : i32
    scf.if %cond3A_567 {
      %broadcast_in_dim3A_575 = arith.constant 0.000000e+00 : f32
      %broadcast_in_dim3A_576 = vector.broadcast %broadcast_in_dim3A_575 : f32 to vector<1x1xf32>
      %swap3A_577 = arith.constant 0 : index
      %swap3A_578 = arith.constant 0 : index
      %swap3A_579 = vector.load %arg12[%swap3A_577, %swap3A_578] : memref<1x1xf32, #tpu.memory_space<vmem>>, vector<1x1xf32>
      tpu.vector_store %arg12[%swap3A_577, %swap3A_578], %broadcast_in_dim3A_576 {strides = array<i32>} : memref<1x1xf32, #tpu.memory_space<vmem>>, vector<1x1xf32>,
    } else {
    }
    %get3A_568 = arith.constant 0 : index
    %get3A_569 = arith.constant 0 : index
    %get3A_570 = vector.load %arg12[%get3A_568, %get3A_569] : memref<1x1xf32, #tpu.memory_space<vmem>>, vector<1x1xf32>
    %add3A_571 = arith.addf %get3A_570, %add3A_565 : vector<1x1xf32>
    %swap3A_572 = arith.constant 0 : index
    %swap3A_573 = arith.constant 0 : index
    %swap3A_574 = vector.load %arg12[%swap3A_572, %swap3A_573] : memref<1x1xf32, #tpu.memory_space<vmem>>, vector<1x1xf32>
    tpu.vector_store %arg12[%swap3A_572, %swap3A_573], %add3A_571 {strides = array<i32>} : memref<1x1xf32, #tpu.memory_space<vmem>>, vector<1x1xf32>,
    return
  }
  func.func @transform_0(%arg0: i32) -> (i32, i32, i32) {
    %c0_i32 = arith.constant 0 : i32
    %c0_i32_0 = arith.constant 0 : i32
    %c0_i32_1 = arith.constant 0 : i32
    return %arg0, %c0_i32, %c0_i32_0 : i32, i32, i32
  }
  func.func @transform_1(%arg0: i32) -> (i32, i32, i32) {
    %add3A = arith.constant 4 : i32
    %add3A_0 = arith.addi %add3A, %arg0 : i32
    %c0_i32 = arith.constant 0 : i32
    %c0_i32_1 = arith.constant 0 : i32
    %c0_i32_2 = arith.constant 0 : i32
    return %add3A_0, %c0_i32, %c0_i32_1 : i32, i32, i32
  }
  func.func @transform_2(%arg0: i32) -> (i32, i32, i32) {
    %add3A = arith.constant 8 : i32
    %add3A_0 = arith.addi %add3A, %arg0 : i32
    %c0_i32 = arith.constant 0 : i32
    %c0_i32_1 = arith.constant 0 : i32
    %c0_i32_2 = arith.constant 0 : i32
    return %add3A_0, %c0_i32, %c0_i32_1 : i32, i32, i32
  }
  func.func @transform_3(%arg0: i32) -> (i32, i32, i32) {
    %add3A = arith.constant 8 : i32
    %add3A_0 = arith.addi %add3A, %arg0 : i32
    %c0_i32 = arith.constant 0 : i32
    %c0_i32_1 = arith.constant 0 : i32
    %c0_i32_2 = arith.constant 0 : i32
    return %add3A_0, %c0_i32, %c0_i32_1 : i32, i32, i32
  }
  func.func @transform_4(%arg0: i32) -> (i32, i32) {
    %c0_i32 = arith.constant 0 : i32
    %c0_i32_0 = arith.constant 0 : i32
    %c0_i32_1 = arith.constant 0 : i32
    return %c0_i32, %c0_i32_0 : i32, i32
  }
  func.func @transform_5(%arg0: i32) -> (i32, i32) {
    %c0_i32 = arith.constant 0 : i32
    %c0_i32_0 = arith.constant 0 : i32
    %c0_i32_1 = arith.constant 0 : i32
    return %c0_i32, %c0_i32_0 : i32, i32
  }
  func.func @transform_6(%arg0: i32) -> (i32, i32) {
    %c0_i32 = arith.constant 0 : i32
    %c0_i32_0 = arith.constant 0 : i32
    %c0_i32_1 = arith.constant 0 : i32
    return %c0_i32, %c0_i32_0 : i32, i32
  }
  func.func @transform_7(%arg0: i32) -> (i32, i32) {
    %c0_i32 = arith.constant 0 : i32
    %c0_i32_0 = arith.constant 0 : i32
    %c0_i32_1 = arith.constant 0 : i32
    return %c0_i32, %c0_i32_0 : i32, i32
  }
  func.func @transform_8(%arg0: i32) -> (i32, i32) {
    %c0_i32 = arith.constant 0 : i32
    %c0_i32_0 = arith.constant 0 : i32
    %c0_i32_1 = arith.constant 0 : i32
    return %c0_i32, %c0_i32_0 : i32, i32
  }
  func.func @transform_9(%arg0: i32) -> (i32, i32, i32) {
    %c0_i32 = arith.constant 0 : i32
    %c0_i32_0 = arith.constant 0 : i32
    %c0_i32_1 = arith.constant 0 : i32
    return %arg0, %c0_i32, %c0_i32_0 : i32, i32, i32
  }
  func.func @transform_10(%arg0: i32) -> (i32, i32, i32) {
    %c0_i32 = arith.constant 0 : i32
    %c0_i32_0 = arith.constant 0 : i32
    %c0_i32_1 = arith.constant 0 : i32
    return %arg0, %c0_i32, %c0_i32_0 : i32, i32, i32
  }
  func.func @transform_11(%arg0: i32) -> (i32, i32) {
    %c0_i32 = arith.constant 0 : i32
    %c0_i32_0 = arith.constant 0 : i32
    %c0_i32_1 = arith.constant 0 : i32
    return %c0_i32, %c0_i32_0 : i32, i32
  }
  func.func @transform_12(%arg0: i32) -> (i32, i32, i32) {
    %c0_i32 = arith.constant 0 : i32
    %c0_i32_0 = arith.constant 0 : i32
    %c0_i32_1 = arith.constant 0 : i32
    return %arg0, %c0_i32, %c0_i32_0 : i32, i32, i32
  }
  func.func @transform_13(%arg0: i32) -> (i32, i32, i32) {
    %c0_i32 = arith.constant 0 : i32
    %c0_i32_0 = arith.constant 0 : i32
    %c0_i32_1 = arith.constant 0 : i32
    return %arg0, %c0_i32, %c0_i32_0 : i32, i32, i32
  }
}

</mosaic_0001>

<sc_bundles>
// kernel: kernel.10.cloned.1.call-start
scs
__scs_entry_jumppad:
0x0: {  	(pc) =	sbr.rel $0x88, $3  }
0x1: {  	(tag) =	ssettag $0x0;
	lr =	simm.s32 $0x1  }
0x2: {  	[smem:$0x3F97] =	sst lr;
	_ =	strace $0xD0000000  }
0x3: {  	_ = 	snop  }
0x4: {  	_ = 	snop  }
0x5: {  	_ = 	snop  }
0x6: {  	_ = 	snop  }
0x7: {  	_ = 	snop  }
__scs_overlays_trampoline_lowered:
0x8: {  	[smem:$0x3FA6] =	sst s0  }
0x9: {  	[smem:$0x3FA7] =	sst s1  }
0xa: {  	[smem:$0x3FA8] =	sst s2  }
0xb: {  	[smem:$0x3FA9] =	sst s3  }
0xc: {  	[smem:$0x3FAA] =	sst s4  }
0xd: {  	[smem:$0x3FAB] =	sst s5  }
0xe: {  	[smem:$0x3FAC] =	sst s6  }
0xf: {  	[smem:$0x3FAD] =	sst s7  }
0x10: {  	[smem:$0x3FAE] =	sst s8  }
0x11: {  	[smem:$0x3FAF] =	sst s9;
	s0 =	simm.s32 @!p0 $0x0  }
0x12: {  	s1 =	sld [smem:$0x3F95];
	s0 =	simm.s32 @p0 $0x1  }
0x13: {  	[smem:$0x3FB0] =	sst s0;
	s0 =	simm.s32 @!p1 $0x0  }
0x14: {  	s2 =	sld [smem:$0x3F94];
	s0 =	simm.s32 @p1 $0x1  }
0x15: {  	[smem:$0x3FB1] =	sst s0;
	s0 =	simm.s32 @!p2 $0x0  }
0x16: {  	s3 =	sld [smem:$0x3FDB];
	s0 =	simm.s32 @p2 $0x1  }
0x17: {  	s4 =	simm.s32 $0x1BF5;
	[smem:$0x3FB3] =	sst s0  }
0x18: {  	s0 =	sld [smem:$0x3F96];
	_ =	swait.ge [sflag:s4], $0x0  }
0x19: {  	s7 =	sld [smem:$0x3F97]  }
0x1a: {  	s8 =	sadd.s32 $0xFFFFE003, lr  }
0x1b: {  	s9 =	sadd.s32 $0xFFFFFEF7, lr;
	s5 =	simm.s32 $0xFFFFFFFF;
	p2 =	slt.u32 s8, $0xFFFFF086  }
0x1c: {  	p1 =	slt.u32 s9, $0xF7A;
	s5 =	simm.s32 @!p2 $0x0  }
0x1d: {  	s5 =	simm.s32 @p1 $0x1;
	p0 =	seq.s32 s7, s2  }
0x1e: {  	s7 =	smul.u32 @!p0 $0xF7A, s2;
	p2 =	seq.s32 @!p0 s5, $0x0  }
0x1f: {  	s9 =	smul.u32 $0xF7A, s1;
	s8 =	simm.s32 @!p0 $0x1BF5;
	p2 =	por !p2, p0  }
0x20: {  	[sflag:s8] =	ssyncset.s32 @!p0 $0xFFFFF086;
	s6 =	sadd.s32 @!p0 s3, s7;
	s7 =	simm.s32 @!p0 $0x108  }
0x21: {  	s3 =	sadd.s32 s3, s9;
	s6 =	sadd.s32 @!p0 $0x88, s6;
	s7 =	simm.s32 @p2 $0x1082  }
0x22: {  	[simem:s7], [sflag:s8] =	dma.local @!p0 [hbm:s6], $0xF7A  }
0x23: {  	s9 =	sor.u32 $0xD0000000, s2;
	s6 =	simm.s32 $0x108;
	_ =	swait.ge @!p0 [sflag:s8], $0x0  }
0x24: {  	s3 =	sadd.s32 $0x88, s3;
	s6 =	simm.s32 @!p1 $0x1082;
	[sflag:s4] =	ssyncset.s32 $0xFFFFF086  }
0x25: {  	[simem:s6], [sflag:s4] =	dma.local [hbm:s3], $0xF7A  }
0x26: {  	[smem:$0x3F97] =	sst s1;
	(tag) =	ssettag s2;
	_ =	strace s9  }
0x27: {  	s1 =	sld [smem:$0x3FA7]  }
0x28: {  	s2 =	sld [smem:$0x3FA8]  }
0x29: {  	s4 =	sld [smem:$0x3FAA]  }
0x2a: {  	p0 =	seq.s32 s5, $0x0;
	s5 =	sld [smem:$0x3FAB]  }
0x2b: {  	s6 =	sld [smem:$0x3FAC]  }
0x2c: {  	s7 =	sld [smem:$0x3FAD]  }
0x2d: {  	s3 =	simm.s32 $0x108;
	s8 =	sld [smem:$0x3FAE]  }
0x2e: {  	s3 =	simm.s32 @!p0 $0x1082;
	s9 =	sld [smem:$0x3FAF]  }
0x2f: {  	lr =	sadd.s32 s0, s3;
	s0 =	sld [smem:$0x3FA6]  }
0x30: {  	s3 =	sld [smem:$0x3FA9]  }
0x31: {  	[smem:$0x3FB2] =	sst s10  }
0x32: {  	s10 =	sld [smem:$0x3FB0];
	_ =	sdelay $0x3  }
0x33: {  	p0 =	seq.s32 s10, $0x1;
	s10 =	sld [smem:$0x3FB2];
	_ =	sdelay $0x3  }
0x34: {  	[smem:$0x3FB2] =	sst s10  }
0x35: {  	s10 =	sld [smem:$0x3FB1];
	_ =	sdelay $0x3  }
0x36: {  	p1 =	seq.s32 s10, $0x1;
	s10 =	sld [smem:$0x3FB2];
	_ =	sdelay $0x3  }
0x37: {  	[smem:$0x3FB2] =	sst s10  }
0x38: {  	s10 =	sld [smem:$0x3FB3]  }
0x39: {  	_ = 	snop;
	(pc) =	sbr.ind lr, $3  }
0x3a: {  	_ = 	snop  }
0x3b: {  	_ = 	snop  }
0x3c: {  	p2 =	seq.s32 s10, $0x1;
	s10 =	sld [smem:$0x3FB2]  }
0x3d: {  	_ =	shalt  }
0x3e: {  	_ =	shalt  }
0x3f: {  	_ =	shalt  }
0x40: {  	_ =	shalt  }
0x41: {  	_ =	shalt  }
0x42: {  	_ =	shalt  }
0x43: {  	_ =	shalt  }
0x44: {  	_ =	shalt  }
0x45: {  	_ =	shalt  }
0x46: {  	_ =	shalt  }
0x47: {  	_ =	shalt  }
0x48: {  	_ =	shalt  }
0x49: {  	_ =	shalt  }
0x4a: {  	_ =	shalt  }
0x4b: {  	_ =	shalt  }
0x4c: {  	_ =	shalt  }
0x4d: {  	_ =	shalt  }
0x4e: {  	_ =	shalt  }
0x4f: {  	_ =	shalt  }
0x50: {  	_ =	shalt  }
0x51: {  	_ =	shalt  }
0x52: {  	_ =	shalt  }
0x53: {  	_ =	shalt  }
0x54: {  	_ =	shalt  }
0x55: {  	_ =	shalt  }
0x56: {  	_ =	shalt  }
0x57: {  	_ =	shalt  }
0x58: {  	_ =	shalt  }
0x59: {  	_ =	shalt  }
0x5a: {  	_ =	shalt  }
0x5b: {  	_ =	shalt  }
0x5c: {  	_ =	shalt  }
0x5d: {  	_ =	shalt  }
0x5e: {  	_ =	shalt  }
0x5f: {  	_ =	shalt  }
0x60: {  	_ =	shalt  }
0x61: {  	_ =	shalt  }
0x62: {  	_ =	shalt  }
0x63: {  	_ =	shalt  }
0x64: {  	_ =	shalt  }
0x65: {  	_ =	shalt  }
0x66: {  	_ =	shalt  }
0x67: {  	_ =	shalt  }
0x68: {  	_ =	shalt  }
0x69: {  	_ =	shalt  }
0x6a: {  	_ =	shalt  }
0x6b: {  	_ =	shalt  }
0x6c: {  	_ =	shalt  }
0x6d: {  	_ =	shalt  }
0x6e: {  	_ =	shalt  }
0x6f: {  	_ =	shalt  }
0x70: {  	_ =	shalt  }
0x71: {  	_ =	shalt  }
0x72: {  	_ =	shalt  }
0x73: {  	_ =	shalt  }
0x74: {  	_ =	shalt  }
0x75: {  	_ =	shalt  }
0x76: {  	_ =	shalt  }
0x77: {  	_ =	shalt  }
0x78: {  	_ =	shalt  }
0x79: {  	_ =	shalt  }
0x7a: {  	_ =	shalt  }
0x7b: {  	_ =	shalt  }
0x7c: {  	_ =	shalt  }
0x7d: {  	_ =	shalt  }
0x7e: {  	_ =	shalt  }
0x7f: {  	_ =	shalt  }
0x80: {  	_ =	shalt  }
0x81: {  	_ =	shalt  }
0x82: {  	_ =	shalt  }
0x83: {  	_ =	shalt  }
0x84: {  	_ =	shalt  }
0x85: {  	_ =	shalt  }
0x86: {  	_ =	shalt  }
0x87: {  	_ =	shalt  }
.Lfunc_end0:
.L_simem_size_0:
called_computation_lowered:
.L_overlay_start_0:
0x88: {  	s2 =	sld [smem:$0x3FD9]  }
0x89: {  	s3 =	sld [smem:$0x3FFE];
	_ =	sdelay $0x1  }
0x8a: {  	s1 =	srdreg.scid  }
0x8b: {  	s0 =	sand.u32 $0x1, s1  }
0x8c: {  	s17 =	sshll.u32 s0, $0xA;
	s2 =	sadd.s32 s3, s2  }
0x8d: {  	s2 =	sadd.s32 s2, s17  }
0x8e: {  	[smem:$0x3FBE] =	sst s2  }
0x8f: {  	_ = 	snop  }
0x90: {  	s18 =	sld [smem:$0x3FC4];
	(tm) =	ssettm $0x1  }
0x91: {  	s19 =	sld [smem:$0x3FFB];
	_ =	sdelay $0x3  }
0x92: {  	_ =	strace s19  }
0x93: {  	s2 =	sld [smem:$0x3FFC];
	_ =	sdelay $0x3  }
0x94: {  	_ =	strace s2  }
0x95: {  	s2 =	sld [smem:$0x3FFD];
	_ =	sdelay $0x3  }
0x96: {  	_ =	strace s2  }
0x97: {  	_ =	strace $0x8FFFFFFF  }
0x98: {  	s20 =	sld [smem:$0x3FDB];
	_ =	sdelay $0x1  }
0x99: {  	s4 =	simm.s32 $_scs_section_size  }
0x9a: {  	s5 =	simm.s32 $_size__tile_overlayer_lowered;
	s6 =	simm.s32 $_tile_overlayer_lowered  }
0x9b: {  	s7 =	simm.s32 $0x1BFF;
	s21 =	sshll.u32 s6, $0x1;
	s4 =	sadd.s32 s4, s20  }
0x9c: {  	s22 =	simm.s32 $0x0;
	s5 =	sshll.u32 s5, $0x1;
	s6 =	sadd.s32 s21, s4  }
0x9d: {  	[timem:s22], [sflag:s7] =	dma.local [hbm:s6], s5  }
0x9e: {  	_ =	swait.ge [sflag:s7], s5  }
0x9f: {  	s5 =	ssub.s32 $0x0, s5;
	[sflag:s7] =	ssyncset.done $0x0  }
0xa0: {  	[sflag:s7] =	ssyncadd.s32 s5;
	_ =	sdelay $0x1  }
0xa1: {  	s23 =	simm.s32 $0x1B8B  }
0xa2: {  	_ =	swait.ge [sflag:s23], $0x1  }
0xa3: {  	[sflag:s23] =	ssyncset.done $0x0  }
0xa4: {  	[sflag:s23] =	ssyncadd.s32 $0xFFFFFFFF  }
0xa5: {  	s5 =	sld [smem:$0x0]  }
0xa6: {  	s6 =	sand.u32 $0xFFFFFFFE, s1  }
0xa7: {  	p0 =	sne.s32 s1, s6  }
0xa8: {  	s6 =	sshll.u32 @p0 s6, $0xE  }
0xa9: {  	s6 =	sadd.s32 @p0 $0x11B8D, s6;
	s7 =	sshll.u32 @p0 s5, $0x11  }
0xaa: {  	s6 =	sor.u32 @p0 s7, s6  }
0xab: {  	[sflag:s6] =	ssyncadd.remote.s32 @p0 $0x1;
	_ =	sdelay $0x1  }
0xac: {  	s6 =	simm.s32 @p0 $0x1B8D  }
0xad: {  	_ =	swait.eq @p0 [sflag:s6], $0x1  }
0xae: {  	[sflag:s6] =	ssyncadd.s32 @p0 $0xFFFFFFFF  }
0xaf: {  	s7 =	sshll.u32 @!p0 s1, $0xE  }
0xb0: {  	s7 =	sor.u32 @!p0 $0x4000, s7;
	s6 =	simm.s32 @!p0 $0x1B8D  }
0xb1: {  	s5 =	sshll.u32 @!p0 s5, $0x11;
	s7 =	sadd.s32 @!p0 $0x11B8D, s7;
	_ =	swait.eq @!p0 [sflag:s6], $0x1  }
0xb2: {  	s5 =	sor.u32 @!p0 s5, s7;
	[sflag:s6] =	ssyncadd.s32 @!p0 $0xFFFFFFFF  }
0xb3: {  	s25 =	simm.s32 $0x1B8E;
	s24 =	sld [smem:$0x3FFE];
	[sflag:s5] =	ssyncadd.remote.s32 @!p0 $0x1  }
0xb4: {  	s26 =	simm.s32 $execute0_lowered;
	[smem:$0x3FD2] =	sst s25  }
0xb5: {  	s6 =	sshll.u32 s26, $0x1;
	_ =	strace $0x8000004F;
	[dreg:$0x1] =	wrdreg $0xFFFFFFFF  }
0xb6: {  	s28 =	simm.s32 $_size_execute0_lowered;
	s4 =	sadd.s32 s4, s6;
	[dreg:$0x0] =	wrdreg $0x0  }
0xb7: {  	s6 =	sshll.u32 s28, $0x1;
	[dreg:$0x2] =	wrdreg s4  }
0xb8: {  	[dreg:$0x3] =	wrdreg s6  }
0xb9: {  	[dreg:$0x4] =	wrdreg $0xC0  }
0xba: {  	_ =	task [dreg:s22], $0x5FFFF  }
0xbb: {  	[dreg:$0x1] =	wrdreg $0xFFFFFFFF  }
0xbc: {  	[dreg:$0x0] =	wrdreg $0x60  }
0xbd: {  	[dreg:$0x2] =	wrdreg s24  }
0xbe: {  	[dreg:$0x3] =	wrdreg s18  }
0xbf: {  	[dreg:$0x4] =	wrdreg $0x9  }
0xc0: {  	_ =	task.clear_ibuf [dreg:s22], $0x5FFFF;
	_ =	strace $0x9000004F  }
0xc1: {  	s29 =	simm.s32 $0x9;
	_ =	strace $0x80000051  }
0xc2: {  	_ =	swait.ge [sflag:s29], $0x1  }
0xc3: {  	[sflag:s29] =	ssyncadd.s32 $0xFFFFFFFF  }
0xc4: {  	_ =	strace $0x90000051  }
0xc5: {  	_ =	sfence  }
0xc6: {  	s30 =	sld [smem:$0x0];
	_ =	sdelay $0x2  }
0xc7: {  	s31 =	sshll.u32 s1, $0xD;
	s1 =	sshrl.u32 s1, $0x2  }
0xc8: {  	s4 =	sand.u32 $0x4000, s31;
	s1 =	sadd.s32 s1, s30  }
0xc9: {  	s0 =	sor.u32 s4, s0;
	s1 =	sshll.u32 s1, $0x11  }
0xca: {  	s0 =	sor.u32 s1, s0  }
0xcb: {  	s0 =	sadd.s32 $0x8F2B, s0  }
0xcc: {  	[sflag:s0] =	ssyncadd.remote.s32 $0x1  }
0xcd: {  	_ =	sfence.sel $0xFFFF  }
0xce: {  	[dreg:$0x0] =	wrdreg $0xFFFFFFFF;
	(pc) =	sbr.abs _section_cstart, $3  }
0xcf: {  	[dreg:$0x1] =	wrdreg $0xFFFFFFFF  }
0xd0: {  	_ =	task.clear_ibuf [dreg:s22], $0x2FFFF;
	_ =	strace $0x9FFFFFFF  }
0xd1: {  	(tm) =	ssettm $0x7FFFFFFF  }
tec
execute0_lowered:
.L_overlay_start_1:
0x0: {  	(tag) =	ssettag $0x1  }
0x1: {  	s1 =	srdreg.scid  }
0x2: {  	s0 =	stileid.u32;
	s5 =	rddreg [dreg:$0x0]  }
0x3: {  	s2 =	rddreg [dreg:$0x1];
	s9 =	simm.s32 $0x2;
	s10 =	simm.s32 $0x80  }
0x4: {  	s11 =	simm.s32 $0x880;
	s12 =	simm.s32 $0x1080;
	s13 =	simm.s32 $0x1880  }
0x5: {  	s14 =	simm.s32 $0x2080;
	s15 =	simm.s32 $0x2880;
	s16 =	simm.s32 $0x3080  }
0x6: {  	s17 =	simm.s32 $0x3880;
	s18 =	simm.s32 $0x4080;
	s19 =	simm.s32 $0x4880  }
0x7: {  	s20 =	simm.s32 $0x5080;
	s4 =	sand.u32 $0x1, s1;
	s29 =	smul.u32 $0x190, s0  }
0x8: {  	s21 =	simm.s32 $0x5880;
	s22 =	simm.s32 $0x6080;
	s3 =	smul.u32 $0xC8, s4  }
0x9: {  	s23 =	simm.s32 $0x6880;
	s24 =	simm.s32 $0x7080;
	s25 =	simm.s32 $0x1  }
0xa: {  	s26 =	simm.s32 $0x0;
	s1 =	rddreg [dreg:$0x2];
	s6 =	sadd.s32 s3, s29  }
0xb: {  	s4 =	ssub.s32 $0x2, s4;
	s3 =	simm.s32 $0x0;
	s6 =	sshrl.u32 s6, $0x3  }
0xc: {  	s30 =	sshrl.u32 s4, $0x1;
	[smem:$0x7FF] =	sst s3;
	s7 =	smul.u32 $0x300, s6  }
0xd: {  	v2 =	vlaneseq.u32;
	s31 =	ssub.s32 s4, s30;
	s4 =	sadd.s32 $0x100, s2;
	_ =	strace $0x80000050  }
0xe: {  	vm0 =	vmmov $0xffff;
	v1 =	vshrl.u32 v2, $0x3;
	s8 =	sadd.s32 s6, s5;
	s6 =	smax.u32 s31, $0x1;
	s7 =	sadd.s32 s7, s5  }
0xf: {  	v0 =	vand.u32 $0x7, v2;
	v2 =	vor.u32 $0x8, v2;
	v1 =	vmul.u32 $0x8, v1;
	s8 =	sadd.s32 $0x4600, s8;
	s5 =	sadd.s32 $0x200, s2;
	s7 =	sadd.s32 $0x1C7200, s7  }
.LBB2_1:
0x10: {  	s28 =	smov.u32 s7;
	s29 =	simm.s32 $0x0  }
.LBB2_2:
0x11: {  	s30 =	sadd.s32 s29, s8  }
0x12: {  	[tilespmem:s3], [sflag:$0x2] =	stream.linear.gather [hbm4b:s30+s3], $0x28, $0x38;
	[tilespmem:$0x7880] =	vst v63  }
0x13: {  	_ =	swait.ge [sflag:s9], $0x28  }
0x14: {  	[sflag:s9] =	ssyncset.done $0x0  }
0x15: {  	[sflag:s9] =	ssyncadd.s32 $0xFFFFFFD8  }
0x16: {  	v3 =	vld [tilespmem:$0x0];
	_ =	sdelay $0x4  }
0x17: {  	v4 =	vshrl.u32 v3, $0x3  }
0x18: {  	v4 =	vmul.u32 $0x30, v4  }
0x19: {  	v3 =	vand.u32 $0x7, v3  }
0x1a: {  	v3 =	vor.u32 v3, v4  }
0x1b: {  	v4 =	vperm.xlane v3, v0;
	_ =	sdelay $0x1  }
0x1c: {  	v4 =	vadd.s32 v1, v4;
	_ =	sdelay $0x3  }
0x1d: {  	v3 =	vperm.xlane v3, v2  }
0x1e: {  	[tilespmem:s10], [sflag:$0x1] =	stream.indirect_vreg.gather [hbm4b:s2+s3], $0x80, v4, vm0, $0xb8;
	[tilespmem:$0x7880] =	vst v63  }
0x1f: {  	v3 =	vadd.s32 v1, v3  }
0x20: {  	[tilespmem:s11], [sflag:$0x1] =	stream.indirect_vreg.gather [hbm4b:s4+s3], $0x80, v4, vm0, $0xb8;
	[tilespmem:$0x7880] =	vst v63  }
0x21: {  	_ = 	snop  }
0x22: {  	[tilespmem:s12], [sflag:$0x1] =	stream.indirect_vreg.gather [hbm4b:s5+s3], $0x80, v4, vm0, $0xb8;
	[tilespmem:$0x7880] =	vst v63  }
0x23: {  	_ = 	snop  }
0x24: {  	[tilespmem:s13], [sflag:$0x1] =	stream.indirect_vreg.gather [hbm4b:s2+s3], $0x80, v3, vm0, $0xb8;
	[tilespmem:$0x7880] =	vst v63  }
0x25: {  	_ = 	snop  }
0x26: {  	[tilespmem:s14], [sflag:$0x1] =	stream.indirect_vreg.gather [hbm4b:s4+s3], $0x80, v3, vm0, $0xb8;
	[tilespmem:$0x7880] =	vst v63  }
0x27: {  	_ = 	snop  }
0x28: {  	[tilespmem:s15], [sflag:$0x1] =	stream.indirect_vreg.gather [hbm4b:s5+s3], $0x80, v3, vm0, $0xb8;
	[tilespmem:$0x7880] =	vst v63  }
0x29: {  	v3 =	vld [tilespmem:$0x10];
	_ =	sdelay $0x4  }
0x2a: {  	v62 =	vshrl.u32 v3, $0x3  }
0x2b: {  	v4 =	vmul.u32 $0x30, v62  }
0x2c: {  	v3 =	vand.u32 $0x7, v3  }
0x2d: {  	v3 =	vor.u32 v3, v4  }
0x2e: {  	v4 =	vperm.xlane v3, v0;
	_ =	sdelay $0x1  }
0x2f: {  	v4 =	vadd.s32 v1, v4;
	_ =	sdelay $0x3  }
0x30: {  	v3 =	vperm.xlane v3, v2  }
0x31: {  	[tilespmem:s16], [sflag:$0x1] =	stream.indirect_vreg.gather [hbm4b:s2+s3], $0x80, v4, vm0, $0xb8;
	[tilespmem:$0x7880] =	vst v63  }
0x32: {  	v3 =	vadd.s32 v1, v3  }
0x33: {  	[tilespmem:s17], [sflag:$0x1] =	stream.indirect_vreg.gather [hbm4b:s4+s3], $0x80, v4, vm0, $0xb8;
	[tilespmem:$0x7880] =	vst v63  }
0x34: {  	_ = 	snop  }
0x35: {  	[tilespmem:s18], [sflag:$0x1] =	stream.indirect_vreg.gather [hbm4b:s5+s3], $0x80, v4, vm0, $0xb8;
	[tilespmem:$0x7880] =	vst v63  }
0x36: {  	_ = 	snop  }
0x37: {  	[tilespmem:s19], [sflag:$0x1] =	stream.indirect_vreg.gather [hbm4b:s2+s3], $0x80, v3, vm0, $0xb8;
	[tilespmem:$0x7880] =	vst v63  }
0x38: {  	_ = 	snop  }
0x39: {  	[tilespmem:s20], [sflag:$0x1] =	stream.indirect_vreg.gather [hbm4b:s4+s3], $0x80, v3, vm0, $0xb8;
	[tilespmem:$0x7880] =	vst v63  }
0x3a: {  	_ = 	snop  }
0x3b: {  	[tilespmem:s21], [sflag:$0x1] =	stream.indirect_vreg.gather [hbm4b:s5+s3], $0x80, v3, vm0, $0xb8;
	[tilespmem:$0x7880] =	vst v63  }
0x3c: {  	v3 =	vld.msk [tilespmem:$0x20], $0xff;
	_ =	sdelay $0x4  }
0x3d: {  	v63 =	vshrl.u32 v3, $0x3  }
0x3e: {  	v4 =	vmul.u32 $0x30, v63  }
0x3f: {  	v3 =	vand.u32 $0x7, v3  }
0x40: {  	v3 =	vor.u32 v3, v4  }
0x41: {  	v3 =	vperm.xlane v3, v0;
	_ =	sdelay $0x1  }
0x42: {  	v3 =	vadd.s32 v1, v3;
	_ =	sdelay $0x4  }
0x43: {  	[tilespmem:s22], [sflag:$0x1] =	stream.indirect_vreg.gather [hbm4b:s2+s3], $0x80, v3, vm0, $0xb8;
	[tilespmem:$0x7880] =	vst v63  }
0x44: {  	_ = 	snop  }
0x45: {  	[tilespmem:s23], [sflag:$0x1] =	stream.indirect_vreg.gather [hbm4b:s4+s3], $0x80, v3, vm0, $0xb8;
	[tilespmem:$0x7880] =	vst v63  }
0x46: {  	_ = 	snop  }
0x47: {  	[tilespmem:s24], [sflag:$0x1] =	stream.indirect_vreg.gather [hbm4b:s5+s3], $0x80, v3, vm0, $0xb8;
	[tilespmem:$0x7880] =	vst v63  }
0x48: {  	_ =	swait.ge [sflag:s25], $0x7800  }
0x49: {  	p0 =	sne.s32 s29, $0x14;
	[sflag:s25] =	ssyncset.done $0x0  }
.Ltmp0:
0x4a: {  	[sflag:s25] =	ssyncadd.s32 $0xFFFF8800;
	(pc) =	sbr.rel @p0 .LBB2_2-.Ltmp0, $4  }
0x4b: {  	[hbm4b:s28+s3] =	stream.linear.scatter [tilespmem:s10], [sflag:$0x2], $0x7800, $0x38;
	[tilespmem:$0x7880] =	vst v63  }
0x4c: {  	_ =	swait.ge [sflag:s9], $0x7800  }
0x4d: {  	[sflag:s9] =	ssyncset.done $0x0  }
0x4e: {  	s29 =	sadd.s32 $0x5, s29;
	s28 =	sadd.s32 $0xF00, s28;
	[sflag:s9] =	ssyncadd.s32 $0xFFFF8800  }
0x4f: {  	s26 =	sadd.s32 $0x1, s26  }
0x50: {  	p0 =	sne.s32 s26, s6  }
.Ltmp1:
0x51: {  	_ = 	snop;
	(pc) =	sbr.rel @p0 .LBB2_1-.Ltmp1, $1  }
0x52: {  	_ =	sdelay $0x3  }
0x53: {  	_ =	sfence.sel $0x180000  }
0x54: {  	[bflag:$0x0] =	sbarrier.arrive $0xFFFF  }
0x55: {  	p0 =	sne.s32 s0, $0x0;
	_ =	strace $0x90000050  }
0x56: {  	s0 =	sadd.s32 @!p0 $0x100000, s1;
	[bflag:$0x2] =	sbarrier.arrive $0xFFFF  }
0x57: {  	[sflag:s0] =	ssyncadd.tile.s32 @!p0 $0x1;
	_ =	shalt  }
.Lfunc_end2:
_tile_overlayer_lowered:
.L_overlay_start_2:
0x58: {  	(tag) =	ssettag $0x2  }
0x59: {  	s0 =	rddreg [dreg:$0x0];
	s2 =	stileid.u32  }
0x5a: {  	s1 =	rddreg [dreg:$0x1];
	p0 =	sne.s32 s2, $0x0  }
0x5b: {  	s3 =	rddreg [dreg:$0x2];
	[bflag:$0x3] =	sbarrier.arrive $0xFFFF;
	s2 =	simm.s32 @!p0 $0x1C02  }
0x5c: {  	[timem:s3], [sflag:s2] =	dma.local @!p0 [hbm:s0], s1  }
0x5d: {  	s0 =	simm.s32 @!p0 $0x2  }
0x5e: {  	_ =	swait.ge @!p0 [sflag:s0], s1  }
0x5f: {  	s1 =	ssub.s32 @!p0 $0x0, s1;
	[sflag:s0] =	ssyncset.done @!p0 $0x0  }
0x60: {  	[sflag:s0] =	ssyncadd.s32 @!p0 s1  }
0x61: {  	[bflag:$0x3] =	sbarrier.arrive $0xFFFF  }
0x62: {  	_ =	shalt  }

// kernel: kernel.13.cloned.1.call-start
scs
__scs_entry_jumppad:
0x0: {  	(pc) =	sbr.rel $0x88, $3  }
0x1: {  	(tag) =	ssettag $0x0;
	lr =	simm.s32 $0x1  }
0x2: {  	[smem:$0x3F97] =	sst lr;
	_ =	strace $0xD0000000  }
0x3: {  	_ = 	snop  }
0x4: {  	_ = 	snop  }
0x5: {  	_ = 	snop  }
0x6: {  	_ = 	snop  }
0x7: {  	_ = 	snop  }
__scs_overlays_trampoline_lowered:
0x8: {  	[smem:$0x3FA6] =	sst s0  }
0x9: {  	[smem:$0x3FA7] =	sst s1  }
0xa: {  	[smem:$0x3FA8] =	sst s2  }
0xb: {  	[smem:$0x3FA9] =	sst s3  }
0xc: {  	[smem:$0x3FAA] =	sst s4  }
0xd: {  	[smem:$0x3FAB] =	sst s5  }
0xe: {  	[smem:$0x3FAC] =	sst s6  }
0xf: {  	[smem:$0x3FAD] =	sst s7  }
0x10: {  	[smem:$0x3FAE] =	sst s8  }
0x11: {  	[smem:$0x3FAF] =	sst s9;
	s0 =	simm.s32 @!p0 $0x0  }
0x12: {  	s1 =	sld [smem:$0x3F95];
	s0 =	simm.s32 @p0 $0x1  }
0x13: {  	[smem:$0x3FB0] =	sst s0;
	s0 =	simm.s32 @!p1 $0x0  }
0x14: {  	s2 =	sld [smem:$0x3F94];
	s0 =	simm.s32 @p1 $0x1  }
0x15: {  	[smem:$0x3FB1] =	sst s0;
	s0 =	simm.s32 @!p2 $0x0  }
0x16: {  	s3 =	sld [smem:$0x3FDB];
	s0 =	simm.s32 @p2 $0x1  }
0x17: {  	s4 =	simm.s32 $0x1BF5;
	[smem:$0x3FB3] =	sst s0  }
0x18: {  	s0 =	sld [smem:$0x3F96];
	_ =	swait.ge [sflag:s4], $0x0  }
0x19: {  	s7 =	sld [smem:$0x3F97]  }
0x1a: {  	s8 =	sadd.s32 $0xFFFFE003, lr  }
0x1b: {  	s9 =	sadd.s32 $0xFFFFFEF7, lr;
	s5 =	simm.s32 $0xFFFFFFFF;
	p2 =	slt.u32 s8, $0xFFFFF086  }
0x1c: {  	p1 =	slt.u32 s9, $0xF7A;
	s5 =	simm.s32 @!p2 $0x0  }
0x1d: {  	s5 =	simm.s32 @p1 $0x1;
	p0 =	seq.s32 s7, s2  }
0x1e: {  	s7 =	smul.u32 @!p0 $0xF7A, s2;
	p2 =	seq.s32 @!p0 s5, $0x0  }
0x1f: {  	s9 =	smul.u32 $0xF7A, s1;
	s8 =	simm.s32 @!p0 $0x1BF5;
	p2 =	por !p2, p0  }
0x20: {  	[sflag:s8] =	ssyncset.s32 @!p0 $0xFFFFF086;
	s6 =	sadd.s32 @!p0 s3, s7;
	s7 =	simm.s32 @!p0 $0x108  }
0x21: {  	s3 =	sadd.s32 s3, s9;
	s6 =	sadd.s32 @!p0 $0x88, s6;
	s7 =	simm.s32 @p2 $0x1082  }
0x22: {  	[simem:s7], [sflag:s8] =	dma.local @!p0 [hbm:s6], $0xF7A  }
0x23: {  	s9 =	sor.u32 $0xD0000000, s2;
	s6 =	simm.s32 $0x108;
	_ =	swait.ge @!p0 [sflag:s8], $0x0  }
0x24: {  	s3 =	sadd.s32 $0x88, s3;
	s6 =	simm.s32 @!p1 $0x1082;
	[sflag:s4] =	ssyncset.s32 $0xFFFFF086  }
0x25: {  	[simem:s6], [sflag:s4] =	dma.local [hbm:s3], $0xF7A  }
0x26: {  	[smem:$0x3F97] =	sst s1;
	(tag) =	ssettag s2;
	_ =	strace s9  }
0x27: {  	s1 =	sld [smem:$0x3FA7]  }
0x28: {  	s2 =	sld [smem:$0x3FA8]  }
0x29: {  	s4 =	sld [smem:$0x3FAA]  }
0x2a: {  	p0 =	seq.s32 s5, $0x0;
	s5 =	sld [smem:$0x3FAB]  }
0x2b: {  	s6 =	sld [smem:$0x3FAC]  }
0x2c: {  	s7 =	sld [smem:$0x3FAD]  }
0x2d: {  	s3 =	simm.s32 $0x108;
	s8 =	sld [smem:$0x3FAE]  }
0x2e: {  	s3 =	simm.s32 @!p0 $0x1082;
	s9 =	sld [smem:$0x3FAF]  }
0x2f: {  	lr =	sadd.s32 s0, s3;
	s0 =	sld [smem:$0x3FA6]  }
0x30: {  	s3 =	sld [smem:$0x3FA9]  }
0x31: {  	[smem:$0x3FB2] =	sst s10  }
0x32: {  	s10 =	sld [smem:$0x3FB0];
	_ =	sdelay $0x3  }
0x33: {  	p0 =	seq.s32 s10, $0x1;
	s10 =	sld [smem:$0x3FB2];
	_ =	sdelay $0x3  }
0x34: {  	[smem:$0x3FB2] =	sst s10  }
0x35: {  	s10 =	sld [smem:$0x3FB1];
	_ =	sdelay $0x3  }
0x36: {  	p1 =	seq.s32 s10, $0x1;
	s10 =	sld [smem:$0x3FB2];
	_ =	sdelay $0x3  }
0x37: {  	[smem:$0x3FB2] =	sst s10  }
0x38: {  	s10 =	sld [smem:$0x3FB3]  }
0x39: {  	_ = 	snop;
	(pc) =	sbr.ind lr, $3  }
0x3a: {  	_ = 	snop  }
0x3b: {  	_ = 	snop  }
0x3c: {  	p2 =	seq.s32 s10, $0x1;
	s10 =	sld [smem:$0x3FB2]  }
0x3d: {  	_ =	shalt  }
0x3e: {  	_ =	shalt  }
0x3f: {  	_ =	shalt  }
0x40: {  	_ =	shalt  }
0x41: {  	_ =	shalt  }
0x42: {  	_ =	shalt  }
0x43: {  	_ =	shalt  }
0x44: {  	_ =	shalt  }
0x45: {  	_ =	shalt  }
0x46: {  	_ =	shalt  }
0x47: {  	_ =	shalt  }
0x48: {  	_ =	shalt  }
0x49: {  	_ =	shalt  }
0x4a: {  	_ =	shalt  }
0x4b: {  	_ =	shalt  }
0x4c: {  	_ =	shalt  }
0x4d: {  	_ =	shalt  }
0x4e: {  	_ =	shalt  }
0x4f: {  	_ =	shalt  }
0x50: {  	_ =	shalt  }
0x51: {  	_ =	shalt  }
0x52: {  	_ =	shalt  }
0x53: {  	_ =	shalt  }
0x54: {  	_ =	shalt  }
0x55: {  	_ =	shalt  }
0x56: {  	_ =	shalt  }
0x57: {  	_ =	shalt  }
0x58: {  	_ =	shalt  }
0x59: {  	_ =	shalt  }
0x5a: {  	_ =	shalt  }
0x5b: {  	_ =	shalt  }
0x5c: {  	_ =	shalt  }
0x5d: {  	_ =	shalt  }
0x5e: {  	_ =	shalt  }
0x5f: {  	_ =	shalt  }
0x60: {  	_ =	shalt  }
0x61: {  	_ =	shalt  }
0x62: {  	_ =	shalt  }
0x63: {  	_ =	shalt  }
0x64: {  	_ =	shalt  }
0x65: {  	_ =	shalt  }
0x66: {  	_ =	shalt  }
0x67: {  	_ =	shalt  }
0x68: {  	_ =	shalt  }
0x69: {  	_ =	shalt  }
0x6a: {  	_ =	shalt  }
0x6b: {  	_ =	shalt  }
0x6c: {  	_ =	shalt  }
0x6d: {  	_ =	shalt  }
0x6e: {  	_ =	shalt  }
0x6f: {  	_ =	shalt  }
0x70: {  	_ =	shalt  }
0x71: {  	_ =	shalt  }
0x72: {  	_ =	shalt  }
0x73: {  	_ =	shalt  }
0x74: {  	_ =	shalt  }
0x75: {  	_ =	shalt  }
0x76: {  	_ =	shalt  }
0x77: {  	_ =	shalt  }
0x78: {  	_ =	shalt  }
0x79: {  	_ =	shalt  }
0x7a: {  	_ =	shalt  }
0x7b: {  	_ =	shalt  }
0x7c: {  	_ =	shalt  }
0x7d: {  	_ =	shalt  }
0x7e: {  	_ =	shalt  }
0x7f: {  	_ =	shalt  }
0x80: {  	_ =	shalt  }
0x81: {  	_ =	shalt  }
0x82: {  	_ =	shalt  }
0x83: {  	_ =	shalt  }
0x84: {  	_ =	shalt  }
0x85: {  	_ =	shalt  }
0x86: {  	_ =	shalt  }
0x87: {  	_ =	shalt  }
.Lfunc_end0:
.L_simem_size_0:
called_computation.1_lowered:
.L_overlay_start_0:
0x88: {  	s2 =	sld [smem:$0x3FD9]  }
0x89: {  	s3 =	sld [smem:$0x3FFE];
	_ =	sdelay $0x1  }
0x8a: {  	s1 =	srdreg.scid  }
0x8b: {  	s0 =	sand.u32 $0x1, s1  }
0x8c: {  	s17 =	sshll.u32 s0, $0xA;
	s2 =	sadd.s32 s3, s2  }
0x8d: {  	s2 =	sadd.s32 s2, s17  }
0x8e: {  	[smem:$0x3FBE] =	sst s2  }
0x8f: {  	_ = 	snop  }
0x90: {  	s2 =	sld [smem:$0x3FC4];
	(tm) =	ssettm $0x1  }
0x91: {  	s18 =	sld [smem:$0x3FFB];
	_ =	sdelay $0x3  }
0x92: {  	_ =	strace s18  }
0x93: {  	s3 =	sld [smem:$0x3FFC];
	_ =	sdelay $0x3  }
0x94: {  	_ =	strace s3  }
0x95: {  	s3 =	sld [smem:$0x3FFD];
	_ =	sdelay $0x3  }
0x96: {  	_ =	strace s3  }
0x97: {  	_ =	strace $0x8FFFFFFF  }
0x98: {  	s19 =	sld [smem:$0x3FDB];
	_ =	sdelay $0x1  }
0x99: {  	s4 =	simm.s32 $_scs_section_size  }
0x9a: {  	s5 =	simm.s32 $_size__tile_overlayer_lowered;
	s6 =	simm.s32 $_tile_overlayer_lowered  }
0x9b: {  	s22 =	simm.s32 $0x1BFF;
	s21 =	sshll.u32 s6, $0x1;
	s3 =	sadd.s32 s4, s19  }
0x9c: {  	s7 =	simm.s32 $0x0;
	s20 =	sshll.u32 s5, $0x1;
	s5 =	sadd.s32 s21, s3  }
0x9d: {  	[timem:s7], [sflag:s22] =	dma.local [hbm:s5], s20  }
0x9e: {  	_ =	swait.ge [sflag:s22], s20  }
0x9f: {  	s4 =	ssub.s32 $0x0, s20;
	[sflag:s22] =	ssyncset.done $0x0  }
0xa0: {  	[sflag:s22] =	ssyncadd.s32 s4;
	_ =	sdelay $0x1  }
0xa1: {  	s23 =	simm.s32 $0x1B8B  }
0xa2: {  	_ =	swait.ge [sflag:s23], $0x1  }
0xa3: {  	[sflag:s23] =	ssyncset.done $0x0  }
0xa4: {  	s25 =	simm.s32 $0x1B8E;
	s24 =	sld [smem:$0x3FFE];
	[sflag:s23] =	ssyncadd.s32 $0xFFFFFFFF  }
0xa5: {  	s26 =	simm.s32 $execute0_lowered;
	[smem:$0x3FD2] =	sst s25  }
0xa6: {  	s5 =	sshll.u32 s26, $0x1;
	_ =	strace $0x80000046;
	[dreg:$0x1] =	wrdreg $0xFFFFFFFF  }
0xa7: {  	s28 =	simm.s32 $_size_execute0_lowered;
	s3 =	sadd.s32 s3, s5;
	[dreg:$0x0] =	wrdreg $0x0  }
0xa8: {  	s5 =	sshll.u32 s28, $0x1;
	[dreg:$0x2] =	wrdreg s3  }
0xa9: {  	[dreg:$0x3] =	wrdreg s5  }
0xaa: {  	[dreg:$0x4] =	wrdreg $0xC0  }
0xab: {  	_ =	task [dreg:s7], $0x5FFFF  }
0xac: {  	[dreg:$0x1] =	wrdreg $0xFFFFFFFF  }
0xad: {  	[dreg:$0x0] =	wrdreg $0x60  }
0xae: {  	[dreg:$0x2] =	wrdreg s24  }
0xaf: {  	[dreg:$0x3] =	wrdreg s2  }
0xb0: {  	[dreg:$0x4] =	wrdreg $0xA  }
0xb1: {  	_ =	task.clear_ibuf [dreg:s7], $0x5FFFF;
	_ =	strace $0x90000046  }
0xb2: {  	s29 =	simm.s32 $0xA;
	_ =	strace $0x80000048  }
0xb3: {  	_ =	swait.ge [sflag:s29], $0x1  }
0xb4: {  	[sflag:s29] =	ssyncadd.s32 $0xFFFFFFFF  }
0xb5: {  	_ =	strace $0x90000048  }
0xb6: {  	_ =	sfence  }
0xb7: {  	s30 =	sld [smem:$0x0];
	_ =	sdelay $0x2  }
0xb8: {  	s31 =	sshll.u32 s1, $0xD;
	s1 =	sshrl.u32 s1, $0x2  }
0xb9: {  	s3 =	sand.u32 $0x4000, s31;
	s1 =	sadd.s32 s1, s30  }
0xba: {  	s0 =	sor.u32 s3, s0;
	s1 =	sshll.u32 s1, $0x11  }
0xbb: {  	s0 =	sor.u32 s1, s0  }
0xbc: {  	s0 =	sadd.s32 $0x8F2B, s0  }
0xbd: {  	[sflag:s0] =	ssyncadd.remote.s32 $0x1  }
0xbe: {  	_ =	sfence.sel $0xFFFF  }
0xbf: {  	[dreg:$0x0] =	wrdreg $0xFFFFFFFF;
	(pc) =	sbr.abs _section_cstart, $3  }
0xc0: {  	[dreg:$0x1] =	wrdreg $0xFFFFFFFF  }
0xc1: {  	_ =	task.clear_ibuf [dreg:s7], $0x2FFFF;
	_ =	strace $0x9FFFFFFF  }
0xc2: {  	(tm) =	ssettm $0x7FFFFFFF  }
0xc3: {  	_ =	shalt  }
tec
execute0_lowered:
.L_overlay_start_1:
0x0: {  	(tag) =	ssettag $0x1  }
0x1: {  	s1 =	srdreg.scid  }
0x2: {  	s0 =	stileid.u32;
	s5 =	rddreg [dreg:$0x0]  }
0x3: {  	s2 =	rddreg [dreg:$0x1];
	s9 =	simm.s32 $0x2;
	s10 =	simm.s32 $0x80  }
0x4: {  	s11 =	simm.s32 $0x880;
	s12 =	simm.s32 $0x1080;
	s13 =	simm.s32 $0x1880  }
0x5: {  	s14 =	simm.s32 $0x2080;
	s15 =	simm.s32 $0x2880;
	s16 =	simm.s32 $0x3080  }
0x6: {  	s17 =	simm.s32 $0x3880;
	s18 =	simm.s32 $0x4080;
	s19 =	simm.s32 $0x4880  }
0x7: {  	s20 =	simm.s32 $0x5080;
	s4 =	sand.u32 $0x1, s1;
	s29 =	smul.u32 $0x190, s0  }
0x8: {  	s21 =	simm.s32 $0x5880;
	s22 =	simm.s32 $0x6080;
	s3 =	smul.u32 $0xC8, s4  }
0x9: {  	s23 =	simm.s32 $0x6880;
	s24 =	simm.s32 $0x7080;
	s25 =	simm.s32 $0x1  }
0xa: {  	s26 =	simm.s32 $0x0;
	s1 =	rddreg [dreg:$0x2];
	s6 =	sadd.s32 s3, s29  }
0xb: {  	s4 =	ssub.s32 $0x2, s4;
	s3 =	simm.s32 $0x0;
	s6 =	sshrl.u32 s6, $0x3  }
0xc: {  	s30 =	sshrl.u32 s4, $0x1;
	[smem:$0x7FF] =	sst s3;
	s7 =	smul.u32 $0x300, s6  }
0xd: {  	v2 =	vlaneseq.u32;
	s31 =	ssub.s32 s4, s30;
	s4 =	sadd.s32 $0x100, s2;
	_ =	strace $0x80000047  }
0xe: {  	vm0 =	vmmov $0xffff;
	v1 =	vshrl.u32 v2, $0x3;
	s8 =	sadd.s32 s6, s5;
	s6 =	smax.u32 s31, $0x1;
	s7 =	sadd.s32 s7, s5  }
0xf: {  	v0 =	vand.u32 $0x7, v2;
	v2 =	vor.u32 $0x8, v2;
	v1 =	vmul.u32 $0x8, v1;
	s8 =	sadd.s32 $0x4E00, s8;
	s5 =	sadd.s32 $0x200, s2;
	s7 =	sadd.s32 $0x5200, s7  }
.LBB2_1:
0x10: {  	s28 =	smov.u32 s7;
	s29 =	simm.s32 $0x0  }
.LBB2_2:
0x11: {  	s30 =	sadd.s32 s29, s8  }
0x12: {  	[tilespmem:s3], [sflag:$0x2] =	stream.linear.gather [hbm4b:s30+s3], $0x28, $0x38;
	[tilespmem:$0x7880] =	vst v63  }
0x13: {  	_ =	swait.ge [sflag:s9], $0x28  }
0x14: {  	[sflag:s9] =	ssyncset.done $0x0  }
0x15: {  	[sflag:s9] =	ssyncadd.s32 $0xFFFFFFD8  }
0x16: {  	v3 =	vld [tilespmem:$0x0];
	_ =	sdelay $0x4  }
0x17: {  	v4 =	vshrl.u32 v3, $0x3  }
0x18: {  	v4 =	vmul.u32 $0x30, v4  }
0x19: {  	v3 =	vand.u32 $0x7, v3  }
0x1a: {  	v3 =	vor.u32 v3, v4  }
0x1b: {  	v4 =	vperm.xlane v3, v0;
	_ =	sdelay $0x1  }
0x1c: {  	v4 =	vadd.s32 v1, v4;
	_ =	sdelay $0x3  }
0x1d: {  	v3 =	vperm.xlane v3, v2  }
0x1e: {  	[tilespmem:s10], [sflag:$0x1] =	stream.indirect_vreg.gather [hbm4b:s2+s3], $0x80, v4, vm0, $0xb8;
	[tilespmem:$0x7880] =	vst v63  }
0x1f: {  	v3 =	vadd.s32 v1, v3  }
0x20: {  	[tilespmem:s11], [sflag:$0x1] =	stream.indirect_vreg.gather [hbm4b:s4+s3], $0x80, v4, vm0, $0xb8;
	[tilespmem:$0x7880] =	vst v63  }
0x21: {  	_ = 	snop  }
0x22: {  	[tilespmem:s12], [sflag:$0x1] =	stream.indirect_vreg.gather [hbm4b:s5+s3], $0x80, v4, vm0, $0xb8;
	[tilespmem:$0x7880] =	vst v63  }
0x23: {  	_ = 	snop  }
0x24: {  	[tilespmem:s13], [sflag:$0x1] =	stream.indirect_vreg.gather [hbm4b:s2+s3], $0x80, v3, vm0, $0xb8;
	[tilespmem:$0x7880] =	vst v63  }
0x25: {  	_ = 	snop  }
0x26: {  	[tilespmem:s14], [sflag:$0x1] =	stream.indirect_vreg.gather [hbm4b:s4+s3], $0x80, v3, vm0, $0xb8;
	[tilespmem:$0x7880] =	vst v63  }
0x27: {  	_ = 	snop  }
0x28: {  	[tilespmem:s15], [sflag:$0x1] =	stream.indirect_vreg.gather [hbm4b:s5+s3], $0x80, v3, vm0, $0xb8;
	[tilespmem:$0x7880] =	vst v63  }
0x29: {  	v3 =	vld [tilespmem:$0x10];
	_ =	sdelay $0x4  }
0x2a: {  	v62 =	vshrl.u32 v3, $0x3  }
0x2b: {  	v4 =	vmul.u32 $0x30, v62  }
0x2c: {  	v3 =	vand.u32 $0x7, v3  }
0x2d: {  	v3 =	vor.u32 v3, v4  }
0x2e: {  	v4 =	vperm.xlane v3, v0;
	_ =	sdelay $0x1  }
0x2f: {  	v4 =	vadd.s32 v1, v4;
	_ =	sdelay $0x3  }
0x30: {  	v3 =	vperm.xlane v3, v2  }
0x31: {  	[tilespmem:s16], [sflag:$0x1] =	stream.indirect_vreg.gather [hbm4b:s2+s3], $0x80, v4, vm0, $0xb8;
	[tilespmem:$0x7880] =	vst v63  }
0x32: {  	v3 =	vadd.s32 v1, v3  }
0x33: {  	[tilespmem:s17], [sflag:$0x1] =	stream.indirect_vreg.gather [hbm4b:s4+s3], $0x80, v4, vm0, $0xb8;
	[tilespmem:$0x7880] =	vst v63  }
0x34: {  	_ = 	snop  }
0x35: {  	[tilespmem:s18], [sflag:$0x1] =	stream.indirect_vreg.gather [hbm4b:s5+s3], $0x80, v4, vm0, $0xb8;
	[tilespmem:$0x7880] =	vst v63  }
0x36: {  	_ = 	snop  }
0x37: {  	[tilespmem:s19], [sflag:$0x1] =	stream.indirect_vreg.gather [hbm4b:s2+s3], $0x80, v3, vm0, $0xb8;
	[tilespmem:$0x7880] =	vst v63  }
0x38: {  	_ = 	snop  }
0x39: {  	[tilespmem:s20], [sflag:$0x1] =	stream.indirect_vreg.gather [hbm4b:s4+s3], $0x80, v3, vm0, $0xb8;
	[tilespmem:$0x7880] =	vst v63  }
0x3a: {  	_ = 	snop  }
0x3b: {  	[tilespmem:s21], [sflag:$0x1] =	stream.indirect_vreg.gather [hbm4b:s5+s3], $0x80, v3, vm0, $0xb8;
	[tilespmem:$0x7880] =	vst v63  }
0x3c: {  	v3 =	vld.msk [tilespmem:$0x20], $0xff;
	_ =	sdelay $0x4  }
0x3d: {  	v63 =	vshrl.u32 v3, $0x3  }
0x3e: {  	v4 =	vmul.u32 $0x30, v63  }
0x3f: {  	v3 =	vand.u32 $0x7, v3  }
0x40: {  	v3 =	vor.u32 v3, v4  }
0x41: {  	v3 =	vperm.xlane v3, v0;
	_ =	sdelay $0x1  }
0x42: {  	v3 =	vadd.s32 v1, v3;
	_ =	sdelay $0x4  }
0x43: {  	[tilespmem:s22], [sflag:$0x1] =	stream.indirect_vreg.gather [hbm4b:s2+s3], $0x80, v3, vm0, $0xb8;
	[tilespmem:$0x7880] =	vst v63  }
0x44: {  	_ = 	snop  }
0x45: {  	[tilespmem:s23], [sflag:$0x1] =	stream.indirect_vreg.gather [hbm4b:s4+s3], $0x80, v3, vm0, $0xb8;
	[tilespmem:$0x7880] =	vst v63  }
0x46: {  	_ = 	snop  }
0x47: {  	[tilespmem:s24], [sflag:$0x1] =	stream.indirect_vreg.gather [hbm4b:s5+s3], $0x80, v3, vm0, $0xb8;
	[tilespmem:$0x7880] =	vst v63  }
0x48: {  	_ =	swait.ge [sflag:s25], $0x7800  }
0x49: {  	p0 =	sne.s32 s29, $0x14;
	[sflag:s25] =	ssyncset.done $0x0  }
.Ltmp0:
0x4a: {  	[sflag:s25] =	ssyncadd.s32 $0xFFFF8800;
	(pc) =	sbr.rel @p0 .LBB2_2-.Ltmp0, $4  }
0x4b: {  	[hbm4b:s28+s3] =	stream.linear.scatter [tilespmem:s10], [sflag:$0x2], $0x7800, $0x38;
	[tilespmem:$0x7880] =	vst v63  }
0x4c: {  	_ =	swait.ge [sflag:s9], $0x7800  }
0x4d: {  	[sflag:s9] =	ssyncset.done $0x0  }
0x4e: {  	s29 =	sadd.s32 $0x5, s29;
	s28 =	sadd.s32 $0xF00, s28;
	[sflag:s9] =	ssyncadd.s32 $0xFFFF8800  }
0x4f: {  	s26 =	sadd.s32 $0x1, s26  }
0x50: {  	p0 =	sne.s32 s26, s6  }
.Ltmp1:
0x51: {  	_ = 	snop;
	(pc) =	sbr.rel @p0 .LBB2_1-.Ltmp1, $1  }
0x52: {  	_ =	sdelay $0x3  }
0x53: {  	_ =	sfence.sel $0x180000  }
0x54: {  	[bflag:$0x0] =	sbarrier.arrive $0xFFFF  }
0x55: {  	p0 =	sne.s32 s0, $0x0;
	_ =	strace $0x90000047  }
0x56: {  	s0 =	sadd.s32 @!p0 $0x100000, s1;
	[bflag:$0x2] =	sbarrier.arrive $0xFFFF  }
0x57: {  	[sflag:s0] =	ssyncadd.tile.s32 @!p0 $0x1;
	_ =	shalt  }
.Lfunc_end2:
_tile_overlayer_lowered:
.L_overlay_start_2:
0x58: {  	(tag) =	ssettag $0x2  }
0x59: {  	s0 =	rddreg [dreg:$0x0];
	s2 =	stileid.u32  }
0x5a: {  	s1 =	rddreg [dreg:$0x1];
	p0 =	sne.s32 s2, $0x0  }
0x5b: {  	s3 =	rddreg [dreg:$0x2];
	[bflag:$0x3] =	sbarrier.arrive $0xFFFF;
	s2 =	simm.s32 @!p0 $0x1C02  }
0x5c: {  	[timem:s3], [sflag:s2] =	dma.local @!p0 [hbm:s0], s1  }
0x5d: {  	s0 =	simm.s32 @!p0 $0x2  }
0x5e: {  	_ =	swait.ge @!p0 [sflag:s0], s1  }
0x5f: {  	s1 =	ssub.s32 @!p0 $0x0, s1;
	[sflag:s0] =	ssyncset.done @!p0 $0x0  }
0x60: {  	[sflag:s0] =	ssyncadd.s32 @!p0 s1  }
0x61: {  	[bflag:$0x3] =	sbarrier.arrive $0xFFFF  }
0x62: {  	_ =	shalt  }

// kernel: kernel.16.cloned.1.call-start
scs
__scs_entry_jumppad:
0x0: {  	(pc) =	sbr.rel $0x88, $3  }
0x1: {  	(tag) =	ssettag $0x0;
	lr =	simm.s32 $0x1  }
0x2: {  	[smem:$0x3F97] =	sst lr;
	_ =	strace $0xD0000000  }
0x3: {  	_ = 	snop  }
0x4: {  	_ = 	snop  }
0x5: {  	_ = 	snop  }
0x6: {  	_ = 	snop  }
0x7: {  	_ = 	snop  }
__scs_overlays_trampoline_lowered:
0x8: {  	[smem:$0x3FA6] =	sst s0  }
0x9: {  	[smem:$0x3FA7] =	sst s1  }
0xa: {  	[smem:$0x3FA8] =	sst s2  }
0xb: {  	[smem:$0x3FA9] =	sst s3  }
0xc: {  	[smem:$0x3FAA] =	sst s4  }
0xd: {  	[smem:$0x3FAB] =	sst s5  }
0xe: {  	[smem:$0x3FAC] =	sst s6  }
0xf: {  	[smem:$0x3FAD] =	sst s7  }
0x10: {  	[smem:$0x3FAE] =	sst s8  }
0x11: {  	[smem:$0x3FAF] =	sst s9;
	s0 =	simm.s32 @!p0 $0x0  }
0x12: {  	s1 =	sld [smem:$0x3F95];
	s0 =	simm.s32 @p0 $0x1  }
0x13: {  	[smem:$0x3FB0] =	sst s0;
	s0 =	simm.s32 @!p1 $0x0  }
0x14: {  	s2 =	sld [smem:$0x3F94];
	s0 =	simm.s32 @p1 $0x1  }
0x15: {  	[smem:$0x3FB1] =	sst s0;
	s0 =	simm.s32 @!p2 $0x0  }
0x16: {  	s3 =	sld [smem:$0x3FDB];
	s0 =	simm.s32 @p2 $0x1  }
0x17: {  	s4 =	simm.s32 $0x1BF5;
	[smem:$0x3FB3] =	sst s0  }
0x18: {  	s0 =	sld [smem:$0x3F96];
	_ =	swait.ge [sflag:s4], $0x0  }
0x19: {  	s7 =	sld [smem:$0x3F97]  }
0x1a: {  	s8 =	sadd.s32 $0xFFFFE003, lr  }
0x1b: {  	s9 =	sadd.s32 $0xFFFFFEF7, lr;
	s5 =	simm.s32 $0xFFFFFFFF;
	p2 =	slt.u32 s8, $0xFFFFF086  }
0x1c: {  	p1 =	slt.u32 s9, $0xF7A;
	s5 =	simm.s32 @!p2 $0x0  }
0x1d: {  	s5 =	simm.s32 @p1 $0x1;
	p0 =	seq.s32 s7, s2  }
0x1e: {  	s7 =	smul.u32 @!p0 $0xF7A, s2;
	p2 =	seq.s32 @!p0 s5, $0x0  }
0x1f: {  	s9 =	smul.u32 $0xF7A, s1;
	s8 =	simm.s32 @!p0 $0x1BF5;
	p2 =	por !p2, p0  }
0x20: {  	[sflag:s8] =	ssyncset.s32 @!p0 $0xFFFFF086;
	s6 =	sadd.s32 @!p0 s3, s7;
	s7 =	simm.s32 @!p0 $0x108  }
0x21: {  	s3 =	sadd.s32 s3, s9;
	s6 =	sadd.s32 @!p0 $0x88, s6;
	s7 =	simm.s32 @p2 $0x1082  }
0x22: {  	[simem:s7], [sflag:s8] =	dma.local @!p0 [hbm:s6], $0xF7A  }
0x23: {  	s9 =	sor.u32 $0xD0000000, s2;
	s6 =	simm.s32 $0x108;
	_ =	swait.ge @!p0 [sflag:s8], $0x0  }
0x24: {  	s3 =	sadd.s32 $0x88, s3;
	s6 =	simm.s32 @!p1 $0x1082;
	[sflag:s4] =	ssyncset.s32 $0xFFFFF086  }
0x25: {  	[simem:s6], [sflag:s4] =	dma.local [hbm:s3], $0xF7A  }
0x26: {  	[smem:$0x3F97] =	sst s1;
	(tag) =	ssettag s2;
	_ =	strace s9  }
0x27: {  	s1 =	sld [smem:$0x3FA7]  }
0x28: {  	s2 =	sld [smem:$0x3FA8]  }
0x29: {  	s4 =	sld [smem:$0x3FAA]  }
0x2a: {  	p0 =	seq.s32 s5, $0x0;
	s5 =	sld [smem:$0x3FAB]  }
0x2b: {  	s6 =	sld [smem:$0x3FAC]  }
0x2c: {  	s7 =	sld [smem:$0x3FAD]  }
0x2d: {  	s3 =	simm.s32 $0x108;
	s8 =	sld [smem:$0x3FAE]  }
0x2e: {  	s3 =	simm.s32 @!p0 $0x1082;
	s9 =	sld [smem:$0x3FAF]  }
0x2f: {  	lr =	sadd.s32 s0, s3;
	s0 =	sld [smem:$0x3FA6]  }
0x30: {  	s3 =	sld [smem:$0x3FA9]  }
0x31: {  	[smem:$0x3FB2] =	sst s10  }
0x32: {  	s10 =	sld [smem:$0x3FB0];
	_ =	sdelay $0x3  }
0x33: {  	p0 =	seq.s32 s10, $0x1;
	s10 =	sld [smem:$0x3FB2];
	_ =	sdelay $0x3  }
0x34: {  	[smem:$0x3FB2] =	sst s10  }
0x35: {  	s10 =	sld [smem:$0x3FB1];
	_ =	sdelay $0x3  }
0x36: {  	p1 =	seq.s32 s10, $0x1;
	s10 =	sld [smem:$0x3FB2];
	_ =	sdelay $0x3  }
0x37: {  	[smem:$0x3FB2] =	sst s10  }
0x38: {  	s10 =	sld [smem:$0x3FB3]  }
0x39: {  	_ = 	snop;
	(pc) =	sbr.ind lr, $3  }
0x3a: {  	_ = 	snop  }
0x3b: {  	_ = 	snop  }
0x3c: {  	p2 =	seq.s32 s10, $0x1;
	s10 =	sld [smem:$0x3FB2]  }
0x3d: {  	_ =	shalt  }
0x3e: {  	_ =	shalt  }
0x3f: {  	_ =	shalt  }
0x40: {  	_ =	shalt  }
0x41: {  	_ =	shalt  }
0x42: {  	_ =	shalt  }
0x43: {  	_ =	shalt  }
0x44: {  	_ =	shalt  }
0x45: {  	_ =	shalt  }
0x46: {  	_ =	shalt  }
0x47: {  	_ =	shalt  }
0x48: {  	_ =	shalt  }
0x49: {  	_ =	shalt  }
0x4a: {  	_ =	shalt  }
0x4b: {  	_ =	shalt  }
0x4c: {  	_ =	shalt  }
0x4d: {  	_ =	shalt  }
0x4e: {  	_ =	shalt  }
0x4f: {  	_ =	shalt  }
0x50: {  	_ =	shalt  }
0x51: {  	_ =	shalt  }
0x52: {  	_ =	shalt  }
0x53: {  	_ =	shalt  }
0x54: {  	_ =	shalt  }
0x55: {  	_ =	shalt  }
0x56: {  	_ =	shalt  }
0x57: {  	_ =	shalt  }
0x58: {  	_ =	shalt  }
0x59: {  	_ =	shalt  }
0x5a: {  	_ =	shalt  }
0x5b: {  	_ =	shalt  }
0x5c: {  	_ =	shalt  }
0x5d: {  	_ =	shalt  }
0x5e: {  	_ =	shalt  }
0x5f: {  	_ =	shalt  }
0x60: {  	_ =	shalt  }
0x61: {  	_ =	shalt  }
0x62: {  	_ =	shalt  }
0x63: {  	_ =	shalt  }
0x64: {  	_ =	shalt  }
0x65: {  	_ =	shalt  }
0x66: {  	_ =	shalt  }
0x67: {  	_ =	shalt  }
0x68: {  	_ =	shalt  }
0x69: {  	_ =	shalt  }
0x6a: {  	_ =	shalt  }
0x6b: {  	_ =	shalt  }
0x6c: {  	_ =	shalt  }
0x6d: {  	_ =	shalt  }
0x6e: {  	_ =	shalt  }
0x6f: {  	_ =	shalt  }
0x70: {  	_ =	shalt  }
0x71: {  	_ =	shalt  }
0x72: {  	_ =	shalt  }
0x73: {  	_ =	shalt  }
0x74: {  	_ =	shalt  }
0x75: {  	_ =	shalt  }
0x76: {  	_ =	shalt  }
0x77: {  	_ =	shalt  }
0x78: {  	_ =	shalt  }
0x79: {  	_ =	shalt  }
0x7a: {  	_ =	shalt  }
0x7b: {  	_ =	shalt  }
0x7c: {  	_ =	shalt  }
0x7d: {  	_ =	shalt  }
0x7e: {  	_ =	shalt  }
0x7f: {  	_ =	shalt  }
0x80: {  	_ =	shalt  }
0x81: {  	_ =	shalt  }
0x82: {  	_ =	shalt  }
0x83: {  	_ =	shalt  }
0x84: {  	_ =	shalt  }
0x85: {  	_ =	shalt  }
0x86: {  	_ =	shalt  }
0x87: {  	_ =	shalt  }
.Lfunc_end0:
.L_simem_size_0:
called_computation.2_lowered:
.L_overlay_start_0:
0x88: {  	s2 =	sld [smem:$0x3FD9]  }
0x89: {  	s3 =	sld [smem:$0x3FFE];
	_ =	sdelay $0x1  }
0x8a: {  	s1 =	srdreg.scid  }
0x8b: {  	s0 =	sand.u32 $0x1, s1  }
0x8c: {  	s15 =	sshll.u32 s0, $0xA;
	s2 =	sadd.s32 s3, s2  }
0x8d: {  	s2 =	sadd.s32 s2, s15  }
0x8e: {  	[smem:$0x3FBE] =	sst s2  }
0x8f: {  	_ = 	snop  }
0x90: {  	s16 =	sld [smem:$0x3FD0];
	_ =	sdelay $0x2  }
0x91: {  	s4 =	simm.s32 $0xD;
	s5 =	simm.s32 $0x10;
	s2 =	sld [smem:$0x3FC4]  }
0x92: {  	[smem:s5], [sflag:s4] =	dma.local [hbm:s16], $0x1  }
0x93: {  	_ =	swait.eq [sflag:s4], $0x1  }
0x94: {  	[sflag:s4] =	ssyncset.done $0x0  }
0x95: {  	[sflag:s4] =	ssyncadd.s32 $0xFFFFFFFF  }
0x96: {  	s17 =	sld [smem:$0x12];
	(tm) =	ssettm $0x1  }
0x97: {  	s18 =	sld [smem:$0x3FFB];
	_ =	sdelay $0x3  }
0x98: {  	_ =	strace s18  }
0x99: {  	s3 =	sld [smem:$0x3FFC];
	_ =	sdelay $0x3  }
0x9a: {  	_ =	strace s3  }
0x9b: {  	s3 =	sld [smem:$0x3FFD];
	_ =	sdelay $0x3  }
0x9c: {  	_ =	strace s3  }
0x9d: {  	_ =	strace $0x8FFFFFFF  }
0x9e: {  	s19 =	sld [smem:$0x3FDB];
	_ =	sdelay $0x1  }
0x9f: {  	s20 =	simm.s32 $_scs_section_size  }
0xa0: {  	s6 =	simm.s32 $_size__tile_overlayer_lowered;
	s7 =	simm.s32 $_tile_overlayer_lowered  }
0xa1: {  	s8 =	simm.s32 $0x1BFF;
	s21 =	sshll.u32 s7, $0x1;
	s5 =	sadd.s32 s20, s19  }
0xa2: {  	s22 =	simm.s32 $0x0;
	s6 =	sshll.u32 s6, $0x1;
	s7 =	sadd.s32 s21, s5  }
0xa3: {  	[timem:s22], [sflag:s8] =	dma.local [hbm:s7], s6  }
0xa4: {  	_ =	swait.ge [sflag:s8], s6  }
0xa5: {  	s6 =	ssub.s32 $0x0, s6;
	[sflag:s8] =	ssyncset.done $0x0  }
0xa6: {  	[sflag:s8] =	ssyncadd.s32 s6;
	_ =	sdelay $0x1  }
0xa7: {  	s23 =	simm.s32 $0x1B8B  }
0xa8: {  	_ =	swait.ge [sflag:s23], $0x1  }
0xa9: {  	[sflag:s23] =	ssyncset.done $0x0  }
0xaa: {  	[sflag:s23] =	ssyncadd.s32 $0xFFFFFFFF  }
0xab: {  	s6 =	sld [smem:$0x0]  }
0xac: {  	s7 =	sand.u32 $0xFFFFFFFE, s1  }
0xad: {  	p0 =	sne.s32 s1, s7  }
0xae: {  	s7 =	sshll.u32 @p0 s7, $0xE  }
0xaf: {  	s7 =	sadd.s32 @p0 $0x11B8D, s7;
	s8 =	sshll.u32 @p0 s6, $0x11  }
0xb0: {  	s7 =	sor.u32 @p0 s8, s7  }
0xb1: {  	[sflag:s7] =	ssyncadd.remote.s32 @p0 $0x1;
	_ =	sdelay $0x1  }
0xb2: {  	s7 =	simm.s32 @p0 $0x1B8D  }
0xb3: {  	_ =	swait.eq @p0 [sflag:s7], $0x1  }
0xb4: {  	[sflag:s7] =	ssyncadd.s32 @p0 $0xFFFFFFFF  }
0xb5: {  	s8 =	sshll.u32 @!p0 s1, $0xE  }
0xb6: {  	s8 =	sor.u32 @!p0 $0x4000, s8;
	s7 =	simm.s32 @!p0 $0x1B8D  }
0xb7: {  	s6 =	sshll.u32 @!p0 s6, $0x11;
	s8 =	sadd.s32 @!p0 $0x11B8D, s8;
	_ =	swait.eq @!p0 [sflag:s7], $0x1  }
0xb8: {  	s6 =	sor.u32 @!p0 s6, s8;
	[sflag:s7] =	ssyncadd.s32 @!p0 $0xFFFFFFFF  }
0xb9: {  	s25 =	simm.s32 $0x1B8E;
	s24 =	sld [smem:$0x3FFE];
	[sflag:s6] =	ssyncadd.remote.s32 @!p0 $0x1  }
0xba: {  	s26 =	simm.s32 $execute0_lowered;
	[smem:$0x3FD2] =	sst s25  }
0xbb: {  	s7 =	sshll.u32 s26, $0x1;
	_ =	strace $0x80000049;
	[dreg:$0x1] =	wrdreg $0xFFFFFFFF  }
0xbc: {  	s28 =	simm.s32 $_size_execute0_lowered;
	s5 =	sadd.s32 s5, s7;
	[dreg:$0x0] =	wrdreg $0x0  }
0xbd: {  	s7 =	sshll.u32 s28, $0x1;
	[dreg:$0x2] =	wrdreg s5  }
0xbe: {  	[dreg:$0x3] =	wrdreg s7  }
0xbf: {  	[dreg:$0x4] =	wrdreg $0xC0  }
0xc0: {  	_ =	task [dreg:s22], $0x5FFFF  }
0xc1: {  	[dreg:$0x1] =	wrdreg $0xFFFFFFFF  }
0xc2: {  	[dreg:$0x0] =	wrdreg $0x60  }
0xc3: {  	[dreg:$0x2] =	wrdreg s17  }
0xc4: {  	[dreg:$0x3] =	wrdreg s2  }
0xc5: {  	[dreg:$0x4] =	wrdreg s24  }
0xc6: {  	[dreg:$0x5] =	wrdreg $0xB  }
0xc7: {  	_ =	task.clear_ibuf [dreg:s22], $0x6FFFF;
	_ =	strace $0x90000049  }
0xc8: {  	s29 =	simm.s32 $0xB;
	_ =	strace $0x8000004B  }
0xc9: {  	_ =	swait.ge [sflag:s29], $0x1  }
0xca: {  	[sflag:s29] =	ssyncadd.s32 $0xFFFFFFFF  }
0xcb: {  	_ =	strace $0x9000004B  }
0xcc: {  	_ =	sfence  }
0xcd: {  	s30 =	sld [smem:$0x0];
	_ =	sdelay $0x2  }
0xce: {  	s31 =	sshll.u32 s1, $0xD;
	s1 =	sshrl.u32 s1, $0x2  }
0xcf: {  	s4 =	sand.u32 $0x4000, s31;
	s1 =	sadd.s32 s1, s30  }
0xd0: {  	s0 =	sor.u32 s4, s0;
	s1 =	sshll.u32 s1, $0x11  }
0xd1: {  	s0 =	sor.u32 s1, s0  }
0xd2: {  	s0 =	sadd.s32 $0x8F2B, s0  }
0xd3: {  	[sflag:s0] =	ssyncadd.remote.s32 $0x1  }
0xd4: {  	_ =	sfence.sel $0xFFFF  }
0xd5: {  	[dreg:$0x0] =	wrdreg $0xFFFFFFFF;
	(pc) =	sbr.abs _section_cstart, $3  }
0xd6: {  	[dreg:$0x1] =	wrdreg $0xFFFFFFFF  }
0xd7: {  	_ =	task.clear_ibuf [dreg:s22], $0x2FFFF;
	_ =	strace $0x9FFFFFFF  }
0xd8: {  	(tm) =	ssettm $0x7FFFFFFF  }
0xd9: {  	_ =	shalt  }
tec
execute0_lowered:
.L_overlay_start_1:
0x0: {  	(tag) =	ssettag $0x1  }
0x1: {  	s8 =	rddreg [dreg:$0x0]  }
0x2: {  	s1 =	srdreg.scid;
	s2 =	rddreg [dreg:$0x1]  }
0x3: {  	s0 =	stileid.u32;
	s5 =	rddreg [dreg:$0x2];
	s10 =	simm.s32 $0x80  }
0x4: {  	s11 =	simm.s32 $0x880;
	s12 =	simm.s32 $0x1080;
	s13 =	simm.s32 $0x1880  }
0x5: {  	s14 =	simm.s32 $0x2080;
	s15 =	simm.s32 $0x2880;
	s16 =	simm.s32 $0x3080  }
0x6: {  	s17 =	simm.s32 $0x3880;
	s18 =	simm.s32 $0x4080;
	s19 =	simm.s32 $0x4880  }
0x7: {  	s20 =	simm.s32 $0x5080;
	s4 =	sand.u32 $0x1, s1;
	s29 =	smul.u32 $0x190, s0  }
0x8: {  	s21 =	simm.s32 $0x5880;
	s22 =	simm.s32 $0x6080;
	s3 =	smul.u32 $0xC8, s4  }
0x9: {  	s23 =	simm.s32 $0x6880;
	s24 =	simm.s32 $0x7080;
	s25 =	simm.s32 $0x1  }
0xa: {  	s26 =	simm.s32 $0x0;
	s4 =	ssub.s32 $0x2, s4;
	s1 =	sadd.s32 s3, s29  }
0xb: {  	s30 =	sshrl.u32 s4, $0x1;
	s3 =	simm.s32 $0x0;
	s9 =	sshrl.u32 s1, $0x3  }
0xc: {  	s31 =	ssub.s32 s4, s30;
	[smem:$0x7FF] =	sst s3;
	s6 =	smul.u32 $0x300, s9  }
0xd: {  	v2 =	vlaneseq.u32;
	s4 =	sadd.s32 $0x100, s2;
	s1 =	rddreg [dreg:$0x3];
	_ =	strace $0x8000004A  }
0xe: {  	vm0 =	vmmov $0xffff;
	v1 =	vshrl.u32 v2, $0x3;
	s8 =	sadd.s32 s9, s8;
	s9 =	simm.s32 $0x2;
	s7 =	sadd.s32 s6, s5  }
0xf: {  	v0 =	vand.u32 $0x7, v2;
	v2 =	vor.u32 $0x8, v2;
	v1 =	vmul.u32 $0x8, v1;
	s5 =	sadd.s32 $0x200, s2;
	s6 =	smax.u32 s31, $0x1;
	s7 =	sadd.s32 $0x9B200, s7  }
.LBB2_1:
0x10: {  	s28 =	smov.u32 s7;
	s29 =	simm.s32 $0x0  }
.LBB2_2:
0x11: {  	s30 =	sadd.s32 s29, s8  }
0x12: {  	[tilespmem:s3], [sflag:$0x2] =	stream.linear.gather [hbm4b:s30+s3], $0x28, $0x38;
	[tilespmem:$0x7880] =	vst v63  }
0x13: {  	_ =	swait.ge [sflag:s9], $0x28  }
0x14: {  	[sflag:s9] =	ssyncset.done $0x0  }
0x15: {  	[sflag:s9] =	ssyncadd.s32 $0xFFFFFFD8  }
0x16: {  	v3 =	vld [tilespmem:$0x0];
	_ =	sdelay $0x4  }
0x17: {  	v4 =	vshrl.u32 v3, $0x3  }
0x18: {  	v4 =	vmul.u32 $0x30, v4  }
0x19: {  	v3 =	vand.u32 $0x7, v3  }
0x1a: {  	v3 =	vor.u32 v3, v4  }
0x1b: {  	v4 =	vperm.xlane v3, v0;
	_ =	sdelay $0x1  }
0x1c: {  	v4 =	vadd.s32 v1, v4;
	_ =	sdelay $0x3  }
0x1d: {  	v3 =	vperm.xlane v3, v2  }
0x1e: {  	[tilespmem:s10], [sflag:$0x1] =	stream.indirect_vreg.gather [hbm4b:s2+s3], $0x80, v4, vm0, $0xb8;
	[tilespmem:$0x7880] =	vst v63  }
0x1f: {  	v3 =	vadd.s32 v1, v3  }
0x20: {  	[tilespmem:s11], [sflag:$0x1] =	stream.indirect_vreg.gather [hbm4b:s4+s3], $0x80, v4, vm0, $0xb8;
	[tilespmem:$0x7880] =	vst v63  }
0x21: {  	_ = 	snop  }
0x22: {  	[tilespmem:s12], [sflag:$0x1] =	stream.indirect_vreg.gather [hbm4b:s5+s3], $0x80, v4, vm0, $0xb8;
	[tilespmem:$0x7880] =	vst v63  }
0x23: {  	_ = 	snop  }
0x24: {  	[tilespmem:s13], [sflag:$0x1] =	stream.indirect_vreg.gather [hbm4b:s2+s3], $0x80, v3, vm0, $0xb8;
	[tilespmem:$0x7880] =	vst v63  }
0x25: {  	_ = 	snop  }
0x26: {  	[tilespmem:s14], [sflag:$0x1] =	stream.indirect_vreg.gather [hbm4b:s4+s3], $0x80, v3, vm0, $0xb8;
	[tilespmem:$0x7880] =	vst v63  }
0x27: {  	_ = 	snop  }
0x28: {  	[tilespmem:s15], [sflag:$0x1] =	stream.indirect_vreg.gather [hbm4b:s5+s3], $0x80, v3, vm0, $0xb8;
	[tilespmem:$0x7880] =	vst v63  }
0x29: {  	v3 =	vld [tilespmem:$0x10];
	_ =	sdelay $0x4  }
0x2a: {  	v62 =	vshrl.u32 v3, $0x3  }
0x2b: {  	v4 =	vmul.u32 $0x30, v62  }
0x2c: {  	v3 =	vand.u32 $0x7, v3  }
0x2d: {  	v3 =	vor.u32 v3, v4  }
0x2e: {  	v4 =	vperm.xlane v3, v0;
	_ =	sdelay $0x1  }
0x2f: {  	v4 =	vadd.s32 v1, v4;
	_ =	sdelay $0x3  }
0x30: {  	v3 =	vperm.xlane v3, v2  }
0x31: {  	[tilespmem:s16], [sflag:$0x1] =	stream.indirect_vreg.gather [hbm4b:s2+s3], $0x80, v4, vm0, $0xb8;
	[tilespmem:$0x7880] =	vst v63  }
0x32: {  	v3 =	vadd.s32 v1, v3  }
0x33: {  	[tilespmem:s17], [sflag:$0x1] =	stream.indirect_vreg.gather [hbm4b:s4+s3], $0x80, v4, vm0, $0xb8;
	[tilespmem:$0x7880] =	vst v63  }
0x34: {  	_ = 	snop  }
0x35: {  	[tilespmem:s18], [sflag:$0x1] =	stream.indirect_vreg.gather [hbm4b:s5+s3], $0x80, v4, vm0, $0xb8;
	[tilespmem:$0x7880] =	vst v63  }
0x36: {  	_ = 	snop  }
0x37: {  	[tilespmem:s19], [sflag:$0x1] =	stream.indirect_vreg.gather [hbm4b:s2+s3], $0x80, v3, vm0, $0xb8;
	[tilespmem:$0x7880] =	vst v63  }
0x38: {  	_ = 	snop  }
0x39: {  	[tilespmem:s20], [sflag:$0x1] =	stream.indirect_vreg.gather [hbm4b:s4+s3], $0x80, v3, vm0, $0xb8;
	[tilespmem:$0x7880] =	vst v63  }
0x3a: {  	_ = 	snop  }
0x3b: {  	[tilespmem:s21], [sflag:$0x1] =	stream.indirect_vreg.gather [hbm4b:s5+s3], $0x80, v3, vm0, $0xb8;
	[tilespmem:$0x7880] =	vst v63  }
0x3c: {  	v3 =	vld.msk [tilespmem:$0x20], $0xff;
	_ =	sdelay $0x4  }
0x3d: {  	v63 =	vshrl.u32 v3, $0x3  }
0x3e: {  	v4 =	vmul.u32 $0x30, v63  }
0x3f: {  	v3 =	vand.u32 $0x7, v3  }
0x40: {  	v3 =	vor.u32 v3, v4  }
0x41: {  	v3 =	vperm.xlane v3, v0;
	_ =	sdelay $0x1  }
0x42: {  	v3 =	vadd.s32 v1, v3;
	_ =	sdelay $0x4  }
0x43: {  	[tilespmem:s22], [sflag:$0x1] =	stream.indirect_vreg.gather [hbm4b:s2+s3], $0x80, v3, vm0, $0xb8;
	[tilespmem:$0x7880] =	vst v63  }
0x44: {  	_ = 	snop  }
0x45: {  	[tilespmem:s23], [sflag:$0x1] =	stream.indirect_vreg.gather [hbm4b:s4+s3], $0x80, v3, vm0, $0xb8;
	[tilespmem:$0x7880] =	vst v63  }
0x46: {  	_ = 	snop  }
0x47: {  	[tilespmem:s24], [sflag:$0x1] =	stream.indirect_vreg.gather [hbm4b:s5+s3], $0x80, v3, vm0, $0xb8;
	[tilespmem:$0x7880] =	vst v63  }
0x48: {  	_ =	swait.ge [sflag:s25], $0x7800  }
0x49: {  	p0 =	sne.s32 s29, $0x14;
	[sflag:s25] =	ssyncset.done $0x0  }
.Ltmp0:
0x4a: {  	[sflag:s25] =	ssyncadd.s32 $0xFFFF8800;
	(pc) =	sbr.rel @p0 .LBB2_2-.Ltmp0, $4  }
0x4b: {  	[hbm4b:s28+s3] =	stream.linear.scatter [tilespmem:s10], [sflag:$0x2], $0x7800, $0x38;
	[tilespmem:$0x7880] =	vst v63  }
0x4c: {  	_ =	swait.ge [sflag:s9], $0x7800  }
0x4d: {  	[sflag:s9] =	ssyncset.done $0x0  }
0x4e: {  	s29 =	sadd.s32 $0x5, s29;
	s28 =	sadd.s32 $0xF00, s28;
	[sflag:s9] =	ssyncadd.s32 $0xFFFF8800  }
0x4f: {  	s26 =	sadd.s32 $0x1, s26  }
0x50: {  	p0 =	sne.s32 s26, s6  }
.Ltmp1:
0x51: {  	_ = 	snop;
	(pc) =	sbr.rel @p0 .LBB2_1-.Ltmp1, $1  }
0x52: {  	_ =	sdelay $0x3  }
0x53: {  	_ =	sfence.sel $0x180000  }
0x54: {  	[bflag:$0x0] =	sbarrier.arrive $0xFFFF  }
0x55: {  	p0 =	sne.s32 s0, $0x0;
	_ =	strace $0x9000004A  }
0x56: {  	s0 =	sadd.s32 @!p0 $0x100000, s1;
	[bflag:$0x2] =	sbarrier.arrive $0xFFFF  }
0x57: {  	[sflag:s0] =	ssyncadd.tile.s32 @!p0 $0x1;
	_ =	shalt  }
.Lfunc_end2:
_tile_overlayer_lowered:
.L_overlay_start_2:
0x58: {  	(tag) =	ssettag $0x2  }
0x59: {  	s0 =	rddreg [dreg:$0x0];
	s2 =	stileid.u32  }
0x5a: {  	s1 =	rddreg [dreg:$0x1];
	p0 =	sne.s32 s2, $0x0  }
0x5b: {  	s3 =	rddreg [dreg:$0x2];
	[bflag:$0x3] =	sbarrier.arrive $0xFFFF;
	s2 =	simm.s32 @!p0 $0x1C02  }
0x5c: {  	[timem:s3], [sflag:s2] =	dma.local @!p0 [hbm:s0], s1  }
0x5d: {  	s0 =	simm.s32 @!p0 $0x2  }
0x5e: {  	_ =	swait.ge @!p0 [sflag:s0], s1  }
0x5f: {  	s1 =	ssub.s32 @!p0 $0x0, s1;
	[sflag:s0] =	ssyncset.done @!p0 $0x0  }
0x60: {  	[sflag:s0] =	ssyncadd.s32 @!p0 s1  }
0x61: {  	[bflag:$0x3] =	sbarrier.arrive $0xFFFF  }
0x62: {  	_ =	shalt  }

// kernel: kernel.19.cloned.1.call-start
scs
__scs_entry_jumppad:
0x0: {  	(pc) =	sbr.rel $0x88, $3  }
0x1: {  	(tag) =	ssettag $0x0;
	lr =	simm.s32 $0x1  }
0x2: {  	[smem:$0x3F97] =	sst lr;
	_ =	strace $0xD0000000  }
0x3: {  	_ = 	snop  }
0x4: {  	_ = 	snop  }
0x5: {  	_ = 	snop  }
0x6: {  	_ = 	snop  }
0x7: {  	_ = 	snop  }
__scs_overlays_trampoline_lowered:
0x8: {  	[smem:$0x3FA6] =	sst s0  }
0x9: {  	[smem:$0x3FA7] =	sst s1  }
0xa: {  	[smem:$0x3FA8] =	sst s2  }
0xb: {  	[smem:$0x3FA9] =	sst s3  }
0xc: {  	[smem:$0x3FAA] =	sst s4  }
0xd: {  	[smem:$0x3FAB] =	sst s5  }
0xe: {  	[smem:$0x3FAC] =	sst s6  }
0xf: {  	[smem:$0x3FAD] =	sst s7  }
0x10: {  	[smem:$0x3FAE] =	sst s8  }
0x11: {  	[smem:$0x3FAF] =	sst s9;
	s0 =	simm.s32 @!p0 $0x0  }
0x12: {  	s1 =	sld [smem:$0x3F95];
	s0 =	simm.s32 @p0 $0x1  }
0x13: {  	[smem:$0x3FB0] =	sst s0;
	s0 =	simm.s32 @!p1 $0x0  }
0x14: {  	s2 =	sld [smem:$0x3F94];
	s0 =	simm.s32 @p1 $0x1  }
0x15: {  	[smem:$0x3FB1] =	sst s0;
	s0 =	simm.s32 @!p2 $0x0  }
0x16: {  	s3 =	sld [smem:$0x3FDB];
	s0 =	simm.s32 @p2 $0x1  }
0x17: {  	s4 =	simm.s32 $0x1BF5;
	[smem:$0x3FB3] =	sst s0  }
0x18: {  	s0 =	sld [smem:$0x3F96];
	_ =	swait.ge [sflag:s4], $0x0  }
0x19: {  	s7 =	sld [smem:$0x3F97]  }
0x1a: {  	s8 =	sadd.s32 $0xFFFFE003, lr  }
0x1b: {  	s9 =	sadd.s32 $0xFFFFFEF7, lr;
	s5 =	simm.s32 $0xFFFFFFFF;
	p2 =	slt.u32 s8, $0xFFFFF086  }
0x1c: {  	p1 =	slt.u32 s9, $0xF7A;
	s5 =	simm.s32 @!p2 $0x0  }
0x1d: {  	s5 =	simm.s32 @p1 $0x1;
	p0 =	seq.s32 s7, s2  }
0x1e: {  	s7 =	smul.u32 @!p0 $0xF7A, s2;
	p2 =	seq.s32 @!p0 s5, $0x0  }
0x1f: {  	s9 =	smul.u32 $0xF7A, s1;
	s8 =	simm.s32 @!p0 $0x1BF5;
	p2 =	por !p2, p0  }
0x20: {  	[sflag:s8] =	ssyncset.s32 @!p0 $0xFFFFF086;
	s6 =	sadd.s32 @!p0 s3, s7;
	s7 =	simm.s32 @!p0 $0x108  }
0x21: {  	s3 =	sadd.s32 s3, s9;
	s6 =	sadd.s32 @!p0 $0x88, s6;
	s7 =	simm.s32 @p2 $0x1082  }
0x22: {  	[simem:s7], [sflag:s8] =	dma.local @!p0 [hbm:s6], $0xF7A  }
0x23: {  	s9 =	sor.u32 $0xD0000000, s2;
	s6 =	simm.s32 $0x108;
	_ =	swait.ge @!p0 [sflag:s8], $0x0  }
0x24: {  	s3 =	sadd.s32 $0x88, s3;
	s6 =	simm.s32 @!p1 $0x1082;
	[sflag:s4] =	ssyncset.s32 $0xFFFFF086  }
0x25: {  	[simem:s6], [sflag:s4] =	dma.local [hbm:s3], $0xF7A  }
0x26: {  	[smem:$0x3F97] =	sst s1;
	(tag) =	ssettag s2;
	_ =	strace s9  }
0x27: {  	s1 =	sld [smem:$0x3FA7]  }
0x28: {  	s2 =	sld [smem:$0x3FA8]  }
0x29: {  	s4 =	sld [smem:$0x3FAA]  }
0x2a: {  	p0 =	seq.s32 s5, $0x0;
	s5 =	sld [smem:$0x3FAB]  }
0x2b: {  	s6 =	sld [smem:$0x3FAC]  }
0x2c: {  	s7 =	sld [smem:$0x3FAD]  }
0x2d: {  	s3 =	simm.s32 $0x108;
	s8 =	sld [smem:$0x3FAE]  }
0x2e: {  	s3 =	simm.s32 @!p0 $0x1082;
	s9 =	sld [smem:$0x3FAF]  }
0x2f: {  	lr =	sadd.s32 s0, s3;
	s0 =	sld [smem:$0x3FA6]  }
0x30: {  	s3 =	sld [smem:$0x3FA9]  }
0x31: {  	[smem:$0x3FB2] =	sst s10  }
0x32: {  	s10 =	sld [smem:$0x3FB0];
	_ =	sdelay $0x3  }
0x33: {  	p0 =	seq.s32 s10, $0x1;
	s10 =	sld [smem:$0x3FB2];
	_ =	sdelay $0x3  }
0x34: {  	[smem:$0x3FB2] =	sst s10  }
0x35: {  	s10 =	sld [smem:$0x3FB1];
	_ =	sdelay $0x3  }
0x36: {  	p1 =	seq.s32 s10, $0x1;
	s10 =	sld [smem:$0x3FB2];
	_ =	sdelay $0x3  }
0x37: {  	[smem:$0x3FB2] =	sst s10  }
0x38: {  	s10 =	sld [smem:$0x3FB3]  }
0x39: {  	_ = 	snop;
	(pc) =	sbr.ind lr, $3  }
0x3a: {  	_ = 	snop  }
0x3b: {  	_ = 	snop  }
0x3c: {  	p2 =	seq.s32 s10, $0x1;
	s10 =	sld [smem:$0x3FB2]  }
0x3d: {  	_ =	shalt  }
0x3e: {  	_ =	shalt  }
0x3f: {  	_ =	shalt  }
0x40: {  	_ =	shalt  }
0x41: {  	_ =	shalt  }
0x42: {  	_ =	shalt  }
0x43: {  	_ =	shalt  }
0x44: {  	_ =	shalt  }
0x45: {  	_ =	shalt  }
0x46: {  	_ =	shalt  }
0x47: {  	_ =	shalt  }
0x48: {  	_ =	shalt  }
0x49: {  	_ =	shalt  }
0x4a: {  	_ =	shalt  }
0x4b: {  	_ =	shalt  }
0x4c: {  	_ =	shalt  }
0x4d: {  	_ =	shalt  }
0x4e: {  	_ =	shalt  }
0x4f: {  	_ =	shalt  }
0x50: {  	_ =	shalt  }
0x51: {  	_ =	shalt  }
0x52: {  	_ =	shalt  }
0x53: {  	_ =	shalt  }
0x54: {  	_ =	shalt  }
0x55: {  	_ =	shalt  }
0x56: {  	_ =	shalt  }
0x57: {  	_ =	shalt  }
0x58: {  	_ =	shalt  }
0x59: {  	_ =	shalt  }
0x5a: {  	_ =	shalt  }
0x5b: {  	_ =	shalt  }
0x5c: {  	_ =	shalt  }
0x5d: {  	_ =	shalt  }
0x5e: {  	_ =	shalt  }
0x5f: {  	_ =	shalt  }
0x60: {  	_ =	shalt  }
0x61: {  	_ =	shalt  }
0x62: {  	_ =	shalt  }
0x63: {  	_ =	shalt  }
0x64: {  	_ =	shalt  }
0x65: {  	_ =	shalt  }
0x66: {  	_ =	shalt  }
0x67: {  	_ =	shalt  }
0x68: {  	_ =	shalt  }
0x69: {  	_ =	shalt  }
0x6a: {  	_ =	shalt  }
0x6b: {  	_ =	shalt  }
0x6c: {  	_ =	shalt  }
0x6d: {  	_ =	shalt  }
0x6e: {  	_ =	shalt  }
0x6f: {  	_ =	shalt  }
0x70: {  	_ =	shalt  }
0x71: {  	_ =	shalt  }
0x72: {  	_ =	shalt  }
0x73: {  	_ =	shalt  }
0x74: {  	_ =	shalt  }
0x75: {  	_ =	shalt  }
0x76: {  	_ =	shalt  }
0x77: {  	_ =	shalt  }
0x78: {  	_ =	shalt  }
0x79: {  	_ =	shalt  }
0x7a: {  	_ =	shalt  }
0x7b: {  	_ =	shalt  }
0x7c: {  	_ =	shalt  }
0x7d: {  	_ =	shalt  }
0x7e: {  	_ =	shalt  }
0x7f: {  	_ =	shalt  }
0x80: {  	_ =	shalt  }
0x81: {  	_ =	shalt  }
0x82: {  	_ =	shalt  }
0x83: {  	_ =	shalt  }
0x84: {  	_ =	shalt  }
0x85: {  	_ =	shalt  }
0x86: {  	_ =	shalt  }
0x87: {  	_ =	shalt  }
.Lfunc_end0:
.L_simem_size_0:
called_computation.3_lowered:
.L_overlay_start_0:
0x88: {  	s2 =	sld [smem:$0x3FD9]  }
0x89: {  	s3 =	sld [smem:$0x3FFE];
	_ =	sdelay $0x1  }
0x8a: {  	s1 =	srdreg.scid  }
0x8b: {  	s0 =	sand.u32 $0x1, s1  }
0x8c: {  	s15 =	sshll.u32 s0, $0xA;
	s2 =	sadd.s32 s3, s2  }
0x8d: {  	s2 =	sadd.s32 s2, s15  }
0x8e: {  	[smem:$0x3FBE] =	sst s2  }
0x8f: {  	_ = 	snop  }
0x90: {  	s16 =	sld [smem:$0x3FD0];
	_ =	sdelay $0x2  }
0x91: {  	s4 =	simm.s32 $0xD;
	s5 =	simm.s32 $0x10;
	s2 =	sld [smem:$0x3FC4]  }
0x92: {  	[smem:s5], [sflag:s4] =	dma.local [hbm:s16], $0x1  }
0x93: {  	_ =	swait.eq [sflag:s4], $0x1  }
0x94: {  	[sflag:s4] =	ssyncset.done $0x0  }
0x95: {  	[sflag:s4] =	ssyncadd.s32 $0xFFFFFFFF  }
0x96: {  	s17 =	sld [smem:$0x13];
	(tm) =	ssettm $0x1  }
0x97: {  	s18 =	sld [smem:$0x3FFB];
	_ =	sdelay $0x3  }
0x98: {  	_ =	strace s18  }
0x99: {  	s3 =	sld [smem:$0x3FFC];
	_ =	sdelay $0x3  }
0x9a: {  	_ =	strace s3  }
0x9b: {  	s3 =	sld [smem:$0x3FFD];
	_ =	sdelay $0x3  }
0x9c: {  	_ =	strace s3  }
0x9d: {  	_ =	strace $0x8FFFFFFF  }
0x9e: {  	s19 =	sld [smem:$0x3FDB];
	_ =	sdelay $0x1  }
0x9f: {  	s20 =	simm.s32 $_scs_section_size  }
0xa0: {  	s6 =	simm.s32 $_size__tile_overlayer_lowered;
	s7 =	simm.s32 $_tile_overlayer_lowered  }
0xa1: {  	s8 =	simm.s32 $0x1BFF;
	s21 =	sshll.u32 s7, $0x1;
	s5 =	sadd.s32 s20, s19  }
0xa2: {  	s22 =	simm.s32 $0x0;
	s6 =	sshll.u32 s6, $0x1;
	s7 =	sadd.s32 s21, s5  }
0xa3: {  	[timem:s22], [sflag:s8] =	dma.local [hbm:s7], s6  }
0xa4: {  	_ =	swait.ge [sflag:s8], s6  }
0xa5: {  	s6 =	ssub.s32 $0x0, s6;
	[sflag:s8] =	ssyncset.done $0x0  }
0xa6: {  	[sflag:s8] =	ssyncadd.s32 s6;
	_ =	sdelay $0x1  }
0xa7: {  	s23 =	simm.s32 $0x1B8B  }
0xa8: {  	_ =	swait.ge [sflag:s23], $0x1  }
0xa9: {  	[sflag:s23] =	ssyncset.done $0x0  }
0xaa: {  	[sflag:s23] =	ssyncadd.s32 $0xFFFFFFFF  }
0xab: {  	s6 =	sld [smem:$0x0]  }
0xac: {  	s7 =	sand.u32 $0xFFFFFFFE, s1  }
0xad: {  	p0 =	sne.s32 s1, s7  }
0xae: {  	s7 =	sshll.u32 @p0 s7, $0xE  }
0xaf: {  	s7 =	sadd.s32 @p0 $0x11B8D, s7;
	s8 =	sshll.u32 @p0 s6, $0x11  }
0xb0: {  	s7 =	sor.u32 @p0 s8, s7  }
0xb1: {  	[sflag:s7] =	ssyncadd.remote.s32 @p0 $0x1;
	_ =	sdelay $0x1  }
0xb2: {  	s7 =	simm.s32 @p0 $0x1B8D  }
0xb3: {  	_ =	swait.eq @p0 [sflag:s7], $0x1  }
0xb4: {  	[sflag:s7] =	ssyncadd.s32 @p0 $0xFFFFFFFF  }
0xb5: {  	s8 =	sshll.u32 @!p0 s1, $0xE  }
0xb6: {  	s8 =	sor.u32 @!p0 $0x4000, s8;
	s7 =	simm.s32 @!p0 $0x1B8D  }
0xb7: {  	s6 =	sshll.u32 @!p0 s6, $0x11;
	s8 =	sadd.s32 @!p0 $0x11B8D, s8;
	_ =	swait.eq @!p0 [sflag:s7], $0x1  }
0xb8: {  	s6 =	sor.u32 @!p0 s6, s8;
	[sflag:s7] =	ssyncadd.s32 @!p0 $0xFFFFFFFF  }
0xb9: {  	s25 =	simm.s32 $0x1B8E;
	s24 =	sld [smem:$0x3FFE];
	[sflag:s6] =	ssyncadd.remote.s32 @!p0 $0x1  }
0xba: {  	s26 =	simm.s32 $execute0_lowered;
	[smem:$0x3FD2] =	sst s25  }
0xbb: {  	s7 =	sshll.u32 s26, $0x1;
	_ =	strace $0x8000004C;
	[dreg:$0x1] =	wrdreg $0xFFFFFFFF  }
0xbc: {  	s28 =	simm.s32 $_size_execute0_lowered;
	s5 =	sadd.s32 s5, s7;
	[dreg:$0x0] =	wrdreg $0x0  }
0xbd: {  	s7 =	sshll.u32 s28, $0x1;
	[dreg:$0x2] =	wrdreg s5  }
0xbe: {  	[dreg:$0x3] =	wrdreg s7  }
0xbf: {  	[dreg:$0x4] =	wrdreg $0xC0  }
0xc0: {  	_ =	task [dreg:s22], $0x5FFFF  }
0xc1: {  	[dreg:$0x1] =	wrdreg $0xFFFFFFFF  }
0xc2: {  	[dreg:$0x0] =	wrdreg $0x60  }
0xc3: {  	[dreg:$0x2] =	wrdreg s17  }
0xc4: {  	[dreg:$0x3] =	wrdreg s2  }
0xc5: {  	[dreg:$0x4] =	wrdreg s24  }
0xc6: {  	[dreg:$0x5] =	wrdreg $0xC  }
0xc7: {  	_ =	task.clear_ibuf [dreg:s22], $0x6FFFF;
	_ =	strace $0x9000004C  }
0xc8: {  	s29 =	simm.s32 $0xC;
	_ =	strace $0x8000004E  }
0xc9: {  	_ =	swait.ge [sflag:s29], $0x1  }
0xca: {  	[sflag:s29] =	ssyncadd.s32 $0xFFFFFFFF  }
0xcb: {  	_ =	strace $0x9000004E  }
0xcc: {  	_ =	sfence  }
0xcd: {  	s30 =	sld [smem:$0x0];
	_ =	sdelay $0x2  }
0xce: {  	s31 =	sshll.u32 s1, $0xD;
	s1 =	sshrl.u32 s1, $0x2  }
0xcf: {  	s4 =	sand.u32 $0x4000, s31;
	s1 =	sadd.s32 s1, s30  }
0xd0: {  	s0 =	sor.u32 s4, s0;
	s1 =	sshll.u32 s1, $0x11  }
0xd1: {  	s0 =	sor.u32 s1, s0  }
0xd2: {  	s0 =	sadd.s32 $0x8F2B, s0  }
0xd3: {  	[sflag:s0] =	ssyncadd.remote.s32 $0x1  }
0xd4: {  	_ =	sfence.sel $0xFFFF  }
0xd5: {  	[dreg:$0x0] =	wrdreg $0xFFFFFFFF;
	(pc) =	sbr.abs _section_cstart, $3  }
0xd6: {  	[dreg:$0x1] =	wrdreg $0xFFFFFFFF  }
0xd7: {  	_ =	task.clear_ibuf [dreg:s22], $0x2FFFF;
	_ =	strace $0x9FFFFFFF  }
0xd8: {  	(tm) =	ssettm $0x7FFFFFFF  }
0xd9: {  	_ =	shalt  }
tec
execute0_lowered:
.L_overlay_start_1:
0x0: {  	(tag) =	ssettag $0x1  }
0x1: {  	s8 =	rddreg [dreg:$0x0]  }
0x2: {  	s1 =	srdreg.scid;
	s2 =	rddreg [dreg:$0x1]  }
0x3: {  	s0 =	stileid.u32;
	s5 =	rddreg [dreg:$0x2];
	s10 =	simm.s32 $0x80  }
0x4: {  	s11 =	simm.s32 $0x880;
	s12 =	simm.s32 $0x1080;
	s13 =	simm.s32 $0x1880  }
0x5: {  	s14 =	simm.s32 $0x2080;
	s15 =	simm.s32 $0x2880;
	s16 =	simm.s32 $0x3080  }
0x6: {  	s17 =	simm.s32 $0x3880;
	s18 =	simm.s32 $0x4080;
	s19 =	simm.s32 $0x4880  }
0x7: {  	s20 =	simm.s32 $0x5080;
	s4 =	sand.u32 $0x1, s1;
	s29 =	smul.u32 $0x190, s0  }
0x8: {  	s21 =	simm.s32 $0x5880;
	s22 =	simm.s32 $0x6080;
	s3 =	smul.u32 $0xC8, s4  }
0x9: {  	s23 =	simm.s32 $0x6880;
	s24 =	simm.s32 $0x7080;
	s25 =	simm.s32 $0x1  }
0xa: {  	s26 =	simm.s32 $0x0;
	s4 =	ssub.s32 $0x2, s4;
	s1 =	sadd.s32 s3, s29  }
0xb: {  	s30 =	sshrl.u32 s4, $0x1;
	s3 =	simm.s32 $0x0;
	s9 =	sshrl.u32 s1, $0x3  }
0xc: {  	s31 =	ssub.s32 s4, s30;
	[smem:$0x7FF] =	sst s3;
	s6 =	smul.u32 $0x300, s9  }
0xd: {  	v2 =	vlaneseq.u32;
	s4 =	sadd.s32 $0x100, s2;
	s1 =	rddreg [dreg:$0x3];
	_ =	strace $0x8000004D  }
0xe: {  	vm0 =	vmmov $0xffff;
	v1 =	vshrl.u32 v2, $0x3;
	s8 =	sadd.s32 s9, s8;
	s9 =	simm.s32 $0x2;
	s7 =	sadd.s32 s6, s5  }
0xf: {  	v0 =	vand.u32 $0x7, v2;
	v2 =	vor.u32 $0x8, v2;
	v1 =	vmul.u32 $0x8, v1;
	s5 =	sadd.s32 $0x200, s2;
	s6 =	smax.u32 s31, $0x1;
	s7 =	sadd.s32 $0x131200, s7  }
.LBB2_1:
0x10: {  	s28 =	smov.u32 s7;
	s29 =	simm.s32 $0x0  }
.LBB2_2:
0x11: {  	s30 =	sadd.s32 s29, s8  }
0x12: {  	[tilespmem:s3], [sflag:$0x2] =	stream.linear.gather [hbm4b:s30+s3], $0x28, $0x38;
	[tilespmem:$0x7880] =	vst v63  }
0x13: {  	_ =	swait.ge [sflag:s9], $0x28  }
0x14: {  	[sflag:s9] =	ssyncset.done $0x0  }
0x15: {  	[sflag:s9] =	ssyncadd.s32 $0xFFFFFFD8  }
0x16: {  	v3 =	vld [tilespmem:$0x0];
	_ =	sdelay $0x4  }
0x17: {  	v4 =	vshrl.u32 v3, $0x3  }
0x18: {  	v4 =	vmul.u32 $0x30, v4  }
0x19: {  	v3 =	vand.u32 $0x7, v3  }
0x1a: {  	v3 =	vor.u32 v3, v4  }
0x1b: {  	v4 =	vperm.xlane v3, v0;
	_ =	sdelay $0x1  }
0x1c: {  	v4 =	vadd.s32 v1, v4;
	_ =	sdelay $0x3  }
0x1d: {  	v3 =	vperm.xlane v3, v2  }
0x1e: {  	[tilespmem:s10], [sflag:$0x1] =	stream.indirect_vreg.gather [hbm4b:s2+s3], $0x80, v4, vm0, $0xb8;
	[tilespmem:$0x7880] =	vst v63  }
0x1f: {  	v3 =	vadd.s32 v1, v3  }
0x20: {  	[tilespmem:s11], [sflag:$0x1] =	stream.indirect_vreg.gather [hbm4b:s4+s3], $0x80, v4, vm0, $0xb8;
	[tilespmem:$0x7880] =	vst v63  }
0x21: {  	_ = 	snop  }
0x22: {  	[tilespmem:s12], [sflag:$0x1] =	stream.indirect_vreg.gather [hbm4b:s5+s3], $0x80, v4, vm0, $0xb8;
	[tilespmem:$0x7880] =	vst v63  }
0x23: {  	_ = 	snop  }
0x24: {  	[tilespmem:s13], [sflag:$0x1] =	stream.indirect_vreg.gather [hbm4b:s2+s3], $0x80, v3, vm0, $0xb8;
	[tilespmem:$0x7880] =	vst v63  }
0x25: {  	_ = 	snop  }
0x26: {  	[tilespmem:s14], [sflag:$0x1] =	stream.indirect_vreg.gather [hbm4b:s4+s3], $0x80, v3, vm0, $0xb8;
	[tilespmem:$0x7880] =	vst v63  }
0x27: {  	_ = 	snop  }
0x28: {  	[tilespmem:s15], [sflag:$0x1] =	stream.indirect_vreg.gather [hbm4b:s5+s3], $0x80, v3, vm0, $0xb8;
	[tilespmem:$0x7880] =	vst v63  }
0x29: {  	v3 =	vld [tilespmem:$0x10];
	_ =	sdelay $0x4  }
0x2a: {  	v62 =	vshrl.u32 v3, $0x3  }
0x2b: {  	v4 =	vmul.u32 $0x30, v62  }
0x2c: {  	v3 =	vand.u32 $0x7, v3  }
0x2d: {  	v3 =	vor.u32 v3, v4  }
0x2e: {  	v4 =	vperm.xlane v3, v0;
	_ =	sdelay $0x1  }
0x2f: {  	v4 =	vadd.s32 v1, v4;
	_ =	sdelay $0x3  }
0x30: {  	v3 =	vperm.xlane v3, v2  }
0x31: {  	[tilespmem:s16], [sflag:$0x1] =	stream.indirect_vreg.gather [hbm4b:s2+s3], $0x80, v4, vm0, $0xb8;
	[tilespmem:$0x7880] =	vst v63  }
0x32: {  	v3 =	vadd.s32 v1, v3  }
0x33: {  	[tilespmem:s17], [sflag:$0x1] =	stream.indirect_vreg.gather [hbm4b:s4+s3], $0x80, v4, vm0, $0xb8;
	[tilespmem:$0x7880] =	vst v63  }
0x34: {  	_ = 	snop  }
0x35: {  	[tilespmem:s18], [sflag:$0x1] =	stream.indirect_vreg.gather [hbm4b:s5+s3], $0x80, v4, vm0, $0xb8;
	[tilespmem:$0x7880] =	vst v63  }
0x36: {  	_ = 	snop  }
0x37: {  	[tilespmem:s19], [sflag:$0x1] =	stream.indirect_vreg.gather [hbm4b:s2+s3], $0x80, v3, vm0, $0xb8;
	[tilespmem:$0x7880] =	vst v63  }
0x38: {  	_ = 	snop  }
0x39: {  	[tilespmem:s20], [sflag:$0x1] =	stream.indirect_vreg.gather [hbm4b:s4+s3], $0x80, v3, vm0, $0xb8;
	[tilespmem:$0x7880] =	vst v63  }
0x3a: {  	_ = 	snop  }
0x3b: {  	[tilespmem:s21], [sflag:$0x1] =	stream.indirect_vreg.gather [hbm4b:s5+s3], $0x80, v3, vm0, $0xb8;
	[tilespmem:$0x7880] =	vst v63  }
0x3c: {  	v3 =	vld.msk [tilespmem:$0x20], $0xff;
	_ =	sdelay $0x4  }
0x3d: {  	v63 =	vshrl.u32 v3, $0x3  }
0x3e: {  	v4 =	vmul.u32 $0x30, v63  }
0x3f: {  	v3 =	vand.u32 $0x7, v3  }
0x40: {  	v3 =	vor.u32 v3, v4  }
0x41: {  	v3 =	vperm.xlane v3, v0;
	_ =	sdelay $0x1  }
0x42: {  	v3 =	vadd.s32 v1, v3;
	_ =	sdelay $0x4  }
0x43: {  	[tilespmem:s22], [sflag:$0x1] =	stream.indirect_vreg.gather [hbm4b:s2+s3], $0x80, v3, vm0, $0xb8;
	[tilespmem:$0x7880] =	vst v63  }
0x44: {  	_ = 	snop  }
0x45: {  	[tilespmem:s23], [sflag:$0x1] =	stream.indirect_vreg.gather [hbm4b:s4+s3], $0x80, v3, vm0, $0xb8;
	[tilespmem:$0x7880] =	vst v63  }
0x46: {  	_ = 	snop  }
0x47: {  	[tilespmem:s24], [sflag:$0x1] =	stream.indirect_vreg.gather [hbm4b:s5+s3], $0x80, v3, vm0, $0xb8;
	[tilespmem:$0x7880] =	vst v63  }
0x48: {  	_ =	swait.ge [sflag:s25], $0x7800  }
0x49: {  	p0 =	sne.s32 s29, $0x14;
	[sflag:s25] =	ssyncset.done $0x0  }
.Ltmp0:
0x4a: {  	[sflag:s25] =	ssyncadd.s32 $0xFFFF8800;
	(pc) =	sbr.rel @p0 .LBB2_2-.Ltmp0, $4  }
0x4b: {  	[hbm4b:s28+s3] =	stream.linear.scatter [tilespmem:s10], [sflag:$0x2], $0x7800, $0x38;
	[tilespmem:$0x7880] =	vst v63  }
0x4c: {  	_ =	swait.ge [sflag:s9], $0x7800  }
0x4d: {  	[sflag:s9] =	ssyncset.done $0x0  }
0x4e: {  	s29 =	sadd.s32 $0x5, s29;
	s28 =	sadd.s32 $0xF00, s28;
	[sflag:s9] =	ssyncadd.s32 $0xFFFF8800  }
0x4f: {  	s26 =	sadd.s32 $0x1, s26  }
0x50: {  	p0 =	sne.s32 s26, s6  }
.Ltmp1:
0x51: {  	_ = 	snop;
	(pc) =	sbr.rel @p0 .LBB2_1-.Ltmp1, $1  }
0x52: {  	_ =	sdelay $0x3  }
0x53: {  	_ =	sfence.sel $0x180000  }
0x54: {  	[bflag:$0x0] =	sbarrier.arrive $0xFFFF  }
0x55: {  	p0 =	sne.s32 s0, $0x0;
	_ =	strace $0x9000004D  }
0x56: {  	s0 =	sadd.s32 @!p0 $0x100000, s1;
	[bflag:$0x2] =	sbarrier.arrive $0xFFFF  }
0x57: {  	[sflag:s0] =	ssyncadd.tile.s32 @!p0 $0x1;
	_ =	shalt  }
.Lfunc_end2:
_tile_overlayer_lowered:
.L_overlay_start_2:
0x58: {  	(tag) =	ssettag $0x2  }
0x59: {  	s0 =	rddreg [dreg:$0x0];
	s2 =	stileid.u32  }
0x5a: {  	s1 =	rddreg [dreg:$0x1];
	p0 =	sne.s32 s2, $0x0  }
0x5b: {  	s3 =	rddreg [dreg:$0x2];
	[bflag:$0x3] =	sbarrier.arrive $0xFFFF;
	s2 =	simm.s32 @!p0 $0x1C02  }
0x5c: {  	[timem:s3], [sflag:s2] =	dma.local @!p0 [hbm:s0], s1  }
0x5d: {  	s0 =	simm.s32 @!p0 $0x2  }
0x5e: {  	_ =	swait.ge @!p0 [sflag:s0], s1  }
0x5f: {  	s1 =	ssub.s32 @!p0 $0x0, s1;
	[sflag:s0] =	ssyncset.done @!p0 $0x0  }
0x60: {  	[sflag:s0] =	ssyncadd.s32 @!p0 s1  }
0x61: {  	[bflag:$0x3] =	sbarrier.arrive $0xFFFF  }
0x62: {  	_ =	shalt  }

</sc_bundles>
